<compile_context>
chip_gen: v7x
topology: tpu7x:2x2x1
jax: 0.10.2.dev20260603
libtpu: 0.0.44.dev20260713+nightly
codegen_flags: <defaults>
</compile_context>

<pallas_src>
import functools

import jax
import jax.numpy as jnp
from jax import lax
from jax.experimental import pallas as pl
from jax.experimental.pallas import tpu as pltpu
from jax.experimental.pallas import tpu_sc as plsc

N = 10000
E = 320000
DIN = 128
DH = 64
G = 64

NC = 2
NS = 16
NW = NC * NS
LANE = 128
C = 80
NBUF = 2
EPAD = NW * C * LANE
NPAD = 10112
RPS = NPAD // NS

_mesh = plsc.VectorSubcoreMesh(core_axis_name="c", subcore_axis_name="s")


@functools.partial(
    pl.kernel, mesh=_mesh,
    compiler_params=pltpu.CompilerParams(use_tc_tiling_on_sc=False),
    out_type=jax.ShapeDtypeStruct((NC, NPAD, 16), jnp.float32),
    scratch_types=[
        pltpu.VMEM((C, LANE), jnp.int32),
        pltpu.VMEM((LANE, 16), jnp.float32),
        pltpu.VMEM_SHARED((NPAD, 16), jnp.float32),
    ],
)
def _sc_degree(dstb_hbm, ones_hbm, zeros_hbm, out_hbm, idx_d, ones_v, acc):
    c = lax.axis_index("c")
    s = lax.axis_index("s")
    wid = s * NC + c
    pltpu.sync_copy(zeros_hbm.at[pl.ds(s * RPS, RPS)], acc.at[pl.ds(s * RPS, RPS)])
    pltpu.sync_copy(dstb_hbm.at[wid], idx_d)
    pltpu.sync_copy(ones_hbm, ones_v)
    plsc.subcore_barrier()

    def body(i, carry):
        pltpu.sync_copy(ones_v, acc.at[idx_d.at[i]], add=True)
        return carry

    lax.fori_loop(0, C, body, 0)
    plsc.subcore_barrier()
    pltpu.sync_copy(acc.at[pl.ds(s * RPS, RPS)], out_hbm.at[c, pl.ds(s * RPS, RPS)])


@functools.partial(
    pl.kernel, mesh=_mesh,
    compiler_params=pltpu.CompilerParams(use_tc_tiling_on_sc=False),
    out_type=jax.ShapeDtypeStruct((NC, NPAD, DH), jnp.float32),
    scratch_types=[
        pltpu.VMEM((C, LANE), jnp.int32),
        pltpu.VMEM((C, LANE), jnp.int32),
        pltpu.VMEM_SHARED((NPAD, DH), jnp.float32),
        pltpu.VMEM_SHARED((NPAD, DH), jnp.float32),
    ] + [pltpu.VMEM((LANE, DH), jnp.float32) for _ in range(NBUF)]
      + [pltpu.SemaphoreType.DMA for _ in range(NBUF + 1)],
)
def _sc_scatter(g_hbm, srcb_hbm, dstb_hbm, zeros_hbm, out_hbm,
                idx_s, idx_d, acc, g_sp, *rows_and_sems):
    rows = rows_and_sems[:NBUF]
    sems = rows_and_sems[NBUF:NBUF + NBUF]
    psem = rows_and_sems[2 * NBUF]
    c = lax.axis_index("c")
    s = lax.axis_index("s")
    wid = s * NC + c

    cp_g = pltpu.async_copy(g_hbm.at[pl.ds(s * RPS, RPS)],
                            g_sp.at[pl.ds(s * RPS, RPS)], psem)
    cp_s = pltpu.async_copy(srcb_hbm.at[wid], idx_s, psem)
    cp_d = pltpu.async_copy(dstb_hbm.at[wid], idx_d, psem)

    def zbody(k, carry):
        r0 = (s + NS * k) * LANE

        @pl.when(r0 < NPAD)
        def _():
            pltpu.sync_copy(zeros_hbm, acc.at[pl.ds(r0, LANE)])
        return carry

    lax.fori_loop(0, (NPAD // LANE + NS - 1) // NS, zbody, 0)
    cp_g.wait()
    cp_s.wait()
    cp_d.wait()
    plsc.subcore_barrier()

    for b in range(NBUF):
        pltpu.async_copy(g_sp.at[idx_s.at[b]], rows[b], sems[b])

    def body(gi, carry):
        for b in range(NBUF):
            i = gi * NBUF + b
            pltpu.make_async_copy(g_sp.at[idx_s.at[i]], rows[b], sems[b]).wait()
            pltpu.sync_copy(rows[b], acc.at[idx_d.at[i]], add=True)
            nxt = i + NBUF

            @pl.when(nxt < C)
            def _():
                pltpu.async_copy(g_sp.at[idx_s.at[nxt]], rows[b], sems[b])
        return carry

    lax.fori_loop(0, C // NBUF, body, 0)
    plsc.subcore_barrier()
    pltpu.sync_copy(acc.at[pl.ds(s * RPS, RPS)], out_hbm.at[c, pl.ds(s * RPS, RPS)])


def _h0_body(x_ref, w_ref, h_ref):
    h_ref[...] = jnp.dot(x_ref[...], w_ref[...],
                         preferred_element_type=jnp.float32)


_tc_h0 = pl.pallas_call(
    _h0_body, out_shape=jax.ShapeDtypeStruct((NPAD, DH), jnp.float32))


def _dinv_body(degp_ref, h_ref, dinv_ref, g_ref):
    deg = degp_ref[0, :, 0:1] + degp_ref[1, :, 0:1] + 1.0
    row = lax.broadcasted_iota(jnp.int32, (NPAD, 1), 0)
    dinv = jnp.where(row < N, lax.rsqrt(deg), 0.0)
    dinv_ref[...] = dinv
    g_ref[...] = dinv * h_ref[...]


_tc_dinv = pl.pallas_call(
    _dinv_body, out_shape=(jax.ShapeDtypeStruct((NPAD, 1), jnp.float32),
                           jax.ShapeDtypeStruct((NPAD, DH), jnp.float32)))


def _mid_body(s_ref, gp_ref, dinv_ref, b_ref, w_ref, g_ref):
    t = s_ref[0] + s_ref[1] + gp_ref[...]
    a = jnp.maximum(dinv_ref[...] * t + b_ref[...], 0.0)
    h = jnp.dot(a, w_ref[...], preferred_element_type=jnp.float32)
    g_ref[...] = dinv_ref[...] * h


_tc_mid = pl.pallas_call(
    _mid_body, out_shape=jax.ShapeDtypeStruct((NPAD, DH), jnp.float32))


def _final_body(s_ref, gp_ref, dinv_ref, b_ref, batch_ref, wl_ref, bl_ref, out_ref):
    t = s_ref[0] + s_ref[1] + gp_ref[...]
    a = jnp.maximum(dinv_ref[...] * t + b_ref[...], 0.0)
    gid = lax.broadcasted_iota(jnp.int32, (NPAD, G), 1)
    onehot = (batch_ref[...] == gid).astype(jnp.float32)
    sums = lax.dot_general(onehot, a, (((0,), (0,)), ((), ())),
                           preferred_element_type=jnp.float32)
    ones_col = jnp.ones((NPAD, 1), jnp.float32)
    cnt = lax.dot_general(onehot, ones_col, (((0,), (0,)), ((), ())),
                          preferred_element_type=jnp.float32)
    pooled = sums / jnp.maximum(cnt, 1.0)
    out_ref[...] = jnp.dot(pooled, wl_ref[...],
                           preferred_element_type=jnp.float32) + bl_ref[...]


_tc_final = pl.pallas_call(
    _final_body, out_shape=jax.ShapeDtypeStruct((G, DOUT := 128), jnp.float32))


def kernel(x, edge_index, batch, W1, b1, Wh, bh, Wlin, blin):
    src = edge_index[0]
    dst = edge_index[1]
    pad = jnp.full((EPAD - E,), N, dtype=jnp.int32)
    srcb = jnp.concatenate([src, pad]).reshape(NW, C, LANE)
    dstb = jnp.concatenate([dst, pad]).reshape(NW, C, LANE)
    x_p = jnp.pad(x, ((0, NPAD - N), (0, 0)))
    batch_p = jnp.pad(batch, (0, NPAD - N), constant_values=G).reshape(NPAD, 1)
    zeros64 = jnp.zeros((LANE, DH), jnp.float32)
    zeros16 = jnp.zeros((NPAD, 16), jnp.float32)
    ones16 = jnp.ones((LANE, 16), jnp.float32)

    degp = _sc_degree(dstb, ones16, zeros16)
    h0 = _tc_h0(x_p, W1)
    dinv, g = _tc_dinv(degp, h0)
    biases = [b1] + [bh[i] for i in range(8)]
    for i in range(9):
        s = _sc_scatter(g, srcb, dstb, zeros64)
        g = _tc_mid(s, g, dinv, biases[i].reshape(1, DH), Wh[i])
    s = _sc_scatter(g, srcb, dstb, zeros64)
    out = _tc_final(s, g, dinv, bh[8].reshape(1, DH), batch_p,
                    Wlin, blin.reshape(1, 128))
    return out

# --- scband reference (transcript-rebuilt; emitter-appended) ---
"""Pipeline reference for scband-motion-generator-18116172054819 (READ-ONLY COPY).

The authoritative reference and input builder live on the scoring server;
editing this copy changes nothing except your own understanding.
"""

import jax, jax.numpy as jnp
import numpy as np

N = 10000
E = 320000
DIN = 128
DH = 64
DOUT = 128
G = 64


def gcn_conv(x, edge_index, W, b):
    n = x.shape[0]
    h = x @ W
    loops = jnp.arange(n, dtype=edge_index.dtype)
    src = jnp.concatenate([edge_index[0], loops])
    dst = jnp.concatenate([edge_index[1], loops])
    deg = jax.ops.segment_sum(jnp.ones(src.shape[0], dtype=h.dtype), dst, num_segments=n)
    dinv = jnp.where(deg > 0, jax.lax.rsqrt(deg), 0.0)
    norm = dinv[src] * dinv[dst]
    msg = norm[:, None] * h[src]
    out = jax.ops.segment_sum(msg, dst, num_segments=n)
    return out + b


def setup_inputs(seed: int = 0) -> dict:
    key = jax.random.key(seed)
    ks = jax.random.split(key, 10)
    x = jax.random.normal(ks[0], (N, DIN), dtype=jnp.float32)
    edge_index = jax.random.randint(ks[1], (2, E), 0, N, dtype=jnp.int32)
    batch = jnp.sort(jax.random.randint(ks[2], (N,), 0, G, dtype=jnp.int32))
    W1 = jax.random.normal(ks[3], (DIN, DH), dtype=jnp.float32) * (1.0 / np.sqrt(DIN))
    b1 = jnp.zeros((DH,), dtype=jnp.float32)
    Wh = jax.random.normal(ks[4], (9, DH, DH), dtype=jnp.float32) * (1.0 / np.sqrt(DH))
    bh = jnp.zeros((9, DH), dtype=jnp.float32)
    Wlin = jax.random.normal(ks[5], (DH, DOUT), dtype=jnp.float32) * (1.0 / np.sqrt(DH))
    blin = jnp.zeros((DOUT,), dtype=jnp.float32)
    return {"x": x, "edge_index": edge_index, "batch": batch, "W1": W1, "b1": b1, "Wh": Wh, "bh": bh, "Wlin": Wlin, "blin": blin}


def reference(x, edge_index, batch, W1, b1, Wh, bh, Wlin, blin):
    # 10-layer GCN stack: 128->64 then nine 64->64, ReLU after each
    h = jax.nn.relu(gcn_conv(x, edge_index, W1, b1))
    for i in range(9):
        h = jax.nn.relu(gcn_conv(h, edge_index, Wh[i], bh[i]))
    # nn.Dropout in eval mode and EvalDropout (F.dropout with training=False) are both identity
    sums = jax.ops.segment_sum(h, batch, num_segments=G)
    cnt = jax.ops.segment_sum(jnp.ones((h.shape[0],), dtype=h.dtype), batch, num_segments=G)
    pooled = sums / jnp.clip(cnt, 1.0, None)[:, None]
    out = pooled @ Wlin + blin
    return out

if __name__ == "__main__":
    import jax
    _d = setup_inputs()
    print(jax.jit(kernel)(*tuple(_d.values())))

</pallas_src>

<mosaic_0001>
#map = affine_map<(d0, d1) -> (0, 0, 0)>
#map1 = affine_map<(d0, d1) -> (0, 0)>
module attributes {stable_mosaic.version = 14 : i64} {
  func.func @_sc_degree(%arg0: i32, %arg1: i32, %arg2: memref<32x80x128xi32, #tpu.memory_space<hbm>>, %arg3: memref<128x16xf32, #tpu.memory_space<hbm>>, %arg4: memref<10112x16xf32, #tpu.memory_space<hbm>>, %arg5: memref<2x10112x16xf32, #tpu.memory_space<hbm>>, %arg6: memref<80x128xi32, #tpu.memory_space<vmem>>, %arg7: memref<128x16xf32, #tpu.memory_space<vmem>>, %arg8: memref<10112x16xf32, #tpu.memory_space<vmem_shared>>) attributes {dimension_semantics = [#tpu.dimension_semantics<core_parallel>, #tpu.dimension_semantics<subcore_parallel>], iteration_bounds = array<i64: 2, 16>, scalar_prefetch = 0 : i64, scratch_operands = 3 : i64, tpu.core_type = #tpu.core_type<sc_vector_subcore>, window_params = [{transform_indices = #map}, {transform_indices = #map1}, {transform_indices = #map1}, {transform_indices = #map}]} {
    %mul3A = arith.constant 2 : i32
    %mul3A_0 = arith.muli %arg1, %mul3A : i32
    %add3A = arith.addi %mul3A_0, %arg0 : i32
    %mul3A_1 = arith.constant 632 : i32
    %mul3A_2 = arith.muli %arg1, %mul3A_1 : i32
    %mul3A_3 = arith.constant 632 : i32
    %mul3A_4 = arith.muli %arg1, %mul3A_3 : i32
    "tpu.region"() ({
      %run_scoped3A = tpu.sem_alloc : memref<!tpu.dma_semaphore, #tpu.memory_space<semaphore_mem>>
      %dma_start3A = arith.constant 0 : i32
      %dma_start3A_15 = tpu.memref_slice %arg8[%mul3A_4, %dma_start3A] : memref<10112x16xf32, #tpu.memory_space<vmem_shared>> -> memref<632x16xf32, #tpu.memory_space<vmem_shared>>
      %dma_start3A_16 = arith.constant 0 : i32
      %dma_start3A_17 = tpu.memref_slice %arg4[%mul3A_2, %dma_start3A_16] : memref<10112x16xf32, #tpu.memory_space<hbm>> -> memref<632x16xf32, #tpu.memory_space<hbm>>
      tpu.enqueue_dma source(%dma_start3A_17 : memref<632x16xf32, #tpu.memory_space<hbm>>) target(%dma_start3A_15 : memref<632x16xf32, #tpu.memory_space<vmem_shared>>) target_semaphore(%run_scoped3A : memref<!tpu.dma_semaphore, #tpu.memory_space<semaphore_mem>>)
      %dma_wait3A = arith.constant 0 : i32
      %dma_wait3A_18 = tpu.memref_slice %arg8[%mul3A_4, %dma_wait3A] : memref<10112x16xf32, #tpu.memory_space<vmem_shared>> -> memref<632x16xf32, #tpu.memory_space<vmem_shared>>
      %dma_wait3A_19 = arith.constant 0 : i32
      %dma_wait3A_20 = tpu.memref_slice %arg4[%mul3A_2, %dma_wait3A_19] : memref<10112x16xf32, #tpu.memory_space<hbm>> -> memref<632x16xf32, #tpu.memory_space<hbm>>
      tpu.wait_dma2 semaphore(%run_scoped3A : memref<!tpu.dma_semaphore, #tpu.memory_space<semaphore_mem>>) src(%dma_wait3A_20 : memref<632x16xf32, #tpu.memory_space<hbm>>) dst(%dma_wait3A_18 : memref<632x16xf32, #tpu.memory_space<vmem_shared>>)
      tpu.yield
    }) : () -> ()
    "tpu.region"() ({
      %run_scoped3A = tpu.sem_alloc : memref<!tpu.dma_semaphore, #tpu.memory_space<semaphore_mem>>
      %dma_start3A = arith.constant 0 : i32
      %dma_start3A_15 = arith.constant 0 : i32
      %dma_start3A_16 = tpu.memref_slice %arg2[%add3A, %dma_start3A, %dma_start3A_15] : memref<32x80x128xi32, #tpu.memory_space<hbm>> -> memref<1x80x128xi32, #tpu.memory_space<hbm>>
      %dma_start3A_17 = tpu.memref_squeeze %dma_start3A_16 : memref<1x80x128xi32, #tpu.memory_space<hbm>> -> memref<80x128xi32, #tpu.memory_space<hbm>>
      %dma_start3A_18 = arith.constant 0 : i32
      %dma_start3A_19 = arith.constant 0 : i32
      %dma_start3A_20 = tpu.memref_slice %arg2[%add3A, %dma_start3A_18, %dma_start3A_19] : memref<32x80x128xi32, #tpu.memory_space<hbm>> -> memref<1x80x128xi32, #tpu.memory_space<hbm>>
      %dma_start3A_21 = tpu.memref_squeeze %dma_start3A_20 : memref<1x80x128xi32, #tpu.memory_space<hbm>> -> memref<80x128xi32, #tpu.memory_space<hbm>>
      tpu.enqueue_dma source(%dma_start3A_21 : memref<80x128xi32, #tpu.memory_space<hbm>>) target(%arg6 : memref<80x128xi32, #tpu.memory_space<vmem>>) target_semaphore(%run_scoped3A : memref<!tpu.dma_semaphore, #tpu.memory_space<semaphore_mem>>)
      %dma_wait3A = arith.constant 0 : i32
      %dma_wait3A_22 = arith.constant 0 : i32
      %dma_wait3A_23 = tpu.memref_slice %arg2[%add3A, %dma_wait3A, %dma_wait3A_22] : memref<32x80x128xi32, #tpu.memory_space<hbm>> -> memref<1x80x128xi32, #tpu.memory_space<hbm>>
      %dma_wait3A_24 = tpu.memref_squeeze %dma_wait3A_23 : memref<1x80x128xi32, #tpu.memory_space<hbm>> -> memref<80x128xi32, #tpu.memory_space<hbm>>
      %dma_wait3A_25 = arith.constant 0 : i32
      %dma_wait3A_26 = arith.constant 0 : i32
      %dma_wait3A_27 = tpu.memref_slice %arg2[%add3A, %dma_wait3A_25, %dma_wait3A_26] : memref<32x80x128xi32, #tpu.memory_space<hbm>> -> memref<1x80x128xi32, #tpu.memory_space<hbm>>
      %dma_wait3A_28 = tpu.memref_squeeze %dma_wait3A_27 : memref<1x80x128xi32, #tpu.memory_space<hbm>> -> memref<80x128xi32, #tpu.memory_space<hbm>>
      tpu.wait_dma2 semaphore(%run_scoped3A : memref<!tpu.dma_semaphore, #tpu.memory_space<semaphore_mem>>) src(%dma_wait3A_28 : memref<80x128xi32, #tpu.memory_space<hbm>>) dst(%arg6 : memref<80x128xi32, #tpu.memory_space<vmem>>)
      tpu.yield
    }) : () -> ()
    "tpu.region"() ({
      %run_scoped3A = tpu.sem_alloc : memref<!tpu.dma_semaphore, #tpu.memory_space<semaphore_mem>>
      tpu.enqueue_dma source(%arg3 : memref<128x16xf32, #tpu.memory_space<hbm>>) target(%arg7 : memref<128x16xf32, #tpu.memory_space<vmem>>) target_semaphore(%run_scoped3A : memref<!tpu.dma_semaphore, #tpu.memory_space<semaphore_mem>>)
      tpu.wait_dma2 semaphore(%run_scoped3A : memref<!tpu.dma_semaphore, #tpu.memory_space<semaphore_mem>>) src(%arg3 : memref<128x16xf32, #tpu.memory_space<hbm>>) dst(%arg7 : memref<128x16xf32, #tpu.memory_space<vmem>>)
      tpu.yield
    }) : () -> ()
    %barrier3A = arith.constant 0 : index
    tpu.barrier barrier_id(%barrier3A)
    %scan3A = arith.constant 0 : i32
    %scan3A_5 = arith.constant 0 : i32
    %scan3A_6 = arith.constant 80 : i32
    %scan3A_7 = arith.addi %scan3A_5, %scan3A_6 : i32
    %scan3A_8 = arith.constant 1 : i32
    scf.for %scan3A_15 = %scan3A_5 to %scan3A_7 step %scan3A_8  : i32 {
      "tpu.region"() ({
        %run_scoped3A = tpu.sem_alloc : memref<!tpu.dma_semaphore, #tpu.memory_space<semaphore_mem>>
        %dma_start3A = arith.constant 0 : i32
        %dma_start3A_16 = tpu.memref_slice %arg6[%scan3A_15, %dma_start3A] : memref<80x128xi32, #tpu.memory_space<vmem>> -> memref<1x128xi32, #tpu.memory_space<vmem>>
        %dma_start3A_17 = tpu.memref_squeeze %dma_start3A_16 : memref<1x128xi32, #tpu.memory_space<vmem>> -> memref<128xi32, #tpu.memory_space<vmem>>
        %dma_start3A_18 = arith.constant 0 : i32
        %dma_start3A_19 = arith.constant 0 : i32
        %dma_start3A_20 = tpu.memref_slice %arg8[%dma_start3A_18, %dma_start3A_19] : memref<10112x16xf32, #tpu.memory_space<vmem_shared>> -> memref<10112x16xf32, #tpu.memory_space<vmem_shared>>
        tpu.enqueue_indirect_dma source(%arg7 : memref<128x16xf32, #tpu.memory_space<vmem>>) target(%dma_start3A_20 : memref<10112x16xf32, #tpu.memory_space<vmem_shared>>) offsets(%dma_start3A_17 : memref<128xi32, #tpu.memory_space<vmem>>) semaphore(%run_scoped3A : memref<!tpu.dma_semaphore, #tpu.memory_space<semaphore_mem>>) {add = true}
        %dma_wait3A = arith.constant 0 : i32
        %dma_wait3A_21 = tpu.memref_slice %arg6[%scan3A_15, %dma_wait3A] : memref<80x128xi32, #tpu.memory_space<vmem>> -> memref<1x128xi32, #tpu.memory_space<vmem>>
        %dma_wait3A_22 = tpu.memref_squeeze %dma_wait3A_21 : memref<1x128xi32, #tpu.memory_space<vmem>> -> memref<128xi32, #tpu.memory_space<vmem>>
        %dma_wait3A_23 = arith.constant 0 : i32
        %dma_wait3A_24 = arith.constant 0 : i32
        %dma_wait3A_25 = tpu.memref_slice %arg8[%dma_wait3A_23, %dma_wait3A_24] : memref<10112x16xf32, #tpu.memory_space<vmem_shared>> -> memref<10112x16xf32, #tpu.memory_space<vmem_shared>>
        tpu.wait_indirect_dma semaphore(%run_scoped3A : memref<!tpu.dma_semaphore, #tpu.memory_space<semaphore_mem>>) src(%arg7 : memref<128x16xf32, #tpu.memory_space<vmem>>) dst(%dma_wait3A_25 : memref<10112x16xf32, #tpu.memory_space<vmem_shared>>)
        tpu.yield
      }) : () -> ()
    }
    %scan3A_9 = arith.constant 80 : i32
    %barrier3A_10 = arith.constant 0 : index
    tpu.barrier barrier_id(%barrier3A_10)
    %mul3A_11 = arith.constant 632 : i32
    %mul3A_12 = arith.muli %arg1, %mul3A_11 : i32
    %mul3A_13 = arith.constant 632 : i32
    %mul3A_14 = arith.muli %arg1, %mul3A_13 : i32
    "tpu.region"() ({
      %run_scoped3A = tpu.sem_alloc : memref<!tpu.dma_semaphore, #tpu.memory_space<semaphore_mem>>
      %dma_start3A = arith.constant 0 : i32
      %dma_start3A_15 = tpu.memref_slice %arg5[%arg0, %mul3A_14, %dma_start3A] : memref<2x10112x16xf32, #tpu.memory_space<hbm>> -> memref<1x632x16xf32, #tpu.memory_space<hbm>>
      %dma_start3A_16 = tpu.memref_squeeze %dma_start3A_15 : memref<1x632x16xf32, #tpu.memory_space<hbm>> -> memref<632x16xf32, #tpu.memory_space<hbm>>
      %dma_start3A_17 = arith.constant 0 : i32
      %dma_start3A_18 = tpu.memref_slice %arg8[%mul3A_12, %dma_start3A_17] : memref<10112x16xf32, #tpu.memory_space<vmem_shared>> -> memref<632x16xf32, #tpu.memory_space<vmem_shared>>
      tpu.enqueue_dma source(%dma_start3A_18 : memref<632x16xf32, #tpu.memory_space<vmem_shared>>) target(%dma_start3A_16 : memref<632x16xf32, #tpu.memory_space<hbm>>) target_semaphore(%run_scoped3A : memref<!tpu.dma_semaphore, #tpu.memory_space<semaphore_mem>>)
      %dma_wait3A = arith.constant 0 : i32
      %dma_wait3A_19 = tpu.memref_slice %arg5[%arg0, %mul3A_14, %dma_wait3A] : memref<2x10112x16xf32, #tpu.memory_space<hbm>> -> memref<1x632x16xf32, #tpu.memory_space<hbm>>
      %dma_wait3A_20 = tpu.memref_squeeze %dma_wait3A_19 : memref<1x632x16xf32, #tpu.memory_space<hbm>> -> memref<632x16xf32, #tpu.memory_space<hbm>>
      %dma_wait3A_21 = arith.constant 0 : i32
      %dma_wait3A_22 = tpu.memref_slice %arg8[%mul3A_12, %dma_wait3A_21] : memref<10112x16xf32, #tpu.memory_space<vmem_shared>> -> memref<632x16xf32, #tpu.memory_space<vmem_shared>>
      tpu.wait_dma2 semaphore(%run_scoped3A : memref<!tpu.dma_semaphore, #tpu.memory_space<semaphore_mem>>) src(%dma_wait3A_22 : memref<632x16xf32, #tpu.memory_space<vmem_shared>>) dst(%dma_wait3A_20 : memref<632x16xf32, #tpu.memory_space<hbm>>)
      tpu.yield
    }) : () -> ()
    return
  }
}

#map = affine_map<(d0, d1) -> (0, 0)>
#map1 = affine_map<(d0, d1) -> (0, 0, 0)>
module attributes {stable_mosaic.version = 14 : i64} {
  func.func @_sc_scatter(%arg0: i32, %arg1: i32, %arg2: memref<10112x64xf32, #tpu.memory_space<hbm>>, %arg3: memref<32x80x128xi32, #tpu.memory_space<hbm>>, %arg4: memref<32x80x128xi32, #tpu.memory_space<hbm>>, %arg5: memref<128x64xf32, #tpu.memory_space<hbm>>, %arg6: memref<2x10112x64xf32, #tpu.memory_space<hbm>>, %arg7: memref<80x128xi32, #tpu.memory_space<vmem>>, %arg8: memref<80x128xi32, #tpu.memory_space<vmem>>, %arg9: memref<10112x64xf32, #tpu.memory_space<vmem_shared>>, %arg10: memref<10112x64xf32, #tpu.memory_space<vmem_shared>>, %arg11: memref<128x64xf32, #tpu.memory_space<vmem>>, %arg12: memref<128x64xf32, #tpu.memory_space<vmem>>, %arg13: memref<!tpu.dma_semaphore, #tpu.memory_space<semaphore_mem>>, %arg14: memref<!tpu.dma_semaphore, #tpu.memory_space<semaphore_mem>>, %arg15: memref<!tpu.dma_semaphore, #tpu.memory_space<semaphore_mem>>) attributes {dimension_semantics = [#tpu.dimension_semantics<core_parallel>, #tpu.dimension_semantics<subcore_parallel>], iteration_bounds = array<i64: 2, 16>, scalar_prefetch = 0 : i64, scratch_operands = 9 : i64, tpu.core_type = #tpu.core_type<sc_vector_subcore>, window_params = [{transform_indices = #map}, {transform_indices = #map1}, {transform_indices = #map1}, {transform_indices = #map}, {transform_indices = #map1}]} {
    %mul3A = arith.constant 2 : i32
    %mul3A_0 = arith.muli %arg1, %mul3A : i32
    %add3A = arith.addi %mul3A_0, %arg0 : i32
    %mul3A_1 = arith.constant 632 : i32
    %mul3A_2 = arith.muli %arg1, %mul3A_1 : i32
    %mul3A_3 = arith.constant 632 : i32
    %mul3A_4 = arith.muli %arg1, %mul3A_3 : i32
    %dma_start3A = arith.constant 0 : i32
    %dma_start3A_5 = tpu.memref_slice %arg10[%mul3A_4, %dma_start3A] : memref<10112x64xf32, #tpu.memory_space<vmem_shared>> -> memref<632x64xf32, #tpu.memory_space<vmem_shared>>
    %dma_start3A_6 = arith.constant 0 : i32
    %dma_start3A_7 = tpu.memref_slice %arg2[%mul3A_2, %dma_start3A_6] : memref<10112x64xf32, #tpu.memory_space<hbm>> -> memref<632x64xf32, #tpu.memory_space<hbm>>
    tpu.enqueue_dma source(%dma_start3A_7 : memref<632x64xf32, #tpu.memory_space<hbm>>) target(%dma_start3A_5 : memref<632x64xf32, #tpu.memory_space<vmem_shared>>) target_semaphore(%arg15 : memref<!tpu.dma_semaphore, #tpu.memory_space<semaphore_mem>>)
    %dma_start3A_8 = arith.constant 0 : i32
    %dma_start3A_9 = arith.constant 0 : i32
    %dma_start3A_10 = tpu.memref_slice %arg3[%add3A, %dma_start3A_8, %dma_start3A_9] : memref<32x80x128xi32, #tpu.memory_space<hbm>> -> memref<1x80x128xi32, #tpu.memory_space<hbm>>
    %dma_start3A_11 = tpu.memref_squeeze %dma_start3A_10 : memref<1x80x128xi32, #tpu.memory_space<hbm>> -> memref<80x128xi32, #tpu.memory_space<hbm>>
    %dma_start3A_12 = arith.constant 0 : i32
    %dma_start3A_13 = arith.constant 0 : i32
    %dma_start3A_14 = tpu.memref_slice %arg3[%add3A, %dma_start3A_12, %dma_start3A_13] : memref<32x80x128xi32, #tpu.memory_space<hbm>> -> memref<1x80x128xi32, #tpu.memory_space<hbm>>
    %dma_start3A_15 = tpu.memref_squeeze %dma_start3A_14 : memref<1x80x128xi32, #tpu.memory_space<hbm>> -> memref<80x128xi32, #tpu.memory_space<hbm>>
    tpu.enqueue_dma source(%dma_start3A_15 : memref<80x128xi32, #tpu.memory_space<hbm>>) target(%arg7 : memref<80x128xi32, #tpu.memory_space<vmem>>) target_semaphore(%arg15 : memref<!tpu.dma_semaphore, #tpu.memory_space<semaphore_mem>>)
    %dma_start3A_16 = arith.constant 0 : i32
    %dma_start3A_17 = arith.constant 0 : i32
    %dma_start3A_18 = tpu.memref_slice %arg4[%add3A, %dma_start3A_16, %dma_start3A_17] : memref<32x80x128xi32, #tpu.memory_space<hbm>> -> memref<1x80x128xi32, #tpu.memory_space<hbm>>
    %dma_start3A_19 = tpu.memref_squeeze %dma_start3A_18 : memref<1x80x128xi32, #tpu.memory_space<hbm>> -> memref<80x128xi32, #tpu.memory_space<hbm>>
    %dma_start3A_20 = arith.constant 0 : i32
    %dma_start3A_21 = arith.constant 0 : i32
    %dma_start3A_22 = tpu.memref_slice %arg4[%add3A, %dma_start3A_20, %dma_start3A_21] : memref<32x80x128xi32, #tpu.memory_space<hbm>> -> memref<1x80x128xi32, #tpu.memory_space<hbm>>
    %dma_start3A_23 = tpu.memref_squeeze %dma_start3A_22 : memref<1x80x128xi32, #tpu.memory_space<hbm>> -> memref<80x128xi32, #tpu.memory_space<hbm>>
    tpu.enqueue_dma source(%dma_start3A_23 : memref<80x128xi32, #tpu.memory_space<hbm>>) target(%arg8 : memref<80x128xi32, #tpu.memory_space<vmem>>) target_semaphore(%arg15 : memref<!tpu.dma_semaphore, #tpu.memory_space<semaphore_mem>>)
    %scan3A = arith.constant 0 : i32
    %scan3A_24 = arith.constant 0 : i32
    %scan3A_25 = arith.constant 5 : i32
    %scan3A_26 = arith.addi %scan3A_24, %scan3A_25 : i32
    %scan3A_27 = arith.constant 1 : i32
    scf.for %scan3A_73 = %scan3A_24 to %scan3A_26 step %scan3A_27  : i32 {
      %mul3A_74 = arith.constant 16 : i32
      %mul3A_75 = arith.muli %mul3A_74, %scan3A_73 : i32
      %add3A_76 = arith.addi %arg1, %mul3A_75 : i32
      %mul3A_77 = arith.constant 128 : i32
      %mul3A_78 = arith.muli %add3A_76, %mul3A_77 : i32
      %lt3A = arith.constant 10112 : i32
      %lt3A_79 = arith.cmpi slt, %mul3A_78, %lt3A : i32
      %convert_element_type3A = arith.extui %lt3A_79 : i1 to i32
      %cond3A = arith.constant 0 : i32
      %cond3A_80 = arith.cmpi ne, %convert_element_type3A, %cond3A : i32
      scf.if %cond3A_80 {
        "tpu.region"() ({
          %run_scoped3A = tpu.sem_alloc : memref<!tpu.dma_semaphore, #tpu.memory_space<semaphore_mem>>
          %dma_start3A_81 = arith.constant 0 : i32
          %dma_start3A_82 = tpu.memref_slice %arg9[%mul3A_78, %dma_start3A_81] : memref<10112x64xf32, #tpu.memory_space<vmem_shared>> -> memref<128x64xf32, #tpu.memory_space<vmem_shared>>
          tpu.enqueue_dma source(%arg5 : memref<128x64xf32, #tpu.memory_space<hbm>>) target(%dma_start3A_82 : memref<128x64xf32, #tpu.memory_space<vmem_shared>>) target_semaphore(%run_scoped3A : memref<!tpu.dma_semaphore, #tpu.memory_space<semaphore_mem>>)
          %dma_wait3A_83 = arith.constant 0 : i32
          %dma_wait3A_84 = tpu.memref_slice %arg9[%mul3A_78, %dma_wait3A_83] : memref<10112x64xf32, #tpu.memory_space<vmem_shared>> -> memref<128x64xf32, #tpu.memory_space<vmem_shared>>
          tpu.wait_dma2 semaphore(%run_scoped3A : memref<!tpu.dma_semaphore, #tpu.memory_space<semaphore_mem>>) src(%arg5 : memref<128x64xf32, #tpu.memory_space<hbm>>) dst(%dma_wait3A_84 : memref<128x64xf32, #tpu.memory_space<vmem_shared>>)
          tpu.yield
        }) : () -> ()
      } else {
      }
    }
    %scan3A_28 = arith.constant 5 : i32
    %dma_wait3A = arith.constant 0 : i32
    %dma_wait3A_29 = tpu.memref_slice %arg10[%mul3A_4, %dma_wait3A] : memref<10112x64xf32, #tpu.memory_space<vmem_shared>> -> memref<632x64xf32, #tpu.memory_space<vmem_shared>>
    %dma_wait3A_30 = arith.constant 0 : i32
    %dma_wait3A_31 = tpu.memref_slice %arg2[%mul3A_2, %dma_wait3A_30] : memref<10112x64xf32, #tpu.memory_space<hbm>> -> memref<632x64xf32, #tpu.memory_space<hbm>>
    tpu.wait_dma2 semaphore(%arg15 : memref<!tpu.dma_semaphore, #tpu.memory_space<semaphore_mem>>) src(%dma_wait3A_31 : memref<632x64xf32, #tpu.memory_space<hbm>>) dst(%dma_wait3A_29 : memref<632x64xf32, #tpu.memory_space<vmem_shared>>)
    %dma_wait3A_32 = arith.constant 0 : i32
    %dma_wait3A_33 = arith.constant 0 : i32
    %dma_wait3A_34 = tpu.memref_slice %arg3[%add3A, %dma_wait3A_32, %dma_wait3A_33] : memref<32x80x128xi32, #tpu.memory_space<hbm>> -> memref<1x80x128xi32, #tpu.memory_space<hbm>>
    %dma_wait3A_35 = tpu.memref_squeeze %dma_wait3A_34 : memref<1x80x128xi32, #tpu.memory_space<hbm>> -> memref<80x128xi32, #tpu.memory_space<hbm>>
    %dma_wait3A_36 = arith.constant 0 : i32
    %dma_wait3A_37 = arith.constant 0 : i32
    %dma_wait3A_38 = tpu.memref_slice %arg3[%add3A, %dma_wait3A_36, %dma_wait3A_37] : memref<32x80x128xi32, #tpu.memory_space<hbm>> -> memref<1x80x128xi32, #tpu.memory_space<hbm>>
    %dma_wait3A_39 = tpu.memref_squeeze %dma_wait3A_38 : memref<1x80x128xi32, #tpu.memory_space<hbm>> -> memref<80x128xi32, #tpu.memory_space<hbm>>
    tpu.wait_dma2 semaphore(%arg15 : memref<!tpu.dma_semaphore, #tpu.memory_space<semaphore_mem>>) src(%dma_wait3A_39 : memref<80x128xi32, #tpu.memory_space<hbm>>) dst(%arg7 : memref<80x128xi32, #tpu.memory_space<vmem>>)
    %dma_wait3A_40 = arith.constant 0 : i32
    %dma_wait3A_41 = arith.constant 0 : i32
    %dma_wait3A_42 = tpu.memref_slice %arg4[%add3A, %dma_wait3A_40, %dma_wait3A_41] : memref<32x80x128xi32, #tpu.memory_space<hbm>> -> memref<1x80x128xi32, #tpu.memory_space<hbm>>
    %dma_wait3A_43 = tpu.memref_squeeze %dma_wait3A_42 : memref<1x80x128xi32, #tpu.memory_space<hbm>> -> memref<80x128xi32, #tpu.memory_space<hbm>>
    %dma_wait3A_44 = arith.constant 0 : i32
    %dma_wait3A_45 = arith.constant 0 : i32
    %dma_wait3A_46 = tpu.memref_slice %arg4[%add3A, %dma_wait3A_44, %dma_wait3A_45] : memref<32x80x128xi32, #tpu.memory_space<hbm>> -> memref<1x80x128xi32, #tpu.memory_space<hbm>>
    %dma_wait3A_47 = tpu.memref_squeeze %dma_wait3A_46 : memref<1x80x128xi32, #tpu.memory_space<hbm>> -> memref<80x128xi32, #tpu.memory_space<hbm>>
    tpu.wait_dma2 semaphore(%arg15 : memref<!tpu.dma_semaphore, #tpu.memory_space<semaphore_mem>>) src(%dma_wait3A_47 : memref<80x128xi32, #tpu.memory_space<hbm>>) dst(%arg8 : memref<80x128xi32, #tpu.memory_space<vmem>>)
    %barrier3A = arith.constant 0 : index
    tpu.barrier barrier_id(%barrier3A)
    %dma_start3A_48 = arith.constant 0 : i32
    %dma_start3A_49 = arith.constant 0 : i32
    %dma_start3A_50 = tpu.memref_slice %arg7[%dma_start3A_48, %dma_start3A_49] : memref<80x128xi32, #tpu.memory_space<vmem>> -> memref<1x128xi32, #tpu.memory_space<vmem>>
    %dma_start3A_51 = tpu.memref_squeeze %dma_start3A_50 : memref<1x128xi32, #tpu.memory_space<vmem>> -> memref<128xi32, #tpu.memory_space<vmem>>
    %dma_start3A_52 = arith.constant 0 : i32
    %dma_start3A_53 = arith.constant 0 : i32
    %dma_start3A_54 = tpu.memref_slice %arg10[%dma_start3A_52, %dma_start3A_53] : memref<10112x64xf32, #tpu.memory_space<vmem_shared>> -> memref<10112x64xf32, #tpu.memory_space<vmem_shared>>
    tpu.enqueue_indirect_dma source(%dma_start3A_54 : memref<10112x64xf32, #tpu.memory_space<vmem_shared>>) target(%arg11 : memref<128x64xf32, #tpu.memory_space<vmem>>) offsets(%dma_start3A_51 : memref<128xi32, #tpu.memory_space<vmem>>) semaphore(%arg13 : memref<!tpu.dma_semaphore, #tpu.memory_space<semaphore_mem>>)
    %dma_start3A_55 = arith.constant 1 : i32
    %dma_start3A_56 = arith.constant 0 : i32
    %dma_start3A_57 = tpu.memref_slice %arg7[%dma_start3A_55, %dma_start3A_56] : memref<80x128xi32, #tpu.memory_space<vmem>> -> memref<1x128xi32, #tpu.memory_space<vmem>>
    %dma_start3A_58 = tpu.memref_squeeze %dma_start3A_57 : memref<1x128xi32, #tpu.memory_space<vmem>> -> memref<128xi32, #tpu.memory_space<vmem>>
    %dma_start3A_59 = arith.constant 0 : i32
    %dma_start3A_60 = arith.constant 0 : i32
    %dma_start3A_61 = tpu.memref_slice %arg10[%dma_start3A_59, %dma_start3A_60] : memref<10112x64xf32, #tpu.memory_space<vmem_shared>> -> memref<10112x64xf32, #tpu.memory_space<vmem_shared>>
    tpu.enqueue_indirect_dma source(%dma_start3A_61 : memref<10112x64xf32, #tpu.memory_space<vmem_shared>>) target(%arg12 : memref<128x64xf32, #tpu.memory_space<vmem>>) offsets(%dma_start3A_58 : memref<128xi32, #tpu.memory_space<vmem>>) semaphore(%arg14 : memref<!tpu.dma_semaphore, #tpu.memory_space<semaphore_mem>>)
    %scan3A_62 = arith.constant 0 : i32
    %scan3A_63 = arith.constant 0 : i32
    %scan3A_64 = arith.constant 40 : i32
    %scan3A_65 = arith.addi %scan3A_63, %scan3A_64 : i32
    %scan3A_66 = arith.constant 1 : i32
    scf.for %scan3A_73 = %scan3A_63 to %scan3A_65 step %scan3A_66  : i32 {
      %mul3A_74 = arith.constant 2 : i32
      %mul3A_75 = arith.muli %scan3A_73, %mul3A_74 : i32
      %add3A_76 = arith.constant 0 : i32
      %add3A_77 = arith.addi %mul3A_75, %add3A_76 : i32
      %dma_wait3A_78 = arith.constant 0 : i32
      %dma_wait3A_79 = tpu.memref_slice %arg7[%add3A_77, %dma_wait3A_78] : memref<80x128xi32, #tpu.memory_space<vmem>> -> memref<1x128xi32, #tpu.memory_space<vmem>>
      %dma_wait3A_80 = tpu.memref_squeeze %dma_wait3A_79 : memref<1x128xi32, #tpu.memory_space<vmem>> -> memref<128xi32, #tpu.memory_space<vmem>>
      %dma_wait3A_81 = arith.constant 0 : i32
      %dma_wait3A_82 = arith.constant 0 : i32
      %dma_wait3A_83 = tpu.memref_slice %arg10[%dma_wait3A_81, %dma_wait3A_82] : memref<10112x64xf32, #tpu.memory_space<vmem_shared>> -> memref<10112x64xf32, #tpu.memory_space<vmem_shared>>
      tpu.wait_indirect_dma semaphore(%arg13 : memref<!tpu.dma_semaphore, #tpu.memory_space<semaphore_mem>>) src(%dma_wait3A_83 : memref<10112x64xf32, #tpu.memory_space<vmem_shared>>) dst(%arg11 : memref<128x64xf32, #tpu.memory_space<vmem>>)
      "tpu.region"() ({
        %run_scoped3A = tpu.sem_alloc : memref<!tpu.dma_semaphore, #tpu.memory_space<semaphore_mem>>
        %dma_start3A_105 = arith.constant 0 : i32
        %dma_start3A_106 = tpu.memref_slice %arg8[%add3A_77, %dma_start3A_105] : memref<80x128xi32, #tpu.memory_space<vmem>> -> memref<1x128xi32, #tpu.memory_space<vmem>>
        %dma_start3A_107 = tpu.memref_squeeze %dma_start3A_106 : memref<1x128xi32, #tpu.memory_space<vmem>> -> memref<128xi32, #tpu.memory_space<vmem>>
        %dma_start3A_108 = arith.constant 0 : i32
        %dma_start3A_109 = arith.constant 0 : i32
        %dma_start3A_110 = tpu.memref_slice %arg9[%dma_start3A_108, %dma_start3A_109] : memref<10112x64xf32, #tpu.memory_space<vmem_shared>> -> memref<10112x64xf32, #tpu.memory_space<vmem_shared>>
        tpu.enqueue_indirect_dma source(%arg11 : memref<128x64xf32, #tpu.memory_space<vmem>>) target(%dma_start3A_110 : memref<10112x64xf32, #tpu.memory_space<vmem_shared>>) offsets(%dma_start3A_107 : memref<128xi32, #tpu.memory_space<vmem>>) semaphore(%run_scoped3A : memref<!tpu.dma_semaphore, #tpu.memory_space<semaphore_mem>>) {add = true}
        %dma_wait3A_111 = arith.constant 0 : i32
        %dma_wait3A_112 = tpu.memref_slice %arg8[%add3A_77, %dma_wait3A_111] : memref<80x128xi32, #tpu.memory_space<vmem>> -> memref<1x128xi32, #tpu.memory_space<vmem>>
        %dma_wait3A_113 = tpu.memref_squeeze %dma_wait3A_112 : memref<1x128xi32, #tpu.memory_space<vmem>> -> memref<128xi32, #tpu.memory_space<vmem>>
        %dma_wait3A_114 = arith.constant 0 : i32
        %dma_wait3A_115 = arith.constant 0 : i32
        %dma_wait3A_116 = tpu.memref_slice %arg9[%dma_wait3A_114, %dma_wait3A_115] : memref<10112x64xf32, #tpu.memory_space<vmem_shared>> -> memref<10112x64xf32, #tpu.memory_space<vmem_shared>>
        tpu.wait_indirect_dma semaphore(%run_scoped3A : memref<!tpu.dma_semaphore, #tpu.memory_space<semaphore_mem>>) src(%arg11 : memref<128x64xf32, #tpu.memory_space<vmem>>) dst(%dma_wait3A_116 : memref<10112x64xf32, #tpu.memory_space<vmem_shared>>)
        tpu.yield
      }) : () -> ()
      %add3A_84 = arith.constant 2 : i32
      %add3A_85 = arith.addi %add3A_77, %add3A_84 : i32
      %lt3A = arith.constant 80 : i32
      %lt3A_86 = arith.cmpi slt, %add3A_85, %lt3A : i32
      %convert_element_type3A = arith.extui %lt3A_86 : i1 to i32
      %cond3A = arith.constant 0 : i32
      %cond3A_87 = arith.cmpi ne, %convert_element_type3A, %cond3A : i32
      scf.if %cond3A_87 {
        %dma_start3A_105 = arith.constant 0 : i32
        %dma_start3A_106 = tpu.memref_slice %arg7[%add3A_85, %dma_start3A_105] : memref<80x128xi32, #tpu.memory_space<vmem>> -> memref<1x128xi32, #tpu.memory_space<vmem>>
        %dma_start3A_107 = tpu.memref_squeeze %dma_start3A_106 : memref<1x128xi32, #tpu.memory_space<vmem>> -> memref<128xi32, #tpu.memory_space<vmem>>
        %dma_start3A_108 = arith.constant 0 : i32
        %dma_start3A_109 = arith.constant 0 : i32
        %dma_start3A_110 = tpu.memref_slice %arg10[%dma_start3A_108, %dma_start3A_109] : memref<10112x64xf32, #tpu.memory_space<vmem_shared>> -> memref<10112x64xf32, #tpu.memory_space<vmem_shared>>
        tpu.enqueue_indirect_dma source(%dma_start3A_110 : memref<10112x64xf32, #tpu.memory_space<vmem_shared>>) target(%arg11 : memref<128x64xf32, #tpu.memory_space<vmem>>) offsets(%dma_start3A_107 : memref<128xi32, #tpu.memory_space<vmem>>) semaphore(%arg13 : memref<!tpu.dma_semaphore, #tpu.memory_space<semaphore_mem>>)
      } else {
      }
      %mul3A_88 = arith.constant 2 : i32
      %mul3A_89 = arith.muli %scan3A_73, %mul3A_88 : i32
      %add3A_90 = arith.constant 1 : i32
      %add3A_91 = arith.addi %mul3A_89, %add3A_90 : i32
      %dma_wait3A_92 = arith.constant 0 : i32
      %dma_wait3A_93 = tpu.memref_slice %arg7[%add3A_91, %dma_wait3A_92] : memref<80x128xi32, #tpu.memory_space<vmem>> -> memref<1x128xi32, #tpu.memory_space<vmem>>
      %dma_wait3A_94 = tpu.memref_squeeze %dma_wait3A_93 : memref<1x128xi32, #tpu.memory_space<vmem>> -> memref<128xi32, #tpu.memory_space<vmem>>
      %dma_wait3A_95 = arith.constant 0 : i32
      %dma_wait3A_96 = arith.constant 0 : i32
      %dma_wait3A_97 = tpu.memref_slice %arg10[%dma_wait3A_95, %dma_wait3A_96] : memref<10112x64xf32, #tpu.memory_space<vmem_shared>> -> memref<10112x64xf32, #tpu.memory_space<vmem_shared>>
      tpu.wait_indirect_dma semaphore(%arg14 : memref<!tpu.dma_semaphore, #tpu.memory_space<semaphore_mem>>) src(%dma_wait3A_97 : memref<10112x64xf32, #tpu.memory_space<vmem_shared>>) dst(%arg12 : memref<128x64xf32, #tpu.memory_space<vmem>>)
      "tpu.region"() ({
        %run_scoped3A = tpu.sem_alloc : memref<!tpu.dma_semaphore, #tpu.memory_space<semaphore_mem>>
        %dma_start3A_105 = arith.constant 0 : i32
        %dma_start3A_106 = tpu.memref_slice %arg8[%add3A_91, %dma_start3A_105] : memref<80x128xi32, #tpu.memory_space<vmem>> -> memref<1x128xi32, #tpu.memory_space<vmem>>
        %dma_start3A_107 = tpu.memref_squeeze %dma_start3A_106 : memref<1x128xi32, #tpu.memory_space<vmem>> -> memref<128xi32, #tpu.memory_space<vmem>>
        %dma_start3A_108 = arith.constant 0 : i32
        %dma_start3A_109 = arith.constant 0 : i32
        %dma_start3A_110 = tpu.memref_slice %arg9[%dma_start3A_108, %dma_start3A_109] : memref<10112x64xf32, #tpu.memory_space<vmem_shared>> -> memref<10112x64xf32, #tpu.memory_space<vmem_shared>>
        tpu.enqueue_indirect_dma source(%arg12 : memref<128x64xf32, #tpu.memory_space<vmem>>) target(%dma_start3A_110 : memref<10112x64xf32, #tpu.memory_space<vmem_shared>>) offsets(%dma_start3A_107 : memref<128xi32, #tpu.memory_space<vmem>>) semaphore(%run_scoped3A : memref<!tpu.dma_semaphore, #tpu.memory_space<semaphore_mem>>) {add = true}
        %dma_wait3A_111 = arith.constant 0 : i32
        %dma_wait3A_112 = tpu.memref_slice %arg8[%add3A_91, %dma_wait3A_111] : memref<80x128xi32, #tpu.memory_space<vmem>> -> memref<1x128xi32, #tpu.memory_space<vmem>>
        %dma_wait3A_113 = tpu.memref_squeeze %dma_wait3A_112 : memref<1x128xi32, #tpu.memory_space<vmem>> -> memref<128xi32, #tpu.memory_space<vmem>>
        %dma_wait3A_114 = arith.constant 0 : i32
        %dma_wait3A_115 = arith.constant 0 : i32
        %dma_wait3A_116 = tpu.memref_slice %arg9[%dma_wait3A_114, %dma_wait3A_115] : memref<10112x64xf32, #tpu.memory_space<vmem_shared>> -> memref<10112x64xf32, #tpu.memory_space<vmem_shared>>
        tpu.wait_indirect_dma semaphore(%run_scoped3A : memref<!tpu.dma_semaphore, #tpu.memory_space<semaphore_mem>>) src(%arg12 : memref<128x64xf32, #tpu.memory_space<vmem>>) dst(%dma_wait3A_116 : memref<10112x64xf32, #tpu.memory_space<vmem_shared>>)
        tpu.yield
      }) : () -> ()
      %add3A_98 = arith.constant 2 : i32
      %add3A_99 = arith.addi %add3A_91, %add3A_98 : i32
      %lt3A_100 = arith.constant 80 : i32
      %lt3A_101 = arith.cmpi slt, %add3A_99, %lt3A_100 : i32
      %convert_element_type3A_102 = arith.extui %lt3A_101 : i1 to i32
      %cond3A_103 = arith.constant 0 : i32
      %cond3A_104 = arith.cmpi ne, %convert_element_type3A_102, %cond3A_103 : i32
      scf.if %cond3A_104 {
        %dma_start3A_105 = arith.constant 0 : i32
        %dma_start3A_106 = tpu.memref_slice %arg7[%add3A_99, %dma_start3A_105] : memref<80x128xi32, #tpu.memory_space<vmem>> -> memref<1x128xi32, #tpu.memory_space<vmem>>
        %dma_start3A_107 = tpu.memref_squeeze %dma_start3A_106 : memref<1x128xi32, #tpu.memory_space<vmem>> -> memref<128xi32, #tpu.memory_space<vmem>>
        %dma_start3A_108 = arith.constant 0 : i32
        %dma_start3A_109 = arith.constant 0 : i32
        %dma_start3A_110 = tpu.memref_slice %arg10[%dma_start3A_108, %dma_start3A_109] : memref<10112x64xf32, #tpu.memory_space<vmem_shared>> -> memref<10112x64xf32, #tpu.memory_space<vmem_shared>>
        tpu.enqueue_indirect_dma source(%dma_start3A_110 : memref<10112x64xf32, #tpu.memory_space<vmem_shared>>) target(%arg12 : memref<128x64xf32, #tpu.memory_space<vmem>>) offsets(%dma_start3A_107 : memref<128xi32, #tpu.memory_space<vmem>>) semaphore(%arg14 : memref<!tpu.dma_semaphore, #tpu.memory_space<semaphore_mem>>)
      } else {
      }
    }
    %scan3A_67 = arith.constant 40 : i32
    %barrier3A_68 = arith.constant 0 : index
    tpu.barrier barrier_id(%barrier3A_68)
    %mul3A_69 = arith.constant 632 : i32
    %mul3A_70 = arith.muli %arg1, %mul3A_69 : i32
    %mul3A_71 = arith.constant 632 : i32
    %mul3A_72 = arith.muli %arg1, %mul3A_71 : i32
    "tpu.region"() ({
      %run_scoped3A = tpu.sem_alloc : memref<!tpu.dma_semaphore, #tpu.memory_space<semaphore_mem>>
      %dma_start3A_73 = arith.constant 0 : i32
      %dma_start3A_74 = tpu.memref_slice %arg6[%arg0, %mul3A_72, %dma_start3A_73] : memref<2x10112x64xf32, #tpu.memory_space<hbm>> -> memref<1x632x64xf32, #tpu.memory_space<hbm>>
      %dma_start3A_75 = tpu.memref_squeeze %dma_start3A_74 : memref<1x632x64xf32, #tpu.memory_space<hbm>> -> memref<632x64xf32, #tpu.memory_space<hbm>>
      %dma_start3A_76 = arith.constant 0 : i32
      %dma_start3A_77 = tpu.memref_slice %arg9[%mul3A_70, %dma_start3A_76] : memref<10112x64xf32, #tpu.memory_space<vmem_shared>> -> memref<632x64xf32, #tpu.memory_space<vmem_shared>>
      tpu.enqueue_dma source(%dma_start3A_77 : memref<632x64xf32, #tpu.memory_space<vmem_shared>>) target(%dma_start3A_75 : memref<632x64xf32, #tpu.memory_space<hbm>>) target_semaphore(%run_scoped3A : memref<!tpu.dma_semaphore, #tpu.memory_space<semaphore_mem>>)
      %dma_wait3A_78 = arith.constant 0 : i32
      %dma_wait3A_79 = tpu.memref_slice %arg6[%arg0, %mul3A_72, %dma_wait3A_78] : memref<2x10112x64xf32, #tpu.memory_space<hbm>> -> memref<1x632x64xf32, #tpu.memory_space<hbm>>
      %dma_wait3A_80 = tpu.memref_squeeze %dma_wait3A_79 : memref<1x632x64xf32, #tpu.memory_space<hbm>> -> memref<632x64xf32, #tpu.memory_space<hbm>>
      %dma_wait3A_81 = arith.constant 0 : i32
      %dma_wait3A_82 = tpu.memref_slice %arg9[%mul3A_70, %dma_wait3A_81] : memref<10112x64xf32, #tpu.memory_space<vmem_shared>> -> memref<632x64xf32, #tpu.memory_space<vmem_shared>>
      tpu.wait_dma2 semaphore(%run_scoped3A : memref<!tpu.dma_semaphore, #tpu.memory_space<semaphore_mem>>) src(%dma_wait3A_82 : memref<632x64xf32, #tpu.memory_space<vmem_shared>>) dst(%dma_wait3A_80 : memref<632x64xf32, #tpu.memory_space<hbm>>)
      tpu.yield
    }) : () -> ()
    return
  }
}

#map = affine_map<(d0, d1) -> (0, 0)>
#map1 = affine_map<(d0, d1) -> (0, 0, 0)>
module attributes {stable_mosaic.version = 14 : i64} {
  func.func @_sc_scatter(%arg0: i32, %arg1: i32, %arg2: memref<10112x64xf32, #tpu.memory_space<hbm>>, %arg3: memref<32x80x128xi32, #tpu.memory_space<hbm>>, %arg4: memref<32x80x128xi32, #tpu.memory_space<hbm>>, %arg5: memref<128x64xf32, #tpu.memory_space<hbm>>, %arg6: memref<2x10112x64xf32, #tpu.memory_space<hbm>>, %arg7: memref<80x128xi32, #tpu.memory_space<vmem>>, %arg8: memref<80x128xi32, #tpu.memory_space<vmem>>, %arg9: memref<10112x64xf32, #tpu.memory_space<vmem_shared>>, %arg10: memref<10112x64xf32, #tpu.memory_space<vmem_shared>>, %arg11: memref<128x64xf32, #tpu.memory_space<vmem>>, %arg12: memref<128x64xf32, #tpu.memory_space<vmem>>, %arg13: memref<!tpu.dma_semaphore, #tpu.memory_space<semaphore_mem>>, %arg14: memref<!tpu.dma_semaphore, #tpu.memory_space<semaphore_mem>>, %arg15: memref<!tpu.dma_semaphore, #tpu.memory_space<semaphore_mem>>) attributes {dimension_semantics = [#tpu.dimension_semantics<core_parallel>, #tpu.dimension_semantics<subcore_parallel>], iteration_bounds = array<i64: 2, 16>, scalar_prefetch = 0 : i64, scratch_operands = 9 : i64, tpu.core_type = #tpu.core_type<sc_vector_subcore>, window_params = [{transform_indices = #map}, {transform_indices = #map1}, {transform_indices = #map1}, {transform_indices = #map}, {transform_indices = #map1}]} {
    %mul3A = arith.constant 2 : i32
    %mul3A_0 = arith.muli %arg1, %mul3A : i32
    %add3A = arith.addi %mul3A_0, %arg0 : i32
    %mul3A_1 = arith.constant 632 : i32
    %mul3A_2 = arith.muli %arg1, %mul3A_1 : i32
    %mul3A_3 = arith.constant 632 : i32
    %mul3A_4 = arith.muli %arg1, %mul3A_3 : i32
    %dma_start3A = arith.constant 0 : i32
    %dma_start3A_5 = tpu.memref_slice %arg10[%mul3A_4, %dma_start3A] : memref<10112x64xf32, #tpu.memory_space<vmem_shared>> -> memref<632x64xf32, #tpu.memory_space<vmem_shared>>
    %dma_start3A_6 = arith.constant 0 : i32
    %dma_start3A_7 = tpu.memref_slice %arg2[%mul3A_2, %dma_start3A_6] : memref<10112x64xf32, #tpu.memory_space<hbm>> -> memref<632x64xf32, #tpu.memory_space<hbm>>
    tpu.enqueue_dma source(%dma_start3A_7 : memref<632x64xf32, #tpu.memory_space<hbm>>) target(%dma_start3A_5 : memref<632x64xf32, #tpu.memory_space<vmem_shared>>) target_semaphore(%arg15 : memref<!tpu.dma_semaphore, #tpu.memory_space<semaphore_mem>>)
    %dma_start3A_8 = arith.constant 0 : i32
    %dma_start3A_9 = arith.constant 0 : i32
    %dma_start3A_10 = tpu.memref_slice %arg3[%add3A, %dma_start3A_8, %dma_start3A_9] : memref<32x80x128xi32, #tpu.memory_space<hbm>> -> memref<1x80x128xi32, #tpu.memory_space<hbm>>
    %dma_start3A_11 = tpu.memref_squeeze %dma_start3A_10 : memref<1x80x128xi32, #tpu.memory_space<hbm>> -> memref<80x128xi32, #tpu.memory_space<hbm>>
    %dma_start3A_12 = arith.constant 0 : i32
    %dma_start3A_13 = arith.constant 0 : i32
    %dma_start3A_14 = tpu.memref_slice %arg3[%add3A, %dma_start3A_12, %dma_start3A_13] : memref<32x80x128xi32, #tpu.memory_space<hbm>> -> memref<1x80x128xi32, #tpu.memory_space<hbm>>
    %dma_start3A_15 = tpu.memref_squeeze %dma_start3A_14 : memref<1x80x128xi32, #tpu.memory_space<hbm>> -> memref<80x128xi32, #tpu.memory_space<hbm>>
    tpu.enqueue_dma source(%dma_start3A_15 : memref<80x128xi32, #tpu.memory_space<hbm>>) target(%arg7 : memref<80x128xi32, #tpu.memory_space<vmem>>) target_semaphore(%arg15 : memref<!tpu.dma_semaphore, #tpu.memory_space<semaphore_mem>>)
    %dma_start3A_16 = arith.constant 0 : i32
    %dma_start3A_17 = arith.constant 0 : i32
    %dma_start3A_18 = tpu.memref_slice %arg4[%add3A, %dma_start3A_16, %dma_start3A_17] : memref<32x80x128xi32, #tpu.memory_space<hbm>> -> memref<1x80x128xi32, #tpu.memory_space<hbm>>
    %dma_start3A_19 = tpu.memref_squeeze %dma_start3A_18 : memref<1x80x128xi32, #tpu.memory_space<hbm>> -> memref<80x128xi32, #tpu.memory_space<hbm>>
    %dma_start3A_20 = arith.constant 0 : i32
    %dma_start3A_21 = arith.constant 0 : i32
    %dma_start3A_22 = tpu.memref_slice %arg4[%add3A, %dma_start3A_20, %dma_start3A_21] : memref<32x80x128xi32, #tpu.memory_space<hbm>> -> memref<1x80x128xi32, #tpu.memory_space<hbm>>
    %dma_start3A_23 = tpu.memref_squeeze %dma_start3A_22 : memref<1x80x128xi32, #tpu.memory_space<hbm>> -> memref<80x128xi32, #tpu.memory_space<hbm>>
    tpu.enqueue_dma source(%dma_start3A_23 : memref<80x128xi32, #tpu.memory_space<hbm>>) target(%arg8 : memref<80x128xi32, #tpu.memory_space<vmem>>) target_semaphore(%arg15 : memref<!tpu.dma_semaphore, #tpu.memory_space<semaphore_mem>>)
    %scan3A = arith.constant 0 : i32
    %scan3A_24 = arith.constant 0 : i32
    %scan3A_25 = arith.constant 5 : i32
    %scan3A_26 = arith.addi %scan3A_24, %scan3A_25 : i32
    %scan3A_27 = arith.constant 1 : i32
    scf.for %scan3A_73 = %scan3A_24 to %scan3A_26 step %scan3A_27  : i32 {
      %mul3A_74 = arith.constant 16 : i32
      %mul3A_75 = arith.muli %mul3A_74, %scan3A_73 : i32
      %add3A_76 = arith.addi %arg1, %mul3A_75 : i32
      %mul3A_77 = arith.constant 128 : i32
      %mul3A_78 = arith.muli %add3A_76, %mul3A_77 : i32
      %lt3A = arith.constant 10112 : i32
      %lt3A_79 = arith.cmpi slt, %mul3A_78, %lt3A : i32
      %convert_element_type3A = arith.extui %lt3A_79 : i1 to i32
      %cond3A = arith.constant 0 : i32
      %cond3A_80 = arith.cmpi ne, %convert_element_type3A, %cond3A : i32
      scf.if %cond3A_80 {
        "tpu.region"() ({
          %run_scoped3A = tpu.sem_alloc : memref<!tpu.dma_semaphore, #tpu.memory_space<semaphore_mem>>
          %dma_start3A_81 = arith.constant 0 : i32
          %dma_start3A_82 = tpu.memref_slice %arg9[%mul3A_78, %dma_start3A_81] : memref<10112x64xf32, #tpu.memory_space<vmem_shared>> -> memref<128x64xf32, #tpu.memory_space<vmem_shared>>
          tpu.enqueue_dma source(%arg5 : memref<128x64xf32, #tpu.memory_space<hbm>>) target(%dma_start3A_82 : memref<128x64xf32, #tpu.memory_space<vmem_shared>>) target_semaphore(%run_scoped3A : memref<!tpu.dma_semaphore, #tpu.memory_space<semaphore_mem>>)
          %dma_wait3A_83 = arith.constant 0 : i32
          %dma_wait3A_84 = tpu.memref_slice %arg9[%mul3A_78, %dma_wait3A_83] : memref<10112x64xf32, #tpu.memory_space<vmem_shared>> -> memref<128x64xf32, #tpu.memory_space<vmem_shared>>
          tpu.wait_dma2 semaphore(%run_scoped3A : memref<!tpu.dma_semaphore, #tpu.memory_space<semaphore_mem>>) src(%arg5 : memref<128x64xf32, #tpu.memory_space<hbm>>) dst(%dma_wait3A_84 : memref<128x64xf32, #tpu.memory_space<vmem_shared>>)
          tpu.yield
        }) : () -> ()
      } else {
      }
    }
    %scan3A_28 = arith.constant 5 : i32
    %dma_wait3A = arith.constant 0 : i32
    %dma_wait3A_29 = tpu.memref_slice %arg10[%mul3A_4, %dma_wait3A] : memref<10112x64xf32, #tpu.memory_space<vmem_shared>> -> memref<632x64xf32, #tpu.memory_space<vmem_shared>>
    %dma_wait3A_30 = arith.constant 0 : i32
    %dma_wait3A_31 = tpu.memref_slice %arg2[%mul3A_2, %dma_wait3A_30] : memref<10112x64xf32, #tpu.memory_space<hbm>> -> memref<632x64xf32, #tpu.memory_space<hbm>>
    tpu.wait_dma2 semaphore(%arg15 : memref<!tpu.dma_semaphore, #tpu.memory_space<semaphore_mem>>) src(%dma_wait3A_31 : memref<632x64xf32, #tpu.memory_space<hbm>>) dst(%dma_wait3A_29 : memref<632x64xf32, #tpu.memory_space<vmem_shared>>)
    %dma_wait3A_32 = arith.constant 0 : i32
    %dma_wait3A_33 = arith.constant 0 : i32
    %dma_wait3A_34 = tpu.memref_slice %arg3[%add3A, %dma_wait3A_32, %dma_wait3A_33] : memref<32x80x128xi32, #tpu.memory_space<hbm>> -> memref<1x80x128xi32, #tpu.memory_space<hbm>>
    %dma_wait3A_35 = tpu.memref_squeeze %dma_wait3A_34 : memref<1x80x128xi32, #tpu.memory_space<hbm>> -> memref<80x128xi32, #tpu.memory_space<hbm>>
    %dma_wait3A_36 = arith.constant 0 : i32
    %dma_wait3A_37 = arith.constant 0 : i32
    %dma_wait3A_38 = tpu.memref_slice %arg3[%add3A, %dma_wait3A_36, %dma_wait3A_37] : memref<32x80x128xi32, #tpu.memory_space<hbm>> -> memref<1x80x128xi32, #tpu.memory_space<hbm>>
    %dma_wait3A_39 = tpu.memref_squeeze %dma_wait3A_38 : memref<1x80x128xi32, #tpu.memory_space<hbm>> -> memref<80x128xi32, #tpu.memory_space<hbm>>
    tpu.wait_dma2 semaphore(%arg15 : memref<!tpu.dma_semaphore, #tpu.memory_space<semaphore_mem>>) src(%dma_wait3A_39 : memref<80x128xi32, #tpu.memory_space<hbm>>) dst(%arg7 : memref<80x128xi32, #tpu.memory_space<vmem>>)
    %dma_wait3A_40 = arith.constant 0 : i32
    %dma_wait3A_41 = arith.constant 0 : i32
    %dma_wait3A_42 = tpu.memref_slice %arg4[%add3A, %dma_wait3A_40, %dma_wait3A_41] : memref<32x80x128xi32, #tpu.memory_space<hbm>> -> memref<1x80x128xi32, #tpu.memory_space<hbm>>
    %dma_wait3A_43 = tpu.memref_squeeze %dma_wait3A_42 : memref<1x80x128xi32, #tpu.memory_space<hbm>> -> memref<80x128xi32, #tpu.memory_space<hbm>>
    %dma_wait3A_44 = arith.constant 0 : i32
    %dma_wait3A_45 = arith.constant 0 : i32
    %dma_wait3A_46 = tpu.memref_slice %arg4[%add3A, %dma_wait3A_44, %dma_wait3A_45] : memref<32x80x128xi32, #tpu.memory_space<hbm>> -> memref<1x80x128xi32, #tpu.memory_space<hbm>>
    %dma_wait3A_47 = tpu.memref_squeeze %dma_wait3A_46 : memref<1x80x128xi32, #tpu.memory_space<hbm>> -> memref<80x128xi32, #tpu.memory_space<hbm>>
    tpu.wait_dma2 semaphore(%arg15 : memref<!tpu.dma_semaphore, #tpu.memory_space<semaphore_mem>>) src(%dma_wait3A_47 : memref<80x128xi32, #tpu.memory_space<hbm>>) dst(%arg8 : memref<80x128xi32, #tpu.memory_space<vmem>>)
    %barrier3A = arith.constant 0 : index
    tpu.barrier barrier_id(%barrier3A)
    %dma_start3A_48 = arith.constant 0 : i32
    %dma_start3A_49 = arith.constant 0 : i32
    %dma_start3A_50 = tpu.memref_slice %arg7[%dma_start3A_48, %dma_start3A_49] : memref<80x128xi32, #tpu.memory_space<vmem>> -> memref<1x128xi32, #tpu.memory_space<vmem>>
    %dma_start3A_51 = tpu.memref_squeeze %dma_start3A_50 : memref<1x128xi32, #tpu.memory_space<vmem>> -> memref<128xi32, #tpu.memory_space<vmem>>
    %dma_start3A_52 = arith.constant 0 : i32
    %dma_start3A_53 = arith.constant 0 : i32
    %dma_start3A_54 = tpu.memref_slice %arg10[%dma_start3A_52, %dma_start3A_53] : memref<10112x64xf32, #tpu.memory_space<vmem_shared>> -> memref<10112x64xf32, #tpu.memory_space<vmem_shared>>
    tpu.enqueue_indirect_dma source(%dma_start3A_54 : memref<10112x64xf32, #tpu.memory_space<vmem_shared>>) target(%arg11 : memref<128x64xf32, #tpu.memory_space<vmem>>) offsets(%dma_start3A_51 : memref<128xi32, #tpu.memory_space<vmem>>) semaphore(%arg13 : memref<!tpu.dma_semaphore, #tpu.memory_space<semaphore_mem>>)
    %dma_start3A_55 = arith.constant 1 : i32
    %dma_start3A_56 = arith.constant 0 : i32
    %dma_start3A_57 = tpu.memref_slice %arg7[%dma_start3A_55, %dma_start3A_56] : memref<80x128xi32, #tpu.memory_space<vmem>> -> memref<1x128xi32, #tpu.memory_space<vmem>>
    %dma_start3A_58 = tpu.memref_squeeze %dma_start3A_57 : memref<1x128xi32, #tpu.memory_space<vmem>> -> memref<128xi32, #tpu.memory_space<vmem>>
    %dma_start3A_59 = arith.constant 0 : i32
    %dma_start3A_60 = arith.constant 0 : i32
    %dma_start3A_61 = tpu.memref_slice %arg10[%dma_start3A_59, %dma_start3A_60] : memref<10112x64xf32, #tpu.memory_space<vmem_shared>> -> memref<10112x64xf32, #tpu.memory_space<vmem_shared>>
    tpu.enqueue_indirect_dma source(%dma_start3A_61 : memref<10112x64xf32, #tpu.memory_space<vmem_shared>>) target(%arg12 : memref<128x64xf32, #tpu.memory_space<vmem>>) offsets(%dma_start3A_58 : memref<128xi32, #tpu.memory_space<vmem>>) semaphore(%arg14 : memref<!tpu.dma_semaphore, #tpu.memory_space<semaphore_mem>>)
    %scan3A_62 = arith.constant 0 : i32
    %scan3A_63 = arith.constant 0 : i32
    %scan3A_64 = arith.constant 40 : i32
    %scan3A_65 = arith.addi %scan3A_63, %scan3A_64 : i32
    %scan3A_66 = arith.constant 1 : i32
    scf.for %scan3A_73 = %scan3A_63 to %scan3A_65 step %scan3A_66  : i32 {
      %mul3A_74 = arith.constant 2 : i32
      %mul3A_75 = arith.muli %scan3A_73, %mul3A_74 : i32
      %add3A_76 = arith.constant 0 : i32
      %add3A_77 = arith.addi %mul3A_75, %add3A_76 : i32
      %dma_wait3A_78 = arith.constant 0 : i32
      %dma_wait3A_79 = tpu.memref_slice %arg7[%add3A_77, %dma_wait3A_78] : memref<80x128xi32, #tpu.memory_space<vmem>> -> memref<1x128xi32, #tpu.memory_space<vmem>>
      %dma_wait3A_80 = tpu.memref_squeeze %dma_wait3A_79 : memref<1x128xi32, #tpu.memory_space<vmem>> -> memref<128xi32, #tpu.memory_space<vmem>>
      %dma_wait3A_81 = arith.constant 0 : i32
      %dma_wait3A_82 = arith.constant 0 : i32
      %dma_wait3A_83 = tpu.memref_slice %arg10[%dma_wait3A_81, %dma_wait3A_82] : memref<10112x64xf32, #tpu.memory_space<vmem_shared>> -> memref<10112x64xf32, #tpu.memory_space<vmem_shared>>
      tpu.wait_indirect_dma semaphore(%arg13 : memref<!tpu.dma_semaphore, #tpu.memory_space<semaphore_mem>>) src(%dma_wait3A_83 : memref<10112x64xf32, #tpu.memory_space<vmem_shared>>) dst(%arg11 : memref<128x64xf32, #tpu.memory_space<vmem>>)
      "tpu.region"() ({
        %run_scoped3A = tpu.sem_alloc : memref<!tpu.dma_semaphore, #tpu.memory_space<semaphore_mem>>
        %dma_start3A_105 = arith.constant 0 : i32
        %dma_start3A_106 = tpu.memref_slice %arg8[%add3A_77, %dma_start3A_105] : memref<80x128xi32, #tpu.memory_space<vmem>> -> memref<1x128xi32, #tpu.memory_space<vmem>>
        %dma_start3A_107 = tpu.memref_squeeze %dma_start3A_106 : memref<1x128xi32, #tpu.memory_space<vmem>> -> memref<128xi32, #tpu.memory_space<vmem>>
        %dma_start3A_108 = arith.constant 0 : i32
        %dma_start3A_109 = arith.constant 0 : i32
        %dma_start3A_110 = tpu.memref_slice %arg9[%dma_start3A_108, %dma_start3A_109] : memref<10112x64xf32, #tpu.memory_space<vmem_shared>> -> memref<10112x64xf32, #tpu.memory_space<vmem_shared>>
        tpu.enqueue_indirect_dma source(%arg11 : memref<128x64xf32, #tpu.memory_space<vmem>>) target(%dma_start3A_110 : memref<10112x64xf32, #tpu.memory_space<vmem_shared>>) offsets(%dma_start3A_107 : memref<128xi32, #tpu.memory_space<vmem>>) semaphore(%run_scoped3A : memref<!tpu.dma_semaphore, #tpu.memory_space<semaphore_mem>>) {add = true}
        %dma_wait3A_111 = arith.constant 0 : i32
        %dma_wait3A_112 = tpu.memref_slice %arg8[%add3A_77, %dma_wait3A_111] : memref<80x128xi32, #tpu.memory_space<vmem>> -> memref<1x128xi32, #tpu.memory_space<vmem>>
        %dma_wait3A_113 = tpu.memref_squeeze %dma_wait3A_112 : memref<1x128xi32, #tpu.memory_space<vmem>> -> memref<128xi32, #tpu.memory_space<vmem>>
        %dma_wait3A_114 = arith.constant 0 : i32
        %dma_wait3A_115 = arith.constant 0 : i32
        %dma_wait3A_116 = tpu.memref_slice %arg9[%dma_wait3A_114, %dma_wait3A_115] : memref<10112x64xf32, #tpu.memory_space<vmem_shared>> -> memref<10112x64xf32, #tpu.memory_space<vmem_shared>>
        tpu.wait_indirect_dma semaphore(%run_scoped3A : memref<!tpu.dma_semaphore, #tpu.memory_space<semaphore_mem>>) src(%arg11 : memref<128x64xf32, #tpu.memory_space<vmem>>) dst(%dma_wait3A_116 : memref<10112x64xf32, #tpu.memory_space<vmem_shared>>)
        tpu.yield
      }) : () -> ()
      %add3A_84 = arith.constant 2 : i32
      %add3A_85 = arith.addi %add3A_77, %add3A_84 : i32
      %lt3A = arith.constant 80 : i32
      %lt3A_86 = arith.cmpi slt, %add3A_85, %lt3A : i32
      %convert_element_type3A = arith.extui %lt3A_86 : i1 to i32
      %cond3A = arith.constant 0 : i32
      %cond3A_87 = arith.cmpi ne, %convert_element_type3A, %cond3A : i32
      scf.if %cond3A_87 {
        %dma_start3A_105 = arith.constant 0 : i32
        %dma_start3A_106 = tpu.memref_slice %arg7[%add3A_85, %dma_start3A_105] : memref<80x128xi32, #tpu.memory_space<vmem>> -> memref<1x128xi32, #tpu.memory_space<vmem>>
        %dma_start3A_107 = tpu.memref_squeeze %dma_start3A_106 : memref<1x128xi32, #tpu.memory_space<vmem>> -> memref<128xi32, #tpu.memory_space<vmem>>
        %dma_start3A_108 = arith.constant 0 : i32
        %dma_start3A_109 = arith.constant 0 : i32
        %dma_start3A_110 = tpu.memref_slice %arg10[%dma_start3A_108, %dma_start3A_109] : memref<10112x64xf32, #tpu.memory_space<vmem_shared>> -> memref<10112x64xf32, #tpu.memory_space<vmem_shared>>
        tpu.enqueue_indirect_dma source(%dma_start3A_110 : memref<10112x64xf32, #tpu.memory_space<vmem_shared>>) target(%arg11 : memref<128x64xf32, #tpu.memory_space<vmem>>) offsets(%dma_start3A_107 : memref<128xi32, #tpu.memory_space<vmem>>) semaphore(%arg13 : memref<!tpu.dma_semaphore, #tpu.memory_space<semaphore_mem>>)
      } else {
      }
      %mul3A_88 = arith.constant 2 : i32
      %mul3A_89 = arith.muli %scan3A_73, %mul3A_88 : i32
      %add3A_90 = arith.constant 1 : i32
      %add3A_91 = arith.addi %mul3A_89, %add3A_90 : i32
      %dma_wait3A_92 = arith.constant 0 : i32
      %dma_wait3A_93 = tpu.memref_slice %arg7[%add3A_91, %dma_wait3A_92] : memref<80x128xi32, #tpu.memory_space<vmem>> -> memref<1x128xi32, #tpu.memory_space<vmem>>
      %dma_wait3A_94 = tpu.memref_squeeze %dma_wait3A_93 : memref<1x128xi32, #tpu.memory_space<vmem>> -> memref<128xi32, #tpu.memory_space<vmem>>
      %dma_wait3A_95 = arith.constant 0 : i32
      %dma_wait3A_96 = arith.constant 0 : i32
      %dma_wait3A_97 = tpu.memref_slice %arg10[%dma_wait3A_95, %dma_wait3A_96] : memref<10112x64xf32, #tpu.memory_space<vmem_shared>> -> memref<10112x64xf32, #tpu.memory_space<vmem_shared>>
      tpu.wait_indirect_dma semaphore(%arg14 : memref<!tpu.dma_semaphore, #tpu.memory_space<semaphore_mem>>) src(%dma_wait3A_97 : memref<10112x64xf32, #tpu.memory_space<vmem_shared>>) dst(%arg12 : memref<128x64xf32, #tpu.memory_space<vmem>>)
      "tpu.region"() ({
        %run_scoped3A = tpu.sem_alloc : memref<!tpu.dma_semaphore, #tpu.memory_space<semaphore_mem>>
        %dma_start3A_105 = arith.constant 0 : i32
        %dma_start3A_106 = tpu.memref_slice %arg8[%add3A_91, %dma_start3A_105] : memref<80x128xi32, #tpu.memory_space<vmem>> -> memref<1x128xi32, #tpu.memory_space<vmem>>
        %dma_start3A_107 = tpu.memref_squeeze %dma_start3A_106 : memref<1x128xi32, #tpu.memory_space<vmem>> -> memref<128xi32, #tpu.memory_space<vmem>>
        %dma_start3A_108 = arith.constant 0 : i32
        %dma_start3A_109 = arith.constant 0 : i32
        %dma_start3A_110 = tpu.memref_slice %arg9[%dma_start3A_108, %dma_start3A_109] : memref<10112x64xf32, #tpu.memory_space<vmem_shared>> -> memref<10112x64xf32, #tpu.memory_space<vmem_shared>>
        tpu.enqueue_indirect_dma source(%arg12 : memref<128x64xf32, #tpu.memory_space<vmem>>) target(%dma_start3A_110 : memref<10112x64xf32, #tpu.memory_space<vmem_shared>>) offsets(%dma_start3A_107 : memref<128xi32, #tpu.memory_space<vmem>>) semaphore(%run_scoped3A : memref<!tpu.dma_semaphore, #tpu.memory_space<semaphore_mem>>) {add = true}
        %dma_wait3A_111 = arith.constant 0 : i32
        %dma_wait3A_112 = tpu.memref_slice %arg8[%add3A_91, %dma_wait3A_111] : memref<80x128xi32, #tpu.memory_space<vmem>> -> memref<1x128xi32, #tpu.memory_space<vmem>>
        %dma_wait3A_113 = tpu.memref_squeeze %dma_wait3A_112 : memref<1x128xi32, #tpu.memory_space<vmem>> -> memref<128xi32, #tpu.memory_space<vmem>>
        %dma_wait3A_114 = arith.constant 0 : i32
        %dma_wait3A_115 = arith.constant 0 : i32
        %dma_wait3A_116 = tpu.memref_slice %arg9[%dma_wait3A_114, %dma_wait3A_115] : memref<10112x64xf32, #tpu.memory_space<vmem_shared>> -> memref<10112x64xf32, #tpu.memory_space<vmem_shared>>
        tpu.wait_indirect_dma semaphore(%run_scoped3A : memref<!tpu.dma_semaphore, #tpu.memory_space<semaphore_mem>>) src(%arg12 : memref<128x64xf32, #tpu.memory_space<vmem>>) dst(%dma_wait3A_116 : memref<10112x64xf32, #tpu.memory_space<vmem_shared>>)
        tpu.yield
      }) : () -> ()
      %add3A_98 = arith.constant 2 : i32
      %add3A_99 = arith.addi %add3A_91, %add3A_98 : i32
      %lt3A_100 = arith.constant 80 : i32
      %lt3A_101 = arith.cmpi slt, %add3A_99, %lt3A_100 : i32
      %convert_element_type3A_102 = arith.extui %lt3A_101 : i1 to i32
      %cond3A_103 = arith.constant 0 : i32
      %cond3A_104 = arith.cmpi ne, %convert_element_type3A_102, %cond3A_103 : i32
      scf.if %cond3A_104 {
        %dma_start3A_105 = arith.constant 0 : i32
        %dma_start3A_106 = tpu.memref_slice %arg7[%add3A_99, %dma_start3A_105] : memref<80x128xi32, #tpu.memory_space<vmem>> -> memref<1x128xi32, #tpu.memory_space<vmem>>
        %dma_start3A_107 = tpu.memref_squeeze %dma_start3A_106 : memref<1x128xi32, #tpu.memory_space<vmem>> -> memref<128xi32, #tpu.memory_space<vmem>>
        %dma_start3A_108 = arith.constant 0 : i32
        %dma_start3A_109 = arith.constant 0 : i32
        %dma_start3A_110 = tpu.memref_slice %arg10[%dma_start3A_108, %dma_start3A_109] : memref<10112x64xf32, #tpu.memory_space<vmem_shared>> -> memref<10112x64xf32, #tpu.memory_space<vmem_shared>>
        tpu.enqueue_indirect_dma source(%dma_start3A_110 : memref<10112x64xf32, #tpu.memory_space<vmem_shared>>) target(%arg12 : memref<128x64xf32, #tpu.memory_space<vmem>>) offsets(%dma_start3A_107 : memref<128xi32, #tpu.memory_space<vmem>>) semaphore(%arg14 : memref<!tpu.dma_semaphore, #tpu.memory_space<semaphore_mem>>)
      } else {
      }
    }
    %scan3A_67 = arith.constant 40 : i32
    %barrier3A_68 = arith.constant 0 : index
    tpu.barrier barrier_id(%barrier3A_68)
    %mul3A_69 = arith.constant 632 : i32
    %mul3A_70 = arith.muli %arg1, %mul3A_69 : i32
    %mul3A_71 = arith.constant 632 : i32
    %mul3A_72 = arith.muli %arg1, %mul3A_71 : i32
    "tpu.region"() ({
      %run_scoped3A = tpu.sem_alloc : memref<!tpu.dma_semaphore, #tpu.memory_space<semaphore_mem>>
      %dma_start3A_73 = arith.constant 0 : i32
      %dma_start3A_74 = tpu.memref_slice %arg6[%arg0, %mul3A_72, %dma_start3A_73] : memref<2x10112x64xf32, #tpu.memory_space<hbm>> -> memref<1x632x64xf32, #tpu.memory_space<hbm>>
      %dma_start3A_75 = tpu.memref_squeeze %dma_start3A_74 : memref<1x632x64xf32, #tpu.memory_space<hbm>> -> memref<632x64xf32, #tpu.memory_space<hbm>>
      %dma_start3A_76 = arith.constant 0 : i32
      %dma_start3A_77 = tpu.memref_slice %arg9[%mul3A_70, %dma_start3A_76] : memref<10112x64xf32, #tpu.memory_space<vmem_shared>> -> memref<632x64xf32, #tpu.memory_space<vmem_shared>>
      tpu.enqueue_dma source(%dma_start3A_77 : memref<632x64xf32, #tpu.memory_space<vmem_shared>>) target(%dma_start3A_75 : memref<632x64xf32, #tpu.memory_space<hbm>>) target_semaphore(%run_scoped3A : memref<!tpu.dma_semaphore, #tpu.memory_space<semaphore_mem>>)
      %dma_wait3A_78 = arith.constant 0 : i32
      %dma_wait3A_79 = tpu.memref_slice %arg6[%arg0, %mul3A_72, %dma_wait3A_78] : memref<2x10112x64xf32, #tpu.memory_space<hbm>> -> memref<1x632x64xf32, #tpu.memory_space<hbm>>
      %dma_wait3A_80 = tpu.memref_squeeze %dma_wait3A_79 : memref<1x632x64xf32, #tpu.memory_space<hbm>> -> memref<632x64xf32, #tpu.memory_space<hbm>>
      %dma_wait3A_81 = arith.constant 0 : i32
      %dma_wait3A_82 = tpu.memref_slice %arg9[%mul3A_70, %dma_wait3A_81] : memref<10112x64xf32, #tpu.memory_space<vmem_shared>> -> memref<632x64xf32, #tpu.memory_space<vmem_shared>>
      tpu.wait_dma2 semaphore(%run_scoped3A : memref<!tpu.dma_semaphore, #tpu.memory_space<semaphore_mem>>) src(%dma_wait3A_82 : memref<632x64xf32, #tpu.memory_space<vmem_shared>>) dst(%dma_wait3A_80 : memref<632x64xf32, #tpu.memory_space<hbm>>)
      tpu.yield
    }) : () -> ()
    return
  }
}

#map = affine_map<(d0, d1) -> (0, 0)>
#map1 = affine_map<(d0, d1) -> (0, 0, 0)>
module attributes {stable_mosaic.version = 14 : i64} {
  func.func @_sc_scatter(%arg0: i32, %arg1: i32, %arg2: memref<10112x64xf32, #tpu.memory_space<hbm>>, %arg3: memref<32x80x128xi32, #tpu.memory_space<hbm>>, %arg4: memref<32x80x128xi32, #tpu.memory_space<hbm>>, %arg5: memref<128x64xf32, #tpu.memory_space<hbm>>, %arg6: memref<2x10112x64xf32, #tpu.memory_space<hbm>>, %arg7: memref<80x128xi32, #tpu.memory_space<vmem>>, %arg8: memref<80x128xi32, #tpu.memory_space<vmem>>, %arg9: memref<10112x64xf32, #tpu.memory_space<vmem_shared>>, %arg10: memref<10112x64xf32, #tpu.memory_space<vmem_shared>>, %arg11: memref<128x64xf32, #tpu.memory_space<vmem>>, %arg12: memref<128x64xf32, #tpu.memory_space<vmem>>, %arg13: memref<!tpu.dma_semaphore, #tpu.memory_space<semaphore_mem>>, %arg14: memref<!tpu.dma_semaphore, #tpu.memory_space<semaphore_mem>>, %arg15: memref<!tpu.dma_semaphore, #tpu.memory_space<semaphore_mem>>) attributes {dimension_semantics = [#tpu.dimension_semantics<core_parallel>, #tpu.dimension_semantics<subcore_parallel>], iteration_bounds = array<i64: 2, 16>, scalar_prefetch = 0 : i64, scratch_operands = 9 : i64, tpu.core_type = #tpu.core_type<sc_vector_subcore>, window_params = [{transform_indices = #map}, {transform_indices = #map1}, {transform_indices = #map1}, {transform_indices = #map}, {transform_indices = #map1}]} {
    %mul3A = arith.constant 2 : i32
    %mul3A_0 = arith.muli %arg1, %mul3A : i32
    %add3A = arith.addi %mul3A_0, %arg0 : i32
    %mul3A_1 = arith.constant 632 : i32
    %mul3A_2 = arith.muli %arg1, %mul3A_1 : i32
    %mul3A_3 = arith.constant 632 : i32
    %mul3A_4 = arith.muli %arg1, %mul3A_3 : i32
    %dma_start3A = arith.constant 0 : i32
    %dma_start3A_5 = tpu.memref_slice %arg10[%mul3A_4, %dma_start3A] : memref<10112x64xf32, #tpu.memory_space<vmem_shared>> -> memref<632x64xf32, #tpu.memory_space<vmem_shared>>
    %dma_start3A_6 = arith.constant 0 : i32
    %dma_start3A_7 = tpu.memref_slice %arg2[%mul3A_2, %dma_start3A_6] : memref<10112x64xf32, #tpu.memory_space<hbm>> -> memref<632x64xf32, #tpu.memory_space<hbm>>
    tpu.enqueue_dma source(%dma_start3A_7 : memref<632x64xf32, #tpu.memory_space<hbm>>) target(%dma_start3A_5 : memref<632x64xf32, #tpu.memory_space<vmem_shared>>) target_semaphore(%arg15 : memref<!tpu.dma_semaphore, #tpu.memory_space<semaphore_mem>>)
    %dma_start3A_8 = arith.constant 0 : i32
    %dma_start3A_9 = arith.constant 0 : i32
    %dma_start3A_10 = tpu.memref_slice %arg3[%add3A, %dma_start3A_8, %dma_start3A_9] : memref<32x80x128xi32, #tpu.memory_space<hbm>> -> memref<1x80x128xi32, #tpu.memory_space<hbm>>
    %dma_start3A_11 = tpu.memref_squeeze %dma_start3A_10 : memref<1x80x128xi32, #tpu.memory_space<hbm>> -> memref<80x128xi32, #tpu.memory_space<hbm>>
    %dma_start3A_12 = arith.constant 0 : i32
    %dma_start3A_13 = arith.constant 0 : i32
    %dma_start3A_14 = tpu.memref_slice %arg3[%add3A, %dma_start3A_12, %dma_start3A_13] : memref<32x80x128xi32, #tpu.memory_space<hbm>> -> memref<1x80x128xi32, #tpu.memory_space<hbm>>
    %dma_start3A_15 = tpu.memref_squeeze %dma_start3A_14 : memref<1x80x128xi32, #tpu.memory_space<hbm>> -> memref<80x128xi32, #tpu.memory_space<hbm>>
    tpu.enqueue_dma source(%dma_start3A_15 : memref<80x128xi32, #tpu.memory_space<hbm>>) target(%arg7 : memref<80x128xi32, #tpu.memory_space<vmem>>) target_semaphore(%arg15 : memref<!tpu.dma_semaphore, #tpu.memory_space<semaphore_mem>>)
    %dma_start3A_16 = arith.constant 0 : i32
    %dma_start3A_17 = arith.constant 0 : i32
    %dma_start3A_18 = tpu.memref_slice %arg4[%add3A, %dma_start3A_16, %dma_start3A_17] : memref<32x80x128xi32, #tpu.memory_space<hbm>> -> memref<1x80x128xi32, #tpu.memory_space<hbm>>
    %dma_start3A_19 = tpu.memref_squeeze %dma_start3A_18 : memref<1x80x128xi32, #tpu.memory_space<hbm>> -> memref<80x128xi32, #tpu.memory_space<hbm>>
    %dma_start3A_20 = arith.constant 0 : i32
    %dma_start3A_21 = arith.constant 0 : i32
    %dma_start3A_22 = tpu.memref_slice %arg4[%add3A, %dma_start3A_20, %dma_start3A_21] : memref<32x80x128xi32, #tpu.memory_space<hbm>> -> memref<1x80x128xi32, #tpu.memory_space<hbm>>
    %dma_start3A_23 = tpu.memref_squeeze %dma_start3A_22 : memref<1x80x128xi32, #tpu.memory_space<hbm>> -> memref<80x128xi32, #tpu.memory_space<hbm>>
    tpu.enqueue_dma source(%dma_start3A_23 : memref<80x128xi32, #tpu.memory_space<hbm>>) target(%arg8 : memref<80x128xi32, #tpu.memory_space<vmem>>) target_semaphore(%arg15 : memref<!tpu.dma_semaphore, #tpu.memory_space<semaphore_mem>>)
    %scan3A = arith.constant 0 : i32
    %scan3A_24 = arith.constant 0 : i32
    %scan3A_25 = arith.constant 5 : i32
    %scan3A_26 = arith.addi %scan3A_24, %scan3A_25 : i32
    %scan3A_27 = arith.constant 1 : i32
    scf.for %scan3A_73 = %scan3A_24 to %scan3A_26 step %scan3A_27  : i32 {
      %mul3A_74 = arith.constant 16 : i32
      %mul3A_75 = arith.muli %mul3A_74, %scan3A_73 : i32
      %add3A_76 = arith.addi %arg1, %mul3A_75 : i32
      %mul3A_77 = arith.constant 128 : i32
      %mul3A_78 = arith.muli %add3A_76, %mul3A_77 : i32
      %lt3A = arith.constant 10112 : i32
      %lt3A_79 = arith.cmpi slt, %mul3A_78, %lt3A : i32
      %convert_element_type3A = arith.extui %lt3A_79 : i1 to i32
      %cond3A = arith.constant 0 : i32
      %cond3A_80 = arith.cmpi ne, %convert_element_type3A, %cond3A : i32
      scf.if %cond3A_80 {
        "tpu.region"() ({
          %run_scoped3A = tpu.sem_alloc : memref<!tpu.dma_semaphore, #tpu.memory_space<semaphore_mem>>
          %dma_start3A_81 = arith.constant 0 : i32
          %dma_start3A_82 = tpu.memref_slice %arg9[%mul3A_78, %dma_start3A_81] : memref<10112x64xf32, #tpu.memory_space<vmem_shared>> -> memref<128x64xf32, #tpu.memory_space<vmem_shared>>
          tpu.enqueue_dma source(%arg5 : memref<128x64xf32, #tpu.memory_space<hbm>>) target(%dma_start3A_82 : memref<128x64xf32, #tpu.memory_space<vmem_shared>>) target_semaphore(%run_scoped3A : memref<!tpu.dma_semaphore, #tpu.memory_space<semaphore_mem>>)
          %dma_wait3A_83 = arith.constant 0 : i32
          %dma_wait3A_84 = tpu.memref_slice %arg9[%mul3A_78, %dma_wait3A_83] : memref<10112x64xf32, #tpu.memory_space<vmem_shared>> -> memref<128x64xf32, #tpu.memory_space<vmem_shared>>
          tpu.wait_dma2 semaphore(%run_scoped3A : memref<!tpu.dma_semaphore, #tpu.memory_space<semaphore_mem>>) src(%arg5 : memref<128x64xf32, #tpu.memory_space<hbm>>) dst(%dma_wait3A_84 : memref<128x64xf32, #tpu.memory_space<vmem_shared>>)
          tpu.yield
        }) : () -> ()
      } else {
      }
    }
    %scan3A_28 = arith.constant 5 : i32
    %dma_wait3A = arith.constant 0 : i32
    %dma_wait3A_29 = tpu.memref_slice %arg10[%mul3A_4, %dma_wait3A] : memref<10112x64xf32, #tpu.memory_space<vmem_shared>> -> memref<632x64xf32, #tpu.memory_space<vmem_shared>>
    %dma_wait3A_30 = arith.constant 0 : i32
    %dma_wait3A_31 = tpu.memref_slice %arg2[%mul3A_2, %dma_wait3A_30] : memref<10112x64xf32, #tpu.memory_space<hbm>> -> memref<632x64xf32, #tpu.memory_space<hbm>>
    tpu.wait_dma2 semaphore(%arg15 : memref<!tpu.dma_semaphore, #tpu.memory_space<semaphore_mem>>) src(%dma_wait3A_31 : memref<632x64xf32, #tpu.memory_space<hbm>>) dst(%dma_wait3A_29 : memref<632x64xf32, #tpu.memory_space<vmem_shared>>)
    %dma_wait3A_32 = arith.constant 0 : i32
    %dma_wait3A_33 = arith.constant 0 : i32
    %dma_wait3A_34 = tpu.memref_slice %arg3[%add3A, %dma_wait3A_32, %dma_wait3A_33] : memref<32x80x128xi32, #tpu.memory_space<hbm>> -> memref<1x80x128xi32, #tpu.memory_space<hbm>>
    %dma_wait3A_35 = tpu.memref_squeeze %dma_wait3A_34 : memref<1x80x128xi32, #tpu.memory_space<hbm>> -> memref<80x128xi32, #tpu.memory_space<hbm>>
    %dma_wait3A_36 = arith.constant 0 : i32
    %dma_wait3A_37 = arith.constant 0 : i32
    %dma_wait3A_38 = tpu.memref_slice %arg3[%add3A, %dma_wait3A_36, %dma_wait3A_37] : memref<32x80x128xi32, #tpu.memory_space<hbm>> -> memref<1x80x128xi32, #tpu.memory_space<hbm>>
    %dma_wait3A_39 = tpu.memref_squeeze %dma_wait3A_38 : memref<1x80x128xi32, #tpu.memory_space<hbm>> -> memref<80x128xi32, #tpu.memory_space<hbm>>
    tpu.wait_dma2 semaphore(%arg15 : memref<!tpu.dma_semaphore, #tpu.memory_space<semaphore_mem>>) src(%dma_wait3A_39 : memref<80x128xi32, #tpu.memory_space<hbm>>) dst(%arg7 : memref<80x128xi32, #tpu.memory_space<vmem>>)
    %dma_wait3A_40 = arith.constant 0 : i32
    %dma_wait3A_41 = arith.constant 0 : i32
    %dma_wait3A_42 = tpu.memref_slice %arg4[%add3A, %dma_wait3A_40, %dma_wait3A_41] : memref<32x80x128xi32, #tpu.memory_space<hbm>> -> memref<1x80x128xi32, #tpu.memory_space<hbm>>
    %dma_wait3A_43 = tpu.memref_squeeze %dma_wait3A_42 : memref<1x80x128xi32, #tpu.memory_space<hbm>> -> memref<80x128xi32, #tpu.memory_space<hbm>>
    %dma_wait3A_44 = arith.constant 0 : i32
    %dma_wait3A_45 = arith.constant 0 : i32
    %dma_wait3A_46 = tpu.memref_slice %arg4[%add3A, %dma_wait3A_44, %dma_wait3A_45] : memref<32x80x128xi32, #tpu.memory_space<hbm>> -> memref<1x80x128xi32, #tpu.memory_space<hbm>>
    %dma_wait3A_47 = tpu.memref_squeeze %dma_wait3A_46 : memref<1x80x128xi32, #tpu.memory_space<hbm>> -> memref<80x128xi32, #tpu.memory_space<hbm>>
    tpu.wait_dma2 semaphore(%arg15 : memref<!tpu.dma_semaphore, #tpu.memory_space<semaphore_mem>>) src(%dma_wait3A_47 : memref<80x128xi32, #tpu.memory_space<hbm>>) dst(%arg8 : memref<80x128xi32, #tpu.memory_space<vmem>>)
    %barrier3A = arith.constant 0 : index
    tpu.barrier barrier_id(%barrier3A)
    %dma_start3A_48 = arith.constant 0 : i32
    %dma_start3A_49 = arith.constant 0 : i32
    %dma_start3A_50 = tpu.memref_slice %arg7[%dma_start3A_48, %dma_start3A_49] : memref<80x128xi32, #tpu.memory_space<vmem>> -> memref<1x128xi32, #tpu.memory_space<vmem>>
    %dma_start3A_51 = tpu.memref_squeeze %dma_start3A_50 : memref<1x128xi32, #tpu.memory_space<vmem>> -> memref<128xi32, #tpu.memory_space<vmem>>
    %dma_start3A_52 = arith.constant 0 : i32
    %dma_start3A_53 = arith.constant 0 : i32
    %dma_start3A_54 = tpu.memref_slice %arg10[%dma_start3A_52, %dma_start3A_53] : memref<10112x64xf32, #tpu.memory_space<vmem_shared>> -> memref<10112x64xf32, #tpu.memory_space<vmem_shared>>
    tpu.enqueue_indirect_dma source(%dma_start3A_54 : memref<10112x64xf32, #tpu.memory_space<vmem_shared>>) target(%arg11 : memref<128x64xf32, #tpu.memory_space<vmem>>) offsets(%dma_start3A_51 : memref<128xi32, #tpu.memory_space<vmem>>) semaphore(%arg13 : memref<!tpu.dma_semaphore, #tpu.memory_space<semaphore_mem>>)
    %dma_start3A_55 = arith.constant 1 : i32
    %dma_start3A_56 = arith.constant 0 : i32
    %dma_start3A_57 = tpu.memref_slice %arg7[%dma_start3A_55, %dma_start3A_56] : memref<80x128xi32, #tpu.memory_space<vmem>> -> memref<1x128xi32, #tpu.memory_space<vmem>>
    %dma_start3A_58 = tpu.memref_squeeze %dma_start3A_57 : memref<1x128xi32, #tpu.memory_space<vmem>> -> memref<128xi32, #tpu.memory_space<vmem>>
    %dma_start3A_59 = arith.constant 0 : i32
    %dma_start3A_60 = arith.constant 0 : i32
    %dma_start3A_61 = tpu.memref_slice %arg10[%dma_start3A_59, %dma_start3A_60] : memref<10112x64xf32, #tpu.memory_space<vmem_shared>> -> memref<10112x64xf32, #tpu.memory_space<vmem_shared>>
    tpu.enqueue_indirect_dma source(%dma_start3A_61 : memref<10112x64xf32, #tpu.memory_space<vmem_shared>>) target(%arg12 : memref<128x64xf32, #tpu.memory_space<vmem>>) offsets(%dma_start3A_58 : memref<128xi32, #tpu.memory_space<vmem>>) semaphore(%arg14 : memref<!tpu.dma_semaphore, #tpu.memory_space<semaphore_mem>>)
    %scan3A_62 = arith.constant 0 : i32
    %scan3A_63 = arith.constant 0 : i32
    %scan3A_64 = arith.constant 40 : i32
    %scan3A_65 = arith.addi %scan3A_63, %scan3A_64 : i32
    %scan3A_66 = arith.constant 1 : i32
    scf.for %scan3A_73 = %scan3A_63 to %scan3A_65 step %scan3A_66  : i32 {
      %mul3A_74 = arith.constant 2 : i32
      %mul3A_75 = arith.muli %scan3A_73, %mul3A_74 : i32
      %add3A_76 = arith.constant 0 : i32
      %add3A_77 = arith.addi %mul3A_75, %add3A_76 : i32
      %dma_wait3A_78 = arith.constant 0 : i32
      %dma_wait3A_79 = tpu.memref_slice %arg7[%add3A_77, %dma_wait3A_78] : memref<80x128xi32, #tpu.memory_space<vmem>> -> memref<1x128xi32, #tpu.memory_space<vmem>>
      %dma_wait3A_80 = tpu.memref_squeeze %dma_wait3A_79 : memref<1x128xi32, #tpu.memory_space<vmem>> -> memref<128xi32, #tpu.memory_space<vmem>>
      %dma_wait3A_81 = arith.constant 0 : i32
      %dma_wait3A_82 = arith.constant 0 : i32
      %dma_wait3A_83 = tpu.memref_slice %arg10[%dma_wait3A_81, %dma_wait3A_82] : memref<10112x64xf32, #tpu.memory_space<vmem_shared>> -> memref<10112x64xf32, #tpu.memory_space<vmem_shared>>
      tpu.wait_indirect_dma semaphore(%arg13 : memref<!tpu.dma_semaphore, #tpu.memory_space<semaphore_mem>>) src(%dma_wait3A_83 : memref<10112x64xf32, #tpu.memory_space<vmem_shared>>) dst(%arg11 : memref<128x64xf32, #tpu.memory_space<vmem>>)
      "tpu.region"() ({
        %run_scoped3A = tpu.sem_alloc : memref<!tpu.dma_semaphore, #tpu.memory_space<semaphore_mem>>
        %dma_start3A_105 = arith.constant 0 : i32
        %dma_start3A_106 = tpu.memref_slice %arg8[%add3A_77, %dma_start3A_105] : memref<80x128xi32, #tpu.memory_space<vmem>> -> memref<1x128xi32, #tpu.memory_space<vmem>>
        %dma_start3A_107 = tpu.memref_squeeze %dma_start3A_106 : memref<1x128xi32, #tpu.memory_space<vmem>> -> memref<128xi32, #tpu.memory_space<vmem>>
        %dma_start3A_108 = arith.constant 0 : i32
        %dma_start3A_109 = arith.constant 0 : i32
        %dma_start3A_110 = tpu.memref_slice %arg9[%dma_start3A_108, %dma_start3A_109] : memref<10112x64xf32, #tpu.memory_space<vmem_shared>> -> memref<10112x64xf32, #tpu.memory_space<vmem_shared>>
        tpu.enqueue_indirect_dma source(%arg11 : memref<128x64xf32, #tpu.memory_space<vmem>>) target(%dma_start3A_110 : memref<10112x64xf32, #tpu.memory_space<vmem_shared>>) offsets(%dma_start3A_107 : memref<128xi32, #tpu.memory_space<vmem>>) semaphore(%run_scoped3A : memref<!tpu.dma_semaphore, #tpu.memory_space<semaphore_mem>>) {add = true}
        %dma_wait3A_111 = arith.constant 0 : i32
        %dma_wait3A_112 = tpu.memref_slice %arg8[%add3A_77, %dma_wait3A_111] : memref<80x128xi32, #tpu.memory_space<vmem>> -> memref<1x128xi32, #tpu.memory_space<vmem>>
        %dma_wait3A_113 = tpu.memref_squeeze %dma_wait3A_112 : memref<1x128xi32, #tpu.memory_space<vmem>> -> memref<128xi32, #tpu.memory_space<vmem>>
        %dma_wait3A_114 = arith.constant 0 : i32
        %dma_wait3A_115 = arith.constant 0 : i32
        %dma_wait3A_116 = tpu.memref_slice %arg9[%dma_wait3A_114, %dma_wait3A_115] : memref<10112x64xf32, #tpu.memory_space<vmem_shared>> -> memref<10112x64xf32, #tpu.memory_space<vmem_shared>>
        tpu.wait_indirect_dma semaphore(%run_scoped3A : memref<!tpu.dma_semaphore, #tpu.memory_space<semaphore_mem>>) src(%arg11 : memref<128x64xf32, #tpu.memory_space<vmem>>) dst(%dma_wait3A_116 : memref<10112x64xf32, #tpu.memory_space<vmem_shared>>)
        tpu.yield
      }) : () -> ()
      %add3A_84 = arith.constant 2 : i32
      %add3A_85 = arith.addi %add3A_77, %add3A_84 : i32
      %lt3A = arith.constant 80 : i32
      %lt3A_86 = arith.cmpi slt, %add3A_85, %lt3A : i32
      %convert_element_type3A = arith.extui %lt3A_86 : i1 to i32
      %cond3A = arith.constant 0 : i32
      %cond3A_87 = arith.cmpi ne, %convert_element_type3A, %cond3A : i32
      scf.if %cond3A_87 {
        %dma_start3A_105 = arith.constant 0 : i32
        %dma_start3A_106 = tpu.memref_slice %arg7[%add3A_85, %dma_start3A_105] : memref<80x128xi32, #tpu.memory_space<vmem>> -> memref<1x128xi32, #tpu.memory_space<vmem>>
        %dma_start3A_107 = tpu.memref_squeeze %dma_start3A_106 : memref<1x128xi32, #tpu.memory_space<vmem>> -> memref<128xi32, #tpu.memory_space<vmem>>
        %dma_start3A_108 = arith.constant 0 : i32
        %dma_start3A_109 = arith.constant 0 : i32
        %dma_start3A_110 = tpu.memref_slice %arg10[%dma_start3A_108, %dma_start3A_109] : memref<10112x64xf32, #tpu.memory_space<vmem_shared>> -> memref<10112x64xf32, #tpu.memory_space<vmem_shared>>
        tpu.enqueue_indirect_dma source(%dma_start3A_110 : memref<10112x64xf32, #tpu.memory_space<vmem_shared>>) target(%arg11 : memref<128x64xf32, #tpu.memory_space<vmem>>) offsets(%dma_start3A_107 : memref<128xi32, #tpu.memory_space<vmem>>) semaphore(%arg13 : memref<!tpu.dma_semaphore, #tpu.memory_space<semaphore_mem>>)
      } else {
      }
      %mul3A_88 = arith.constant 2 : i32
      %mul3A_89 = arith.muli %scan3A_73, %mul3A_88 : i32
      %add3A_90 = arith.constant 1 : i32
      %add3A_91 = arith.addi %mul3A_89, %add3A_90 : i32
      %dma_wait3A_92 = arith.constant 0 : i32
      %dma_wait3A_93 = tpu.memref_slice %arg7[%add3A_91, %dma_wait3A_92] : memref<80x128xi32, #tpu.memory_space<vmem>> -> memref<1x128xi32, #tpu.memory_space<vmem>>
      %dma_wait3A_94 = tpu.memref_squeeze %dma_wait3A_93 : memref<1x128xi32, #tpu.memory_space<vmem>> -> memref<128xi32, #tpu.memory_space<vmem>>
      %dma_wait3A_95 = arith.constant 0 : i32
      %dma_wait3A_96 = arith.constant 0 : i32
      %dma_wait3A_97 = tpu.memref_slice %arg10[%dma_wait3A_95, %dma_wait3A_96] : memref<10112x64xf32, #tpu.memory_space<vmem_shared>> -> memref<10112x64xf32, #tpu.memory_space<vmem_shared>>
      tpu.wait_indirect_dma semaphore(%arg14 : memref<!tpu.dma_semaphore, #tpu.memory_space<semaphore_mem>>) src(%dma_wait3A_97 : memref<10112x64xf32, #tpu.memory_space<vmem_shared>>) dst(%arg12 : memref<128x64xf32, #tpu.memory_space<vmem>>)
      "tpu.region"() ({
        %run_scoped3A = tpu.sem_alloc : memref<!tpu.dma_semaphore, #tpu.memory_space<semaphore_mem>>
        %dma_start3A_105 = arith.constant 0 : i32
        %dma_start3A_106 = tpu.memref_slice %arg8[%add3A_91, %dma_start3A_105] : memref<80x128xi32, #tpu.memory_space<vmem>> -> memref<1x128xi32, #tpu.memory_space<vmem>>
        %dma_start3A_107 = tpu.memref_squeeze %dma_start3A_106 : memref<1x128xi32, #tpu.memory_space<vmem>> -> memref<128xi32, #tpu.memory_space<vmem>>
        %dma_start3A_108 = arith.constant 0 : i32
        %dma_start3A_109 = arith.constant 0 : i32
        %dma_start3A_110 = tpu.memref_slice %arg9[%dma_start3A_108, %dma_start3A_109] : memref<10112x64xf32, #tpu.memory_space<vmem_shared>> -> memref<10112x64xf32, #tpu.memory_space<vmem_shared>>
        tpu.enqueue_indirect_dma source(%arg12 : memref<128x64xf32, #tpu.memory_space<vmem>>) target(%dma_start3A_110 : memref<10112x64xf32, #tpu.memory_space<vmem_shared>>) offsets(%dma_start3A_107 : memref<128xi32, #tpu.memory_space<vmem>>) semaphore(%run_scoped3A : memref<!tpu.dma_semaphore, #tpu.memory_space<semaphore_mem>>) {add = true}
        %dma_wait3A_111 = arith.constant 0 : i32
        %dma_wait3A_112 = tpu.memref_slice %arg8[%add3A_91, %dma_wait3A_111] : memref<80x128xi32, #tpu.memory_space<vmem>> -> memref<1x128xi32, #tpu.memory_space<vmem>>
        %dma_wait3A_113 = tpu.memref_squeeze %dma_wait3A_112 : memref<1x128xi32, #tpu.memory_space<vmem>> -> memref<128xi32, #tpu.memory_space<vmem>>
        %dma_wait3A_114 = arith.constant 0 : i32
        %dma_wait3A_115 = arith.constant 0 : i32
        %dma_wait3A_116 = tpu.memref_slice %arg9[%dma_wait3A_114, %dma_wait3A_115] : memref<10112x64xf32, #tpu.memory_space<vmem_shared>> -> memref<10112x64xf32, #tpu.memory_space<vmem_shared>>
        tpu.wait_indirect_dma semaphore(%run_scoped3A : memref<!tpu.dma_semaphore, #tpu.memory_space<semaphore_mem>>) src(%arg12 : memref<128x64xf32, #tpu.memory_space<vmem>>) dst(%dma_wait3A_116 : memref<10112x64xf32, #tpu.memory_space<vmem_shared>>)
        tpu.yield
      }) : () -> ()
      %add3A_98 = arith.constant 2 : i32
      %add3A_99 = arith.addi %add3A_91, %add3A_98 : i32
      %lt3A_100 = arith.constant 80 : i32
      %lt3A_101 = arith.cmpi slt, %add3A_99, %lt3A_100 : i32
      %convert_element_type3A_102 = arith.extui %lt3A_101 : i1 to i32
      %cond3A_103 = arith.constant 0 : i32
      %cond3A_104 = arith.cmpi ne, %convert_element_type3A_102, %cond3A_103 : i32
      scf.if %cond3A_104 {
        %dma_start3A_105 = arith.constant 0 : i32
        %dma_start3A_106 = tpu.memref_slice %arg7[%add3A_99, %dma_start3A_105] : memref<80x128xi32, #tpu.memory_space<vmem>> -> memref<1x128xi32, #tpu.memory_space<vmem>>
        %dma_start3A_107 = tpu.memref_squeeze %dma_start3A_106 : memref<1x128xi32, #tpu.memory_space<vmem>> -> memref<128xi32, #tpu.memory_space<vmem>>
        %dma_start3A_108 = arith.constant 0 : i32
        %dma_start3A_109 = arith.constant 0 : i32
        %dma_start3A_110 = tpu.memref_slice %arg10[%dma_start3A_108, %dma_start3A_109] : memref<10112x64xf32, #tpu.memory_space<vmem_shared>> -> memref<10112x64xf32, #tpu.memory_space<vmem_shared>>
        tpu.enqueue_indirect_dma source(%dma_start3A_110 : memref<10112x64xf32, #tpu.memory_space<vmem_shared>>) target(%arg12 : memref<128x64xf32, #tpu.memory_space<vmem>>) offsets(%dma_start3A_107 : memref<128xi32, #tpu.memory_space<vmem>>) semaphore(%arg14 : memref<!tpu.dma_semaphore, #tpu.memory_space<semaphore_mem>>)
      } else {
      }
    }
    %scan3A_67 = arith.constant 40 : i32
    %barrier3A_68 = arith.constant 0 : index
    tpu.barrier barrier_id(%barrier3A_68)
    %mul3A_69 = arith.constant 632 : i32
    %mul3A_70 = arith.muli %arg1, %mul3A_69 : i32
    %mul3A_71 = arith.constant 632 : i32
    %mul3A_72 = arith.muli %arg1, %mul3A_71 : i32
    "tpu.region"() ({
      %run_scoped3A = tpu.sem_alloc : memref<!tpu.dma_semaphore, #tpu.memory_space<semaphore_mem>>
      %dma_start3A_73 = arith.constant 0 : i32
      %dma_start3A_74 = tpu.memref_slice %arg6[%arg0, %mul3A_72, %dma_start3A_73] : memref<2x10112x64xf32, #tpu.memory_space<hbm>> -> memref<1x632x64xf32, #tpu.memory_space<hbm>>
      %dma_start3A_75 = tpu.memref_squeeze %dma_start3A_74 : memref<1x632x64xf32, #tpu.memory_space<hbm>> -> memref<632x64xf32, #tpu.memory_space<hbm>>
      %dma_start3A_76 = arith.constant 0 : i32
      %dma_start3A_77 = tpu.memref_slice %arg9[%mul3A_70, %dma_start3A_76] : memref<10112x64xf32, #tpu.memory_space<vmem_shared>> -> memref<632x64xf32, #tpu.memory_space<vmem_shared>>
      tpu.enqueue_dma source(%dma_start3A_77 : memref<632x64xf32, #tpu.memory_space<vmem_shared>>) target(%dma_start3A_75 : memref<632x64xf32, #tpu.memory_space<hbm>>) target_semaphore(%run_scoped3A : memref<!tpu.dma_semaphore, #tpu.memory_space<semaphore_mem>>)
      %dma_wait3A_78 = arith.constant 0 : i32
      %dma_wait3A_79 = tpu.memref_slice %arg6[%arg0, %mul3A_72, %dma_wait3A_78] : memref<2x10112x64xf32, #tpu.memory_space<hbm>> -> memref<1x632x64xf32, #tpu.memory_space<hbm>>
      %dma_wait3A_80 = tpu.memref_squeeze %dma_wait3A_79 : memref<1x632x64xf32, #tpu.memory_space<hbm>> -> memref<632x64xf32, #tpu.memory_space<hbm>>
      %dma_wait3A_81 = arith.constant 0 : i32
      %dma_wait3A_82 = tpu.memref_slice %arg9[%mul3A_70, %dma_wait3A_81] : memref<10112x64xf32, #tpu.memory_space<vmem_shared>> -> memref<632x64xf32, #tpu.memory_space<vmem_shared>>
      tpu.wait_dma2 semaphore(%run_scoped3A : memref<!tpu.dma_semaphore, #tpu.memory_space<semaphore_mem>>) src(%dma_wait3A_82 : memref<632x64xf32, #tpu.memory_space<vmem_shared>>) dst(%dma_wait3A_80 : memref<632x64xf32, #tpu.memory_space<hbm>>)
      tpu.yield
    }) : () -> ()
    return
  }
}

#map = affine_map<(d0, d1) -> (0, 0)>
#map1 = affine_map<(d0, d1) -> (0, 0, 0)>
module attributes {stable_mosaic.version = 14 : i64} {
  func.func @_sc_scatter(%arg0: i32, %arg1: i32, %arg2: memref<10112x64xf32, #tpu.memory_space<hbm>>, %arg3: memref<32x80x128xi32, #tpu.memory_space<hbm>>, %arg4: memref<32x80x128xi32, #tpu.memory_space<hbm>>, %arg5: memref<128x64xf32, #tpu.memory_space<hbm>>, %arg6: memref<2x10112x64xf32, #tpu.memory_space<hbm>>, %arg7: memref<80x128xi32, #tpu.memory_space<vmem>>, %arg8: memref<80x128xi32, #tpu.memory_space<vmem>>, %arg9: memref<10112x64xf32, #tpu.memory_space<vmem_shared>>, %arg10: memref<10112x64xf32, #tpu.memory_space<vmem_shared>>, %arg11: memref<128x64xf32, #tpu.memory_space<vmem>>, %arg12: memref<128x64xf32, #tpu.memory_space<vmem>>, %arg13: memref<!tpu.dma_semaphore, #tpu.memory_space<semaphore_mem>>, %arg14: memref<!tpu.dma_semaphore, #tpu.memory_space<semaphore_mem>>, %arg15: memref<!tpu.dma_semaphore, #tpu.memory_space<semaphore_mem>>) attributes {dimension_semantics = [#tpu.dimension_semantics<core_parallel>, #tpu.dimension_semantics<subcore_parallel>], iteration_bounds = array<i64: 2, 16>, scalar_prefetch = 0 : i64, scratch_operands = 9 : i64, tpu.core_type = #tpu.core_type<sc_vector_subcore>, window_params = [{transform_indices = #map}, {transform_indices = #map1}, {transform_indices = #map1}, {transform_indices = #map}, {transform_indices = #map1}]} {
    %mul3A = arith.constant 2 : i32
    %mul3A_0 = arith.muli %arg1, %mul3A : i32
    %add3A = arith.addi %mul3A_0, %arg0 : i32
    %mul3A_1 = arith.constant 632 : i32
    %mul3A_2 = arith.muli %arg1, %mul3A_1 : i32
    %mul3A_3 = arith.constant 632 : i32
    %mul3A_4 = arith.muli %arg1, %mul3A_3 : i32
    %dma_start3A = arith.constant 0 : i32
    %dma_start3A_5 = tpu.memref_slice %arg10[%mul3A_4, %dma_start3A] : memref<10112x64xf32, #tpu.memory_space<vmem_shared>> -> memref<632x64xf32, #tpu.memory_space<vmem_shared>>
    %dma_start3A_6 = arith.constant 0 : i32
    %dma_start3A_7 = tpu.memref_slice %arg2[%mul3A_2, %dma_start3A_6] : memref<10112x64xf32, #tpu.memory_space<hbm>> -> memref<632x64xf32, #tpu.memory_space<hbm>>
    tpu.enqueue_dma source(%dma_start3A_7 : memref<632x64xf32, #tpu.memory_space<hbm>>) target(%dma_start3A_5 : memref<632x64xf32, #tpu.memory_space<vmem_shared>>) target_semaphore(%arg15 : memref<!tpu.dma_semaphore, #tpu.memory_space<semaphore_mem>>)
    %dma_start3A_8 = arith.constant 0 : i32
    %dma_start3A_9 = arith.constant 0 : i32
    %dma_start3A_10 = tpu.memref_slice %arg3[%add3A, %dma_start3A_8, %dma_start3A_9] : memref<32x80x128xi32, #tpu.memory_space<hbm>> -> memref<1x80x128xi32, #tpu.memory_space<hbm>>
    %dma_start3A_11 = tpu.memref_squeeze %dma_start3A_10 : memref<1x80x128xi32, #tpu.memory_space<hbm>> -> memref<80x128xi32, #tpu.memory_space<hbm>>
    %dma_start3A_12 = arith.constant 0 : i32
    %dma_start3A_13 = arith.constant 0 : i32
    %dma_start3A_14 = tpu.memref_slice %arg3[%add3A, %dma_start3A_12, %dma_start3A_13] : memref<32x80x128xi32, #tpu.memory_space<hbm>> -> memref<1x80x128xi32, #tpu.memory_space<hbm>>
    %dma_start3A_15 = tpu.memref_squeeze %dma_start3A_14 : memref<1x80x128xi32, #tpu.memory_space<hbm>> -> memref<80x128xi32, #tpu.memory_space<hbm>>
    tpu.enqueue_dma source(%dma_start3A_15 : memref<80x128xi32, #tpu.memory_space<hbm>>) target(%arg7 : memref<80x128xi32, #tpu.memory_space<vmem>>) target_semaphore(%arg15 : memref<!tpu.dma_semaphore, #tpu.memory_space<semaphore_mem>>)
    %dma_start3A_16 = arith.constant 0 : i32
    %dma_start3A_17 = arith.constant 0 : i32
    %dma_start3A_18 = tpu.memref_slice %arg4[%add3A, %dma_start3A_16, %dma_start3A_17] : memref<32x80x128xi32, #tpu.memory_space<hbm>> -> memref<1x80x128xi32, #tpu.memory_space<hbm>>
    %dma_start3A_19 = tpu.memref_squeeze %dma_start3A_18 : memref<1x80x128xi32, #tpu.memory_space<hbm>> -> memref<80x128xi32, #tpu.memory_space<hbm>>
    %dma_start3A_20 = arith.constant 0 : i32
    %dma_start3A_21 = arith.constant 0 : i32
    %dma_start3A_22 = tpu.memref_slice %arg4[%add3A, %dma_start3A_20, %dma_start3A_21] : memref<32x80x128xi32, #tpu.memory_space<hbm>> -> memref<1x80x128xi32, #tpu.memory_space<hbm>>
    %dma_start3A_23 = tpu.memref_squeeze %dma_start3A_22 : memref<1x80x128xi32, #tpu.memory_space<hbm>> -> memref<80x128xi32, #tpu.memory_space<hbm>>
    tpu.enqueue_dma source(%dma_start3A_23 : memref<80x128xi32, #tpu.memory_space<hbm>>) target(%arg8 : memref<80x128xi32, #tpu.memory_space<vmem>>) target_semaphore(%arg15 : memref<!tpu.dma_semaphore, #tpu.memory_space<semaphore_mem>>)
    %scan3A = arith.constant 0 : i32
    %scan3A_24 = arith.constant 0 : i32
    %scan3A_25 = arith.constant 5 : i32
    %scan3A_26 = arith.addi %scan3A_24, %scan3A_25 : i32
    %scan3A_27 = arith.constant 1 : i32
    scf.for %scan3A_73 = %scan3A_24 to %scan3A_26 step %scan3A_27  : i32 {
      %mul3A_74 = arith.constant 16 : i32
      %mul3A_75 = arith.muli %mul3A_74, %scan3A_73 : i32
      %add3A_76 = arith.addi %arg1, %mul3A_75 : i32
      %mul3A_77 = arith.constant 128 : i32
      %mul3A_78 = arith.muli %add3A_76, %mul3A_77 : i32
      %lt3A = arith.constant 10112 : i32
      %lt3A_79 = arith.cmpi slt, %mul3A_78, %lt3A : i32
      %convert_element_type3A = arith.extui %lt3A_79 : i1 to i32
      %cond3A = arith.constant 0 : i32
      %cond3A_80 = arith.cmpi ne, %convert_element_type3A, %cond3A : i32
      scf.if %cond3A_80 {
        "tpu.region"() ({
          %run_scoped3A = tpu.sem_alloc : memref<!tpu.dma_semaphore, #tpu.memory_space<semaphore_mem>>
          %dma_start3A_81 = arith.constant 0 : i32
          %dma_start3A_82 = tpu.memref_slice %arg9[%mul3A_78, %dma_start3A_81] : memref<10112x64xf32, #tpu.memory_space<vmem_shared>> -> memref<128x64xf32, #tpu.memory_space<vmem_shared>>
          tpu.enqueue_dma source(%arg5 : memref<128x64xf32, #tpu.memory_space<hbm>>) target(%dma_start3A_82 : memref<128x64xf32, #tpu.memory_space<vmem_shared>>) target_semaphore(%run_scoped3A : memref<!tpu.dma_semaphore, #tpu.memory_space<semaphore_mem>>)
          %dma_wait3A_83 = arith.constant 0 : i32
          %dma_wait3A_84 = tpu.memref_slice %arg9[%mul3A_78, %dma_wait3A_83] : memref<10112x64xf32, #tpu.memory_space<vmem_shared>> -> memref<128x64xf32, #tpu.memory_space<vmem_shared>>
          tpu.wait_dma2 semaphore(%run_scoped3A : memref<!tpu.dma_semaphore, #tpu.memory_space<semaphore_mem>>) src(%arg5 : memref<128x64xf32, #tpu.memory_space<hbm>>) dst(%dma_wait3A_84 : memref<128x64xf32, #tpu.memory_space<vmem_shared>>)
          tpu.yield
        }) : () -> ()
      } else {
      }
    }
    %scan3A_28 = arith.constant 5 : i32
    %dma_wait3A = arith.constant 0 : i32
    %dma_wait3A_29 = tpu.memref_slice %arg10[%mul3A_4, %dma_wait3A] : memref<10112x64xf32, #tpu.memory_space<vmem_shared>> -> memref<632x64xf32, #tpu.memory_space<vmem_shared>>
    %dma_wait3A_30 = arith.constant 0 : i32
    %dma_wait3A_31 = tpu.memref_slice %arg2[%mul3A_2, %dma_wait3A_30] : memref<10112x64xf32, #tpu.memory_space<hbm>> -> memref<632x64xf32, #tpu.memory_space<hbm>>
    tpu.wait_dma2 semaphore(%arg15 : memref<!tpu.dma_semaphore, #tpu.memory_space<semaphore_mem>>) src(%dma_wait3A_31 : memref<632x64xf32, #tpu.memory_space<hbm>>) dst(%dma_wait3A_29 : memref<632x64xf32, #tpu.memory_space<vmem_shared>>)
    %dma_wait3A_32 = arith.constant 0 : i32
    %dma_wait3A_33 = arith.constant 0 : i32
    %dma_wait3A_34 = tpu.memref_slice %arg3[%add3A, %dma_wait3A_32, %dma_wait3A_33] : memref<32x80x128xi32, #tpu.memory_space<hbm>> -> memref<1x80x128xi32, #tpu.memory_space<hbm>>
    %dma_wait3A_35 = tpu.memref_squeeze %dma_wait3A_34 : memref<1x80x128xi32, #tpu.memory_space<hbm>> -> memref<80x128xi32, #tpu.memory_space<hbm>>
    %dma_wait3A_36 = arith.constant 0 : i32
    %dma_wait3A_37 = arith.constant 0 : i32
    %dma_wait3A_38 = tpu.memref_slice %arg3[%add3A, %dma_wait3A_36, %dma_wait3A_37] : memref<32x80x128xi32, #tpu.memory_space<hbm>> -> memref<1x80x128xi32, #tpu.memory_space<hbm>>
    %dma_wait3A_39 = tpu.memref_squeeze %dma_wait3A_38 : memref<1x80x128xi32, #tpu.memory_space<hbm>> -> memref<80x128xi32, #tpu.memory_space<hbm>>
    tpu.wait_dma2 semaphore(%arg15 : memref<!tpu.dma_semaphore, #tpu.memory_space<semaphore_mem>>) src(%dma_wait3A_39 : memref<80x128xi32, #tpu.memory_space<hbm>>) dst(%arg7 : memref<80x128xi32, #tpu.memory_space<vmem>>)
    %dma_wait3A_40 = arith.constant 0 : i32
    %dma_wait3A_41 = arith.constant 0 : i32
    %dma_wait3A_42 = tpu.memref_slice %arg4[%add3A, %dma_wait3A_40, %dma_wait3A_41] : memref<32x80x128xi32, #tpu.memory_space<hbm>> -> memref<1x80x128xi32, #tpu.memory_space<hbm>>
    %dma_wait3A_43 = tpu.memref_squeeze %dma_wait3A_42 : memref<1x80x128xi32, #tpu.memory_space<hbm>> -> memref<80x128xi32, #tpu.memory_space<hbm>>
    %dma_wait3A_44 = arith.constant 0 : i32
    %dma_wait3A_45 = arith.constant 0 : i32
    %dma_wait3A_46 = tpu.memref_slice %arg4[%add3A, %dma_wait3A_44, %dma_wait3A_45] : memref<32x80x128xi32, #tpu.memory_space<hbm>> -> memref<1x80x128xi32, #tpu.memory_space<hbm>>
    %dma_wait3A_47 = tpu.memref_squeeze %dma_wait3A_46 : memref<1x80x128xi32, #tpu.memory_space<hbm>> -> memref<80x128xi32, #tpu.memory_space<hbm>>
    tpu.wait_dma2 semaphore(%arg15 : memref<!tpu.dma_semaphore, #tpu.memory_space<semaphore_mem>>) src(%dma_wait3A_47 : memref<80x128xi32, #tpu.memory_space<hbm>>) dst(%arg8 : memref<80x128xi32, #tpu.memory_space<vmem>>)
    %barrier3A = arith.constant 0 : index
    tpu.barrier barrier_id(%barrier3A)
    %dma_start3A_48 = arith.constant 0 : i32
    %dma_start3A_49 = arith.constant 0 : i32
    %dma_start3A_50 = tpu.memref_slice %arg7[%dma_start3A_48, %dma_start3A_49] : memref<80x128xi32, #tpu.memory_space<vmem>> -> memref<1x128xi32, #tpu.memory_space<vmem>>
    %dma_start3A_51 = tpu.memref_squeeze %dma_start3A_50 : memref<1x128xi32, #tpu.memory_space<vmem>> -> memref<128xi32, #tpu.memory_space<vmem>>
    %dma_start3A_52 = arith.constant 0 : i32
    %dma_start3A_53 = arith.constant 0 : i32
    %dma_start3A_54 = tpu.memref_slice %arg10[%dma_start3A_52, %dma_start3A_53] : memref<10112x64xf32, #tpu.memory_space<vmem_shared>> -> memref<10112x64xf32, #tpu.memory_space<vmem_shared>>
    tpu.enqueue_indirect_dma source(%dma_start3A_54 : memref<10112x64xf32, #tpu.memory_space<vmem_shared>>) target(%arg11 : memref<128x64xf32, #tpu.memory_space<vmem>>) offsets(%dma_start3A_51 : memref<128xi32, #tpu.memory_space<vmem>>) semaphore(%arg13 : memref<!tpu.dma_semaphore, #tpu.memory_space<semaphore_mem>>)
    %dma_start3A_55 = arith.constant 1 : i32
    %dma_start3A_56 = arith.constant 0 : i32
    %dma_start3A_57 = tpu.memref_slice %arg7[%dma_start3A_55, %dma_start3A_56] : memref<80x128xi32, #tpu.memory_space<vmem>> -> memref<1x128xi32, #tpu.memory_space<vmem>>
    %dma_start3A_58 = tpu.memref_squeeze %dma_start3A_57 : memref<1x128xi32, #tpu.memory_space<vmem>> -> memref<128xi32, #tpu.memory_space<vmem>>
    %dma_start3A_59 = arith.constant 0 : i32
    %dma_start3A_60 = arith.constant 0 : i32
    %dma_start3A_61 = tpu.memref_slice %arg10[%dma_start3A_59, %dma_start3A_60] : memref<10112x64xf32, #tpu.memory_space<vmem_shared>> -> memref<10112x64xf32, #tpu.memory_space<vmem_shared>>
    tpu.enqueue_indirect_dma source(%dma_start3A_61 : memref<10112x64xf32, #tpu.memory_space<vmem_shared>>) target(%arg12 : memref<128x64xf32, #tpu.memory_space<vmem>>) offsets(%dma_start3A_58 : memref<128xi32, #tpu.memory_space<vmem>>) semaphore(%arg14 : memref<!tpu.dma_semaphore, #tpu.memory_space<semaphore_mem>>)
    %scan3A_62 = arith.constant 0 : i32
    %scan3A_63 = arith.constant 0 : i32
    %scan3A_64 = arith.constant 40 : i32
    %scan3A_65 = arith.addi %scan3A_63, %scan3A_64 : i32
    %scan3A_66 = arith.constant 1 : i32
    scf.for %scan3A_73 = %scan3A_63 to %scan3A_65 step %scan3A_66  : i32 {
      %mul3A_74 = arith.constant 2 : i32
      %mul3A_75 = arith.muli %scan3A_73, %mul3A_74 : i32
      %add3A_76 = arith.constant 0 : i32
      %add3A_77 = arith.addi %mul3A_75, %add3A_76 : i32
      %dma_wait3A_78 = arith.constant 0 : i32
      %dma_wait3A_79 = tpu.memref_slice %arg7[%add3A_77, %dma_wait3A_78] : memref<80x128xi32, #tpu.memory_space<vmem>> -> memref<1x128xi32, #tpu.memory_space<vmem>>
      %dma_wait3A_80 = tpu.memref_squeeze %dma_wait3A_79 : memref<1x128xi32, #tpu.memory_space<vmem>> -> memref<128xi32, #tpu.memory_space<vmem>>
      %dma_wait3A_81 = arith.constant 0 : i32
      %dma_wait3A_82 = arith.constant 0 : i32
      %dma_wait3A_83 = tpu.memref_slice %arg10[%dma_wait3A_81, %dma_wait3A_82] : memref<10112x64xf32, #tpu.memory_space<vmem_shared>> -> memref<10112x64xf32, #tpu.memory_space<vmem_shared>>
      tpu.wait_indirect_dma semaphore(%arg13 : memref<!tpu.dma_semaphore, #tpu.memory_space<semaphore_mem>>) src(%dma_wait3A_83 : memref<10112x64xf32, #tpu.memory_space<vmem_shared>>) dst(%arg11 : memref<128x64xf32, #tpu.memory_space<vmem>>)
      "tpu.region"() ({
        %run_scoped3A = tpu.sem_alloc : memref<!tpu.dma_semaphore, #tpu.memory_space<semaphore_mem>>
        %dma_start3A_105 = arith.constant 0 : i32
        %dma_start3A_106 = tpu.memref_slice %arg8[%add3A_77, %dma_start3A_105] : memref<80x128xi32, #tpu.memory_space<vmem>> -> memref<1x128xi32, #tpu.memory_space<vmem>>
        %dma_start3A_107 = tpu.memref_squeeze %dma_start3A_106 : memref<1x128xi32, #tpu.memory_space<vmem>> -> memref<128xi32, #tpu.memory_space<vmem>>
        %dma_start3A_108 = arith.constant 0 : i32
        %dma_start3A_109 = arith.constant 0 : i32
        %dma_start3A_110 = tpu.memref_slice %arg9[%dma_start3A_108, %dma_start3A_109] : memref<10112x64xf32, #tpu.memory_space<vmem_shared>> -> memref<10112x64xf32, #tpu.memory_space<vmem_shared>>
        tpu.enqueue_indirect_dma source(%arg11 : memref<128x64xf32, #tpu.memory_space<vmem>>) target(%dma_start3A_110 : memref<10112x64xf32, #tpu.memory_space<vmem_shared>>) offsets(%dma_start3A_107 : memref<128xi32, #tpu.memory_space<vmem>>) semaphore(%run_scoped3A : memref<!tpu.dma_semaphore, #tpu.memory_space<semaphore_mem>>) {add = true}
        %dma_wait3A_111 = arith.constant 0 : i32
        %dma_wait3A_112 = tpu.memref_slice %arg8[%add3A_77, %dma_wait3A_111] : memref<80x128xi32, #tpu.memory_space<vmem>> -> memref<1x128xi32, #tpu.memory_space<vmem>>
        %dma_wait3A_113 = tpu.memref_squeeze %dma_wait3A_112 : memref<1x128xi32, #tpu.memory_space<vmem>> -> memref<128xi32, #tpu.memory_space<vmem>>
        %dma_wait3A_114 = arith.constant 0 : i32
        %dma_wait3A_115 = arith.constant 0 : i32
        %dma_wait3A_116 = tpu.memref_slice %arg9[%dma_wait3A_114, %dma_wait3A_115] : memref<10112x64xf32, #tpu.memory_space<vmem_shared>> -> memref<10112x64xf32, #tpu.memory_space<vmem_shared>>
        tpu.wait_indirect_dma semaphore(%run_scoped3A : memref<!tpu.dma_semaphore, #tpu.memory_space<semaphore_mem>>) src(%arg11 : memref<128x64xf32, #tpu.memory_space<vmem>>) dst(%dma_wait3A_116 : memref<10112x64xf32, #tpu.memory_space<vmem_shared>>)
        tpu.yield
      }) : () -> ()
      %add3A_84 = arith.constant 2 : i32
      %add3A_85 = arith.addi %add3A_77, %add3A_84 : i32
      %lt3A = arith.constant 80 : i32
      %lt3A_86 = arith.cmpi slt, %add3A_85, %lt3A : i32
      %convert_element_type3A = arith.extui %lt3A_86 : i1 to i32
      %cond3A = arith.constant 0 : i32
      %cond3A_87 = arith.cmpi ne, %convert_element_type3A, %cond3A : i32
      scf.if %cond3A_87 {
        %dma_start3A_105 = arith.constant 0 : i32
        %dma_start3A_106 = tpu.memref_slice %arg7[%add3A_85, %dma_start3A_105] : memref<80x128xi32, #tpu.memory_space<vmem>> -> memref<1x128xi32, #tpu.memory_space<vmem>>
        %dma_start3A_107 = tpu.memref_squeeze %dma_start3A_106 : memref<1x128xi32, #tpu.memory_space<vmem>> -> memref<128xi32, #tpu.memory_space<vmem>>
        %dma_start3A_108 = arith.constant 0 : i32
        %dma_start3A_109 = arith.constant 0 : i32
        %dma_start3A_110 = tpu.memref_slice %arg10[%dma_start3A_108, %dma_start3A_109] : memref<10112x64xf32, #tpu.memory_space<vmem_shared>> -> memref<10112x64xf32, #tpu.memory_space<vmem_shared>>
        tpu.enqueue_indirect_dma source(%dma_start3A_110 : memref<10112x64xf32, #tpu.memory_space<vmem_shared>>) target(%arg11 : memref<128x64xf32, #tpu.memory_space<vmem>>) offsets(%dma_start3A_107 : memref<128xi32, #tpu.memory_space<vmem>>) semaphore(%arg13 : memref<!tpu.dma_semaphore, #tpu.memory_space<semaphore_mem>>)
      } else {
      }
      %mul3A_88 = arith.constant 2 : i32
      %mul3A_89 = arith.muli %scan3A_73, %mul3A_88 : i32
      %add3A_90 = arith.constant 1 : i32
      %add3A_91 = arith.addi %mul3A_89, %add3A_90 : i32
      %dma_wait3A_92 = arith.constant 0 : i32
      %dma_wait3A_93 = tpu.memref_slice %arg7[%add3A_91, %dma_wait3A_92] : memref<80x128xi32, #tpu.memory_space<vmem>> -> memref<1x128xi32, #tpu.memory_space<vmem>>
      %dma_wait3A_94 = tpu.memref_squeeze %dma_wait3A_93 : memref<1x128xi32, #tpu.memory_space<vmem>> -> memref<128xi32, #tpu.memory_space<vmem>>
      %dma_wait3A_95 = arith.constant 0 : i32
      %dma_wait3A_96 = arith.constant 0 : i32
      %dma_wait3A_97 = tpu.memref_slice %arg10[%dma_wait3A_95, %dma_wait3A_96] : memref<10112x64xf32, #tpu.memory_space<vmem_shared>> -> memref<10112x64xf32, #tpu.memory_space<vmem_shared>>
      tpu.wait_indirect_dma semaphore(%arg14 : memref<!tpu.dma_semaphore, #tpu.memory_space<semaphore_mem>>) src(%dma_wait3A_97 : memref<10112x64xf32, #tpu.memory_space<vmem_shared>>) dst(%arg12 : memref<128x64xf32, #tpu.memory_space<vmem>>)
      "tpu.region"() ({
        %run_scoped3A = tpu.sem_alloc : memref<!tpu.dma_semaphore, #tpu.memory_space<semaphore_mem>>
        %dma_start3A_105 = arith.constant 0 : i32
        %dma_start3A_106 = tpu.memref_slice %arg8[%add3A_91, %dma_start3A_105] : memref<80x128xi32, #tpu.memory_space<vmem>> -> memref<1x128xi32, #tpu.memory_space<vmem>>
        %dma_start3A_107 = tpu.memref_squeeze %dma_start3A_106 : memref<1x128xi32, #tpu.memory_space<vmem>> -> memref<128xi32, #tpu.memory_space<vmem>>
        %dma_start3A_108 = arith.constant 0 : i32
        %dma_start3A_109 = arith.constant 0 : i32
        %dma_start3A_110 = tpu.memref_slice %arg9[%dma_start3A_108, %dma_start3A_109] : memref<10112x64xf32, #tpu.memory_space<vmem_shared>> -> memref<10112x64xf32, #tpu.memory_space<vmem_shared>>
        tpu.enqueue_indirect_dma source(%arg12 : memref<128x64xf32, #tpu.memory_space<vmem>>) target(%dma_start3A_110 : memref<10112x64xf32, #tpu.memory_space<vmem_shared>>) offsets(%dma_start3A_107 : memref<128xi32, #tpu.memory_space<vmem>>) semaphore(%run_scoped3A : memref<!tpu.dma_semaphore, #tpu.memory_space<semaphore_mem>>) {add = true}
        %dma_wait3A_111 = arith.constant 0 : i32
        %dma_wait3A_112 = tpu.memref_slice %arg8[%add3A_91, %dma_wait3A_111] : memref<80x128xi32, #tpu.memory_space<vmem>> -> memref<1x128xi32, #tpu.memory_space<vmem>>
        %dma_wait3A_113 = tpu.memref_squeeze %dma_wait3A_112 : memref<1x128xi32, #tpu.memory_space<vmem>> -> memref<128xi32, #tpu.memory_space<vmem>>
        %dma_wait3A_114 = arith.constant 0 : i32
        %dma_wait3A_115 = arith.constant 0 : i32
        %dma_wait3A_116 = tpu.memref_slice %arg9[%dma_wait3A_114, %dma_wait3A_115] : memref<10112x64xf32, #tpu.memory_space<vmem_shared>> -> memref<10112x64xf32, #tpu.memory_space<vmem_shared>>
        tpu.wait_indirect_dma semaphore(%run_scoped3A : memref<!tpu.dma_semaphore, #tpu.memory_space<semaphore_mem>>) src(%arg12 : memref<128x64xf32, #tpu.memory_space<vmem>>) dst(%dma_wait3A_116 : memref<10112x64xf32, #tpu.memory_space<vmem_shared>>)
        tpu.yield
      }) : () -> ()
      %add3A_98 = arith.constant 2 : i32
      %add3A_99 = arith.addi %add3A_91, %add3A_98 : i32
      %lt3A_100 = arith.constant 80 : i32
      %lt3A_101 = arith.cmpi slt, %add3A_99, %lt3A_100 : i32
      %convert_element_type3A_102 = arith.extui %lt3A_101 : i1 to i32
      %cond3A_103 = arith.constant 0 : i32
      %cond3A_104 = arith.cmpi ne, %convert_element_type3A_102, %cond3A_103 : i32
      scf.if %cond3A_104 {
        %dma_start3A_105 = arith.constant 0 : i32
        %dma_start3A_106 = tpu.memref_slice %arg7[%add3A_99, %dma_start3A_105] : memref<80x128xi32, #tpu.memory_space<vmem>> -> memref<1x128xi32, #tpu.memory_space<vmem>>
        %dma_start3A_107 = tpu.memref_squeeze %dma_start3A_106 : memref<1x128xi32, #tpu.memory_space<vmem>> -> memref<128xi32, #tpu.memory_space<vmem>>
        %dma_start3A_108 = arith.constant 0 : i32
        %dma_start3A_109 = arith.constant 0 : i32
        %dma_start3A_110 = tpu.memref_slice %arg10[%dma_start3A_108, %dma_start3A_109] : memref<10112x64xf32, #tpu.memory_space<vmem_shared>> -> memref<10112x64xf32, #tpu.memory_space<vmem_shared>>
        tpu.enqueue_indirect_dma source(%dma_start3A_110 : memref<10112x64xf32, #tpu.memory_space<vmem_shared>>) target(%arg12 : memref<128x64xf32, #tpu.memory_space<vmem>>) offsets(%dma_start3A_107 : memref<128xi32, #tpu.memory_space<vmem>>) semaphore(%arg14 : memref<!tpu.dma_semaphore, #tpu.memory_space<semaphore_mem>>)
      } else {
      }
    }
    %scan3A_67 = arith.constant 40 : i32
    %barrier3A_68 = arith.constant 0 : index
    tpu.barrier barrier_id(%barrier3A_68)
    %mul3A_69 = arith.constant 632 : i32
    %mul3A_70 = arith.muli %arg1, %mul3A_69 : i32
    %mul3A_71 = arith.constant 632 : i32
    %mul3A_72 = arith.muli %arg1, %mul3A_71 : i32
    "tpu.region"() ({
      %run_scoped3A = tpu.sem_alloc : memref<!tpu.dma_semaphore, #tpu.memory_space<semaphore_mem>>
      %dma_start3A_73 = arith.constant 0 : i32
      %dma_start3A_74 = tpu.memref_slice %arg6[%arg0, %mul3A_72, %dma_start3A_73] : memref<2x10112x64xf32, #tpu.memory_space<hbm>> -> memref<1x632x64xf32, #tpu.memory_space<hbm>>
      %dma_start3A_75 = tpu.memref_squeeze %dma_start3A_74 : memref<1x632x64xf32, #tpu.memory_space<hbm>> -> memref<632x64xf32, #tpu.memory_space<hbm>>
      %dma_start3A_76 = arith.constant 0 : i32
      %dma_start3A_77 = tpu.memref_slice %arg9[%mul3A_70, %dma_start3A_76] : memref<10112x64xf32, #tpu.memory_space<vmem_shared>> -> memref<632x64xf32, #tpu.memory_space<vmem_shared>>
      tpu.enqueue_dma source(%dma_start3A_77 : memref<632x64xf32, #tpu.memory_space<vmem_shared>>) target(%dma_start3A_75 : memref<632x64xf32, #tpu.memory_space<hbm>>) target_semaphore(%run_scoped3A : memref<!tpu.dma_semaphore, #tpu.memory_space<semaphore_mem>>)
      %dma_wait3A_78 = arith.constant 0 : i32
      %dma_wait3A_79 = tpu.memref_slice %arg6[%arg0, %mul3A_72, %dma_wait3A_78] : memref<2x10112x64xf32, #tpu.memory_space<hbm>> -> memref<1x632x64xf32, #tpu.memory_space<hbm>>
      %dma_wait3A_80 = tpu.memref_squeeze %dma_wait3A_79 : memref<1x632x64xf32, #tpu.memory_space<hbm>> -> memref<632x64xf32, #tpu.memory_space<hbm>>
      %dma_wait3A_81 = arith.constant 0 : i32
      %dma_wait3A_82 = tpu.memref_slice %arg9[%mul3A_70, %dma_wait3A_81] : memref<10112x64xf32, #tpu.memory_space<vmem_shared>> -> memref<632x64xf32, #tpu.memory_space<vmem_shared>>
      tpu.wait_dma2 semaphore(%run_scoped3A : memref<!tpu.dma_semaphore, #tpu.memory_space<semaphore_mem>>) src(%dma_wait3A_82 : memref<632x64xf32, #tpu.memory_space<vmem_shared>>) dst(%dma_wait3A_80 : memref<632x64xf32, #tpu.memory_space<hbm>>)
      tpu.yield
    }) : () -> ()
    return
  }
}

#map = affine_map<(d0, d1) -> (0, 0)>
#map1 = affine_map<(d0, d1) -> (0, 0, 0)>
module attributes {stable_mosaic.version = 14 : i64} {
  func.func @_sc_scatter(%arg0: i32, %arg1: i32, %arg2: memref<10112x64xf32, #tpu.memory_space<hbm>>, %arg3: memref<32x80x128xi32, #tpu.memory_space<hbm>>, %arg4: memref<32x80x128xi32, #tpu.memory_space<hbm>>, %arg5: memref<128x64xf32, #tpu.memory_space<hbm>>, %arg6: memref<2x10112x64xf32, #tpu.memory_space<hbm>>, %arg7: memref<80x128xi32, #tpu.memory_space<vmem>>, %arg8: memref<80x128xi32, #tpu.memory_space<vmem>>, %arg9: memref<10112x64xf32, #tpu.memory_space<vmem_shared>>, %arg10: memref<10112x64xf32, #tpu.memory_space<vmem_shared>>, %arg11: memref<128x64xf32, #tpu.memory_space<vmem>>, %arg12: memref<128x64xf32, #tpu.memory_space<vmem>>, %arg13: memref<!tpu.dma_semaphore, #tpu.memory_space<semaphore_mem>>, %arg14: memref<!tpu.dma_semaphore, #tpu.memory_space<semaphore_mem>>, %arg15: memref<!tpu.dma_semaphore, #tpu.memory_space<semaphore_mem>>) attributes {dimension_semantics = [#tpu.dimension_semantics<core_parallel>, #tpu.dimension_semantics<subcore_parallel>], iteration_bounds = array<i64: 2, 16>, scalar_prefetch = 0 : i64, scratch_operands = 9 : i64, tpu.core_type = #tpu.core_type<sc_vector_subcore>, window_params = [{transform_indices = #map}, {transform_indices = #map1}, {transform_indices = #map1}, {transform_indices = #map}, {transform_indices = #map1}]} {
    %mul3A = arith.constant 2 : i32
    %mul3A_0 = arith.muli %arg1, %mul3A : i32
    %add3A = arith.addi %mul3A_0, %arg0 : i32
    %mul3A_1 = arith.constant 632 : i32
    %mul3A_2 = arith.muli %arg1, %mul3A_1 : i32
    %mul3A_3 = arith.constant 632 : i32
    %mul3A_4 = arith.muli %arg1, %mul3A_3 : i32
    %dma_start3A = arith.constant 0 : i32
    %dma_start3A_5 = tpu.memref_slice %arg10[%mul3A_4, %dma_start3A] : memref<10112x64xf32, #tpu.memory_space<vmem_shared>> -> memref<632x64xf32, #tpu.memory_space<vmem_shared>>
    %dma_start3A_6 = arith.constant 0 : i32
    %dma_start3A_7 = tpu.memref_slice %arg2[%mul3A_2, %dma_start3A_6] : memref<10112x64xf32, #tpu.memory_space<hbm>> -> memref<632x64xf32, #tpu.memory_space<hbm>>
    tpu.enqueue_dma source(%dma_start3A_7 : memref<632x64xf32, #tpu.memory_space<hbm>>) target(%dma_start3A_5 : memref<632x64xf32, #tpu.memory_space<vmem_shared>>) target_semaphore(%arg15 : memref<!tpu.dma_semaphore, #tpu.memory_space<semaphore_mem>>)
    %dma_start3A_8 = arith.constant 0 : i32
    %dma_start3A_9 = arith.constant 0 : i32
    %dma_start3A_10 = tpu.memref_slice %arg3[%add3A, %dma_start3A_8, %dma_start3A_9] : memref<32x80x128xi32, #tpu.memory_space<hbm>> -> memref<1x80x128xi32, #tpu.memory_space<hbm>>
    %dma_start3A_11 = tpu.memref_squeeze %dma_start3A_10 : memref<1x80x128xi32, #tpu.memory_space<hbm>> -> memref<80x128xi32, #tpu.memory_space<hbm>>
    %dma_start3A_12 = arith.constant 0 : i32
    %dma_start3A_13 = arith.constant 0 : i32
    %dma_start3A_14 = tpu.memref_slice %arg3[%add3A, %dma_start3A_12, %dma_start3A_13] : memref<32x80x128xi32, #tpu.memory_space<hbm>> -> memref<1x80x128xi32, #tpu.memory_space<hbm>>
    %dma_start3A_15 = tpu.memref_squeeze %dma_start3A_14 : memref<1x80x128xi32, #tpu.memory_space<hbm>> -> memref<80x128xi32, #tpu.memory_space<hbm>>
    tpu.enqueue_dma source(%dma_start3A_15 : memref<80x128xi32, #tpu.memory_space<hbm>>) target(%arg7 : memref<80x128xi32, #tpu.memory_space<vmem>>) target_semaphore(%arg15 : memref<!tpu.dma_semaphore, #tpu.memory_space<semaphore_mem>>)
    %dma_start3A_16 = arith.constant 0 : i32
    %dma_start3A_17 = arith.constant 0 : i32
    %dma_start3A_18 = tpu.memref_slice %arg4[%add3A, %dma_start3A_16, %dma_start3A_17] : memref<32x80x128xi32, #tpu.memory_space<hbm>> -> memref<1x80x128xi32, #tpu.memory_space<hbm>>
    %dma_start3A_19 = tpu.memref_squeeze %dma_start3A_18 : memref<1x80x128xi32, #tpu.memory_space<hbm>> -> memref<80x128xi32, #tpu.memory_space<hbm>>
    %dma_start3A_20 = arith.constant 0 : i32
    %dma_start3A_21 = arith.constant 0 : i32
    %dma_start3A_22 = tpu.memref_slice %arg4[%add3A, %dma_start3A_20, %dma_start3A_21] : memref<32x80x128xi32, #tpu.memory_space<hbm>> -> memref<1x80x128xi32, #tpu.memory_space<hbm>>
    %dma_start3A_23 = tpu.memref_squeeze %dma_start3A_22 : memref<1x80x128xi32, #tpu.memory_space<hbm>> -> memref<80x128xi32, #tpu.memory_space<hbm>>
    tpu.enqueue_dma source(%dma_start3A_23 : memref<80x128xi32, #tpu.memory_space<hbm>>) target(%arg8 : memref<80x128xi32, #tpu.memory_space<vmem>>) target_semaphore(%arg15 : memref<!tpu.dma_semaphore, #tpu.memory_space<semaphore_mem>>)
    %scan3A = arith.constant 0 : i32
    %scan3A_24 = arith.constant 0 : i32
    %scan3A_25 = arith.constant 5 : i32
    %scan3A_26 = arith.addi %scan3A_24, %scan3A_25 : i32
    %scan3A_27 = arith.constant 1 : i32
    scf.for %scan3A_73 = %scan3A_24 to %scan3A_26 step %scan3A_27  : i32 {
      %mul3A_74 = arith.constant 16 : i32
      %mul3A_75 = arith.muli %mul3A_74, %scan3A_73 : i32
      %add3A_76 = arith.addi %arg1, %mul3A_75 : i32
      %mul3A_77 = arith.constant 128 : i32
      %mul3A_78 = arith.muli %add3A_76, %mul3A_77 : i32
      %lt3A = arith.constant 10112 : i32
      %lt3A_79 = arith.cmpi slt, %mul3A_78, %lt3A : i32
      %convert_element_type3A = arith.extui %lt3A_79 : i1 to i32
      %cond3A = arith.constant 0 : i32
      %cond3A_80 = arith.cmpi ne, %convert_element_type3A, %cond3A : i32
      scf.if %cond3A_80 {
        "tpu.region"() ({
          %run_scoped3A = tpu.sem_alloc : memref<!tpu.dma_semaphore, #tpu.memory_space<semaphore_mem>>
          %dma_start3A_81 = arith.constant 0 : i32
          %dma_start3A_82 = tpu.memref_slice %arg9[%mul3A_78, %dma_start3A_81] : memref<10112x64xf32, #tpu.memory_space<vmem_shared>> -> memref<128x64xf32, #tpu.memory_space<vmem_shared>>
          tpu.enqueue_dma source(%arg5 : memref<128x64xf32, #tpu.memory_space<hbm>>) target(%dma_start3A_82 : memref<128x64xf32, #tpu.memory_space<vmem_shared>>) target_semaphore(%run_scoped3A : memref<!tpu.dma_semaphore, #tpu.memory_space<semaphore_mem>>)
          %dma_wait3A_83 = arith.constant 0 : i32
          %dma_wait3A_84 = tpu.memref_slice %arg9[%mul3A_78, %dma_wait3A_83] : memref<10112x64xf32, #tpu.memory_space<vmem_shared>> -> memref<128x64xf32, #tpu.memory_space<vmem_shared>>
          tpu.wait_dma2 semaphore(%run_scoped3A : memref<!tpu.dma_semaphore, #tpu.memory_space<semaphore_mem>>) src(%arg5 : memref<128x64xf32, #tpu.memory_space<hbm>>) dst(%dma_wait3A_84 : memref<128x64xf32, #tpu.memory_space<vmem_shared>>)
          tpu.yield
        }) : () -> ()
      } else {
      }
    }
    %scan3A_28 = arith.constant 5 : i32
    %dma_wait3A = arith.constant 0 : i32
    %dma_wait3A_29 = tpu.memref_slice %arg10[%mul3A_4, %dma_wait3A] : memref<10112x64xf32, #tpu.memory_space<vmem_shared>> -> memref<632x64xf32, #tpu.memory_space<vmem_shared>>
    %dma_wait3A_30 = arith.constant 0 : i32
    %dma_wait3A_31 = tpu.memref_slice %arg2[%mul3A_2, %dma_wait3A_30] : memref<10112x64xf32, #tpu.memory_space<hbm>> -> memref<632x64xf32, #tpu.memory_space<hbm>>
    tpu.wait_dma2 semaphore(%arg15 : memref<!tpu.dma_semaphore, #tpu.memory_space<semaphore_mem>>) src(%dma_wait3A_31 : memref<632x64xf32, #tpu.memory_space<hbm>>) dst(%dma_wait3A_29 : memref<632x64xf32, #tpu.memory_space<vmem_shared>>)
    %dma_wait3A_32 = arith.constant 0 : i32
    %dma_wait3A_33 = arith.constant 0 : i32
    %dma_wait3A_34 = tpu.memref_slice %arg3[%add3A, %dma_wait3A_32, %dma_wait3A_33] : memref<32x80x128xi32, #tpu.memory_space<hbm>> -> memref<1x80x128xi32, #tpu.memory_space<hbm>>
    %dma_wait3A_35 = tpu.memref_squeeze %dma_wait3A_34 : memref<1x80x128xi32, #tpu.memory_space<hbm>> -> memref<80x128xi32, #tpu.memory_space<hbm>>
    %dma_wait3A_36 = arith.constant 0 : i32
    %dma_wait3A_37 = arith.constant 0 : i32
    %dma_wait3A_38 = tpu.memref_slice %arg3[%add3A, %dma_wait3A_36, %dma_wait3A_37] : memref<32x80x128xi32, #tpu.memory_space<hbm>> -> memref<1x80x128xi32, #tpu.memory_space<hbm>>
    %dma_wait3A_39 = tpu.memref_squeeze %dma_wait3A_38 : memref<1x80x128xi32, #tpu.memory_space<hbm>> -> memref<80x128xi32, #tpu.memory_space<hbm>>
    tpu.wait_dma2 semaphore(%arg15 : memref<!tpu.dma_semaphore, #tpu.memory_space<semaphore_mem>>) src(%dma_wait3A_39 : memref<80x128xi32, #tpu.memory_space<hbm>>) dst(%arg7 : memref<80x128xi32, #tpu.memory_space<vmem>>)
    %dma_wait3A_40 = arith.constant 0 : i32
    %dma_wait3A_41 = arith.constant 0 : i32
    %dma_wait3A_42 = tpu.memref_slice %arg4[%add3A, %dma_wait3A_40, %dma_wait3A_41] : memref<32x80x128xi32, #tpu.memory_space<hbm>> -> memref<1x80x128xi32, #tpu.memory_space<hbm>>
    %dma_wait3A_43 = tpu.memref_squeeze %dma_wait3A_42 : memref<1x80x128xi32, #tpu.memory_space<hbm>> -> memref<80x128xi32, #tpu.memory_space<hbm>>
    %dma_wait3A_44 = arith.constant 0 : i32
    %dma_wait3A_45 = arith.constant 0 : i32
    %dma_wait3A_46 = tpu.memref_slice %arg4[%add3A, %dma_wait3A_44, %dma_wait3A_45] : memref<32x80x128xi32, #tpu.memory_space<hbm>> -> memref<1x80x128xi32, #tpu.memory_space<hbm>>
    %dma_wait3A_47 = tpu.memref_squeeze %dma_wait3A_46 : memref<1x80x128xi32, #tpu.memory_space<hbm>> -> memref<80x128xi32, #tpu.memory_space<hbm>>
    tpu.wait_dma2 semaphore(%arg15 : memref<!tpu.dma_semaphore, #tpu.memory_space<semaphore_mem>>) src(%dma_wait3A_47 : memref<80x128xi32, #tpu.memory_space<hbm>>) dst(%arg8 : memref<80x128xi32, #tpu.memory_space<vmem>>)
    %barrier3A = arith.constant 0 : index
    tpu.barrier barrier_id(%barrier3A)
    %dma_start3A_48 = arith.constant 0 : i32
    %dma_start3A_49 = arith.constant 0 : i32
    %dma_start3A_50 = tpu.memref_slice %arg7[%dma_start3A_48, %dma_start3A_49] : memref<80x128xi32, #tpu.memory_space<vmem>> -> memref<1x128xi32, #tpu.memory_space<vmem>>
    %dma_start3A_51 = tpu.memref_squeeze %dma_start3A_50 : memref<1x128xi32, #tpu.memory_space<vmem>> -> memref<128xi32, #tpu.memory_space<vmem>>
    %dma_start3A_52 = arith.constant 0 : i32
    %dma_start3A_53 = arith.constant 0 : i32
    %dma_start3A_54 = tpu.memref_slice %arg10[%dma_start3A_52, %dma_start3A_53] : memref<10112x64xf32, #tpu.memory_space<vmem_shared>> -> memref<10112x64xf32, #tpu.memory_space<vmem_shared>>
    tpu.enqueue_indirect_dma source(%dma_start3A_54 : memref<10112x64xf32, #tpu.memory_space<vmem_shared>>) target(%arg11 : memref<128x64xf32, #tpu.memory_space<vmem>>) offsets(%dma_start3A_51 : memref<128xi32, #tpu.memory_space<vmem>>) semaphore(%arg13 : memref<!tpu.dma_semaphore, #tpu.memory_space<semaphore_mem>>)
    %dma_start3A_55 = arith.constant 1 : i32
    %dma_start3A_56 = arith.constant 0 : i32
    %dma_start3A_57 = tpu.memref_slice %arg7[%dma_start3A_55, %dma_start3A_56] : memref<80x128xi32, #tpu.memory_space<vmem>> -> memref<1x128xi32, #tpu.memory_space<vmem>>
    %dma_start3A_58 = tpu.memref_squeeze %dma_start3A_57 : memref<1x128xi32, #tpu.memory_space<vmem>> -> memref<128xi32, #tpu.memory_space<vmem>>
    %dma_start3A_59 = arith.constant 0 : i32
    %dma_start3A_60 = arith.constant 0 : i32
    %dma_start3A_61 = tpu.memref_slice %arg10[%dma_start3A_59, %dma_start3A_60] : memref<10112x64xf32, #tpu.memory_space<vmem_shared>> -> memref<10112x64xf32, #tpu.memory_space<vmem_shared>>
    tpu.enqueue_indirect_dma source(%dma_start3A_61 : memref<10112x64xf32, #tpu.memory_space<vmem_shared>>) target(%arg12 : memref<128x64xf32, #tpu.memory_space<vmem>>) offsets(%dma_start3A_58 : memref<128xi32, #tpu.memory_space<vmem>>) semaphore(%arg14 : memref<!tpu.dma_semaphore, #tpu.memory_space<semaphore_mem>>)
    %scan3A_62 = arith.constant 0 : i32
    %scan3A_63 = arith.constant 0 : i32
    %scan3A_64 = arith.constant 40 : i32
    %scan3A_65 = arith.addi %scan3A_63, %scan3A_64 : i32
    %scan3A_66 = arith.constant 1 : i32
    scf.for %scan3A_73 = %scan3A_63 to %scan3A_65 step %scan3A_66  : i32 {
      %mul3A_74 = arith.constant 2 : i32
      %mul3A_75 = arith.muli %scan3A_73, %mul3A_74 : i32
      %add3A_76 = arith.constant 0 : i32
      %add3A_77 = arith.addi %mul3A_75, %add3A_76 : i32
      %dma_wait3A_78 = arith.constant 0 : i32
      %dma_wait3A_79 = tpu.memref_slice %arg7[%add3A_77, %dma_wait3A_78] : memref<80x128xi32, #tpu.memory_space<vmem>> -> memref<1x128xi32, #tpu.memory_space<vmem>>
      %dma_wait3A_80 = tpu.memref_squeeze %dma_wait3A_79 : memref<1x128xi32, #tpu.memory_space<vmem>> -> memref<128xi32, #tpu.memory_space<vmem>>
      %dma_wait3A_81 = arith.constant 0 : i32
      %dma_wait3A_82 = arith.constant 0 : i32
      %dma_wait3A_83 = tpu.memref_slice %arg10[%dma_wait3A_81, %dma_wait3A_82] : memref<10112x64xf32, #tpu.memory_space<vmem_shared>> -> memref<10112x64xf32, #tpu.memory_space<vmem_shared>>
      tpu.wait_indirect_dma semaphore(%arg13 : memref<!tpu.dma_semaphore, #tpu.memory_space<semaphore_mem>>) src(%dma_wait3A_83 : memref<10112x64xf32, #tpu.memory_space<vmem_shared>>) dst(%arg11 : memref<128x64xf32, #tpu.memory_space<vmem>>)
      "tpu.region"() ({
        %run_scoped3A = tpu.sem_alloc : memref<!tpu.dma_semaphore, #tpu.memory_space<semaphore_mem>>
        %dma_start3A_105 = arith.constant 0 : i32
        %dma_start3A_106 = tpu.memref_slice %arg8[%add3A_77, %dma_start3A_105] : memref<80x128xi32, #tpu.memory_space<vmem>> -> memref<1x128xi32, #tpu.memory_space<vmem>>
        %dma_start3A_107 = tpu.memref_squeeze %dma_start3A_106 : memref<1x128xi32, #tpu.memory_space<vmem>> -> memref<128xi32, #tpu.memory_space<vmem>>
        %dma_start3A_108 = arith.constant 0 : i32
        %dma_start3A_109 = arith.constant 0 : i32
        %dma_start3A_110 = tpu.memref_slice %arg9[%dma_start3A_108, %dma_start3A_109] : memref<10112x64xf32, #tpu.memory_space<vmem_shared>> -> memref<10112x64xf32, #tpu.memory_space<vmem_shared>>
        tpu.enqueue_indirect_dma source(%arg11 : memref<128x64xf32, #tpu.memory_space<vmem>>) target(%dma_start3A_110 : memref<10112x64xf32, #tpu.memory_space<vmem_shared>>) offsets(%dma_start3A_107 : memref<128xi32, #tpu.memory_space<vmem>>) semaphore(%run_scoped3A : memref<!tpu.dma_semaphore, #tpu.memory_space<semaphore_mem>>) {add = true}
        %dma_wait3A_111 = arith.constant 0 : i32
        %dma_wait3A_112 = tpu.memref_slice %arg8[%add3A_77, %dma_wait3A_111] : memref<80x128xi32, #tpu.memory_space<vmem>> -> memref<1x128xi32, #tpu.memory_space<vmem>>
        %dma_wait3A_113 = tpu.memref_squeeze %dma_wait3A_112 : memref<1x128xi32, #tpu.memory_space<vmem>> -> memref<128xi32, #tpu.memory_space<vmem>>
        %dma_wait3A_114 = arith.constant 0 : i32
        %dma_wait3A_115 = arith.constant 0 : i32
        %dma_wait3A_116 = tpu.memref_slice %arg9[%dma_wait3A_114, %dma_wait3A_115] : memref<10112x64xf32, #tpu.memory_space<vmem_shared>> -> memref<10112x64xf32, #tpu.memory_space<vmem_shared>>
        tpu.wait_indirect_dma semaphore(%run_scoped3A : memref<!tpu.dma_semaphore, #tpu.memory_space<semaphore_mem>>) src(%arg11 : memref<128x64xf32, #tpu.memory_space<vmem>>) dst(%dma_wait3A_116 : memref<10112x64xf32, #tpu.memory_space<vmem_shared>>)
        tpu.yield
      }) : () -> ()
      %add3A_84 = arith.constant 2 : i32
      %add3A_85 = arith.addi %add3A_77, %add3A_84 : i32
      %lt3A = arith.constant 80 : i32
      %lt3A_86 = arith.cmpi slt, %add3A_85, %lt3A : i32
      %convert_element_type3A = arith.extui %lt3A_86 : i1 to i32
      %cond3A = arith.constant 0 : i32
      %cond3A_87 = arith.cmpi ne, %convert_element_type3A, %cond3A : i32
      scf.if %cond3A_87 {
        %dma_start3A_105 = arith.constant 0 : i32
        %dma_start3A_106 = tpu.memref_slice %arg7[%add3A_85, %dma_start3A_105] : memref<80x128xi32, #tpu.memory_space<vmem>> -> memref<1x128xi32, #tpu.memory_space<vmem>>
        %dma_start3A_107 = tpu.memref_squeeze %dma_start3A_106 : memref<1x128xi32, #tpu.memory_space<vmem>> -> memref<128xi32, #tpu.memory_space<vmem>>
        %dma_start3A_108 = arith.constant 0 : i32
        %dma_start3A_109 = arith.constant 0 : i32
        %dma_start3A_110 = tpu.memref_slice %arg10[%dma_start3A_108, %dma_start3A_109] : memref<10112x64xf32, #tpu.memory_space<vmem_shared>> -> memref<10112x64xf32, #tpu.memory_space<vmem_shared>>
        tpu.enqueue_indirect_dma source(%dma_start3A_110 : memref<10112x64xf32, #tpu.memory_space<vmem_shared>>) target(%arg11 : memref<128x64xf32, #tpu.memory_space<vmem>>) offsets(%dma_start3A_107 : memref<128xi32, #tpu.memory_space<vmem>>) semaphore(%arg13 : memref<!tpu.dma_semaphore, #tpu.memory_space<semaphore_mem>>)
      } else {
      }
      %mul3A_88 = arith.constant 2 : i32
      %mul3A_89 = arith.muli %scan3A_73, %mul3A_88 : i32
      %add3A_90 = arith.constant 1 : i32
      %add3A_91 = arith.addi %mul3A_89, %add3A_90 : i32
      %dma_wait3A_92 = arith.constant 0 : i32
      %dma_wait3A_93 = tpu.memref_slice %arg7[%add3A_91, %dma_wait3A_92] : memref<80x128xi32, #tpu.memory_space<vmem>> -> memref<1x128xi32, #tpu.memory_space<vmem>>
      %dma_wait3A_94 = tpu.memref_squeeze %dma_wait3A_93 : memref<1x128xi32, #tpu.memory_space<vmem>> -> memref<128xi32, #tpu.memory_space<vmem>>
      %dma_wait3A_95 = arith.constant 0 : i32
      %dma_wait3A_96 = arith.constant 0 : i32
      %dma_wait3A_97 = tpu.memref_slice %arg10[%dma_wait3A_95, %dma_wait3A_96] : memref<10112x64xf32, #tpu.memory_space<vmem_shared>> -> memref<10112x64xf32, #tpu.memory_space<vmem_shared>>
      tpu.wait_indirect_dma semaphore(%arg14 : memref<!tpu.dma_semaphore, #tpu.memory_space<semaphore_mem>>) src(%dma_wait3A_97 : memref<10112x64xf32, #tpu.memory_space<vmem_shared>>) dst(%arg12 : memref<128x64xf32, #tpu.memory_space<vmem>>)
      "tpu.region"() ({
        %run_scoped3A = tpu.sem_alloc : memref<!tpu.dma_semaphore, #tpu.memory_space<semaphore_mem>>
        %dma_start3A_105 = arith.constant 0 : i32
        %dma_start3A_106 = tpu.memref_slice %arg8[%add3A_91, %dma_start3A_105] : memref<80x128xi32, #tpu.memory_space<vmem>> -> memref<1x128xi32, #tpu.memory_space<vmem>>
        %dma_start3A_107 = tpu.memref_squeeze %dma_start3A_106 : memref<1x128xi32, #tpu.memory_space<vmem>> -> memref<128xi32, #tpu.memory_space<vmem>>
        %dma_start3A_108 = arith.constant 0 : i32
        %dma_start3A_109 = arith.constant 0 : i32
        %dma_start3A_110 = tpu.memref_slice %arg9[%dma_start3A_108, %dma_start3A_109] : memref<10112x64xf32, #tpu.memory_space<vmem_shared>> -> memref<10112x64xf32, #tpu.memory_space<vmem_shared>>
        tpu.enqueue_indirect_dma source(%arg12 : memref<128x64xf32, #tpu.memory_space<vmem>>) target(%dma_start3A_110 : memref<10112x64xf32, #tpu.memory_space<vmem_shared>>) offsets(%dma_start3A_107 : memref<128xi32, #tpu.memory_space<vmem>>) semaphore(%run_scoped3A : memref<!tpu.dma_semaphore, #tpu.memory_space<semaphore_mem>>) {add = true}
        %dma_wait3A_111 = arith.constant 0 : i32
        %dma_wait3A_112 = tpu.memref_slice %arg8[%add3A_91, %dma_wait3A_111] : memref<80x128xi32, #tpu.memory_space<vmem>> -> memref<1x128xi32, #tpu.memory_space<vmem>>
        %dma_wait3A_113 = tpu.memref_squeeze %dma_wait3A_112 : memref<1x128xi32, #tpu.memory_space<vmem>> -> memref<128xi32, #tpu.memory_space<vmem>>
        %dma_wait3A_114 = arith.constant 0 : i32
        %dma_wait3A_115 = arith.constant 0 : i32
        %dma_wait3A_116 = tpu.memref_slice %arg9[%dma_wait3A_114, %dma_wait3A_115] : memref<10112x64xf32, #tpu.memory_space<vmem_shared>> -> memref<10112x64xf32, #tpu.memory_space<vmem_shared>>
        tpu.wait_indirect_dma semaphore(%run_scoped3A : memref<!tpu.dma_semaphore, #tpu.memory_space<semaphore_mem>>) src(%arg12 : memref<128x64xf32, #tpu.memory_space<vmem>>) dst(%dma_wait3A_116 : memref<10112x64xf32, #tpu.memory_space<vmem_shared>>)
        tpu.yield
      }) : () -> ()
      %add3A_98 = arith.constant 2 : i32
      %add3A_99 = arith.addi %add3A_91, %add3A_98 : i32
      %lt3A_100 = arith.constant 80 : i32
      %lt3A_101 = arith.cmpi slt, %add3A_99, %lt3A_100 : i32
      %convert_element_type3A_102 = arith.extui %lt3A_101 : i1 to i32
      %cond3A_103 = arith.constant 0 : i32
      %cond3A_104 = arith.cmpi ne, %convert_element_type3A_102, %cond3A_103 : i32
      scf.if %cond3A_104 {
        %dma_start3A_105 = arith.constant 0 : i32
        %dma_start3A_106 = tpu.memref_slice %arg7[%add3A_99, %dma_start3A_105] : memref<80x128xi32, #tpu.memory_space<vmem>> -> memref<1x128xi32, #tpu.memory_space<vmem>>
        %dma_start3A_107 = tpu.memref_squeeze %dma_start3A_106 : memref<1x128xi32, #tpu.memory_space<vmem>> -> memref<128xi32, #tpu.memory_space<vmem>>
        %dma_start3A_108 = arith.constant 0 : i32
        %dma_start3A_109 = arith.constant 0 : i32
        %dma_start3A_110 = tpu.memref_slice %arg10[%dma_start3A_108, %dma_start3A_109] : memref<10112x64xf32, #tpu.memory_space<vmem_shared>> -> memref<10112x64xf32, #tpu.memory_space<vmem_shared>>
        tpu.enqueue_indirect_dma source(%dma_start3A_110 : memref<10112x64xf32, #tpu.memory_space<vmem_shared>>) target(%arg12 : memref<128x64xf32, #tpu.memory_space<vmem>>) offsets(%dma_start3A_107 : memref<128xi32, #tpu.memory_space<vmem>>) semaphore(%arg14 : memref<!tpu.dma_semaphore, #tpu.memory_space<semaphore_mem>>)
      } else {
      }
    }
    %scan3A_67 = arith.constant 40 : i32
    %barrier3A_68 = arith.constant 0 : index
    tpu.barrier barrier_id(%barrier3A_68)
    %mul3A_69 = arith.constant 632 : i32
    %mul3A_70 = arith.muli %arg1, %mul3A_69 : i32
    %mul3A_71 = arith.constant 632 : i32
    %mul3A_72 = arith.muli %arg1, %mul3A_71 : i32
    "tpu.region"() ({
      %run_scoped3A = tpu.sem_alloc : memref<!tpu.dma_semaphore, #tpu.memory_space<semaphore_mem>>
      %dma_start3A_73 = arith.constant 0 : i32
      %dma_start3A_74 = tpu.memref_slice %arg6[%arg0, %mul3A_72, %dma_start3A_73] : memref<2x10112x64xf32, #tpu.memory_space<hbm>> -> memref<1x632x64xf32, #tpu.memory_space<hbm>>
      %dma_start3A_75 = tpu.memref_squeeze %dma_start3A_74 : memref<1x632x64xf32, #tpu.memory_space<hbm>> -> memref<632x64xf32, #tpu.memory_space<hbm>>
      %dma_start3A_76 = arith.constant 0 : i32
      %dma_start3A_77 = tpu.memref_slice %arg9[%mul3A_70, %dma_start3A_76] : memref<10112x64xf32, #tpu.memory_space<vmem_shared>> -> memref<632x64xf32, #tpu.memory_space<vmem_shared>>
      tpu.enqueue_dma source(%dma_start3A_77 : memref<632x64xf32, #tpu.memory_space<vmem_shared>>) target(%dma_start3A_75 : memref<632x64xf32, #tpu.memory_space<hbm>>) target_semaphore(%run_scoped3A : memref<!tpu.dma_semaphore, #tpu.memory_space<semaphore_mem>>)
      %dma_wait3A_78 = arith.constant 0 : i32
      %dma_wait3A_79 = tpu.memref_slice %arg6[%arg0, %mul3A_72, %dma_wait3A_78] : memref<2x10112x64xf32, #tpu.memory_space<hbm>> -> memref<1x632x64xf32, #tpu.memory_space<hbm>>
      %dma_wait3A_80 = tpu.memref_squeeze %dma_wait3A_79 : memref<1x632x64xf32, #tpu.memory_space<hbm>> -> memref<632x64xf32, #tpu.memory_space<hbm>>
      %dma_wait3A_81 = arith.constant 0 : i32
      %dma_wait3A_82 = tpu.memref_slice %arg9[%mul3A_70, %dma_wait3A_81] : memref<10112x64xf32, #tpu.memory_space<vmem_shared>> -> memref<632x64xf32, #tpu.memory_space<vmem_shared>>
      tpu.wait_dma2 semaphore(%run_scoped3A : memref<!tpu.dma_semaphore, #tpu.memory_space<semaphore_mem>>) src(%dma_wait3A_82 : memref<632x64xf32, #tpu.memory_space<vmem_shared>>) dst(%dma_wait3A_80 : memref<632x64xf32, #tpu.memory_space<hbm>>)
      tpu.yield
    }) : () -> ()
    return
  }
}

#map = affine_map<(d0, d1) -> (0, 0)>
#map1 = affine_map<(d0, d1) -> (0, 0, 0)>
module attributes {stable_mosaic.version = 14 : i64} {
  func.func @_sc_scatter(%arg0: i32, %arg1: i32, %arg2: memref<10112x64xf32, #tpu.memory_space<hbm>>, %arg3: memref<32x80x128xi32, #tpu.memory_space<hbm>>, %arg4: memref<32x80x128xi32, #tpu.memory_space<hbm>>, %arg5: memref<128x64xf32, #tpu.memory_space<hbm>>, %arg6: memref<2x10112x64xf32, #tpu.memory_space<hbm>>, %arg7: memref<80x128xi32, #tpu.memory_space<vmem>>, %arg8: memref<80x128xi32, #tpu.memory_space<vmem>>, %arg9: memref<10112x64xf32, #tpu.memory_space<vmem_shared>>, %arg10: memref<10112x64xf32, #tpu.memory_space<vmem_shared>>, %arg11: memref<128x64xf32, #tpu.memory_space<vmem>>, %arg12: memref<128x64xf32, #tpu.memory_space<vmem>>, %arg13: memref<!tpu.dma_semaphore, #tpu.memory_space<semaphore_mem>>, %arg14: memref<!tpu.dma_semaphore, #tpu.memory_space<semaphore_mem>>, %arg15: memref<!tpu.dma_semaphore, #tpu.memory_space<semaphore_mem>>) attributes {dimension_semantics = [#tpu.dimension_semantics<core_parallel>, #tpu.dimension_semantics<subcore_parallel>], iteration_bounds = array<i64: 2, 16>, scalar_prefetch = 0 : i64, scratch_operands = 9 : i64, tpu.core_type = #tpu.core_type<sc_vector_subcore>, window_params = [{transform_indices = #map}, {transform_indices = #map1}, {transform_indices = #map1}, {transform_indices = #map}, {transform_indices = #map1}]} {
    %mul3A = arith.constant 2 : i32
    %mul3A_0 = arith.muli %arg1, %mul3A : i32
    %add3A = arith.addi %mul3A_0, %arg0 : i32
    %mul3A_1 = arith.constant 632 : i32
    %mul3A_2 = arith.muli %arg1, %mul3A_1 : i32
    %mul3A_3 = arith.constant 632 : i32
    %mul3A_4 = arith.muli %arg1, %mul3A_3 : i32
    %dma_start3A = arith.constant 0 : i32
    %dma_start3A_5 = tpu.memref_slice %arg10[%mul3A_4, %dma_start3A] : memref<10112x64xf32, #tpu.memory_space<vmem_shared>> -> memref<632x64xf32, #tpu.memory_space<vmem_shared>>
    %dma_start3A_6 = arith.constant 0 : i32
    %dma_start3A_7 = tpu.memref_slice %arg2[%mul3A_2, %dma_start3A_6] : memref<10112x64xf32, #tpu.memory_space<hbm>> -> memref<632x64xf32, #tpu.memory_space<hbm>>
    tpu.enqueue_dma source(%dma_start3A_7 : memref<632x64xf32, #tpu.memory_space<hbm>>) target(%dma_start3A_5 : memref<632x64xf32, #tpu.memory_space<vmem_shared>>) target_semaphore(%arg15 : memref<!tpu.dma_semaphore, #tpu.memory_space<semaphore_mem>>)
    %dma_start3A_8 = arith.constant 0 : i32
    %dma_start3A_9 = arith.constant 0 : i32
    %dma_start3A_10 = tpu.memref_slice %arg3[%add3A, %dma_start3A_8, %dma_start3A_9] : memref<32x80x128xi32, #tpu.memory_space<hbm>> -> memref<1x80x128xi32, #tpu.memory_space<hbm>>
    %dma_start3A_11 = tpu.memref_squeeze %dma_start3A_10 : memref<1x80x128xi32, #tpu.memory_space<hbm>> -> memref<80x128xi32, #tpu.memory_space<hbm>>
    %dma_start3A_12 = arith.constant 0 : i32
    %dma_start3A_13 = arith.constant 0 : i32
    %dma_start3A_14 = tpu.memref_slice %arg3[%add3A, %dma_start3A_12, %dma_start3A_13] : memref<32x80x128xi32, #tpu.memory_space<hbm>> -> memref<1x80x128xi32, #tpu.memory_space<hbm>>
    %dma_start3A_15 = tpu.memref_squeeze %dma_start3A_14 : memref<1x80x128xi32, #tpu.memory_space<hbm>> -> memref<80x128xi32, #tpu.memory_space<hbm>>
    tpu.enqueue_dma source(%dma_start3A_15 : memref<80x128xi32, #tpu.memory_space<hbm>>) target(%arg7 : memref<80x128xi32, #tpu.memory_space<vmem>>) target_semaphore(%arg15 : memref<!tpu.dma_semaphore, #tpu.memory_space<semaphore_mem>>)
    %dma_start3A_16 = arith.constant 0 : i32
    %dma_start3A_17 = arith.constant 0 : i32
    %dma_start3A_18 = tpu.memref_slice %arg4[%add3A, %dma_start3A_16, %dma_start3A_17] : memref<32x80x128xi32, #tpu.memory_space<hbm>> -> memref<1x80x128xi32, #tpu.memory_space<hbm>>
    %dma_start3A_19 = tpu.memref_squeeze %dma_start3A_18 : memref<1x80x128xi32, #tpu.memory_space<hbm>> -> memref<80x128xi32, #tpu.memory_space<hbm>>
    %dma_start3A_20 = arith.constant 0 : i32
    %dma_start3A_21 = arith.constant 0 : i32
    %dma_start3A_22 = tpu.memref_slice %arg4[%add3A, %dma_start3A_20, %dma_start3A_21] : memref<32x80x128xi32, #tpu.memory_space<hbm>> -> memref<1x80x128xi32, #tpu.memory_space<hbm>>
    %dma_start3A_23 = tpu.memref_squeeze %dma_start3A_22 : memref<1x80x128xi32, #tpu.memory_space<hbm>> -> memref<80x128xi32, #tpu.memory_space<hbm>>
    tpu.enqueue_dma source(%dma_start3A_23 : memref<80x128xi32, #tpu.memory_space<hbm>>) target(%arg8 : memref<80x128xi32, #tpu.memory_space<vmem>>) target_semaphore(%arg15 : memref<!tpu.dma_semaphore, #tpu.memory_space<semaphore_mem>>)
    %scan3A = arith.constant 0 : i32
    %scan3A_24 = arith.constant 0 : i32
    %scan3A_25 = arith.constant 5 : i32
    %scan3A_26 = arith.addi %scan3A_24, %scan3A_25 : i32
    %scan3A_27 = arith.constant 1 : i32
    scf.for %scan3A_73 = %scan3A_24 to %scan3A_26 step %scan3A_27  : i32 {
      %mul3A_74 = arith.constant 16 : i32
      %mul3A_75 = arith.muli %mul3A_74, %scan3A_73 : i32
      %add3A_76 = arith.addi %arg1, %mul3A_75 : i32
      %mul3A_77 = arith.constant 128 : i32
      %mul3A_78 = arith.muli %add3A_76, %mul3A_77 : i32
      %lt3A = arith.constant 10112 : i32
      %lt3A_79 = arith.cmpi slt, %mul3A_78, %lt3A : i32
      %convert_element_type3A = arith.extui %lt3A_79 : i1 to i32
      %cond3A = arith.constant 0 : i32
      %cond3A_80 = arith.cmpi ne, %convert_element_type3A, %cond3A : i32
      scf.if %cond3A_80 {
        "tpu.region"() ({
          %run_scoped3A = tpu.sem_alloc : memref<!tpu.dma_semaphore, #tpu.memory_space<semaphore_mem>>
          %dma_start3A_81 = arith.constant 0 : i32
          %dma_start3A_82 = tpu.memref_slice %arg9[%mul3A_78, %dma_start3A_81] : memref<10112x64xf32, #tpu.memory_space<vmem_shared>> -> memref<128x64xf32, #tpu.memory_space<vmem_shared>>
          tpu.enqueue_dma source(%arg5 : memref<128x64xf32, #tpu.memory_space<hbm>>) target(%dma_start3A_82 : memref<128x64xf32, #tpu.memory_space<vmem_shared>>) target_semaphore(%run_scoped3A : memref<!tpu.dma_semaphore, #tpu.memory_space<semaphore_mem>>)
          %dma_wait3A_83 = arith.constant 0 : i32
          %dma_wait3A_84 = tpu.memref_slice %arg9[%mul3A_78, %dma_wait3A_83] : memref<10112x64xf32, #tpu.memory_space<vmem_shared>> -> memref<128x64xf32, #tpu.memory_space<vmem_shared>>
          tpu.wait_dma2 semaphore(%run_scoped3A : memref<!tpu.dma_semaphore, #tpu.memory_space<semaphore_mem>>) src(%arg5 : memref<128x64xf32, #tpu.memory_space<hbm>>) dst(%dma_wait3A_84 : memref<128x64xf32, #tpu.memory_space<vmem_shared>>)
          tpu.yield
        }) : () -> ()
      } else {
      }
    }
    %scan3A_28 = arith.constant 5 : i32
    %dma_wait3A = arith.constant 0 : i32
    %dma_wait3A_29 = tpu.memref_slice %arg10[%mul3A_4, %dma_wait3A] : memref<10112x64xf32, #tpu.memory_space<vmem_shared>> -> memref<632x64xf32, #tpu.memory_space<vmem_shared>>
    %dma_wait3A_30 = arith.constant 0 : i32
    %dma_wait3A_31 = tpu.memref_slice %arg2[%mul3A_2, %dma_wait3A_30] : memref<10112x64xf32, #tpu.memory_space<hbm>> -> memref<632x64xf32, #tpu.memory_space<hbm>>
    tpu.wait_dma2 semaphore(%arg15 : memref<!tpu.dma_semaphore, #tpu.memory_space<semaphore_mem>>) src(%dma_wait3A_31 : memref<632x64xf32, #tpu.memory_space<hbm>>) dst(%dma_wait3A_29 : memref<632x64xf32, #tpu.memory_space<vmem_shared>>)
    %dma_wait3A_32 = arith.constant 0 : i32
    %dma_wait3A_33 = arith.constant 0 : i32
    %dma_wait3A_34 = tpu.memref_slice %arg3[%add3A, %dma_wait3A_32, %dma_wait3A_33] : memref<32x80x128xi32, #tpu.memory_space<hbm>> -> memref<1x80x128xi32, #tpu.memory_space<hbm>>
    %dma_wait3A_35 = tpu.memref_squeeze %dma_wait3A_34 : memref<1x80x128xi32, #tpu.memory_space<hbm>> -> memref<80x128xi32, #tpu.memory_space<hbm>>
    %dma_wait3A_36 = arith.constant 0 : i32
    %dma_wait3A_37 = arith.constant 0 : i32
    %dma_wait3A_38 = tpu.memref_slice %arg3[%add3A, %dma_wait3A_36, %dma_wait3A_37] : memref<32x80x128xi32, #tpu.memory_space<hbm>> -> memref<1x80x128xi32, #tpu.memory_space<hbm>>
    %dma_wait3A_39 = tpu.memref_squeeze %dma_wait3A_38 : memref<1x80x128xi32, #tpu.memory_space<hbm>> -> memref<80x128xi32, #tpu.memory_space<hbm>>
    tpu.wait_dma2 semaphore(%arg15 : memref<!tpu.dma_semaphore, #tpu.memory_space<semaphore_mem>>) src(%dma_wait3A_39 : memref<80x128xi32, #tpu.memory_space<hbm>>) dst(%arg7 : memref<80x128xi32, #tpu.memory_space<vmem>>)
    %dma_wait3A_40 = arith.constant 0 : i32
    %dma_wait3A_41 = arith.constant 0 : i32
    %dma_wait3A_42 = tpu.memref_slice %arg4[%add3A, %dma_wait3A_40, %dma_wait3A_41] : memref<32x80x128xi32, #tpu.memory_space<hbm>> -> memref<1x80x128xi32, #tpu.memory_space<hbm>>
    %dma_wait3A_43 = tpu.memref_squeeze %dma_wait3A_42 : memref<1x80x128xi32, #tpu.memory_space<hbm>> -> memref<80x128xi32, #tpu.memory_space<hbm>>
    %dma_wait3A_44 = arith.constant 0 : i32
    %dma_wait3A_45 = arith.constant 0 : i32
    %dma_wait3A_46 = tpu.memref_slice %arg4[%add3A, %dma_wait3A_44, %dma_wait3A_45] : memref<32x80x128xi32, #tpu.memory_space<hbm>> -> memref<1x80x128xi32, #tpu.memory_space<hbm>>
    %dma_wait3A_47 = tpu.memref_squeeze %dma_wait3A_46 : memref<1x80x128xi32, #tpu.memory_space<hbm>> -> memref<80x128xi32, #tpu.memory_space<hbm>>
    tpu.wait_dma2 semaphore(%arg15 : memref<!tpu.dma_semaphore, #tpu.memory_space<semaphore_mem>>) src(%dma_wait3A_47 : memref<80x128xi32, #tpu.memory_space<hbm>>) dst(%arg8 : memref<80x128xi32, #tpu.memory_space<vmem>>)
    %barrier3A = arith.constant 0 : index
    tpu.barrier barrier_id(%barrier3A)
    %dma_start3A_48 = arith.constant 0 : i32
    %dma_start3A_49 = arith.constant 0 : i32
    %dma_start3A_50 = tpu.memref_slice %arg7[%dma_start3A_48, %dma_start3A_49] : memref<80x128xi32, #tpu.memory_space<vmem>> -> memref<1x128xi32, #tpu.memory_space<vmem>>
    %dma_start3A_51 = tpu.memref_squeeze %dma_start3A_50 : memref<1x128xi32, #tpu.memory_space<vmem>> -> memref<128xi32, #tpu.memory_space<vmem>>
    %dma_start3A_52 = arith.constant 0 : i32
    %dma_start3A_53 = arith.constant 0 : i32
    %dma_start3A_54 = tpu.memref_slice %arg10[%dma_start3A_52, %dma_start3A_53] : memref<10112x64xf32, #tpu.memory_space<vmem_shared>> -> memref<10112x64xf32, #tpu.memory_space<vmem_shared>>
    tpu.enqueue_indirect_dma source(%dma_start3A_54 : memref<10112x64xf32, #tpu.memory_space<vmem_shared>>) target(%arg11 : memref<128x64xf32, #tpu.memory_space<vmem>>) offsets(%dma_start3A_51 : memref<128xi32, #tpu.memory_space<vmem>>) semaphore(%arg13 : memref<!tpu.dma_semaphore, #tpu.memory_space<semaphore_mem>>)
    %dma_start3A_55 = arith.constant 1 : i32
    %dma_start3A_56 = arith.constant 0 : i32
    %dma_start3A_57 = tpu.memref_slice %arg7[%dma_start3A_55, %dma_start3A_56] : memref<80x128xi32, #tpu.memory_space<vmem>> -> memref<1x128xi32, #tpu.memory_space<vmem>>
    %dma_start3A_58 = tpu.memref_squeeze %dma_start3A_57 : memref<1x128xi32, #tpu.memory_space<vmem>> -> memref<128xi32, #tpu.memory_space<vmem>>
    %dma_start3A_59 = arith.constant 0 : i32
    %dma_start3A_60 = arith.constant 0 : i32
    %dma_start3A_61 = tpu.memref_slice %arg10[%dma_start3A_59, %dma_start3A_60] : memref<10112x64xf32, #tpu.memory_space<vmem_shared>> -> memref<10112x64xf32, #tpu.memory_space<vmem_shared>>
    tpu.enqueue_indirect_dma source(%dma_start3A_61 : memref<10112x64xf32, #tpu.memory_space<vmem_shared>>) target(%arg12 : memref<128x64xf32, #tpu.memory_space<vmem>>) offsets(%dma_start3A_58 : memref<128xi32, #tpu.memory_space<vmem>>) semaphore(%arg14 : memref<!tpu.dma_semaphore, #tpu.memory_space<semaphore_mem>>)
    %scan3A_62 = arith.constant 0 : i32
    %scan3A_63 = arith.constant 0 : i32
    %scan3A_64 = arith.constant 40 : i32
    %scan3A_65 = arith.addi %scan3A_63, %scan3A_64 : i32
    %scan3A_66 = arith.constant 1 : i32
    scf.for %scan3A_73 = %scan3A_63 to %scan3A_65 step %scan3A_66  : i32 {
      %mul3A_74 = arith.constant 2 : i32
      %mul3A_75 = arith.muli %scan3A_73, %mul3A_74 : i32
      %add3A_76 = arith.constant 0 : i32
      %add3A_77 = arith.addi %mul3A_75, %add3A_76 : i32
      %dma_wait3A_78 = arith.constant 0 : i32
      %dma_wait3A_79 = tpu.memref_slice %arg7[%add3A_77, %dma_wait3A_78] : memref<80x128xi32, #tpu.memory_space<vmem>> -> memref<1x128xi32, #tpu.memory_space<vmem>>
      %dma_wait3A_80 = tpu.memref_squeeze %dma_wait3A_79 : memref<1x128xi32, #tpu.memory_space<vmem>> -> memref<128xi32, #tpu.memory_space<vmem>>
      %dma_wait3A_81 = arith.constant 0 : i32
      %dma_wait3A_82 = arith.constant 0 : i32
      %dma_wait3A_83 = tpu.memref_slice %arg10[%dma_wait3A_81, %dma_wait3A_82] : memref<10112x64xf32, #tpu.memory_space<vmem_shared>> -> memref<10112x64xf32, #tpu.memory_space<vmem_shared>>
      tpu.wait_indirect_dma semaphore(%arg13 : memref<!tpu.dma_semaphore, #tpu.memory_space<semaphore_mem>>) src(%dma_wait3A_83 : memref<10112x64xf32, #tpu.memory_space<vmem_shared>>) dst(%arg11 : memref<128x64xf32, #tpu.memory_space<vmem>>)
      "tpu.region"() ({
        %run_scoped3A = tpu.sem_alloc : memref<!tpu.dma_semaphore, #tpu.memory_space<semaphore_mem>>
        %dma_start3A_105 = arith.constant 0 : i32
        %dma_start3A_106 = tpu.memref_slice %arg8[%add3A_77, %dma_start3A_105] : memref<80x128xi32, #tpu.memory_space<vmem>> -> memref<1x128xi32, #tpu.memory_space<vmem>>
        %dma_start3A_107 = tpu.memref_squeeze %dma_start3A_106 : memref<1x128xi32, #tpu.memory_space<vmem>> -> memref<128xi32, #tpu.memory_space<vmem>>
        %dma_start3A_108 = arith.constant 0 : i32
        %dma_start3A_109 = arith.constant 0 : i32
        %dma_start3A_110 = tpu.memref_slice %arg9[%dma_start3A_108, %dma_start3A_109] : memref<10112x64xf32, #tpu.memory_space<vmem_shared>> -> memref<10112x64xf32, #tpu.memory_space<vmem_shared>>
        tpu.enqueue_indirect_dma source(%arg11 : memref<128x64xf32, #tpu.memory_space<vmem>>) target(%dma_start3A_110 : memref<10112x64xf32, #tpu.memory_space<vmem_shared>>) offsets(%dma_start3A_107 : memref<128xi32, #tpu.memory_space<vmem>>) semaphore(%run_scoped3A : memref<!tpu.dma_semaphore, #tpu.memory_space<semaphore_mem>>) {add = true}
        %dma_wait3A_111 = arith.constant 0 : i32
        %dma_wait3A_112 = tpu.memref_slice %arg8[%add3A_77, %dma_wait3A_111] : memref<80x128xi32, #tpu.memory_space<vmem>> -> memref<1x128xi32, #tpu.memory_space<vmem>>
        %dma_wait3A_113 = tpu.memref_squeeze %dma_wait3A_112 : memref<1x128xi32, #tpu.memory_space<vmem>> -> memref<128xi32, #tpu.memory_space<vmem>>
        %dma_wait3A_114 = arith.constant 0 : i32
        %dma_wait3A_115 = arith.constant 0 : i32
        %dma_wait3A_116 = tpu.memref_slice %arg9[%dma_wait3A_114, %dma_wait3A_115] : memref<10112x64xf32, #tpu.memory_space<vmem_shared>> -> memref<10112x64xf32, #tpu.memory_space<vmem_shared>>
        tpu.wait_indirect_dma semaphore(%run_scoped3A : memref<!tpu.dma_semaphore, #tpu.memory_space<semaphore_mem>>) src(%arg11 : memref<128x64xf32, #tpu.memory_space<vmem>>) dst(%dma_wait3A_116 : memref<10112x64xf32, #tpu.memory_space<vmem_shared>>)
        tpu.yield
      }) : () -> ()
      %add3A_84 = arith.constant 2 : i32
      %add3A_85 = arith.addi %add3A_77, %add3A_84 : i32
      %lt3A = arith.constant 80 : i32
      %lt3A_86 = arith.cmpi slt, %add3A_85, %lt3A : i32
      %convert_element_type3A = arith.extui %lt3A_86 : i1 to i32
      %cond3A = arith.constant 0 : i32
      %cond3A_87 = arith.cmpi ne, %convert_element_type3A, %cond3A : i32
      scf.if %cond3A_87 {
        %dma_start3A_105 = arith.constant 0 : i32
        %dma_start3A_106 = tpu.memref_slice %arg7[%add3A_85, %dma_start3A_105] : memref<80x128xi32, #tpu.memory_space<vmem>> -> memref<1x128xi32, #tpu.memory_space<vmem>>
        %dma_start3A_107 = tpu.memref_squeeze %dma_start3A_106 : memref<1x128xi32, #tpu.memory_space<vmem>> -> memref<128xi32, #tpu.memory_space<vmem>>
        %dma_start3A_108 = arith.constant 0 : i32
        %dma_start3A_109 = arith.constant 0 : i32
        %dma_start3A_110 = tpu.memref_slice %arg10[%dma_start3A_108, %dma_start3A_109] : memref<10112x64xf32, #tpu.memory_space<vmem_shared>> -> memref<10112x64xf32, #tpu.memory_space<vmem_shared>>
        tpu.enqueue_indirect_dma source(%dma_start3A_110 : memref<10112x64xf32, #tpu.memory_space<vmem_shared>>) target(%arg11 : memref<128x64xf32, #tpu.memory_space<vmem>>) offsets(%dma_start3A_107 : memref<128xi32, #tpu.memory_space<vmem>>) semaphore(%arg13 : memref<!tpu.dma_semaphore, #tpu.memory_space<semaphore_mem>>)
      } else {
      }
      %mul3A_88 = arith.constant 2 : i32
      %mul3A_89 = arith.muli %scan3A_73, %mul3A_88 : i32
      %add3A_90 = arith.constant 1 : i32
      %add3A_91 = arith.addi %mul3A_89, %add3A_90 : i32
      %dma_wait3A_92 = arith.constant 0 : i32
      %dma_wait3A_93 = tpu.memref_slice %arg7[%add3A_91, %dma_wait3A_92] : memref<80x128xi32, #tpu.memory_space<vmem>> -> memref<1x128xi32, #tpu.memory_space<vmem>>
      %dma_wait3A_94 = tpu.memref_squeeze %dma_wait3A_93 : memref<1x128xi32, #tpu.memory_space<vmem>> -> memref<128xi32, #tpu.memory_space<vmem>>
      %dma_wait3A_95 = arith.constant 0 : i32
      %dma_wait3A_96 = arith.constant 0 : i32
      %dma_wait3A_97 = tpu.memref_slice %arg10[%dma_wait3A_95, %dma_wait3A_96] : memref<10112x64xf32, #tpu.memory_space<vmem_shared>> -> memref<10112x64xf32, #tpu.memory_space<vmem_shared>>
      tpu.wait_indirect_dma semaphore(%arg14 : memref<!tpu.dma_semaphore, #tpu.memory_space<semaphore_mem>>) src(%dma_wait3A_97 : memref<10112x64xf32, #tpu.memory_space<vmem_shared>>) dst(%arg12 : memref<128x64xf32, #tpu.memory_space<vmem>>)
      "tpu.region"() ({
        %run_scoped3A = tpu.sem_alloc : memref<!tpu.dma_semaphore, #tpu.memory_space<semaphore_mem>>
        %dma_start3A_105 = arith.constant 0 : i32
        %dma_start3A_106 = tpu.memref_slice %arg8[%add3A_91, %dma_start3A_105] : memref<80x128xi32, #tpu.memory_space<vmem>> -> memref<1x128xi32, #tpu.memory_space<vmem>>
        %dma_start3A_107 = tpu.memref_squeeze %dma_start3A_106 : memref<1x128xi32, #tpu.memory_space<vmem>> -> memref<128xi32, #tpu.memory_space<vmem>>
        %dma_start3A_108 = arith.constant 0 : i32
        %dma_start3A_109 = arith.constant 0 : i32
        %dma_start3A_110 = tpu.memref_slice %arg9[%dma_start3A_108, %dma_start3A_109] : memref<10112x64xf32, #tpu.memory_space<vmem_shared>> -> memref<10112x64xf32, #tpu.memory_space<vmem_shared>>
        tpu.enqueue_indirect_dma source(%arg12 : memref<128x64xf32, #tpu.memory_space<vmem>>) target(%dma_start3A_110 : memref<10112x64xf32, #tpu.memory_space<vmem_shared>>) offsets(%dma_start3A_107 : memref<128xi32, #tpu.memory_space<vmem>>) semaphore(%run_scoped3A : memref<!tpu.dma_semaphore, #tpu.memory_space<semaphore_mem>>) {add = true}
        %dma_wait3A_111 = arith.constant 0 : i32
        %dma_wait3A_112 = tpu.memref_slice %arg8[%add3A_91, %dma_wait3A_111] : memref<80x128xi32, #tpu.memory_space<vmem>> -> memref<1x128xi32, #tpu.memory_space<vmem>>
        %dma_wait3A_113 = tpu.memref_squeeze %dma_wait3A_112 : memref<1x128xi32, #tpu.memory_space<vmem>> -> memref<128xi32, #tpu.memory_space<vmem>>
        %dma_wait3A_114 = arith.constant 0 : i32
        %dma_wait3A_115 = arith.constant 0 : i32
        %dma_wait3A_116 = tpu.memref_slice %arg9[%dma_wait3A_114, %dma_wait3A_115] : memref<10112x64xf32, #tpu.memory_space<vmem_shared>> -> memref<10112x64xf32, #tpu.memory_space<vmem_shared>>
        tpu.wait_indirect_dma semaphore(%run_scoped3A : memref<!tpu.dma_semaphore, #tpu.memory_space<semaphore_mem>>) src(%arg12 : memref<128x64xf32, #tpu.memory_space<vmem>>) dst(%dma_wait3A_116 : memref<10112x64xf32, #tpu.memory_space<vmem_shared>>)
        tpu.yield
      }) : () -> ()
      %add3A_98 = arith.constant 2 : i32
      %add3A_99 = arith.addi %add3A_91, %add3A_98 : i32
      %lt3A_100 = arith.constant 80 : i32
      %lt3A_101 = arith.cmpi slt, %add3A_99, %lt3A_100 : i32
      %convert_element_type3A_102 = arith.extui %lt3A_101 : i1 to i32
      %cond3A_103 = arith.constant 0 : i32
      %cond3A_104 = arith.cmpi ne, %convert_element_type3A_102, %cond3A_103 : i32
      scf.if %cond3A_104 {
        %dma_start3A_105 = arith.constant 0 : i32
        %dma_start3A_106 = tpu.memref_slice %arg7[%add3A_99, %dma_start3A_105] : memref<80x128xi32, #tpu.memory_space<vmem>> -> memref<1x128xi32, #tpu.memory_space<vmem>>
        %dma_start3A_107 = tpu.memref_squeeze %dma_start3A_106 : memref<1x128xi32, #tpu.memory_space<vmem>> -> memref<128xi32, #tpu.memory_space<vmem>>
        %dma_start3A_108 = arith.constant 0 : i32
        %dma_start3A_109 = arith.constant 0 : i32
        %dma_start3A_110 = tpu.memref_slice %arg10[%dma_start3A_108, %dma_start3A_109] : memref<10112x64xf32, #tpu.memory_space<vmem_shared>> -> memref<10112x64xf32, #tpu.memory_space<vmem_shared>>
        tpu.enqueue_indirect_dma source(%dma_start3A_110 : memref<10112x64xf32, #tpu.memory_space<vmem_shared>>) target(%arg12 : memref<128x64xf32, #tpu.memory_space<vmem>>) offsets(%dma_start3A_107 : memref<128xi32, #tpu.memory_space<vmem>>) semaphore(%arg14 : memref<!tpu.dma_semaphore, #tpu.memory_space<semaphore_mem>>)
      } else {
      }
    }
    %scan3A_67 = arith.constant 40 : i32
    %barrier3A_68 = arith.constant 0 : index
    tpu.barrier barrier_id(%barrier3A_68)
    %mul3A_69 = arith.constant 632 : i32
    %mul3A_70 = arith.muli %arg1, %mul3A_69 : i32
    %mul3A_71 = arith.constant 632 : i32
    %mul3A_72 = arith.muli %arg1, %mul3A_71 : i32
    "tpu.region"() ({
      %run_scoped3A = tpu.sem_alloc : memref<!tpu.dma_semaphore, #tpu.memory_space<semaphore_mem>>
      %dma_start3A_73 = arith.constant 0 : i32
      %dma_start3A_74 = tpu.memref_slice %arg6[%arg0, %mul3A_72, %dma_start3A_73] : memref<2x10112x64xf32, #tpu.memory_space<hbm>> -> memref<1x632x64xf32, #tpu.memory_space<hbm>>
      %dma_start3A_75 = tpu.memref_squeeze %dma_start3A_74 : memref<1x632x64xf32, #tpu.memory_space<hbm>> -> memref<632x64xf32, #tpu.memory_space<hbm>>
      %dma_start3A_76 = arith.constant 0 : i32
      %dma_start3A_77 = tpu.memref_slice %arg9[%mul3A_70, %dma_start3A_76] : memref<10112x64xf32, #tpu.memory_space<vmem_shared>> -> memref<632x64xf32, #tpu.memory_space<vmem_shared>>
      tpu.enqueue_dma source(%dma_start3A_77 : memref<632x64xf32, #tpu.memory_space<vmem_shared>>) target(%dma_start3A_75 : memref<632x64xf32, #tpu.memory_space<hbm>>) target_semaphore(%run_scoped3A : memref<!tpu.dma_semaphore, #tpu.memory_space<semaphore_mem>>)
      %dma_wait3A_78 = arith.constant 0 : i32
      %dma_wait3A_79 = tpu.memref_slice %arg6[%arg0, %mul3A_72, %dma_wait3A_78] : memref<2x10112x64xf32, #tpu.memory_space<hbm>> -> memref<1x632x64xf32, #tpu.memory_space<hbm>>
      %dma_wait3A_80 = tpu.memref_squeeze %dma_wait3A_79 : memref<1x632x64xf32, #tpu.memory_space<hbm>> -> memref<632x64xf32, #tpu.memory_space<hbm>>
      %dma_wait3A_81 = arith.constant 0 : i32
      %dma_wait3A_82 = tpu.memref_slice %arg9[%mul3A_70, %dma_wait3A_81] : memref<10112x64xf32, #tpu.memory_space<vmem_shared>> -> memref<632x64xf32, #tpu.memory_space<vmem_shared>>
      tpu.wait_dma2 semaphore(%run_scoped3A : memref<!tpu.dma_semaphore, #tpu.memory_space<semaphore_mem>>) src(%dma_wait3A_82 : memref<632x64xf32, #tpu.memory_space<vmem_shared>>) dst(%dma_wait3A_80 : memref<632x64xf32, #tpu.memory_space<hbm>>)
      tpu.yield
    }) : () -> ()
    return
  }
}

#map = affine_map<(d0, d1) -> (0, 0)>
#map1 = affine_map<(d0, d1) -> (0, 0, 0)>
module attributes {stable_mosaic.version = 14 : i64} {
  func.func @_sc_scatter(%arg0: i32, %arg1: i32, %arg2: memref<10112x64xf32, #tpu.memory_space<hbm>>, %arg3: memref<32x80x128xi32, #tpu.memory_space<hbm>>, %arg4: memref<32x80x128xi32, #tpu.memory_space<hbm>>, %arg5: memref<128x64xf32, #tpu.memory_space<hbm>>, %arg6: memref<2x10112x64xf32, #tpu.memory_space<hbm>>, %arg7: memref<80x128xi32, #tpu.memory_space<vmem>>, %arg8: memref<80x128xi32, #tpu.memory_space<vmem>>, %arg9: memref<10112x64xf32, #tpu.memory_space<vmem_shared>>, %arg10: memref<10112x64xf32, #tpu.memory_space<vmem_shared>>, %arg11: memref<128x64xf32, #tpu.memory_space<vmem>>, %arg12: memref<128x64xf32, #tpu.memory_space<vmem>>, %arg13: memref<!tpu.dma_semaphore, #tpu.memory_space<semaphore_mem>>, %arg14: memref<!tpu.dma_semaphore, #tpu.memory_space<semaphore_mem>>, %arg15: memref<!tpu.dma_semaphore, #tpu.memory_space<semaphore_mem>>) attributes {dimension_semantics = [#tpu.dimension_semantics<core_parallel>, #tpu.dimension_semantics<subcore_parallel>], iteration_bounds = array<i64: 2, 16>, scalar_prefetch = 0 : i64, scratch_operands = 9 : i64, tpu.core_type = #tpu.core_type<sc_vector_subcore>, window_params = [{transform_indices = #map}, {transform_indices = #map1}, {transform_indices = #map1}, {transform_indices = #map}, {transform_indices = #map1}]} {
    %mul3A = arith.constant 2 : i32
    %mul3A_0 = arith.muli %arg1, %mul3A : i32
    %add3A = arith.addi %mul3A_0, %arg0 : i32
    %mul3A_1 = arith.constant 632 : i32
    %mul3A_2 = arith.muli %arg1, %mul3A_1 : i32
    %mul3A_3 = arith.constant 632 : i32
    %mul3A_4 = arith.muli %arg1, %mul3A_3 : i32
    %dma_start3A = arith.constant 0 : i32
    %dma_start3A_5 = tpu.memref_slice %arg10[%mul3A_4, %dma_start3A] : memref<10112x64xf32, #tpu.memory_space<vmem_shared>> -> memref<632x64xf32, #tpu.memory_space<vmem_shared>>
    %dma_start3A_6 = arith.constant 0 : i32
    %dma_start3A_7 = tpu.memref_slice %arg2[%mul3A_2, %dma_start3A_6] : memref<10112x64xf32, #tpu.memory_space<hbm>> -> memref<632x64xf32, #tpu.memory_space<hbm>>
    tpu.enqueue_dma source(%dma_start3A_7 : memref<632x64xf32, #tpu.memory_space<hbm>>) target(%dma_start3A_5 : memref<632x64xf32, #tpu.memory_space<vmem_shared>>) target_semaphore(%arg15 : memref<!tpu.dma_semaphore, #tpu.memory_space<semaphore_mem>>)
    %dma_start3A_8 = arith.constant 0 : i32
    %dma_start3A_9 = arith.constant 0 : i32
    %dma_start3A_10 = tpu.memref_slice %arg3[%add3A, %dma_start3A_8, %dma_start3A_9] : memref<32x80x128xi32, #tpu.memory_space<hbm>> -> memref<1x80x128xi32, #tpu.memory_space<hbm>>
    %dma_start3A_11 = tpu.memref_squeeze %dma_start3A_10 : memref<1x80x128xi32, #tpu.memory_space<hbm>> -> memref<80x128xi32, #tpu.memory_space<hbm>>
    %dma_start3A_12 = arith.constant 0 : i32
    %dma_start3A_13 = arith.constant 0 : i32
    %dma_start3A_14 = tpu.memref_slice %arg3[%add3A, %dma_start3A_12, %dma_start3A_13] : memref<32x80x128xi32, #tpu.memory_space<hbm>> -> memref<1x80x128xi32, #tpu.memory_space<hbm>>
    %dma_start3A_15 = tpu.memref_squeeze %dma_start3A_14 : memref<1x80x128xi32, #tpu.memory_space<hbm>> -> memref<80x128xi32, #tpu.memory_space<hbm>>
    tpu.enqueue_dma source(%dma_start3A_15 : memref<80x128xi32, #tpu.memory_space<hbm>>) target(%arg7 : memref<80x128xi32, #tpu.memory_space<vmem>>) target_semaphore(%arg15 : memref<!tpu.dma_semaphore, #tpu.memory_space<semaphore_mem>>)
    %dma_start3A_16 = arith.constant 0 : i32
    %dma_start3A_17 = arith.constant 0 : i32
    %dma_start3A_18 = tpu.memref_slice %arg4[%add3A, %dma_start3A_16, %dma_start3A_17] : memref<32x80x128xi32, #tpu.memory_space<hbm>> -> memref<1x80x128xi32, #tpu.memory_space<hbm>>
    %dma_start3A_19 = tpu.memref_squeeze %dma_start3A_18 : memref<1x80x128xi32, #tpu.memory_space<hbm>> -> memref<80x128xi32, #tpu.memory_space<hbm>>
    %dma_start3A_20 = arith.constant 0 : i32
    %dma_start3A_21 = arith.constant 0 : i32
    %dma_start3A_22 = tpu.memref_slice %arg4[%add3A, %dma_start3A_20, %dma_start3A_21] : memref<32x80x128xi32, #tpu.memory_space<hbm>> -> memref<1x80x128xi32, #tpu.memory_space<hbm>>
    %dma_start3A_23 = tpu.memref_squeeze %dma_start3A_22 : memref<1x80x128xi32, #tpu.memory_space<hbm>> -> memref<80x128xi32, #tpu.memory_space<hbm>>
    tpu.enqueue_dma source(%dma_start3A_23 : memref<80x128xi32, #tpu.memory_space<hbm>>) target(%arg8 : memref<80x128xi32, #tpu.memory_space<vmem>>) target_semaphore(%arg15 : memref<!tpu.dma_semaphore, #tpu.memory_space<semaphore_mem>>)
    %scan3A = arith.constant 0 : i32
    %scan3A_24 = arith.constant 0 : i32
    %scan3A_25 = arith.constant 5 : i32
    %scan3A_26 = arith.addi %scan3A_24, %scan3A_25 : i32
    %scan3A_27 = arith.constant 1 : i32
    scf.for %scan3A_73 = %scan3A_24 to %scan3A_26 step %scan3A_27  : i32 {
      %mul3A_74 = arith.constant 16 : i32
      %mul3A_75 = arith.muli %mul3A_74, %scan3A_73 : i32
      %add3A_76 = arith.addi %arg1, %mul3A_75 : i32
      %mul3A_77 = arith.constant 128 : i32
      %mul3A_78 = arith.muli %add3A_76, %mul3A_77 : i32
      %lt3A = arith.constant 10112 : i32
      %lt3A_79 = arith.cmpi slt, %mul3A_78, %lt3A : i32
      %convert_element_type3A = arith.extui %lt3A_79 : i1 to i32
      %cond3A = arith.constant 0 : i32
      %cond3A_80 = arith.cmpi ne, %convert_element_type3A, %cond3A : i32
      scf.if %cond3A_80 {
        "tpu.region"() ({
          %run_scoped3A = tpu.sem_alloc : memref<!tpu.dma_semaphore, #tpu.memory_space<semaphore_mem>>
          %dma_start3A_81 = arith.constant 0 : i32
          %dma_start3A_82 = tpu.memref_slice %arg9[%mul3A_78, %dma_start3A_81] : memref<10112x64xf32, #tpu.memory_space<vmem_shared>> -> memref<128x64xf32, #tpu.memory_space<vmem_shared>>
          tpu.enqueue_dma source(%arg5 : memref<128x64xf32, #tpu.memory_space<hbm>>) target(%dma_start3A_82 : memref<128x64xf32, #tpu.memory_space<vmem_shared>>) target_semaphore(%run_scoped3A : memref<!tpu.dma_semaphore, #tpu.memory_space<semaphore_mem>>)
          %dma_wait3A_83 = arith.constant 0 : i32
          %dma_wait3A_84 = tpu.memref_slice %arg9[%mul3A_78, %dma_wait3A_83] : memref<10112x64xf32, #tpu.memory_space<vmem_shared>> -> memref<128x64xf32, #tpu.memory_space<vmem_shared>>
          tpu.wait_dma2 semaphore(%run_scoped3A : memref<!tpu.dma_semaphore, #tpu.memory_space<semaphore_mem>>) src(%arg5 : memref<128x64xf32, #tpu.memory_space<hbm>>) dst(%dma_wait3A_84 : memref<128x64xf32, #tpu.memory_space<vmem_shared>>)
          tpu.yield
        }) : () -> ()
      } else {
      }
    }
    %scan3A_28 = arith.constant 5 : i32
    %dma_wait3A = arith.constant 0 : i32
    %dma_wait3A_29 = tpu.memref_slice %arg10[%mul3A_4, %dma_wait3A] : memref<10112x64xf32, #tpu.memory_space<vmem_shared>> -> memref<632x64xf32, #tpu.memory_space<vmem_shared>>
    %dma_wait3A_30 = arith.constant 0 : i32
    %dma_wait3A_31 = tpu.memref_slice %arg2[%mul3A_2, %dma_wait3A_30] : memref<10112x64xf32, #tpu.memory_space<hbm>> -> memref<632x64xf32, #tpu.memory_space<hbm>>
    tpu.wait_dma2 semaphore(%arg15 : memref<!tpu.dma_semaphore, #tpu.memory_space<semaphore_mem>>) src(%dma_wait3A_31 : memref<632x64xf32, #tpu.memory_space<hbm>>) dst(%dma_wait3A_29 : memref<632x64xf32, #tpu.memory_space<vmem_shared>>)
    %dma_wait3A_32 = arith.constant 0 : i32
    %dma_wait3A_33 = arith.constant 0 : i32
    %dma_wait3A_34 = tpu.memref_slice %arg3[%add3A, %dma_wait3A_32, %dma_wait3A_33] : memref<32x80x128xi32, #tpu.memory_space<hbm>> -> memref<1x80x128xi32, #tpu.memory_space<hbm>>
    %dma_wait3A_35 = tpu.memref_squeeze %dma_wait3A_34 : memref<1x80x128xi32, #tpu.memory_space<hbm>> -> memref<80x128xi32, #tpu.memory_space<hbm>>
    %dma_wait3A_36 = arith.constant 0 : i32
    %dma_wait3A_37 = arith.constant 0 : i32
    %dma_wait3A_38 = tpu.memref_slice %arg3[%add3A, %dma_wait3A_36, %dma_wait3A_37] : memref<32x80x128xi32, #tpu.memory_space<hbm>> -> memref<1x80x128xi32, #tpu.memory_space<hbm>>
    %dma_wait3A_39 = tpu.memref_squeeze %dma_wait3A_38 : memref<1x80x128xi32, #tpu.memory_space<hbm>> -> memref<80x128xi32, #tpu.memory_space<hbm>>
    tpu.wait_dma2 semaphore(%arg15 : memref<!tpu.dma_semaphore, #tpu.memory_space<semaphore_mem>>) src(%dma_wait3A_39 : memref<80x128xi32, #tpu.memory_space<hbm>>) dst(%arg7 : memref<80x128xi32, #tpu.memory_space<vmem>>)
    %dma_wait3A_40 = arith.constant 0 : i32
    %dma_wait3A_41 = arith.constant 0 : i32
    %dma_wait3A_42 = tpu.memref_slice %arg4[%add3A, %dma_wait3A_40, %dma_wait3A_41] : memref<32x80x128xi32, #tpu.memory_space<hbm>> -> memref<1x80x128xi32, #tpu.memory_space<hbm>>
    %dma_wait3A_43 = tpu.memref_squeeze %dma_wait3A_42 : memref<1x80x128xi32, #tpu.memory_space<hbm>> -> memref<80x128xi32, #tpu.memory_space<hbm>>
    %dma_wait3A_44 = arith.constant 0 : i32
    %dma_wait3A_45 = arith.constant 0 : i32
    %dma_wait3A_46 = tpu.memref_slice %arg4[%add3A, %dma_wait3A_44, %dma_wait3A_45] : memref<32x80x128xi32, #tpu.memory_space<hbm>> -> memref<1x80x128xi32, #tpu.memory_space<hbm>>
    %dma_wait3A_47 = tpu.memref_squeeze %dma_wait3A_46 : memref<1x80x128xi32, #tpu.memory_space<hbm>> -> memref<80x128xi32, #tpu.memory_space<hbm>>
    tpu.wait_dma2 semaphore(%arg15 : memref<!tpu.dma_semaphore, #tpu.memory_space<semaphore_mem>>) src(%dma_wait3A_47 : memref<80x128xi32, #tpu.memory_space<hbm>>) dst(%arg8 : memref<80x128xi32, #tpu.memory_space<vmem>>)
    %barrier3A = arith.constant 0 : index
    tpu.barrier barrier_id(%barrier3A)
    %dma_start3A_48 = arith.constant 0 : i32
    %dma_start3A_49 = arith.constant 0 : i32
    %dma_start3A_50 = tpu.memref_slice %arg7[%dma_start3A_48, %dma_start3A_49] : memref<80x128xi32, #tpu.memory_space<vmem>> -> memref<1x128xi32, #tpu.memory_space<vmem>>
    %dma_start3A_51 = tpu.memref_squeeze %dma_start3A_50 : memref<1x128xi32, #tpu.memory_space<vmem>> -> memref<128xi32, #tpu.memory_space<vmem>>
    %dma_start3A_52 = arith.constant 0 : i32
    %dma_start3A_53 = arith.constant 0 : i32
    %dma_start3A_54 = tpu.memref_slice %arg10[%dma_start3A_52, %dma_start3A_53] : memref<10112x64xf32, #tpu.memory_space<vmem_shared>> -> memref<10112x64xf32, #tpu.memory_space<vmem_shared>>
    tpu.enqueue_indirect_dma source(%dma_start3A_54 : memref<10112x64xf32, #tpu.memory_space<vmem_shared>>) target(%arg11 : memref<128x64xf32, #tpu.memory_space<vmem>>) offsets(%dma_start3A_51 : memref<128xi32, #tpu.memory_space<vmem>>) semaphore(%arg13 : memref<!tpu.dma_semaphore, #tpu.memory_space<semaphore_mem>>)
    %dma_start3A_55 = arith.constant 1 : i32
    %dma_start3A_56 = arith.constant 0 : i32
    %dma_start3A_57 = tpu.memref_slice %arg7[%dma_start3A_55, %dma_start3A_56] : memref<80x128xi32, #tpu.memory_space<vmem>> -> memref<1x128xi32, #tpu.memory_space<vmem>>
    %dma_start3A_58 = tpu.memref_squeeze %dma_start3A_57 : memref<1x128xi32, #tpu.memory_space<vmem>> -> memref<128xi32, #tpu.memory_space<vmem>>
    %dma_start3A_59 = arith.constant 0 : i32
    %dma_start3A_60 = arith.constant 0 : i32
    %dma_start3A_61 = tpu.memref_slice %arg10[%dma_start3A_59, %dma_start3A_60] : memref<10112x64xf32, #tpu.memory_space<vmem_shared>> -> memref<10112x64xf32, #tpu.memory_space<vmem_shared>>
    tpu.enqueue_indirect_dma source(%dma_start3A_61 : memref<10112x64xf32, #tpu.memory_space<vmem_shared>>) target(%arg12 : memref<128x64xf32, #tpu.memory_space<vmem>>) offsets(%dma_start3A_58 : memref<128xi32, #tpu.memory_space<vmem>>) semaphore(%arg14 : memref<!tpu.dma_semaphore, #tpu.memory_space<semaphore_mem>>)
    %scan3A_62 = arith.constant 0 : i32
    %scan3A_63 = arith.constant 0 : i32
    %scan3A_64 = arith.constant 40 : i32
    %scan3A_65 = arith.addi %scan3A_63, %scan3A_64 : i32
    %scan3A_66 = arith.constant 1 : i32
    scf.for %scan3A_73 = %scan3A_63 to %scan3A_65 step %scan3A_66  : i32 {
      %mul3A_74 = arith.constant 2 : i32
      %mul3A_75 = arith.muli %scan3A_73, %mul3A_74 : i32
      %add3A_76 = arith.constant 0 : i32
      %add3A_77 = arith.addi %mul3A_75, %add3A_76 : i32
      %dma_wait3A_78 = arith.constant 0 : i32
      %dma_wait3A_79 = tpu.memref_slice %arg7[%add3A_77, %dma_wait3A_78] : memref<80x128xi32, #tpu.memory_space<vmem>> -> memref<1x128xi32, #tpu.memory_space<vmem>>
      %dma_wait3A_80 = tpu.memref_squeeze %dma_wait3A_79 : memref<1x128xi32, #tpu.memory_space<vmem>> -> memref<128xi32, #tpu.memory_space<vmem>>
      %dma_wait3A_81 = arith.constant 0 : i32
      %dma_wait3A_82 = arith.constant 0 : i32
      %dma_wait3A_83 = tpu.memref_slice %arg10[%dma_wait3A_81, %dma_wait3A_82] : memref<10112x64xf32, #tpu.memory_space<vmem_shared>> -> memref<10112x64xf32, #tpu.memory_space<vmem_shared>>
      tpu.wait_indirect_dma semaphore(%arg13 : memref<!tpu.dma_semaphore, #tpu.memory_space<semaphore_mem>>) src(%dma_wait3A_83 : memref<10112x64xf32, #tpu.memory_space<vmem_shared>>) dst(%arg11 : memref<128x64xf32, #tpu.memory_space<vmem>>)
      "tpu.region"() ({
        %run_scoped3A = tpu.sem_alloc : memref<!tpu.dma_semaphore, #tpu.memory_space<semaphore_mem>>
        %dma_start3A_105 = arith.constant 0 : i32
        %dma_start3A_106 = tpu.memref_slice %arg8[%add3A_77, %dma_start3A_105] : memref<80x128xi32, #tpu.memory_space<vmem>> -> memref<1x128xi32, #tpu.memory_space<vmem>>
        %dma_start3A_107 = tpu.memref_squeeze %dma_start3A_106 : memref<1x128xi32, #tpu.memory_space<vmem>> -> memref<128xi32, #tpu.memory_space<vmem>>
        %dma_start3A_108 = arith.constant 0 : i32
        %dma_start3A_109 = arith.constant 0 : i32
        %dma_start3A_110 = tpu.memref_slice %arg9[%dma_start3A_108, %dma_start3A_109] : memref<10112x64xf32, #tpu.memory_space<vmem_shared>> -> memref<10112x64xf32, #tpu.memory_space<vmem_shared>>
        tpu.enqueue_indirect_dma source(%arg11 : memref<128x64xf32, #tpu.memory_space<vmem>>) target(%dma_start3A_110 : memref<10112x64xf32, #tpu.memory_space<vmem_shared>>) offsets(%dma_start3A_107 : memref<128xi32, #tpu.memory_space<vmem>>) semaphore(%run_scoped3A : memref<!tpu.dma_semaphore, #tpu.memory_space<semaphore_mem>>) {add = true}
        %dma_wait3A_111 = arith.constant 0 : i32
        %dma_wait3A_112 = tpu.memref_slice %arg8[%add3A_77, %dma_wait3A_111] : memref<80x128xi32, #tpu.memory_space<vmem>> -> memref<1x128xi32, #tpu.memory_space<vmem>>
        %dma_wait3A_113 = tpu.memref_squeeze %dma_wait3A_112 : memref<1x128xi32, #tpu.memory_space<vmem>> -> memref<128xi32, #tpu.memory_space<vmem>>
        %dma_wait3A_114 = arith.constant 0 : i32
        %dma_wait3A_115 = arith.constant 0 : i32
        %dma_wait3A_116 = tpu.memref_slice %arg9[%dma_wait3A_114, %dma_wait3A_115] : memref<10112x64xf32, #tpu.memory_space<vmem_shared>> -> memref<10112x64xf32, #tpu.memory_space<vmem_shared>>
        tpu.wait_indirect_dma semaphore(%run_scoped3A : memref<!tpu.dma_semaphore, #tpu.memory_space<semaphore_mem>>) src(%arg11 : memref<128x64xf32, #tpu.memory_space<vmem>>) dst(%dma_wait3A_116 : memref<10112x64xf32, #tpu.memory_space<vmem_shared>>)
        tpu.yield
      }) : () -> ()
      %add3A_84 = arith.constant 2 : i32
      %add3A_85 = arith.addi %add3A_77, %add3A_84 : i32
      %lt3A = arith.constant 80 : i32
      %lt3A_86 = arith.cmpi slt, %add3A_85, %lt3A : i32
      %convert_element_type3A = arith.extui %lt3A_86 : i1 to i32
      %cond3A = arith.constant 0 : i32
      %cond3A_87 = arith.cmpi ne, %convert_element_type3A, %cond3A : i32
      scf.if %cond3A_87 {
        %dma_start3A_105 = arith.constant 0 : i32
        %dma_start3A_106 = tpu.memref_slice %arg7[%add3A_85, %dma_start3A_105] : memref<80x128xi32, #tpu.memory_space<vmem>> -> memref<1x128xi32, #tpu.memory_space<vmem>>
        %dma_start3A_107 = tpu.memref_squeeze %dma_start3A_106 : memref<1x128xi32, #tpu.memory_space<vmem>> -> memref<128xi32, #tpu.memory_space<vmem>>
        %dma_start3A_108 = arith.constant 0 : i32
        %dma_start3A_109 = arith.constant 0 : i32
        %dma_start3A_110 = tpu.memref_slice %arg10[%dma_start3A_108, %dma_start3A_109] : memref<10112x64xf32, #tpu.memory_space<vmem_shared>> -> memref<10112x64xf32, #tpu.memory_space<vmem_shared>>
        tpu.enqueue_indirect_dma source(%dma_start3A_110 : memref<10112x64xf32, #tpu.memory_space<vmem_shared>>) target(%arg11 : memref<128x64xf32, #tpu.memory_space<vmem>>) offsets(%dma_start3A_107 : memref<128xi32, #tpu.memory_space<vmem>>) semaphore(%arg13 : memref<!tpu.dma_semaphore, #tpu.memory_space<semaphore_mem>>)
      } else {
      }
      %mul3A_88 = arith.constant 2 : i32
      %mul3A_89 = arith.muli %scan3A_73, %mul3A_88 : i32
      %add3A_90 = arith.constant 1 : i32
      %add3A_91 = arith.addi %mul3A_89, %add3A_90 : i32
      %dma_wait3A_92 = arith.constant 0 : i32
      %dma_wait3A_93 = tpu.memref_slice %arg7[%add3A_91, %dma_wait3A_92] : memref<80x128xi32, #tpu.memory_space<vmem>> -> memref<1x128xi32, #tpu.memory_space<vmem>>
      %dma_wait3A_94 = tpu.memref_squeeze %dma_wait3A_93 : memref<1x128xi32, #tpu.memory_space<vmem>> -> memref<128xi32, #tpu.memory_space<vmem>>
      %dma_wait3A_95 = arith.constant 0 : i32
      %dma_wait3A_96 = arith.constant 0 : i32
      %dma_wait3A_97 = tpu.memref_slice %arg10[%dma_wait3A_95, %dma_wait3A_96] : memref<10112x64xf32, #tpu.memory_space<vmem_shared>> -> memref<10112x64xf32, #tpu.memory_space<vmem_shared>>
      tpu.wait_indirect_dma semaphore(%arg14 : memref<!tpu.dma_semaphore, #tpu.memory_space<semaphore_mem>>) src(%dma_wait3A_97 : memref<10112x64xf32, #tpu.memory_space<vmem_shared>>) dst(%arg12 : memref<128x64xf32, #tpu.memory_space<vmem>>)
      "tpu.region"() ({
        %run_scoped3A = tpu.sem_alloc : memref<!tpu.dma_semaphore, #tpu.memory_space<semaphore_mem>>
        %dma_start3A_105 = arith.constant 0 : i32
        %dma_start3A_106 = tpu.memref_slice %arg8[%add3A_91, %dma_start3A_105] : memref<80x128xi32, #tpu.memory_space<vmem>> -> memref<1x128xi32, #tpu.memory_space<vmem>>
        %dma_start3A_107 = tpu.memref_squeeze %dma_start3A_106 : memref<1x128xi32, #tpu.memory_space<vmem>> -> memref<128xi32, #tpu.memory_space<vmem>>
        %dma_start3A_108 = arith.constant 0 : i32
        %dma_start3A_109 = arith.constant 0 : i32
        %dma_start3A_110 = tpu.memref_slice %arg9[%dma_start3A_108, %dma_start3A_109] : memref<10112x64xf32, #tpu.memory_space<vmem_shared>> -> memref<10112x64xf32, #tpu.memory_space<vmem_shared>>
        tpu.enqueue_indirect_dma source(%arg12 : memref<128x64xf32, #tpu.memory_space<vmem>>) target(%dma_start3A_110 : memref<10112x64xf32, #tpu.memory_space<vmem_shared>>) offsets(%dma_start3A_107 : memref<128xi32, #tpu.memory_space<vmem>>) semaphore(%run_scoped3A : memref<!tpu.dma_semaphore, #tpu.memory_space<semaphore_mem>>) {add = true}
        %dma_wait3A_111 = arith.constant 0 : i32
        %dma_wait3A_112 = tpu.memref_slice %arg8[%add3A_91, %dma_wait3A_111] : memref<80x128xi32, #tpu.memory_space<vmem>> -> memref<1x128xi32, #tpu.memory_space<vmem>>
        %dma_wait3A_113 = tpu.memref_squeeze %dma_wait3A_112 : memref<1x128xi32, #tpu.memory_space<vmem>> -> memref<128xi32, #tpu.memory_space<vmem>>
        %dma_wait3A_114 = arith.constant 0 : i32
        %dma_wait3A_115 = arith.constant 0 : i32
        %dma_wait3A_116 = tpu.memref_slice %arg9[%dma_wait3A_114, %dma_wait3A_115] : memref<10112x64xf32, #tpu.memory_space<vmem_shared>> -> memref<10112x64xf32, #tpu.memory_space<vmem_shared>>
        tpu.wait_indirect_dma semaphore(%run_scoped3A : memref<!tpu.dma_semaphore, #tpu.memory_space<semaphore_mem>>) src(%arg12 : memref<128x64xf32, #tpu.memory_space<vmem>>) dst(%dma_wait3A_116 : memref<10112x64xf32, #tpu.memory_space<vmem_shared>>)
        tpu.yield
      }) : () -> ()
      %add3A_98 = arith.constant 2 : i32
      %add3A_99 = arith.addi %add3A_91, %add3A_98 : i32
      %lt3A_100 = arith.constant 80 : i32
      %lt3A_101 = arith.cmpi slt, %add3A_99, %lt3A_100 : i32
      %convert_element_type3A_102 = arith.extui %lt3A_101 : i1 to i32
      %cond3A_103 = arith.constant 0 : i32
      %cond3A_104 = arith.cmpi ne, %convert_element_type3A_102, %cond3A_103 : i32
      scf.if %cond3A_104 {
        %dma_start3A_105 = arith.constant 0 : i32
        %dma_start3A_106 = tpu.memref_slice %arg7[%add3A_99, %dma_start3A_105] : memref<80x128xi32, #tpu.memory_space<vmem>> -> memref<1x128xi32, #tpu.memory_space<vmem>>
        %dma_start3A_107 = tpu.memref_squeeze %dma_start3A_106 : memref<1x128xi32, #tpu.memory_space<vmem>> -> memref<128xi32, #tpu.memory_space<vmem>>
        %dma_start3A_108 = arith.constant 0 : i32
        %dma_start3A_109 = arith.constant 0 : i32
        %dma_start3A_110 = tpu.memref_slice %arg10[%dma_start3A_108, %dma_start3A_109] : memref<10112x64xf32, #tpu.memory_space<vmem_shared>> -> memref<10112x64xf32, #tpu.memory_space<vmem_shared>>
        tpu.enqueue_indirect_dma source(%dma_start3A_110 : memref<10112x64xf32, #tpu.memory_space<vmem_shared>>) target(%arg12 : memref<128x64xf32, #tpu.memory_space<vmem>>) offsets(%dma_start3A_107 : memref<128xi32, #tpu.memory_space<vmem>>) semaphore(%arg14 : memref<!tpu.dma_semaphore, #tpu.memory_space<semaphore_mem>>)
      } else {
      }
    }
    %scan3A_67 = arith.constant 40 : i32
    %barrier3A_68 = arith.constant 0 : index
    tpu.barrier barrier_id(%barrier3A_68)
    %mul3A_69 = arith.constant 632 : i32
    %mul3A_70 = arith.muli %arg1, %mul3A_69 : i32
    %mul3A_71 = arith.constant 632 : i32
    %mul3A_72 = arith.muli %arg1, %mul3A_71 : i32
    "tpu.region"() ({
      %run_scoped3A = tpu.sem_alloc : memref<!tpu.dma_semaphore, #tpu.memory_space<semaphore_mem>>
      %dma_start3A_73 = arith.constant 0 : i32
      %dma_start3A_74 = tpu.memref_slice %arg6[%arg0, %mul3A_72, %dma_start3A_73] : memref<2x10112x64xf32, #tpu.memory_space<hbm>> -> memref<1x632x64xf32, #tpu.memory_space<hbm>>
      %dma_start3A_75 = tpu.memref_squeeze %dma_start3A_74 : memref<1x632x64xf32, #tpu.memory_space<hbm>> -> memref<632x64xf32, #tpu.memory_space<hbm>>
      %dma_start3A_76 = arith.constant 0 : i32
      %dma_start3A_77 = tpu.memref_slice %arg9[%mul3A_70, %dma_start3A_76] : memref<10112x64xf32, #tpu.memory_space<vmem_shared>> -> memref<632x64xf32, #tpu.memory_space<vmem_shared>>
      tpu.enqueue_dma source(%dma_start3A_77 : memref<632x64xf32, #tpu.memory_space<vmem_shared>>) target(%dma_start3A_75 : memref<632x64xf32, #tpu.memory_space<hbm>>) target_semaphore(%run_scoped3A : memref<!tpu.dma_semaphore, #tpu.memory_space<semaphore_mem>>)
      %dma_wait3A_78 = arith.constant 0 : i32
      %dma_wait3A_79 = tpu.memref_slice %arg6[%arg0, %mul3A_72, %dma_wait3A_78] : memref<2x10112x64xf32, #tpu.memory_space<hbm>> -> memref<1x632x64xf32, #tpu.memory_space<hbm>>
      %dma_wait3A_80 = tpu.memref_squeeze %dma_wait3A_79 : memref<1x632x64xf32, #tpu.memory_space<hbm>> -> memref<632x64xf32, #tpu.memory_space<hbm>>
      %dma_wait3A_81 = arith.constant 0 : i32
      %dma_wait3A_82 = tpu.memref_slice %arg9[%mul3A_70, %dma_wait3A_81] : memref<10112x64xf32, #tpu.memory_space<vmem_shared>> -> memref<632x64xf32, #tpu.memory_space<vmem_shared>>
      tpu.wait_dma2 semaphore(%run_scoped3A : memref<!tpu.dma_semaphore, #tpu.memory_space<semaphore_mem>>) src(%dma_wait3A_82 : memref<632x64xf32, #tpu.memory_space<vmem_shared>>) dst(%dma_wait3A_80 : memref<632x64xf32, #tpu.memory_space<hbm>>)
      tpu.yield
    }) : () -> ()
    return
  }
}

#map = affine_map<(d0, d1) -> (0, 0)>
#map1 = affine_map<(d0, d1) -> (0, 0, 0)>
module attributes {stable_mosaic.version = 14 : i64} {
  func.func @_sc_scatter(%arg0: i32, %arg1: i32, %arg2: memref<10112x64xf32, #tpu.memory_space<hbm>>, %arg3: memref<32x80x128xi32, #tpu.memory_space<hbm>>, %arg4: memref<32x80x128xi32, #tpu.memory_space<hbm>>, %arg5: memref<128x64xf32, #tpu.memory_space<hbm>>, %arg6: memref<2x10112x64xf32, #tpu.memory_space<hbm>>, %arg7: memref<80x128xi32, #tpu.memory_space<vmem>>, %arg8: memref<80x128xi32, #tpu.memory_space<vmem>>, %arg9: memref<10112x64xf32, #tpu.memory_space<vmem_shared>>, %arg10: memref<10112x64xf32, #tpu.memory_space<vmem_shared>>, %arg11: memref<128x64xf32, #tpu.memory_space<vmem>>, %arg12: memref<128x64xf32, #tpu.memory_space<vmem>>, %arg13: memref<!tpu.dma_semaphore, #tpu.memory_space<semaphore_mem>>, %arg14: memref<!tpu.dma_semaphore, #tpu.memory_space<semaphore_mem>>, %arg15: memref<!tpu.dma_semaphore, #tpu.memory_space<semaphore_mem>>) attributes {dimension_semantics = [#tpu.dimension_semantics<core_parallel>, #tpu.dimension_semantics<subcore_parallel>], iteration_bounds = array<i64: 2, 16>, scalar_prefetch = 0 : i64, scratch_operands = 9 : i64, tpu.core_type = #tpu.core_type<sc_vector_subcore>, window_params = [{transform_indices = #map}, {transform_indices = #map1}, {transform_indices = #map1}, {transform_indices = #map}, {transform_indices = #map1}]} {
    %mul3A = arith.constant 2 : i32
    %mul3A_0 = arith.muli %arg1, %mul3A : i32
    %add3A = arith.addi %mul3A_0, %arg0 : i32
    %mul3A_1 = arith.constant 632 : i32
    %mul3A_2 = arith.muli %arg1, %mul3A_1 : i32
    %mul3A_3 = arith.constant 632 : i32
    %mul3A_4 = arith.muli %arg1, %mul3A_3 : i32
    %dma_start3A = arith.constant 0 : i32
    %dma_start3A_5 = tpu.memref_slice %arg10[%mul3A_4, %dma_start3A] : memref<10112x64xf32, #tpu.memory_space<vmem_shared>> -> memref<632x64xf32, #tpu.memory_space<vmem_shared>>
    %dma_start3A_6 = arith.constant 0 : i32
    %dma_start3A_7 = tpu.memref_slice %arg2[%mul3A_2, %dma_start3A_6] : memref<10112x64xf32, #tpu.memory_space<hbm>> -> memref<632x64xf32, #tpu.memory_space<hbm>>
    tpu.enqueue_dma source(%dma_start3A_7 : memref<632x64xf32, #tpu.memory_space<hbm>>) target(%dma_start3A_5 : memref<632x64xf32, #tpu.memory_space<vmem_shared>>) target_semaphore(%arg15 : memref<!tpu.dma_semaphore, #tpu.memory_space<semaphore_mem>>)
    %dma_start3A_8 = arith.constant 0 : i32
    %dma_start3A_9 = arith.constant 0 : i32
    %dma_start3A_10 = tpu.memref_slice %arg3[%add3A, %dma_start3A_8, %dma_start3A_9] : memref<32x80x128xi32, #tpu.memory_space<hbm>> -> memref<1x80x128xi32, #tpu.memory_space<hbm>>
    %dma_start3A_11 = tpu.memref_squeeze %dma_start3A_10 : memref<1x80x128xi32, #tpu.memory_space<hbm>> -> memref<80x128xi32, #tpu.memory_space<hbm>>
    %dma_start3A_12 = arith.constant 0 : i32
    %dma_start3A_13 = arith.constant 0 : i32
    %dma_start3A_14 = tpu.memref_slice %arg3[%add3A, %dma_start3A_12, %dma_start3A_13] : memref<32x80x128xi32, #tpu.memory_space<hbm>> -> memref<1x80x128xi32, #tpu.memory_space<hbm>>
    %dma_start3A_15 = tpu.memref_squeeze %dma_start3A_14 : memref<1x80x128xi32, #tpu.memory_space<hbm>> -> memref<80x128xi32, #tpu.memory_space<hbm>>
    tpu.enqueue_dma source(%dma_start3A_15 : memref<80x128xi32, #tpu.memory_space<hbm>>) target(%arg7 : memref<80x128xi32, #tpu.memory_space<vmem>>) target_semaphore(%arg15 : memref<!tpu.dma_semaphore, #tpu.memory_space<semaphore_mem>>)
    %dma_start3A_16 = arith.constant 0 : i32
    %dma_start3A_17 = arith.constant 0 : i32
    %dma_start3A_18 = tpu.memref_slice %arg4[%add3A, %dma_start3A_16, %dma_start3A_17] : memref<32x80x128xi32, #tpu.memory_space<hbm>> -> memref<1x80x128xi32, #tpu.memory_space<hbm>>
    %dma_start3A_19 = tpu.memref_squeeze %dma_start3A_18 : memref<1x80x128xi32, #tpu.memory_space<hbm>> -> memref<80x128xi32, #tpu.memory_space<hbm>>
    %dma_start3A_20 = arith.constant 0 : i32
    %dma_start3A_21 = arith.constant 0 : i32
    %dma_start3A_22 = tpu.memref_slice %arg4[%add3A, %dma_start3A_20, %dma_start3A_21] : memref<32x80x128xi32, #tpu.memory_space<hbm>> -> memref<1x80x128xi32, #tpu.memory_space<hbm>>
    %dma_start3A_23 = tpu.memref_squeeze %dma_start3A_22 : memref<1x80x128xi32, #tpu.memory_space<hbm>> -> memref<80x128xi32, #tpu.memory_space<hbm>>
    tpu.enqueue_dma source(%dma_start3A_23 : memref<80x128xi32, #tpu.memory_space<hbm>>) target(%arg8 : memref<80x128xi32, #tpu.memory_space<vmem>>) target_semaphore(%arg15 : memref<!tpu.dma_semaphore, #tpu.memory_space<semaphore_mem>>)
    %scan3A = arith.constant 0 : i32
    %scan3A_24 = arith.constant 0 : i32
    %scan3A_25 = arith.constant 5 : i32
    %scan3A_26 = arith.addi %scan3A_24, %scan3A_25 : i32
    %scan3A_27 = arith.constant 1 : i32
    scf.for %scan3A_73 = %scan3A_24 to %scan3A_26 step %scan3A_27  : i32 {
      %mul3A_74 = arith.constant 16 : i32
      %mul3A_75 = arith.muli %mul3A_74, %scan3A_73 : i32
      %add3A_76 = arith.addi %arg1, %mul3A_75 : i32
      %mul3A_77 = arith.constant 128 : i32
      %mul3A_78 = arith.muli %add3A_76, %mul3A_77 : i32
      %lt3A = arith.constant 10112 : i32
      %lt3A_79 = arith.cmpi slt, %mul3A_78, %lt3A : i32
      %convert_element_type3A = arith.extui %lt3A_79 : i1 to i32
      %cond3A = arith.constant 0 : i32
      %cond3A_80 = arith.cmpi ne, %convert_element_type3A, %cond3A : i32
      scf.if %cond3A_80 {
        "tpu.region"() ({
          %run_scoped3A = tpu.sem_alloc : memref<!tpu.dma_semaphore, #tpu.memory_space<semaphore_mem>>
          %dma_start3A_81 = arith.constant 0 : i32
          %dma_start3A_82 = tpu.memref_slice %arg9[%mul3A_78, %dma_start3A_81] : memref<10112x64xf32, #tpu.memory_space<vmem_shared>> -> memref<128x64xf32, #tpu.memory_space<vmem_shared>>
          tpu.enqueue_dma source(%arg5 : memref<128x64xf32, #tpu.memory_space<hbm>>) target(%dma_start3A_82 : memref<128x64xf32, #tpu.memory_space<vmem_shared>>) target_semaphore(%run_scoped3A : memref<!tpu.dma_semaphore, #tpu.memory_space<semaphore_mem>>)
          %dma_wait3A_83 = arith.constant 0 : i32
          %dma_wait3A_84 = tpu.memref_slice %arg9[%mul3A_78, %dma_wait3A_83] : memref<10112x64xf32, #tpu.memory_space<vmem_shared>> -> memref<128x64xf32, #tpu.memory_space<vmem_shared>>
          tpu.wait_dma2 semaphore(%run_scoped3A : memref<!tpu.dma_semaphore, #tpu.memory_space<semaphore_mem>>) src(%arg5 : memref<128x64xf32, #tpu.memory_space<hbm>>) dst(%dma_wait3A_84 : memref<128x64xf32, #tpu.memory_space<vmem_shared>>)
          tpu.yield
        }) : () -> ()
      } else {
      }
    }
    %scan3A_28 = arith.constant 5 : i32
    %dma_wait3A = arith.constant 0 : i32
    %dma_wait3A_29 = tpu.memref_slice %arg10[%mul3A_4, %dma_wait3A] : memref<10112x64xf32, #tpu.memory_space<vmem_shared>> -> memref<632x64xf32, #tpu.memory_space<vmem_shared>>
    %dma_wait3A_30 = arith.constant 0 : i32
    %dma_wait3A_31 = tpu.memref_slice %arg2[%mul3A_2, %dma_wait3A_30] : memref<10112x64xf32, #tpu.memory_space<hbm>> -> memref<632x64xf32, #tpu.memory_space<hbm>>
    tpu.wait_dma2 semaphore(%arg15 : memref<!tpu.dma_semaphore, #tpu.memory_space<semaphore_mem>>) src(%dma_wait3A_31 : memref<632x64xf32, #tpu.memory_space<hbm>>) dst(%dma_wait3A_29 : memref<632x64xf32, #tpu.memory_space<vmem_shared>>)
    %dma_wait3A_32 = arith.constant 0 : i32
    %dma_wait3A_33 = arith.constant 0 : i32
    %dma_wait3A_34 = tpu.memref_slice %arg3[%add3A, %dma_wait3A_32, %dma_wait3A_33] : memref<32x80x128xi32, #tpu.memory_space<hbm>> -> memref<1x80x128xi32, #tpu.memory_space<hbm>>
    %dma_wait3A_35 = tpu.memref_squeeze %dma_wait3A_34 : memref<1x80x128xi32, #tpu.memory_space<hbm>> -> memref<80x128xi32, #tpu.memory_space<hbm>>
    %dma_wait3A_36 = arith.constant 0 : i32
    %dma_wait3A_37 = arith.constant 0 : i32
    %dma_wait3A_38 = tpu.memref_slice %arg3[%add3A, %dma_wait3A_36, %dma_wait3A_37] : memref<32x80x128xi32, #tpu.memory_space<hbm>> -> memref<1x80x128xi32, #tpu.memory_space<hbm>>
    %dma_wait3A_39 = tpu.memref_squeeze %dma_wait3A_38 : memref<1x80x128xi32, #tpu.memory_space<hbm>> -> memref<80x128xi32, #tpu.memory_space<hbm>>
    tpu.wait_dma2 semaphore(%arg15 : memref<!tpu.dma_semaphore, #tpu.memory_space<semaphore_mem>>) src(%dma_wait3A_39 : memref<80x128xi32, #tpu.memory_space<hbm>>) dst(%arg7 : memref<80x128xi32, #tpu.memory_space<vmem>>)
    %dma_wait3A_40 = arith.constant 0 : i32
    %dma_wait3A_41 = arith.constant 0 : i32
    %dma_wait3A_42 = tpu.memref_slice %arg4[%add3A, %dma_wait3A_40, %dma_wait3A_41] : memref<32x80x128xi32, #tpu.memory_space<hbm>> -> memref<1x80x128xi32, #tpu.memory_space<hbm>>
    %dma_wait3A_43 = tpu.memref_squeeze %dma_wait3A_42 : memref<1x80x128xi32, #tpu.memory_space<hbm>> -> memref<80x128xi32, #tpu.memory_space<hbm>>
    %dma_wait3A_44 = arith.constant 0 : i32
    %dma_wait3A_45 = arith.constant 0 : i32
    %dma_wait3A_46 = tpu.memref_slice %arg4[%add3A, %dma_wait3A_44, %dma_wait3A_45] : memref<32x80x128xi32, #tpu.memory_space<hbm>> -> memref<1x80x128xi32, #tpu.memory_space<hbm>>
    %dma_wait3A_47 = tpu.memref_squeeze %dma_wait3A_46 : memref<1x80x128xi32, #tpu.memory_space<hbm>> -> memref<80x128xi32, #tpu.memory_space<hbm>>
    tpu.wait_dma2 semaphore(%arg15 : memref<!tpu.dma_semaphore, #tpu.memory_space<semaphore_mem>>) src(%dma_wait3A_47 : memref<80x128xi32, #tpu.memory_space<hbm>>) dst(%arg8 : memref<80x128xi32, #tpu.memory_space<vmem>>)
    %barrier3A = arith.constant 0 : index
    tpu.barrier barrier_id(%barrier3A)
    %dma_start3A_48 = arith.constant 0 : i32
    %dma_start3A_49 = arith.constant 0 : i32
    %dma_start3A_50 = tpu.memref_slice %arg7[%dma_start3A_48, %dma_start3A_49] : memref<80x128xi32, #tpu.memory_space<vmem>> -> memref<1x128xi32, #tpu.memory_space<vmem>>
    %dma_start3A_51 = tpu.memref_squeeze %dma_start3A_50 : memref<1x128xi32, #tpu.memory_space<vmem>> -> memref<128xi32, #tpu.memory_space<vmem>>
    %dma_start3A_52 = arith.constant 0 : i32
    %dma_start3A_53 = arith.constant 0 : i32
    %dma_start3A_54 = tpu.memref_slice %arg10[%dma_start3A_52, %dma_start3A_53] : memref<10112x64xf32, #tpu.memory_space<vmem_shared>> -> memref<10112x64xf32, #tpu.memory_space<vmem_shared>>
    tpu.enqueue_indirect_dma source(%dma_start3A_54 : memref<10112x64xf32, #tpu.memory_space<vmem_shared>>) target(%arg11 : memref<128x64xf32, #tpu.memory_space<vmem>>) offsets(%dma_start3A_51 : memref<128xi32, #tpu.memory_space<vmem>>) semaphore(%arg13 : memref<!tpu.dma_semaphore, #tpu.memory_space<semaphore_mem>>)
    %dma_start3A_55 = arith.constant 1 : i32
    %dma_start3A_56 = arith.constant 0 : i32
    %dma_start3A_57 = tpu.memref_slice %arg7[%dma_start3A_55, %dma_start3A_56] : memref<80x128xi32, #tpu.memory_space<vmem>> -> memref<1x128xi32, #tpu.memory_space<vmem>>
    %dma_start3A_58 = tpu.memref_squeeze %dma_start3A_57 : memref<1x128xi32, #tpu.memory_space<vmem>> -> memref<128xi32, #tpu.memory_space<vmem>>
    %dma_start3A_59 = arith.constant 0 : i32
    %dma_start3A_60 = arith.constant 0 : i32
    %dma_start3A_61 = tpu.memref_slice %arg10[%dma_start3A_59, %dma_start3A_60] : memref<10112x64xf32, #tpu.memory_space<vmem_shared>> -> memref<10112x64xf32, #tpu.memory_space<vmem_shared>>
    tpu.enqueue_indirect_dma source(%dma_start3A_61 : memref<10112x64xf32, #tpu.memory_space<vmem_shared>>) target(%arg12 : memref<128x64xf32, #tpu.memory_space<vmem>>) offsets(%dma_start3A_58 : memref<128xi32, #tpu.memory_space<vmem>>) semaphore(%arg14 : memref<!tpu.dma_semaphore, #tpu.memory_space<semaphore_mem>>)
    %scan3A_62 = arith.constant 0 : i32
    %scan3A_63 = arith.constant 0 : i32
    %scan3A_64 = arith.constant 40 : i32
    %scan3A_65 = arith.addi %scan3A_63, %scan3A_64 : i32
    %scan3A_66 = arith.constant 1 : i32
    scf.for %scan3A_73 = %scan3A_63 to %scan3A_65 step %scan3A_66  : i32 {
      %mul3A_74 = arith.constant 2 : i32
      %mul3A_75 = arith.muli %scan3A_73, %mul3A_74 : i32
      %add3A_76 = arith.constant 0 : i32
      %add3A_77 = arith.addi %mul3A_75, %add3A_76 : i32
      %dma_wait3A_78 = arith.constant 0 : i32
      %dma_wait3A_79 = tpu.memref_slice %arg7[%add3A_77, %dma_wait3A_78] : memref<80x128xi32, #tpu.memory_space<vmem>> -> memref<1x128xi32, #tpu.memory_space<vmem>>
      %dma_wait3A_80 = tpu.memref_squeeze %dma_wait3A_79 : memref<1x128xi32, #tpu.memory_space<vmem>> -> memref<128xi32, #tpu.memory_space<vmem>>
      %dma_wait3A_81 = arith.constant 0 : i32
      %dma_wait3A_82 = arith.constant 0 : i32
      %dma_wait3A_83 = tpu.memref_slice %arg10[%dma_wait3A_81, %dma_wait3A_82] : memref<10112x64xf32, #tpu.memory_space<vmem_shared>> -> memref<10112x64xf32, #tpu.memory_space<vmem_shared>>
      tpu.wait_indirect_dma semaphore(%arg13 : memref<!tpu.dma_semaphore, #tpu.memory_space<semaphore_mem>>) src(%dma_wait3A_83 : memref<10112x64xf32, #tpu.memory_space<vmem_shared>>) dst(%arg11 : memref<128x64xf32, #tpu.memory_space<vmem>>)
      "tpu.region"() ({
        %run_scoped3A = tpu.sem_alloc : memref<!tpu.dma_semaphore, #tpu.memory_space<semaphore_mem>>
        %dma_start3A_105 = arith.constant 0 : i32
        %dma_start3A_106 = tpu.memref_slice %arg8[%add3A_77, %dma_start3A_105] : memref<80x128xi32, #tpu.memory_space<vmem>> -> memref<1x128xi32, #tpu.memory_space<vmem>>
        %dma_start3A_107 = tpu.memref_squeeze %dma_start3A_106 : memref<1x128xi32, #tpu.memory_space<vmem>> -> memref<128xi32, #tpu.memory_space<vmem>>
        %dma_start3A_108 = arith.constant 0 : i32
        %dma_start3A_109 = arith.constant 0 : i32
        %dma_start3A_110 = tpu.memref_slice %arg9[%dma_start3A_108, %dma_start3A_109] : memref<10112x64xf32, #tpu.memory_space<vmem_shared>> -> memref<10112x64xf32, #tpu.memory_space<vmem_shared>>
        tpu.enqueue_indirect_dma source(%arg11 : memref<128x64xf32, #tpu.memory_space<vmem>>) target(%dma_start3A_110 : memref<10112x64xf32, #tpu.memory_space<vmem_shared>>) offsets(%dma_start3A_107 : memref<128xi32, #tpu.memory_space<vmem>>) semaphore(%run_scoped3A : memref<!tpu.dma_semaphore, #tpu.memory_space<semaphore_mem>>) {add = true}
        %dma_wait3A_111 = arith.constant 0 : i32
        %dma_wait3A_112 = tpu.memref_slice %arg8[%add3A_77, %dma_wait3A_111] : memref<80x128xi32, #tpu.memory_space<vmem>> -> memref<1x128xi32, #tpu.memory_space<vmem>>
        %dma_wait3A_113 = tpu.memref_squeeze %dma_wait3A_112 : memref<1x128xi32, #tpu.memory_space<vmem>> -> memref<128xi32, #tpu.memory_space<vmem>>
        %dma_wait3A_114 = arith.constant 0 : i32
        %dma_wait3A_115 = arith.constant 0 : i32
        %dma_wait3A_116 = tpu.memref_slice %arg9[%dma_wait3A_114, %dma_wait3A_115] : memref<10112x64xf32, #tpu.memory_space<vmem_shared>> -> memref<10112x64xf32, #tpu.memory_space<vmem_shared>>
        tpu.wait_indirect_dma semaphore(%run_scoped3A : memref<!tpu.dma_semaphore, #tpu.memory_space<semaphore_mem>>) src(%arg11 : memref<128x64xf32, #tpu.memory_space<vmem>>) dst(%dma_wait3A_116 : memref<10112x64xf32, #tpu.memory_space<vmem_shared>>)
        tpu.yield
      }) : () -> ()
      %add3A_84 = arith.constant 2 : i32
      %add3A_85 = arith.addi %add3A_77, %add3A_84 : i32
      %lt3A = arith.constant 80 : i32
      %lt3A_86 = arith.cmpi slt, %add3A_85, %lt3A : i32
      %convert_element_type3A = arith.extui %lt3A_86 : i1 to i32
      %cond3A = arith.constant 0 : i32
      %cond3A_87 = arith.cmpi ne, %convert_element_type3A, %cond3A : i32
      scf.if %cond3A_87 {
        %dma_start3A_105 = arith.constant 0 : i32
        %dma_start3A_106 = tpu.memref_slice %arg7[%add3A_85, %dma_start3A_105] : memref<80x128xi32, #tpu.memory_space<vmem>> -> memref<1x128xi32, #tpu.memory_space<vmem>>
        %dma_start3A_107 = tpu.memref_squeeze %dma_start3A_106 : memref<1x128xi32, #tpu.memory_space<vmem>> -> memref<128xi32, #tpu.memory_space<vmem>>
        %dma_start3A_108 = arith.constant 0 : i32
        %dma_start3A_109 = arith.constant 0 : i32
        %dma_start3A_110 = tpu.memref_slice %arg10[%dma_start3A_108, %dma_start3A_109] : memref<10112x64xf32, #tpu.memory_space<vmem_shared>> -> memref<10112x64xf32, #tpu.memory_space<vmem_shared>>
        tpu.enqueue_indirect_dma source(%dma_start3A_110 : memref<10112x64xf32, #tpu.memory_space<vmem_shared>>) target(%arg11 : memref<128x64xf32, #tpu.memory_space<vmem>>) offsets(%dma_start3A_107 : memref<128xi32, #tpu.memory_space<vmem>>) semaphore(%arg13 : memref<!tpu.dma_semaphore, #tpu.memory_space<semaphore_mem>>)
      } else {
      }
      %mul3A_88 = arith.constant 2 : i32
      %mul3A_89 = arith.muli %scan3A_73, %mul3A_88 : i32
      %add3A_90 = arith.constant 1 : i32
      %add3A_91 = arith.addi %mul3A_89, %add3A_90 : i32
      %dma_wait3A_92 = arith.constant 0 : i32
      %dma_wait3A_93 = tpu.memref_slice %arg7[%add3A_91, %dma_wait3A_92] : memref<80x128xi32, #tpu.memory_space<vmem>> -> memref<1x128xi32, #tpu.memory_space<vmem>>
      %dma_wait3A_94 = tpu.memref_squeeze %dma_wait3A_93 : memref<1x128xi32, #tpu.memory_space<vmem>> -> memref<128xi32, #tpu.memory_space<vmem>>
      %dma_wait3A_95 = arith.constant 0 : i32
      %dma_wait3A_96 = arith.constant 0 : i32
      %dma_wait3A_97 = tpu.memref_slice %arg10[%dma_wait3A_95, %dma_wait3A_96] : memref<10112x64xf32, #tpu.memory_space<vmem_shared>> -> memref<10112x64xf32, #tpu.memory_space<vmem_shared>>
      tpu.wait_indirect_dma semaphore(%arg14 : memref<!tpu.dma_semaphore, #tpu.memory_space<semaphore_mem>>) src(%dma_wait3A_97 : memref<10112x64xf32, #tpu.memory_space<vmem_shared>>) dst(%arg12 : memref<128x64xf32, #tpu.memory_space<vmem>>)
      "tpu.region"() ({
        %run_scoped3A = tpu.sem_alloc : memref<!tpu.dma_semaphore, #tpu.memory_space<semaphore_mem>>
        %dma_start3A_105 = arith.constant 0 : i32
        %dma_start3A_106 = tpu.memref_slice %arg8[%add3A_91, %dma_start3A_105] : memref<80x128xi32, #tpu.memory_space<vmem>> -> memref<1x128xi32, #tpu.memory_space<vmem>>
        %dma_start3A_107 = tpu.memref_squeeze %dma_start3A_106 : memref<1x128xi32, #tpu.memory_space<vmem>> -> memref<128xi32, #tpu.memory_space<vmem>>
        %dma_start3A_108 = arith.constant 0 : i32
        %dma_start3A_109 = arith.constant 0 : i32
        %dma_start3A_110 = tpu.memref_slice %arg9[%dma_start3A_108, %dma_start3A_109] : memref<10112x64xf32, #tpu.memory_space<vmem_shared>> -> memref<10112x64xf32, #tpu.memory_space<vmem_shared>>
        tpu.enqueue_indirect_dma source(%arg12 : memref<128x64xf32, #tpu.memory_space<vmem>>) target(%dma_start3A_110 : memref<10112x64xf32, #tpu.memory_space<vmem_shared>>) offsets(%dma_start3A_107 : memref<128xi32, #tpu.memory_space<vmem>>) semaphore(%run_scoped3A : memref<!tpu.dma_semaphore, #tpu.memory_space<semaphore_mem>>) {add = true}
        %dma_wait3A_111 = arith.constant 0 : i32
        %dma_wait3A_112 = tpu.memref_slice %arg8[%add3A_91, %dma_wait3A_111] : memref<80x128xi32, #tpu.memory_space<vmem>> -> memref<1x128xi32, #tpu.memory_space<vmem>>
        %dma_wait3A_113 = tpu.memref_squeeze %dma_wait3A_112 : memref<1x128xi32, #tpu.memory_space<vmem>> -> memref<128xi32, #tpu.memory_space<vmem>>
        %dma_wait3A_114 = arith.constant 0 : i32
        %dma_wait3A_115 = arith.constant 0 : i32
        %dma_wait3A_116 = tpu.memref_slice %arg9[%dma_wait3A_114, %dma_wait3A_115] : memref<10112x64xf32, #tpu.memory_space<vmem_shared>> -> memref<10112x64xf32, #tpu.memory_space<vmem_shared>>
        tpu.wait_indirect_dma semaphore(%run_scoped3A : memref<!tpu.dma_semaphore, #tpu.memory_space<semaphore_mem>>) src(%arg12 : memref<128x64xf32, #tpu.memory_space<vmem>>) dst(%dma_wait3A_116 : memref<10112x64xf32, #tpu.memory_space<vmem_shared>>)
        tpu.yield
      }) : () -> ()
      %add3A_98 = arith.constant 2 : i32
      %add3A_99 = arith.addi %add3A_91, %add3A_98 : i32
      %lt3A_100 = arith.constant 80 : i32
      %lt3A_101 = arith.cmpi slt, %add3A_99, %lt3A_100 : i32
      %convert_element_type3A_102 = arith.extui %lt3A_101 : i1 to i32
      %cond3A_103 = arith.constant 0 : i32
      %cond3A_104 = arith.cmpi ne, %convert_element_type3A_102, %cond3A_103 : i32
      scf.if %cond3A_104 {
        %dma_start3A_105 = arith.constant 0 : i32
        %dma_start3A_106 = tpu.memref_slice %arg7[%add3A_99, %dma_start3A_105] : memref<80x128xi32, #tpu.memory_space<vmem>> -> memref<1x128xi32, #tpu.memory_space<vmem>>
        %dma_start3A_107 = tpu.memref_squeeze %dma_start3A_106 : memref<1x128xi32, #tpu.memory_space<vmem>> -> memref<128xi32, #tpu.memory_space<vmem>>
        %dma_start3A_108 = arith.constant 0 : i32
        %dma_start3A_109 = arith.constant 0 : i32
        %dma_start3A_110 = tpu.memref_slice %arg10[%dma_start3A_108, %dma_start3A_109] : memref<10112x64xf32, #tpu.memory_space<vmem_shared>> -> memref<10112x64xf32, #tpu.memory_space<vmem_shared>>
        tpu.enqueue_indirect_dma source(%dma_start3A_110 : memref<10112x64xf32, #tpu.memory_space<vmem_shared>>) target(%arg12 : memref<128x64xf32, #tpu.memory_space<vmem>>) offsets(%dma_start3A_107 : memref<128xi32, #tpu.memory_space<vmem>>) semaphore(%arg14 : memref<!tpu.dma_semaphore, #tpu.memory_space<semaphore_mem>>)
      } else {
      }
    }
    %scan3A_67 = arith.constant 40 : i32
    %barrier3A_68 = arith.constant 0 : index
    tpu.barrier barrier_id(%barrier3A_68)
    %mul3A_69 = arith.constant 632 : i32
    %mul3A_70 = arith.muli %arg1, %mul3A_69 : i32
    %mul3A_71 = arith.constant 632 : i32
    %mul3A_72 = arith.muli %arg1, %mul3A_71 : i32
    "tpu.region"() ({
      %run_scoped3A = tpu.sem_alloc : memref<!tpu.dma_semaphore, #tpu.memory_space<semaphore_mem>>
      %dma_start3A_73 = arith.constant 0 : i32
      %dma_start3A_74 = tpu.memref_slice %arg6[%arg0, %mul3A_72, %dma_start3A_73] : memref<2x10112x64xf32, #tpu.memory_space<hbm>> -> memref<1x632x64xf32, #tpu.memory_space<hbm>>
      %dma_start3A_75 = tpu.memref_squeeze %dma_start3A_74 : memref<1x632x64xf32, #tpu.memory_space<hbm>> -> memref<632x64xf32, #tpu.memory_space<hbm>>
      %dma_start3A_76 = arith.constant 0 : i32
      %dma_start3A_77 = tpu.memref_slice %arg9[%mul3A_70, %dma_start3A_76] : memref<10112x64xf32, #tpu.memory_space<vmem_shared>> -> memref<632x64xf32, #tpu.memory_space<vmem_shared>>
      tpu.enqueue_dma source(%dma_start3A_77 : memref<632x64xf32, #tpu.memory_space<vmem_shared>>) target(%dma_start3A_75 : memref<632x64xf32, #tpu.memory_space<hbm>>) target_semaphore(%run_scoped3A : memref<!tpu.dma_semaphore, #tpu.memory_space<semaphore_mem>>)
      %dma_wait3A_78 = arith.constant 0 : i32
      %dma_wait3A_79 = tpu.memref_slice %arg6[%arg0, %mul3A_72, %dma_wait3A_78] : memref<2x10112x64xf32, #tpu.memory_space<hbm>> -> memref<1x632x64xf32, #tpu.memory_space<hbm>>
      %dma_wait3A_80 = tpu.memref_squeeze %dma_wait3A_79 : memref<1x632x64xf32, #tpu.memory_space<hbm>> -> memref<632x64xf32, #tpu.memory_space<hbm>>
      %dma_wait3A_81 = arith.constant 0 : i32
      %dma_wait3A_82 = tpu.memref_slice %arg9[%mul3A_70, %dma_wait3A_81] : memref<10112x64xf32, #tpu.memory_space<vmem_shared>> -> memref<632x64xf32, #tpu.memory_space<vmem_shared>>
      tpu.wait_dma2 semaphore(%run_scoped3A : memref<!tpu.dma_semaphore, #tpu.memory_space<semaphore_mem>>) src(%dma_wait3A_82 : memref<632x64xf32, #tpu.memory_space<vmem_shared>>) dst(%dma_wait3A_80 : memref<632x64xf32, #tpu.memory_space<hbm>>)
      tpu.yield
    }) : () -> ()
    return
  }
}

#map = affine_map<(d0, d1) -> (0, 0)>
#map1 = affine_map<(d0, d1) -> (0, 0, 0)>
module attributes {stable_mosaic.version = 14 : i64} {
  func.func @_sc_scatter(%arg0: i32, %arg1: i32, %arg2: memref<10112x64xf32, #tpu.memory_space<hbm>>, %arg3: memref<32x80x128xi32, #tpu.memory_space<hbm>>, %arg4: memref<32x80x128xi32, #tpu.memory_space<hbm>>, %arg5: memref<128x64xf32, #tpu.memory_space<hbm>>, %arg6: memref<2x10112x64xf32, #tpu.memory_space<hbm>>, %arg7: memref<80x128xi32, #tpu.memory_space<vmem>>, %arg8: memref<80x128xi32, #tpu.memory_space<vmem>>, %arg9: memref<10112x64xf32, #tpu.memory_space<vmem_shared>>, %arg10: memref<10112x64xf32, #tpu.memory_space<vmem_shared>>, %arg11: memref<128x64xf32, #tpu.memory_space<vmem>>, %arg12: memref<128x64xf32, #tpu.memory_space<vmem>>, %arg13: memref<!tpu.dma_semaphore, #tpu.memory_space<semaphore_mem>>, %arg14: memref<!tpu.dma_semaphore, #tpu.memory_space<semaphore_mem>>, %arg15: memref<!tpu.dma_semaphore, #tpu.memory_space<semaphore_mem>>) attributes {dimension_semantics = [#tpu.dimension_semantics<core_parallel>, #tpu.dimension_semantics<subcore_parallel>], iteration_bounds = array<i64: 2, 16>, scalar_prefetch = 0 : i64, scratch_operands = 9 : i64, tpu.core_type = #tpu.core_type<sc_vector_subcore>, window_params = [{transform_indices = #map}, {transform_indices = #map1}, {transform_indices = #map1}, {transform_indices = #map}, {transform_indices = #map1}]} {
    %mul3A = arith.constant 2 : i32
    %mul3A_0 = arith.muli %arg1, %mul3A : i32
    %add3A = arith.addi %mul3A_0, %arg0 : i32
    %mul3A_1 = arith.constant 632 : i32
    %mul3A_2 = arith.muli %arg1, %mul3A_1 : i32
    %mul3A_3 = arith.constant 632 : i32
    %mul3A_4 = arith.muli %arg1, %mul3A_3 : i32
    %dma_start3A = arith.constant 0 : i32
    %dma_start3A_5 = tpu.memref_slice %arg10[%mul3A_4, %dma_start3A] : memref<10112x64xf32, #tpu.memory_space<vmem_shared>> -> memref<632x64xf32, #tpu.memory_space<vmem_shared>>
    %dma_start3A_6 = arith.constant 0 : i32
    %dma_start3A_7 = tpu.memref_slice %arg2[%mul3A_2, %dma_start3A_6] : memref<10112x64xf32, #tpu.memory_space<hbm>> -> memref<632x64xf32, #tpu.memory_space<hbm>>
    tpu.enqueue_dma source(%dma_start3A_7 : memref<632x64xf32, #tpu.memory_space<hbm>>) target(%dma_start3A_5 : memref<632x64xf32, #tpu.memory_space<vmem_shared>>) target_semaphore(%arg15 : memref<!tpu.dma_semaphore, #tpu.memory_space<semaphore_mem>>)
    %dma_start3A_8 = arith.constant 0 : i32
    %dma_start3A_9 = arith.constant 0 : i32
    %dma_start3A_10 = tpu.memref_slice %arg3[%add3A, %dma_start3A_8, %dma_start3A_9] : memref<32x80x128xi32, #tpu.memory_space<hbm>> -> memref<1x80x128xi32, #tpu.memory_space<hbm>>
    %dma_start3A_11 = tpu.memref_squeeze %dma_start3A_10 : memref<1x80x128xi32, #tpu.memory_space<hbm>> -> memref<80x128xi32, #tpu.memory_space<hbm>>
    %dma_start3A_12 = arith.constant 0 : i32
    %dma_start3A_13 = arith.constant 0 : i32
    %dma_start3A_14 = tpu.memref_slice %arg3[%add3A, %dma_start3A_12, %dma_start3A_13] : memref<32x80x128xi32, #tpu.memory_space<hbm>> -> memref<1x80x128xi32, #tpu.memory_space<hbm>>
    %dma_start3A_15 = tpu.memref_squeeze %dma_start3A_14 : memref<1x80x128xi32, #tpu.memory_space<hbm>> -> memref<80x128xi32, #tpu.memory_space<hbm>>
    tpu.enqueue_dma source(%dma_start3A_15 : memref<80x128xi32, #tpu.memory_space<hbm>>) target(%arg7 : memref<80x128xi32, #tpu.memory_space<vmem>>) target_semaphore(%arg15 : memref<!tpu.dma_semaphore, #tpu.memory_space<semaphore_mem>>)
    %dma_start3A_16 = arith.constant 0 : i32
    %dma_start3A_17 = arith.constant 0 : i32
    %dma_start3A_18 = tpu.memref_slice %arg4[%add3A, %dma_start3A_16, %dma_start3A_17] : memref<32x80x128xi32, #tpu.memory_space<hbm>> -> memref<1x80x128xi32, #tpu.memory_space<hbm>>
    %dma_start3A_19 = tpu.memref_squeeze %dma_start3A_18 : memref<1x80x128xi32, #tpu.memory_space<hbm>> -> memref<80x128xi32, #tpu.memory_space<hbm>>
    %dma_start3A_20 = arith.constant 0 : i32
    %dma_start3A_21 = arith.constant 0 : i32
    %dma_start3A_22 = tpu.memref_slice %arg4[%add3A, %dma_start3A_20, %dma_start3A_21] : memref<32x80x128xi32, #tpu.memory_space<hbm>> -> memref<1x80x128xi32, #tpu.memory_space<hbm>>
    %dma_start3A_23 = tpu.memref_squeeze %dma_start3A_22 : memref<1x80x128xi32, #tpu.memory_space<hbm>> -> memref<80x128xi32, #tpu.memory_space<hbm>>
    tpu.enqueue_dma source(%dma_start3A_23 : memref<80x128xi32, #tpu.memory_space<hbm>>) target(%arg8 : memref<80x128xi32, #tpu.memory_space<vmem>>) target_semaphore(%arg15 : memref<!tpu.dma_semaphore, #tpu.memory_space<semaphore_mem>>)
    %scan3A = arith.constant 0 : i32
    %scan3A_24 = arith.constant 0 : i32
    %scan3A_25 = arith.constant 5 : i32
    %scan3A_26 = arith.addi %scan3A_24, %scan3A_25 : i32
    %scan3A_27 = arith.constant 1 : i32
    scf.for %scan3A_73 = %scan3A_24 to %scan3A_26 step %scan3A_27  : i32 {
      %mul3A_74 = arith.constant 16 : i32
      %mul3A_75 = arith.muli %mul3A_74, %scan3A_73 : i32
      %add3A_76 = arith.addi %arg1, %mul3A_75 : i32
      %mul3A_77 = arith.constant 128 : i32
      %mul3A_78 = arith.muli %add3A_76, %mul3A_77 : i32
      %lt3A = arith.constant 10112 : i32
      %lt3A_79 = arith.cmpi slt, %mul3A_78, %lt3A : i32
      %convert_element_type3A = arith.extui %lt3A_79 : i1 to i32
      %cond3A = arith.constant 0 : i32
      %cond3A_80 = arith.cmpi ne, %convert_element_type3A, %cond3A : i32
      scf.if %cond3A_80 {
        "tpu.region"() ({
          %run_scoped3A = tpu.sem_alloc : memref<!tpu.dma_semaphore, #tpu.memory_space<semaphore_mem>>
          %dma_start3A_81 = arith.constant 0 : i32
          %dma_start3A_82 = tpu.memref_slice %arg9[%mul3A_78, %dma_start3A_81] : memref<10112x64xf32, #tpu.memory_space<vmem_shared>> -> memref<128x64xf32, #tpu.memory_space<vmem_shared>>
          tpu.enqueue_dma source(%arg5 : memref<128x64xf32, #tpu.memory_space<hbm>>) target(%dma_start3A_82 : memref<128x64xf32, #tpu.memory_space<vmem_shared>>) target_semaphore(%run_scoped3A : memref<!tpu.dma_semaphore, #tpu.memory_space<semaphore_mem>>)
          %dma_wait3A_83 = arith.constant 0 : i32
          %dma_wait3A_84 = tpu.memref_slice %arg9[%mul3A_78, %dma_wait3A_83] : memref<10112x64xf32, #tpu.memory_space<vmem_shared>> -> memref<128x64xf32, #tpu.memory_space<vmem_shared>>
          tpu.wait_dma2 semaphore(%run_scoped3A : memref<!tpu.dma_semaphore, #tpu.memory_space<semaphore_mem>>) src(%arg5 : memref<128x64xf32, #tpu.memory_space<hbm>>) dst(%dma_wait3A_84 : memref<128x64xf32, #tpu.memory_space<vmem_shared>>)
          tpu.yield
        }) : () -> ()
      } else {
      }
    }
    %scan3A_28 = arith.constant 5 : i32
    %dma_wait3A = arith.constant 0 : i32
    %dma_wait3A_29 = tpu.memref_slice %arg10[%mul3A_4, %dma_wait3A] : memref<10112x64xf32, #tpu.memory_space<vmem_shared>> -> memref<632x64xf32, #tpu.memory_space<vmem_shared>>
    %dma_wait3A_30 = arith.constant 0 : i32
    %dma_wait3A_31 = tpu.memref_slice %arg2[%mul3A_2, %dma_wait3A_30] : memref<10112x64xf32, #tpu.memory_space<hbm>> -> memref<632x64xf32, #tpu.memory_space<hbm>>
    tpu.wait_dma2 semaphore(%arg15 : memref<!tpu.dma_semaphore, #tpu.memory_space<semaphore_mem>>) src(%dma_wait3A_31 : memref<632x64xf32, #tpu.memory_space<hbm>>) dst(%dma_wait3A_29 : memref<632x64xf32, #tpu.memory_space<vmem_shared>>)
    %dma_wait3A_32 = arith.constant 0 : i32
    %dma_wait3A_33 = arith.constant 0 : i32
    %dma_wait3A_34 = tpu.memref_slice %arg3[%add3A, %dma_wait3A_32, %dma_wait3A_33] : memref<32x80x128xi32, #tpu.memory_space<hbm>> -> memref<1x80x128xi32, #tpu.memory_space<hbm>>
    %dma_wait3A_35 = tpu.memref_squeeze %dma_wait3A_34 : memref<1x80x128xi32, #tpu.memory_space<hbm>> -> memref<80x128xi32, #tpu.memory_space<hbm>>
    %dma_wait3A_36 = arith.constant 0 : i32
    %dma_wait3A_37 = arith.constant 0 : i32
    %dma_wait3A_38 = tpu.memref_slice %arg3[%add3A, %dma_wait3A_36, %dma_wait3A_37] : memref<32x80x128xi32, #tpu.memory_space<hbm>> -> memref<1x80x128xi32, #tpu.memory_space<hbm>>
    %dma_wait3A_39 = tpu.memref_squeeze %dma_wait3A_38 : memref<1x80x128xi32, #tpu.memory_space<hbm>> -> memref<80x128xi32, #tpu.memory_space<hbm>>
    tpu.wait_dma2 semaphore(%arg15 : memref<!tpu.dma_semaphore, #tpu.memory_space<semaphore_mem>>) src(%dma_wait3A_39 : memref<80x128xi32, #tpu.memory_space<hbm>>) dst(%arg7 : memref<80x128xi32, #tpu.memory_space<vmem>>)
    %dma_wait3A_40 = arith.constant 0 : i32
    %dma_wait3A_41 = arith.constant 0 : i32
    %dma_wait3A_42 = tpu.memref_slice %arg4[%add3A, %dma_wait3A_40, %dma_wait3A_41] : memref<32x80x128xi32, #tpu.memory_space<hbm>> -> memref<1x80x128xi32, #tpu.memory_space<hbm>>
    %dma_wait3A_43 = tpu.memref_squeeze %dma_wait3A_42 : memref<1x80x128xi32, #tpu.memory_space<hbm>> -> memref<80x128xi32, #tpu.memory_space<hbm>>
    %dma_wait3A_44 = arith.constant 0 : i32
    %dma_wait3A_45 = arith.constant 0 : i32
    %dma_wait3A_46 = tpu.memref_slice %arg4[%add3A, %dma_wait3A_44, %dma_wait3A_45] : memref<32x80x128xi32, #tpu.memory_space<hbm>> -> memref<1x80x128xi32, #tpu.memory_space<hbm>>
    %dma_wait3A_47 = tpu.memref_squeeze %dma_wait3A_46 : memref<1x80x128xi32, #tpu.memory_space<hbm>> -> memref<80x128xi32, #tpu.memory_space<hbm>>
    tpu.wait_dma2 semaphore(%arg15 : memref<!tpu.dma_semaphore, #tpu.memory_space<semaphore_mem>>) src(%dma_wait3A_47 : memref<80x128xi32, #tpu.memory_space<hbm>>) dst(%arg8 : memref<80x128xi32, #tpu.memory_space<vmem>>)
    %barrier3A = arith.constant 0 : index
    tpu.barrier barrier_id(%barrier3A)
    %dma_start3A_48 = arith.constant 0 : i32
    %dma_start3A_49 = arith.constant 0 : i32
    %dma_start3A_50 = tpu.memref_slice %arg7[%dma_start3A_48, %dma_start3A_49] : memref<80x128xi32, #tpu.memory_space<vmem>> -> memref<1x128xi32, #tpu.memory_space<vmem>>
    %dma_start3A_51 = tpu.memref_squeeze %dma_start3A_50 : memref<1x128xi32, #tpu.memory_space<vmem>> -> memref<128xi32, #tpu.memory_space<vmem>>
    %dma_start3A_52 = arith.constant 0 : i32
    %dma_start3A_53 = arith.constant 0 : i32
    %dma_start3A_54 = tpu.memref_slice %arg10[%dma_start3A_52, %dma_start3A_53] : memref<10112x64xf32, #tpu.memory_space<vmem_shared>> -> memref<10112x64xf32, #tpu.memory_space<vmem_shared>>
    tpu.enqueue_indirect_dma source(%dma_start3A_54 : memref<10112x64xf32, #tpu.memory_space<vmem_shared>>) target(%arg11 : memref<128x64xf32, #tpu.memory_space<vmem>>) offsets(%dma_start3A_51 : memref<128xi32, #tpu.memory_space<vmem>>) semaphore(%arg13 : memref<!tpu.dma_semaphore, #tpu.memory_space<semaphore_mem>>)
    %dma_start3A_55 = arith.constant 1 : i32
    %dma_start3A_56 = arith.constant 0 : i32
    %dma_start3A_57 = tpu.memref_slice %arg7[%dma_start3A_55, %dma_start3A_56] : memref<80x128xi32, #tpu.memory_space<vmem>> -> memref<1x128xi32, #tpu.memory_space<vmem>>
    %dma_start3A_58 = tpu.memref_squeeze %dma_start3A_57 : memref<1x128xi32, #tpu.memory_space<vmem>> -> memref<128xi32, #tpu.memory_space<vmem>>
    %dma_start3A_59 = arith.constant 0 : i32
    %dma_start3A_60 = arith.constant 0 : i32
    %dma_start3A_61 = tpu.memref_slice %arg10[%dma_start3A_59, %dma_start3A_60] : memref<10112x64xf32, #tpu.memory_space<vmem_shared>> -> memref<10112x64xf32, #tpu.memory_space<vmem_shared>>
    tpu.enqueue_indirect_dma source(%dma_start3A_61 : memref<10112x64xf32, #tpu.memory_space<vmem_shared>>) target(%arg12 : memref<128x64xf32, #tpu.memory_space<vmem>>) offsets(%dma_start3A_58 : memref<128xi32, #tpu.memory_space<vmem>>) semaphore(%arg14 : memref<!tpu.dma_semaphore, #tpu.memory_space<semaphore_mem>>)
    %scan3A_62 = arith.constant 0 : i32
    %scan3A_63 = arith.constant 0 : i32
    %scan3A_64 = arith.constant 40 : i32
    %scan3A_65 = arith.addi %scan3A_63, %scan3A_64 : i32
    %scan3A_66 = arith.constant 1 : i32
    scf.for %scan3A_73 = %scan3A_63 to %scan3A_65 step %scan3A_66  : i32 {
      %mul3A_74 = arith.constant 2 : i32
      %mul3A_75 = arith.muli %scan3A_73, %mul3A_74 : i32
      %add3A_76 = arith.constant 0 : i32
      %add3A_77 = arith.addi %mul3A_75, %add3A_76 : i32
      %dma_wait3A_78 = arith.constant 0 : i32
      %dma_wait3A_79 = tpu.memref_slice %arg7[%add3A_77, %dma_wait3A_78] : memref<80x128xi32, #tpu.memory_space<vmem>> -> memref<1x128xi32, #tpu.memory_space<vmem>>
      %dma_wait3A_80 = tpu.memref_squeeze %dma_wait3A_79 : memref<1x128xi32, #tpu.memory_space<vmem>> -> memref<128xi32, #tpu.memory_space<vmem>>
      %dma_wait3A_81 = arith.constant 0 : i32
      %dma_wait3A_82 = arith.constant 0 : i32
      %dma_wait3A_83 = tpu.memref_slice %arg10[%dma_wait3A_81, %dma_wait3A_82] : memref<10112x64xf32, #tpu.memory_space<vmem_shared>> -> memref<10112x64xf32, #tpu.memory_space<vmem_shared>>
      tpu.wait_indirect_dma semaphore(%arg13 : memref<!tpu.dma_semaphore, #tpu.memory_space<semaphore_mem>>) src(%dma_wait3A_83 : memref<10112x64xf32, #tpu.memory_space<vmem_shared>>) dst(%arg11 : memref<128x64xf32, #tpu.memory_space<vmem>>)
      "tpu.region"() ({
        %run_scoped3A = tpu.sem_alloc : memref<!tpu.dma_semaphore, #tpu.memory_space<semaphore_mem>>
        %dma_start3A_105 = arith.constant 0 : i32
        %dma_start3A_106 = tpu.memref_slice %arg8[%add3A_77, %dma_start3A_105] : memref<80x128xi32, #tpu.memory_space<vmem>> -> memref<1x128xi32, #tpu.memory_space<vmem>>
        %dma_start3A_107 = tpu.memref_squeeze %dma_start3A_106 : memref<1x128xi32, #tpu.memory_space<vmem>> -> memref<128xi32, #tpu.memory_space<vmem>>
        %dma_start3A_108 = arith.constant 0 : i32
        %dma_start3A_109 = arith.constant 0 : i32
        %dma_start3A_110 = tpu.memref_slice %arg9[%dma_start3A_108, %dma_start3A_109] : memref<10112x64xf32, #tpu.memory_space<vmem_shared>> -> memref<10112x64xf32, #tpu.memory_space<vmem_shared>>
        tpu.enqueue_indirect_dma source(%arg11 : memref<128x64xf32, #tpu.memory_space<vmem>>) target(%dma_start3A_110 : memref<10112x64xf32, #tpu.memory_space<vmem_shared>>) offsets(%dma_start3A_107 : memref<128xi32, #tpu.memory_space<vmem>>) semaphore(%run_scoped3A : memref<!tpu.dma_semaphore, #tpu.memory_space<semaphore_mem>>) {add = true}
        %dma_wait3A_111 = arith.constant 0 : i32
        %dma_wait3A_112 = tpu.memref_slice %arg8[%add3A_77, %dma_wait3A_111] : memref<80x128xi32, #tpu.memory_space<vmem>> -> memref<1x128xi32, #tpu.memory_space<vmem>>
        %dma_wait3A_113 = tpu.memref_squeeze %dma_wait3A_112 : memref<1x128xi32, #tpu.memory_space<vmem>> -> memref<128xi32, #tpu.memory_space<vmem>>
        %dma_wait3A_114 = arith.constant 0 : i32
        %dma_wait3A_115 = arith.constant 0 : i32
        %dma_wait3A_116 = tpu.memref_slice %arg9[%dma_wait3A_114, %dma_wait3A_115] : memref<10112x64xf32, #tpu.memory_space<vmem_shared>> -> memref<10112x64xf32, #tpu.memory_space<vmem_shared>>
        tpu.wait_indirect_dma semaphore(%run_scoped3A : memref<!tpu.dma_semaphore, #tpu.memory_space<semaphore_mem>>) src(%arg11 : memref<128x64xf32, #tpu.memory_space<vmem>>) dst(%dma_wait3A_116 : memref<10112x64xf32, #tpu.memory_space<vmem_shared>>)
        tpu.yield
      }) : () -> ()
      %add3A_84 = arith.constant 2 : i32
      %add3A_85 = arith.addi %add3A_77, %add3A_84 : i32
      %lt3A = arith.constant 80 : i32
      %lt3A_86 = arith.cmpi slt, %add3A_85, %lt3A : i32
      %convert_element_type3A = arith.extui %lt3A_86 : i1 to i32
      %cond3A = arith.constant 0 : i32
      %cond3A_87 = arith.cmpi ne, %convert_element_type3A, %cond3A : i32
      scf.if %cond3A_87 {
        %dma_start3A_105 = arith.constant 0 : i32
        %dma_start3A_106 = tpu.memref_slice %arg7[%add3A_85, %dma_start3A_105] : memref<80x128xi32, #tpu.memory_space<vmem>> -> memref<1x128xi32, #tpu.memory_space<vmem>>
        %dma_start3A_107 = tpu.memref_squeeze %dma_start3A_106 : memref<1x128xi32, #tpu.memory_space<vmem>> -> memref<128xi32, #tpu.memory_space<vmem>>
        %dma_start3A_108 = arith.constant 0 : i32
        %dma_start3A_109 = arith.constant 0 : i32
        %dma_start3A_110 = tpu.memref_slice %arg10[%dma_start3A_108, %dma_start3A_109] : memref<10112x64xf32, #tpu.memory_space<vmem_shared>> -> memref<10112x64xf32, #tpu.memory_space<vmem_shared>>
        tpu.enqueue_indirect_dma source(%dma_start3A_110 : memref<10112x64xf32, #tpu.memory_space<vmem_shared>>) target(%arg11 : memref<128x64xf32, #tpu.memory_space<vmem>>) offsets(%dma_start3A_107 : memref<128xi32, #tpu.memory_space<vmem>>) semaphore(%arg13 : memref<!tpu.dma_semaphore, #tpu.memory_space<semaphore_mem>>)
      } else {
      }
      %mul3A_88 = arith.constant 2 : i32
      %mul3A_89 = arith.muli %scan3A_73, %mul3A_88 : i32
      %add3A_90 = arith.constant 1 : i32
      %add3A_91 = arith.addi %mul3A_89, %add3A_90 : i32
      %dma_wait3A_92 = arith.constant 0 : i32
      %dma_wait3A_93 = tpu.memref_slice %arg7[%add3A_91, %dma_wait3A_92] : memref<80x128xi32, #tpu.memory_space<vmem>> -> memref<1x128xi32, #tpu.memory_space<vmem>>
      %dma_wait3A_94 = tpu.memref_squeeze %dma_wait3A_93 : memref<1x128xi32, #tpu.memory_space<vmem>> -> memref<128xi32, #tpu.memory_space<vmem>>
      %dma_wait3A_95 = arith.constant 0 : i32
      %dma_wait3A_96 = arith.constant 0 : i32
      %dma_wait3A_97 = tpu.memref_slice %arg10[%dma_wait3A_95, %dma_wait3A_96] : memref<10112x64xf32, #tpu.memory_space<vmem_shared>> -> memref<10112x64xf32, #tpu.memory_space<vmem_shared>>
      tpu.wait_indirect_dma semaphore(%arg14 : memref<!tpu.dma_semaphore, #tpu.memory_space<semaphore_mem>>) src(%dma_wait3A_97 : memref<10112x64xf32, #tpu.memory_space<vmem_shared>>) dst(%arg12 : memref<128x64xf32, #tpu.memory_space<vmem>>)
      "tpu.region"() ({
        %run_scoped3A = tpu.sem_alloc : memref<!tpu.dma_semaphore, #tpu.memory_space<semaphore_mem>>
        %dma_start3A_105 = arith.constant 0 : i32
        %dma_start3A_106 = tpu.memref_slice %arg8[%add3A_91, %dma_start3A_105] : memref<80x128xi32, #tpu.memory_space<vmem>> -> memref<1x128xi32, #tpu.memory_space<vmem>>
        %dma_start3A_107 = tpu.memref_squeeze %dma_start3A_106 : memref<1x128xi32, #tpu.memory_space<vmem>> -> memref<128xi32, #tpu.memory_space<vmem>>
        %dma_start3A_108 = arith.constant 0 : i32
        %dma_start3A_109 = arith.constant 0 : i32
        %dma_start3A_110 = tpu.memref_slice %arg9[%dma_start3A_108, %dma_start3A_109] : memref<10112x64xf32, #tpu.memory_space<vmem_shared>> -> memref<10112x64xf32, #tpu.memory_space<vmem_shared>>
        tpu.enqueue_indirect_dma source(%arg12 : memref<128x64xf32, #tpu.memory_space<vmem>>) target(%dma_start3A_110 : memref<10112x64xf32, #tpu.memory_space<vmem_shared>>) offsets(%dma_start3A_107 : memref<128xi32, #tpu.memory_space<vmem>>) semaphore(%run_scoped3A : memref<!tpu.dma_semaphore, #tpu.memory_space<semaphore_mem>>) {add = true}
        %dma_wait3A_111 = arith.constant 0 : i32
        %dma_wait3A_112 = tpu.memref_slice %arg8[%add3A_91, %dma_wait3A_111] : memref<80x128xi32, #tpu.memory_space<vmem>> -> memref<1x128xi32, #tpu.memory_space<vmem>>
        %dma_wait3A_113 = tpu.memref_squeeze %dma_wait3A_112 : memref<1x128xi32, #tpu.memory_space<vmem>> -> memref<128xi32, #tpu.memory_space<vmem>>
        %dma_wait3A_114 = arith.constant 0 : i32
        %dma_wait3A_115 = arith.constant 0 : i32
        %dma_wait3A_116 = tpu.memref_slice %arg9[%dma_wait3A_114, %dma_wait3A_115] : memref<10112x64xf32, #tpu.memory_space<vmem_shared>> -> memref<10112x64xf32, #tpu.memory_space<vmem_shared>>
        tpu.wait_indirect_dma semaphore(%run_scoped3A : memref<!tpu.dma_semaphore, #tpu.memory_space<semaphore_mem>>) src(%arg12 : memref<128x64xf32, #tpu.memory_space<vmem>>) dst(%dma_wait3A_116 : memref<10112x64xf32, #tpu.memory_space<vmem_shared>>)
        tpu.yield
      }) : () -> ()
      %add3A_98 = arith.constant 2 : i32
      %add3A_99 = arith.addi %add3A_91, %add3A_98 : i32
      %lt3A_100 = arith.constant 80 : i32
      %lt3A_101 = arith.cmpi slt, %add3A_99, %lt3A_100 : i32
      %convert_element_type3A_102 = arith.extui %lt3A_101 : i1 to i32
      %cond3A_103 = arith.constant 0 : i32
      %cond3A_104 = arith.cmpi ne, %convert_element_type3A_102, %cond3A_103 : i32
      scf.if %cond3A_104 {
        %dma_start3A_105 = arith.constant 0 : i32
        %dma_start3A_106 = tpu.memref_slice %arg7[%add3A_99, %dma_start3A_105] : memref<80x128xi32, #tpu.memory_space<vmem>> -> memref<1x128xi32, #tpu.memory_space<vmem>>
        %dma_start3A_107 = tpu.memref_squeeze %dma_start3A_106 : memref<1x128xi32, #tpu.memory_space<vmem>> -> memref<128xi32, #tpu.memory_space<vmem>>
        %dma_start3A_108 = arith.constant 0 : i32
        %dma_start3A_109 = arith.constant 0 : i32
        %dma_start3A_110 = tpu.memref_slice %arg10[%dma_start3A_108, %dma_start3A_109] : memref<10112x64xf32, #tpu.memory_space<vmem_shared>> -> memref<10112x64xf32, #tpu.memory_space<vmem_shared>>
        tpu.enqueue_indirect_dma source(%dma_start3A_110 : memref<10112x64xf32, #tpu.memory_space<vmem_shared>>) target(%arg12 : memref<128x64xf32, #tpu.memory_space<vmem>>) offsets(%dma_start3A_107 : memref<128xi32, #tpu.memory_space<vmem>>) semaphore(%arg14 : memref<!tpu.dma_semaphore, #tpu.memory_space<semaphore_mem>>)
      } else {
      }
    }
    %scan3A_67 = arith.constant 40 : i32
    %barrier3A_68 = arith.constant 0 : index
    tpu.barrier barrier_id(%barrier3A_68)
    %mul3A_69 = arith.constant 632 : i32
    %mul3A_70 = arith.muli %arg1, %mul3A_69 : i32
    %mul3A_71 = arith.constant 632 : i32
    %mul3A_72 = arith.muli %arg1, %mul3A_71 : i32
    "tpu.region"() ({
      %run_scoped3A = tpu.sem_alloc : memref<!tpu.dma_semaphore, #tpu.memory_space<semaphore_mem>>
      %dma_start3A_73 = arith.constant 0 : i32
      %dma_start3A_74 = tpu.memref_slice %arg6[%arg0, %mul3A_72, %dma_start3A_73] : memref<2x10112x64xf32, #tpu.memory_space<hbm>> -> memref<1x632x64xf32, #tpu.memory_space<hbm>>
      %dma_start3A_75 = tpu.memref_squeeze %dma_start3A_74 : memref<1x632x64xf32, #tpu.memory_space<hbm>> -> memref<632x64xf32, #tpu.memory_space<hbm>>
      %dma_start3A_76 = arith.constant 0 : i32
      %dma_start3A_77 = tpu.memref_slice %arg9[%mul3A_70, %dma_start3A_76] : memref<10112x64xf32, #tpu.memory_space<vmem_shared>> -> memref<632x64xf32, #tpu.memory_space<vmem_shared>>
      tpu.enqueue_dma source(%dma_start3A_77 : memref<632x64xf32, #tpu.memory_space<vmem_shared>>) target(%dma_start3A_75 : memref<632x64xf32, #tpu.memory_space<hbm>>) target_semaphore(%run_scoped3A : memref<!tpu.dma_semaphore, #tpu.memory_space<semaphore_mem>>)
      %dma_wait3A_78 = arith.constant 0 : i32
      %dma_wait3A_79 = tpu.memref_slice %arg6[%arg0, %mul3A_72, %dma_wait3A_78] : memref<2x10112x64xf32, #tpu.memory_space<hbm>> -> memref<1x632x64xf32, #tpu.memory_space<hbm>>
      %dma_wait3A_80 = tpu.memref_squeeze %dma_wait3A_79 : memref<1x632x64xf32, #tpu.memory_space<hbm>> -> memref<632x64xf32, #tpu.memory_space<hbm>>
      %dma_wait3A_81 = arith.constant 0 : i32
      %dma_wait3A_82 = tpu.memref_slice %arg9[%mul3A_70, %dma_wait3A_81] : memref<10112x64xf32, #tpu.memory_space<vmem_shared>> -> memref<632x64xf32, #tpu.memory_space<vmem_shared>>
      tpu.wait_dma2 semaphore(%run_scoped3A : memref<!tpu.dma_semaphore, #tpu.memory_space<semaphore_mem>>) src(%dma_wait3A_82 : memref<632x64xf32, #tpu.memory_space<vmem_shared>>) dst(%dma_wait3A_80 : memref<632x64xf32, #tpu.memory_space<hbm>>)
      tpu.yield
    }) : () -> ()
    return
  }
}

#map = affine_map<(d0, d1) -> (0, 0)>
#map1 = affine_map<(d0, d1) -> (0, 0, 0)>
module attributes {stable_mosaic.version = 14 : i64} {
  func.func @_sc_scatter(%arg0: i32, %arg1: i32, %arg2: memref<10112x64xf32, #tpu.memory_space<hbm>>, %arg3: memref<32x80x128xi32, #tpu.memory_space<hbm>>, %arg4: memref<32x80x128xi32, #tpu.memory_space<hbm>>, %arg5: memref<128x64xf32, #tpu.memory_space<hbm>>, %arg6: memref<2x10112x64xf32, #tpu.memory_space<hbm>>, %arg7: memref<80x128xi32, #tpu.memory_space<vmem>>, %arg8: memref<80x128xi32, #tpu.memory_space<vmem>>, %arg9: memref<10112x64xf32, #tpu.memory_space<vmem_shared>>, %arg10: memref<10112x64xf32, #tpu.memory_space<vmem_shared>>, %arg11: memref<128x64xf32, #tpu.memory_space<vmem>>, %arg12: memref<128x64xf32, #tpu.memory_space<vmem>>, %arg13: memref<!tpu.dma_semaphore, #tpu.memory_space<semaphore_mem>>, %arg14: memref<!tpu.dma_semaphore, #tpu.memory_space<semaphore_mem>>, %arg15: memref<!tpu.dma_semaphore, #tpu.memory_space<semaphore_mem>>) attributes {dimension_semantics = [#tpu.dimension_semantics<core_parallel>, #tpu.dimension_semantics<subcore_parallel>], iteration_bounds = array<i64: 2, 16>, scalar_prefetch = 0 : i64, scratch_operands = 9 : i64, tpu.core_type = #tpu.core_type<sc_vector_subcore>, window_params = [{transform_indices = #map}, {transform_indices = #map1}, {transform_indices = #map1}, {transform_indices = #map}, {transform_indices = #map1}]} {
    %mul3A = arith.constant 2 : i32
    %mul3A_0 = arith.muli %arg1, %mul3A : i32
    %add3A = arith.addi %mul3A_0, %arg0 : i32
    %mul3A_1 = arith.constant 632 : i32
    %mul3A_2 = arith.muli %arg1, %mul3A_1 : i32
    %mul3A_3 = arith.constant 632 : i32
    %mul3A_4 = arith.muli %arg1, %mul3A_3 : i32
    %dma_start3A = arith.constant 0 : i32
    %dma_start3A_5 = tpu.memref_slice %arg10[%mul3A_4, %dma_start3A] : memref<10112x64xf32, #tpu.memory_space<vmem_shared>> -> memref<632x64xf32, #tpu.memory_space<vmem_shared>>
    %dma_start3A_6 = arith.constant 0 : i32
    %dma_start3A_7 = tpu.memref_slice %arg2[%mul3A_2, %dma_start3A_6] : memref<10112x64xf32, #tpu.memory_space<hbm>> -> memref<632x64xf32, #tpu.memory_space<hbm>>
    tpu.enqueue_dma source(%dma_start3A_7 : memref<632x64xf32, #tpu.memory_space<hbm>>) target(%dma_start3A_5 : memref<632x64xf32, #tpu.memory_space<vmem_shared>>) target_semaphore(%arg15 : memref<!tpu.dma_semaphore, #tpu.memory_space<semaphore_mem>>)
    %dma_start3A_8 = arith.constant 0 : i32
    %dma_start3A_9 = arith.constant 0 : i32
    %dma_start3A_10 = tpu.memref_slice %arg3[%add3A, %dma_start3A_8, %dma_start3A_9] : memref<32x80x128xi32, #tpu.memory_space<hbm>> -> memref<1x80x128xi32, #tpu.memory_space<hbm>>
    %dma_start3A_11 = tpu.memref_squeeze %dma_start3A_10 : memref<1x80x128xi32, #tpu.memory_space<hbm>> -> memref<80x128xi32, #tpu.memory_space<hbm>>
    %dma_start3A_12 = arith.constant 0 : i32
    %dma_start3A_13 = arith.constant 0 : i32
    %dma_start3A_14 = tpu.memref_slice %arg3[%add3A, %dma_start3A_12, %dma_start3A_13] : memref<32x80x128xi32, #tpu.memory_space<hbm>> -> memref<1x80x128xi32, #tpu.memory_space<hbm>>
    %dma_start3A_15 = tpu.memref_squeeze %dma_start3A_14 : memref<1x80x128xi32, #tpu.memory_space<hbm>> -> memref<80x128xi32, #tpu.memory_space<hbm>>
    tpu.enqueue_dma source(%dma_start3A_15 : memref<80x128xi32, #tpu.memory_space<hbm>>) target(%arg7 : memref<80x128xi32, #tpu.memory_space<vmem>>) target_semaphore(%arg15 : memref<!tpu.dma_semaphore, #tpu.memory_space<semaphore_mem>>)
    %dma_start3A_16 = arith.constant 0 : i32
    %dma_start3A_17 = arith.constant 0 : i32
    %dma_start3A_18 = tpu.memref_slice %arg4[%add3A, %dma_start3A_16, %dma_start3A_17] : memref<32x80x128xi32, #tpu.memory_space<hbm>> -> memref<1x80x128xi32, #tpu.memory_space<hbm>>
    %dma_start3A_19 = tpu.memref_squeeze %dma_start3A_18 : memref<1x80x128xi32, #tpu.memory_space<hbm>> -> memref<80x128xi32, #tpu.memory_space<hbm>>
    %dma_start3A_20 = arith.constant 0 : i32
    %dma_start3A_21 = arith.constant 0 : i32
    %dma_start3A_22 = tpu.memref_slice %arg4[%add3A, %dma_start3A_20, %dma_start3A_21] : memref<32x80x128xi32, #tpu.memory_space<hbm>> -> memref<1x80x128xi32, #tpu.memory_space<hbm>>
    %dma_start3A_23 = tpu.memref_squeeze %dma_start3A_22 : memref<1x80x128xi32, #tpu.memory_space<hbm>> -> memref<80x128xi32, #tpu.memory_space<hbm>>
    tpu.enqueue_dma source(%dma_start3A_23 : memref<80x128xi32, #tpu.memory_space<hbm>>) target(%arg8 : memref<80x128xi32, #tpu.memory_space<vmem>>) target_semaphore(%arg15 : memref<!tpu.dma_semaphore, #tpu.memory_space<semaphore_mem>>)
    %scan3A = arith.constant 0 : i32
    %scan3A_24 = arith.constant 0 : i32
    %scan3A_25 = arith.constant 5 : i32
    %scan3A_26 = arith.addi %scan3A_24, %scan3A_25 : i32
    %scan3A_27 = arith.constant 1 : i32
    scf.for %scan3A_73 = %scan3A_24 to %scan3A_26 step %scan3A_27  : i32 {
      %mul3A_74 = arith.constant 16 : i32
      %mul3A_75 = arith.muli %mul3A_74, %scan3A_73 : i32
      %add3A_76 = arith.addi %arg1, %mul3A_75 : i32
      %mul3A_77 = arith.constant 128 : i32
      %mul3A_78 = arith.muli %add3A_76, %mul3A_77 : i32
      %lt3A = arith.constant 10112 : i32
      %lt3A_79 = arith.cmpi slt, %mul3A_78, %lt3A : i32
      %convert_element_type3A = arith.extui %lt3A_79 : i1 to i32
      %cond3A = arith.constant 0 : i32
      %cond3A_80 = arith.cmpi ne, %convert_element_type3A, %cond3A : i32
      scf.if %cond3A_80 {
        "tpu.region"() ({
          %run_scoped3A = tpu.sem_alloc : memref<!tpu.dma_semaphore, #tpu.memory_space<semaphore_mem>>
          %dma_start3A_81 = arith.constant 0 : i32
          %dma_start3A_82 = tpu.memref_slice %arg9[%mul3A_78, %dma_start3A_81] : memref<10112x64xf32, #tpu.memory_space<vmem_shared>> -> memref<128x64xf32, #tpu.memory_space<vmem_shared>>
          tpu.enqueue_dma source(%arg5 : memref<128x64xf32, #tpu.memory_space<hbm>>) target(%dma_start3A_82 : memref<128x64xf32, #tpu.memory_space<vmem_shared>>) target_semaphore(%run_scoped3A : memref<!tpu.dma_semaphore, #tpu.memory_space<semaphore_mem>>)
          %dma_wait3A_83 = arith.constant 0 : i32
          %dma_wait3A_84 = tpu.memref_slice %arg9[%mul3A_78, %dma_wait3A_83] : memref<10112x64xf32, #tpu.memory_space<vmem_shared>> -> memref<128x64xf32, #tpu.memory_space<vmem_shared>>
          tpu.wait_dma2 semaphore(%run_scoped3A : memref<!tpu.dma_semaphore, #tpu.memory_space<semaphore_mem>>) src(%arg5 : memref<128x64xf32, #tpu.memory_space<hbm>>) dst(%dma_wait3A_84 : memref<128x64xf32, #tpu.memory_space<vmem_shared>>)
          tpu.yield
        }) : () -> ()
      } else {
      }
    }
    %scan3A_28 = arith.constant 5 : i32
    %dma_wait3A = arith.constant 0 : i32
    %dma_wait3A_29 = tpu.memref_slice %arg10[%mul3A_4, %dma_wait3A] : memref<10112x64xf32, #tpu.memory_space<vmem_shared>> -> memref<632x64xf32, #tpu.memory_space<vmem_shared>>
    %dma_wait3A_30 = arith.constant 0 : i32
    %dma_wait3A_31 = tpu.memref_slice %arg2[%mul3A_2, %dma_wait3A_30] : memref<10112x64xf32, #tpu.memory_space<hbm>> -> memref<632x64xf32, #tpu.memory_space<hbm>>
    tpu.wait_dma2 semaphore(%arg15 : memref<!tpu.dma_semaphore, #tpu.memory_space<semaphore_mem>>) src(%dma_wait3A_31 : memref<632x64xf32, #tpu.memory_space<hbm>>) dst(%dma_wait3A_29 : memref<632x64xf32, #tpu.memory_space<vmem_shared>>)
    %dma_wait3A_32 = arith.constant 0 : i32
    %dma_wait3A_33 = arith.constant 0 : i32
    %dma_wait3A_34 = tpu.memref_slice %arg3[%add3A, %dma_wait3A_32, %dma_wait3A_33] : memref<32x80x128xi32, #tpu.memory_space<hbm>> -> memref<1x80x128xi32, #tpu.memory_space<hbm>>
    %dma_wait3A_35 = tpu.memref_squeeze %dma_wait3A_34 : memref<1x80x128xi32, #tpu.memory_space<hbm>> -> memref<80x128xi32, #tpu.memory_space<hbm>>
    %dma_wait3A_36 = arith.constant 0 : i32
    %dma_wait3A_37 = arith.constant 0 : i32
    %dma_wait3A_38 = tpu.memref_slice %arg3[%add3A, %dma_wait3A_36, %dma_wait3A_37] : memref<32x80x128xi32, #tpu.memory_space<hbm>> -> memref<1x80x128xi32, #tpu.memory_space<hbm>>
    %dma_wait3A_39 = tpu.memref_squeeze %dma_wait3A_38 : memref<1x80x128xi32, #tpu.memory_space<hbm>> -> memref<80x128xi32, #tpu.memory_space<hbm>>
    tpu.wait_dma2 semaphore(%arg15 : memref<!tpu.dma_semaphore, #tpu.memory_space<semaphore_mem>>) src(%dma_wait3A_39 : memref<80x128xi32, #tpu.memory_space<hbm>>) dst(%arg7 : memref<80x128xi32, #tpu.memory_space<vmem>>)
    %dma_wait3A_40 = arith.constant 0 : i32
    %dma_wait3A_41 = arith.constant 0 : i32
    %dma_wait3A_42 = tpu.memref_slice %arg4[%add3A, %dma_wait3A_40, %dma_wait3A_41] : memref<32x80x128xi32, #tpu.memory_space<hbm>> -> memref<1x80x128xi32, #tpu.memory_space<hbm>>
    %dma_wait3A_43 = tpu.memref_squeeze %dma_wait3A_42 : memref<1x80x128xi32, #tpu.memory_space<hbm>> -> memref<80x128xi32, #tpu.memory_space<hbm>>
    %dma_wait3A_44 = arith.constant 0 : i32
    %dma_wait3A_45 = arith.constant 0 : i32
    %dma_wait3A_46 = tpu.memref_slice %arg4[%add3A, %dma_wait3A_44, %dma_wait3A_45] : memref<32x80x128xi32, #tpu.memory_space<hbm>> -> memref<1x80x128xi32, #tpu.memory_space<hbm>>
    %dma_wait3A_47 = tpu.memref_squeeze %dma_wait3A_46 : memref<1x80x128xi32, #tpu.memory_space<hbm>> -> memref<80x128xi32, #tpu.memory_space<hbm>>
    tpu.wait_dma2 semaphore(%arg15 : memref<!tpu.dma_semaphore, #tpu.memory_space<semaphore_mem>>) src(%dma_wait3A_47 : memref<80x128xi32, #tpu.memory_space<hbm>>) dst(%arg8 : memref<80x128xi32, #tpu.memory_space<vmem>>)
    %barrier3A = arith.constant 0 : index
    tpu.barrier barrier_id(%barrier3A)
    %dma_start3A_48 = arith.constant 0 : i32
    %dma_start3A_49 = arith.constant 0 : i32
    %dma_start3A_50 = tpu.memref_slice %arg7[%dma_start3A_48, %dma_start3A_49] : memref<80x128xi32, #tpu.memory_space<vmem>> -> memref<1x128xi32, #tpu.memory_space<vmem>>
    %dma_start3A_51 = tpu.memref_squeeze %dma_start3A_50 : memref<1x128xi32, #tpu.memory_space<vmem>> -> memref<128xi32, #tpu.memory_space<vmem>>
    %dma_start3A_52 = arith.constant 0 : i32
    %dma_start3A_53 = arith.constant 0 : i32
    %dma_start3A_54 = tpu.memref_slice %arg10[%dma_start3A_52, %dma_start3A_53] : memref<10112x64xf32, #tpu.memory_space<vmem_shared>> -> memref<10112x64xf32, #tpu.memory_space<vmem_shared>>
    tpu.enqueue_indirect_dma source(%dma_start3A_54 : memref<10112x64xf32, #tpu.memory_space<vmem_shared>>) target(%arg11 : memref<128x64xf32, #tpu.memory_space<vmem>>) offsets(%dma_start3A_51 : memref<128xi32, #tpu.memory_space<vmem>>) semaphore(%arg13 : memref<!tpu.dma_semaphore, #tpu.memory_space<semaphore_mem>>)
    %dma_start3A_55 = arith.constant 1 : i32
    %dma_start3A_56 = arith.constant 0 : i32
    %dma_start3A_57 = tpu.memref_slice %arg7[%dma_start3A_55, %dma_start3A_56] : memref<80x128xi32, #tpu.memory_space<vmem>> -> memref<1x128xi32, #tpu.memory_space<vmem>>
    %dma_start3A_58 = tpu.memref_squeeze %dma_start3A_57 : memref<1x128xi32, #tpu.memory_space<vmem>> -> memref<128xi32, #tpu.memory_space<vmem>>
    %dma_start3A_59 = arith.constant 0 : i32
    %dma_start3A_60 = arith.constant 0 : i32
    %dma_start3A_61 = tpu.memref_slice %arg10[%dma_start3A_59, %dma_start3A_60] : memref<10112x64xf32, #tpu.memory_space<vmem_shared>> -> memref<10112x64xf32, #tpu.memory_space<vmem_shared>>
    tpu.enqueue_indirect_dma source(%dma_start3A_61 : memref<10112x64xf32, #tpu.memory_space<vmem_shared>>) target(%arg12 : memref<128x64xf32, #tpu.memory_space<vmem>>) offsets(%dma_start3A_58 : memref<128xi32, #tpu.memory_space<vmem>>) semaphore(%arg14 : memref<!tpu.dma_semaphore, #tpu.memory_space<semaphore_mem>>)
    %scan3A_62 = arith.constant 0 : i32
    %scan3A_63 = arith.constant 0 : i32
    %scan3A_64 = arith.constant 40 : i32
    %scan3A_65 = arith.addi %scan3A_63, %scan3A_64 : i32
    %scan3A_66 = arith.constant 1 : i32
    scf.for %scan3A_73 = %scan3A_63 to %scan3A_65 step %scan3A_66  : i32 {
      %mul3A_74 = arith.constant 2 : i32
      %mul3A_75 = arith.muli %scan3A_73, %mul3A_74 : i32
      %add3A_76 = arith.constant 0 : i32
      %add3A_77 = arith.addi %mul3A_75, %add3A_76 : i32
      %dma_wait3A_78 = arith.constant 0 : i32
      %dma_wait3A_79 = tpu.memref_slice %arg7[%add3A_77, %dma_wait3A_78] : memref<80x128xi32, #tpu.memory_space<vmem>> -> memref<1x128xi32, #tpu.memory_space<vmem>>
      %dma_wait3A_80 = tpu.memref_squeeze %dma_wait3A_79 : memref<1x128xi32, #tpu.memory_space<vmem>> -> memref<128xi32, #tpu.memory_space<vmem>>
      %dma_wait3A_81 = arith.constant 0 : i32
      %dma_wait3A_82 = arith.constant 0 : i32
      %dma_wait3A_83 = tpu.memref_slice %arg10[%dma_wait3A_81, %dma_wait3A_82] : memref<10112x64xf32, #tpu.memory_space<vmem_shared>> -> memref<10112x64xf32, #tpu.memory_space<vmem_shared>>
      tpu.wait_indirect_dma semaphore(%arg13 : memref<!tpu.dma_semaphore, #tpu.memory_space<semaphore_mem>>) src(%dma_wait3A_83 : memref<10112x64xf32, #tpu.memory_space<vmem_shared>>) dst(%arg11 : memref<128x64xf32, #tpu.memory_space<vmem>>)
      "tpu.region"() ({
        %run_scoped3A = tpu.sem_alloc : memref<!tpu.dma_semaphore, #tpu.memory_space<semaphore_mem>>
        %dma_start3A_105 = arith.constant 0 : i32
        %dma_start3A_106 = tpu.memref_slice %arg8[%add3A_77, %dma_start3A_105] : memref<80x128xi32, #tpu.memory_space<vmem>> -> memref<1x128xi32, #tpu.memory_space<vmem>>
        %dma_start3A_107 = tpu.memref_squeeze %dma_start3A_106 : memref<1x128xi32, #tpu.memory_space<vmem>> -> memref<128xi32, #tpu.memory_space<vmem>>
        %dma_start3A_108 = arith.constant 0 : i32
        %dma_start3A_109 = arith.constant 0 : i32
        %dma_start3A_110 = tpu.memref_slice %arg9[%dma_start3A_108, %dma_start3A_109] : memref<10112x64xf32, #tpu.memory_space<vmem_shared>> -> memref<10112x64xf32, #tpu.memory_space<vmem_shared>>
        tpu.enqueue_indirect_dma source(%arg11 : memref<128x64xf32, #tpu.memory_space<vmem>>) target(%dma_start3A_110 : memref<10112x64xf32, #tpu.memory_space<vmem_shared>>) offsets(%dma_start3A_107 : memref<128xi32, #tpu.memory_space<vmem>>) semaphore(%run_scoped3A : memref<!tpu.dma_semaphore, #tpu.memory_space<semaphore_mem>>) {add = true}
        %dma_wait3A_111 = arith.constant 0 : i32
        %dma_wait3A_112 = tpu.memref_slice %arg8[%add3A_77, %dma_wait3A_111] : memref<80x128xi32, #tpu.memory_space<vmem>> -> memref<1x128xi32, #tpu.memory_space<vmem>>
        %dma_wait3A_113 = tpu.memref_squeeze %dma_wait3A_112 : memref<1x128xi32, #tpu.memory_space<vmem>> -> memref<128xi32, #tpu.memory_space<vmem>>
        %dma_wait3A_114 = arith.constant 0 : i32
        %dma_wait3A_115 = arith.constant 0 : i32
        %dma_wait3A_116 = tpu.memref_slice %arg9[%dma_wait3A_114, %dma_wait3A_115] : memref<10112x64xf32, #tpu.memory_space<vmem_shared>> -> memref<10112x64xf32, #tpu.memory_space<vmem_shared>>
        tpu.wait_indirect_dma semaphore(%run_scoped3A : memref<!tpu.dma_semaphore, #tpu.memory_space<semaphore_mem>>) src(%arg11 : memref<128x64xf32, #tpu.memory_space<vmem>>) dst(%dma_wait3A_116 : memref<10112x64xf32, #tpu.memory_space<vmem_shared>>)
        tpu.yield
      }) : () -> ()
      %add3A_84 = arith.constant 2 : i32
      %add3A_85 = arith.addi %add3A_77, %add3A_84 : i32
      %lt3A = arith.constant 80 : i32
      %lt3A_86 = arith.cmpi slt, %add3A_85, %lt3A : i32
      %convert_element_type3A = arith.extui %lt3A_86 : i1 to i32
      %cond3A = arith.constant 0 : i32
      %cond3A_87 = arith.cmpi ne, %convert_element_type3A, %cond3A : i32
      scf.if %cond3A_87 {
        %dma_start3A_105 = arith.constant 0 : i32
        %dma_start3A_106 = tpu.memref_slice %arg7[%add3A_85, %dma_start3A_105] : memref<80x128xi32, #tpu.memory_space<vmem>> -> memref<1x128xi32, #tpu.memory_space<vmem>>
        %dma_start3A_107 = tpu.memref_squeeze %dma_start3A_106 : memref<1x128xi32, #tpu.memory_space<vmem>> -> memref<128xi32, #tpu.memory_space<vmem>>
        %dma_start3A_108 = arith.constant 0 : i32
        %dma_start3A_109 = arith.constant 0 : i32
        %dma_start3A_110 = tpu.memref_slice %arg10[%dma_start3A_108, %dma_start3A_109] : memref<10112x64xf32, #tpu.memory_space<vmem_shared>> -> memref<10112x64xf32, #tpu.memory_space<vmem_shared>>
        tpu.enqueue_indirect_dma source(%dma_start3A_110 : memref<10112x64xf32, #tpu.memory_space<vmem_shared>>) target(%arg11 : memref<128x64xf32, #tpu.memory_space<vmem>>) offsets(%dma_start3A_107 : memref<128xi32, #tpu.memory_space<vmem>>) semaphore(%arg13 : memref<!tpu.dma_semaphore, #tpu.memory_space<semaphore_mem>>)
      } else {
      }
      %mul3A_88 = arith.constant 2 : i32
      %mul3A_89 = arith.muli %scan3A_73, %mul3A_88 : i32
      %add3A_90 = arith.constant 1 : i32
      %add3A_91 = arith.addi %mul3A_89, %add3A_90 : i32
      %dma_wait3A_92 = arith.constant 0 : i32
      %dma_wait3A_93 = tpu.memref_slice %arg7[%add3A_91, %dma_wait3A_92] : memref<80x128xi32, #tpu.memory_space<vmem>> -> memref<1x128xi32, #tpu.memory_space<vmem>>
      %dma_wait3A_94 = tpu.memref_squeeze %dma_wait3A_93 : memref<1x128xi32, #tpu.memory_space<vmem>> -> memref<128xi32, #tpu.memory_space<vmem>>
      %dma_wait3A_95 = arith.constant 0 : i32
      %dma_wait3A_96 = arith.constant 0 : i32
      %dma_wait3A_97 = tpu.memref_slice %arg10[%dma_wait3A_95, %dma_wait3A_96] : memref<10112x64xf32, #tpu.memory_space<vmem_shared>> -> memref<10112x64xf32, #tpu.memory_space<vmem_shared>>
      tpu.wait_indirect_dma semaphore(%arg14 : memref<!tpu.dma_semaphore, #tpu.memory_space<semaphore_mem>>) src(%dma_wait3A_97 : memref<10112x64xf32, #tpu.memory_space<vmem_shared>>) dst(%arg12 : memref<128x64xf32, #tpu.memory_space<vmem>>)
      "tpu.region"() ({
        %run_scoped3A = tpu.sem_alloc : memref<!tpu.dma_semaphore, #tpu.memory_space<semaphore_mem>>
        %dma_start3A_105 = arith.constant 0 : i32
        %dma_start3A_106 = tpu.memref_slice %arg8[%add3A_91, %dma_start3A_105] : memref<80x128xi32, #tpu.memory_space<vmem>> -> memref<1x128xi32, #tpu.memory_space<vmem>>
        %dma_start3A_107 = tpu.memref_squeeze %dma_start3A_106 : memref<1x128xi32, #tpu.memory_space<vmem>> -> memref<128xi32, #tpu.memory_space<vmem>>
        %dma_start3A_108 = arith.constant 0 : i32
        %dma_start3A_109 = arith.constant 0 : i32
        %dma_start3A_110 = tpu.memref_slice %arg9[%dma_start3A_108, %dma_start3A_109] : memref<10112x64xf32, #tpu.memory_space<vmem_shared>> -> memref<10112x64xf32, #tpu.memory_space<vmem_shared>>
        tpu.enqueue_indirect_dma source(%arg12 : memref<128x64xf32, #tpu.memory_space<vmem>>) target(%dma_start3A_110 : memref<10112x64xf32, #tpu.memory_space<vmem_shared>>) offsets(%dma_start3A_107 : memref<128xi32, #tpu.memory_space<vmem>>) semaphore(%run_scoped3A : memref<!tpu.dma_semaphore, #tpu.memory_space<semaphore_mem>>) {add = true}
        %dma_wait3A_111 = arith.constant 0 : i32
        %dma_wait3A_112 = tpu.memref_slice %arg8[%add3A_91, %dma_wait3A_111] : memref<80x128xi32, #tpu.memory_space<vmem>> -> memref<1x128xi32, #tpu.memory_space<vmem>>
        %dma_wait3A_113 = tpu.memref_squeeze %dma_wait3A_112 : memref<1x128xi32, #tpu.memory_space<vmem>> -> memref<128xi32, #tpu.memory_space<vmem>>
        %dma_wait3A_114 = arith.constant 0 : i32
        %dma_wait3A_115 = arith.constant 0 : i32
        %dma_wait3A_116 = tpu.memref_slice %arg9[%dma_wait3A_114, %dma_wait3A_115] : memref<10112x64xf32, #tpu.memory_space<vmem_shared>> -> memref<10112x64xf32, #tpu.memory_space<vmem_shared>>
        tpu.wait_indirect_dma semaphore(%run_scoped3A : memref<!tpu.dma_semaphore, #tpu.memory_space<semaphore_mem>>) src(%arg12 : memref<128x64xf32, #tpu.memory_space<vmem>>) dst(%dma_wait3A_116 : memref<10112x64xf32, #tpu.memory_space<vmem_shared>>)
        tpu.yield
      }) : () -> ()
      %add3A_98 = arith.constant 2 : i32
      %add3A_99 = arith.addi %add3A_91, %add3A_98 : i32
      %lt3A_100 = arith.constant 80 : i32
      %lt3A_101 = arith.cmpi slt, %add3A_99, %lt3A_100 : i32
      %convert_element_type3A_102 = arith.extui %lt3A_101 : i1 to i32
      %cond3A_103 = arith.constant 0 : i32
      %cond3A_104 = arith.cmpi ne, %convert_element_type3A_102, %cond3A_103 : i32
      scf.if %cond3A_104 {
        %dma_start3A_105 = arith.constant 0 : i32
        %dma_start3A_106 = tpu.memref_slice %arg7[%add3A_99, %dma_start3A_105] : memref<80x128xi32, #tpu.memory_space<vmem>> -> memref<1x128xi32, #tpu.memory_space<vmem>>
        %dma_start3A_107 = tpu.memref_squeeze %dma_start3A_106 : memref<1x128xi32, #tpu.memory_space<vmem>> -> memref<128xi32, #tpu.memory_space<vmem>>
        %dma_start3A_108 = arith.constant 0 : i32
        %dma_start3A_109 = arith.constant 0 : i32
        %dma_start3A_110 = tpu.memref_slice %arg10[%dma_start3A_108, %dma_start3A_109] : memref<10112x64xf32, #tpu.memory_space<vmem_shared>> -> memref<10112x64xf32, #tpu.memory_space<vmem_shared>>
        tpu.enqueue_indirect_dma source(%dma_start3A_110 : memref<10112x64xf32, #tpu.memory_space<vmem_shared>>) target(%arg12 : memref<128x64xf32, #tpu.memory_space<vmem>>) offsets(%dma_start3A_107 : memref<128xi32, #tpu.memory_space<vmem>>) semaphore(%arg14 : memref<!tpu.dma_semaphore, #tpu.memory_space<semaphore_mem>>)
      } else {
      }
    }
    %scan3A_67 = arith.constant 40 : i32
    %barrier3A_68 = arith.constant 0 : index
    tpu.barrier barrier_id(%barrier3A_68)
    %mul3A_69 = arith.constant 632 : i32
    %mul3A_70 = arith.muli %arg1, %mul3A_69 : i32
    %mul3A_71 = arith.constant 632 : i32
    %mul3A_72 = arith.muli %arg1, %mul3A_71 : i32
    "tpu.region"() ({
      %run_scoped3A = tpu.sem_alloc : memref<!tpu.dma_semaphore, #tpu.memory_space<semaphore_mem>>
      %dma_start3A_73 = arith.constant 0 : i32
      %dma_start3A_74 = tpu.memref_slice %arg6[%arg0, %mul3A_72, %dma_start3A_73] : memref<2x10112x64xf32, #tpu.memory_space<hbm>> -> memref<1x632x64xf32, #tpu.memory_space<hbm>>
      %dma_start3A_75 = tpu.memref_squeeze %dma_start3A_74 : memref<1x632x64xf32, #tpu.memory_space<hbm>> -> memref<632x64xf32, #tpu.memory_space<hbm>>
      %dma_start3A_76 = arith.constant 0 : i32
      %dma_start3A_77 = tpu.memref_slice %arg9[%mul3A_70, %dma_start3A_76] : memref<10112x64xf32, #tpu.memory_space<vmem_shared>> -> memref<632x64xf32, #tpu.memory_space<vmem_shared>>
      tpu.enqueue_dma source(%dma_start3A_77 : memref<632x64xf32, #tpu.memory_space<vmem_shared>>) target(%dma_start3A_75 : memref<632x64xf32, #tpu.memory_space<hbm>>) target_semaphore(%run_scoped3A : memref<!tpu.dma_semaphore, #tpu.memory_space<semaphore_mem>>)
      %dma_wait3A_78 = arith.constant 0 : i32
      %dma_wait3A_79 = tpu.memref_slice %arg6[%arg0, %mul3A_72, %dma_wait3A_78] : memref<2x10112x64xf32, #tpu.memory_space<hbm>> -> memref<1x632x64xf32, #tpu.memory_space<hbm>>
      %dma_wait3A_80 = tpu.memref_squeeze %dma_wait3A_79 : memref<1x632x64xf32, #tpu.memory_space<hbm>> -> memref<632x64xf32, #tpu.memory_space<hbm>>
      %dma_wait3A_81 = arith.constant 0 : i32
      %dma_wait3A_82 = tpu.memref_slice %arg9[%mul3A_70, %dma_wait3A_81] : memref<10112x64xf32, #tpu.memory_space<vmem_shared>> -> memref<632x64xf32, #tpu.memory_space<vmem_shared>>
      tpu.wait_dma2 semaphore(%run_scoped3A : memref<!tpu.dma_semaphore, #tpu.memory_space<semaphore_mem>>) src(%dma_wait3A_82 : memref<632x64xf32, #tpu.memory_space<vmem_shared>>) dst(%dma_wait3A_80 : memref<632x64xf32, #tpu.memory_space<hbm>>)
      tpu.yield
    }) : () -> ()
    return
  }
}

module attributes {stable_mosaic.version = 14 : i64} {
  func.func @_h0_body(%arg0: memref<10112x128xf32, #tpu.memory_space<vmem>>, %arg1: memref<128x64xf32, #tpu.memory_space<vmem>>, %arg2: memref<10112x64xf32, #tpu.memory_space<vmem>>) attributes {dimension_semantics = [], scalar_prefetch = 0 : i64, scratch_operands = 0 : i64, tpu.core_type = #tpu.core_type<tc>} {
    %get3A = arith.constant 0 : index
    %get3A_0 = arith.constant 0 : index
    %get3A_1 = vector.load %arg0[%get3A, %get3A_0] : memref<10112x128xf32, #tpu.memory_space<vmem>>, vector<10112x128xf32>
    %get3A_2 = arith.constant 0 : index
    %get3A_3 = arith.constant 0 : index
    %get3A_4 = vector.load %arg1[%get3A_2, %get3A_3] : memref<128x64xf32, #tpu.memory_space<vmem>>, vector<128x64xf32>
    %dot_general3A = arith.constant dense<0.000000e+00> : vector<10112x64xf32>
    %dot_general3A_5 = tpu.matmul %get3A_1, %get3A_4, %dot_general3A {dimension_numbers = #tpu.dot_dimension_numbers<[1], [0], [0], [1], [0, 0, 1, 1], [], []>, transpose_lhs_hint = false} : vector<10112x128xf32>, vector<128x64xf32>, vector<10112x64xf32> -> vector<10112x64xf32>
    %swap3A = arith.constant 0 : index
    %swap3A_6 = arith.constant 0 : index
    %swap3A_7 = vector.load %arg2[%swap3A, %swap3A_6] : memref<10112x64xf32, #tpu.memory_space<vmem>>, vector<10112x64xf32>
    tpu.vector_store %arg2[%swap3A, %swap3A_6], %dot_general3A_5 {strides = array<i32>} : memref<10112x64xf32, #tpu.memory_space<vmem>>, vector<10112x64xf32>,
    return
  }
}

module attributes {stable_mosaic.version = 14 : i64} {
  func.func @_dinv_body(%arg0: memref<2x10112x16xf32, #tpu.memory_space<vmem>>, %arg1: memref<10112x64xf32, #tpu.memory_space<vmem>>, %arg2: memref<10112x1xf32, #tpu.memory_space<vmem>>, %arg3: memref<10112x64xf32, #tpu.memory_space<vmem>>) attributes {dimension_semantics = [], scalar_prefetch = 0 : i64, scratch_operands = 0 : i64, tpu.core_type = #tpu.core_type<tc>} {
    %get3A = arith.constant 0 : index
    %get3A_0 = arith.constant 0 : index
    %get3A_1 = arith.constant 0 : index
    %get3A_2 = vector.load %arg0[%get3A, %get3A_0, %get3A_1] : memref<2x10112x16xf32, #tpu.memory_space<vmem>>, vector<1x10112x1xf32>
    %get3A_3 = vector.shape_cast %get3A_2 : vector<1x10112x1xf32> to vector<10112x1xf32>
    %get3A_4 = arith.constant 1 : index
    %get3A_5 = arith.constant 0 : index
    %get3A_6 = arith.constant 0 : index
    %get3A_7 = vector.load %arg0[%get3A_4, %get3A_5, %get3A_6] : memref<2x10112x16xf32, #tpu.memory_space<vmem>>, vector<1x10112x1xf32>
    %get3A_8 = vector.shape_cast %get3A_7 : vector<1x10112x1xf32> to vector<10112x1xf32>
    %add3A = arith.addf %get3A_3, %get3A_8 : vector<10112x1xf32>
    %add3A_9 = arith.constant 1.000000e+00 : f32
    %add3A_10 = vector.broadcast %add3A_9 : f32 to vector<10112x1xf32>
    %add3A_11 = arith.addf %add3A, %add3A_10 : vector<10112x1xf32>
    %iota3A = tpu.iota {dimensions = array<i32: 0>} : vector<10112x1xi32>
    %lt3A = arith.constant 10000 : i32
    %lt3A_12 = vector.broadcast %lt3A : i32 to vector<10112x1xi32>
    %lt3A_13 = arith.cmpi slt, %iota3A, %lt3A_12 : vector<10112x1xi32>
    %rsqrt3A = math.rsqrt %add3A_11 : vector<10112x1xf32>
    %jit3A = arith.constant 0.000000e+00 : f32
    %broadcast_in_dim3A = vector.broadcast %jit3A : f32 to vector<10112x1xf32>
    %select_n3A = arith.select %lt3A_13, %rsqrt3A, %broadcast_in_dim3A : vector<10112x1xi1>, vector<10112x1xf32>
    %swap3A = arith.constant 0 : index
    %swap3A_14 = arith.constant 0 : index
    %swap3A_15 = vector.load %arg2[%swap3A, %swap3A_14] : memref<10112x1xf32, #tpu.memory_space<vmem>>, vector<10112x1xf32>
    tpu.vector_store %arg2[%swap3A, %swap3A_14], %select_n3A {strides = array<i32>} : memref<10112x1xf32, #tpu.memory_space<vmem>>, vector<10112x1xf32>,
    %get3A_16 = arith.constant 0 : index
    %get3A_17 = arith.constant 0 : index
    %get3A_18 = vector.load %arg1[%get3A_16, %get3A_17] : memref<10112x64xf32, #tpu.memory_space<vmem>>, vector<10112x64xf32>
    %mul3A = vector.broadcast %select_n3A : vector<10112x1xf32> to vector<10112x64xf32>
    %mul3A_19 = arith.mulf %mul3A, %get3A_18 : vector<10112x64xf32>
    %swap3A_20 = arith.constant 0 : index
    %swap3A_21 = arith.constant 0 : index
    %swap3A_22 = vector.load %arg3[%swap3A_20, %swap3A_21] : memref<10112x64xf32, #tpu.memory_space<vmem>>, vector<10112x64xf32>
    tpu.vector_store %arg3[%swap3A_20, %swap3A_21], %mul3A_19 {strides = array<i32>} : memref<10112x64xf32, #tpu.memory_space<vmem>>, vector<10112x64xf32>,
    return
  }
}

module attributes {stable_mosaic.version = 14 : i64} {
  func.func @_mid_body(%arg0: memref<2x10112x64xf32, #tpu.memory_space<vmem>>, %arg1: memref<10112x64xf32, #tpu.memory_space<vmem>>, %arg2: memref<10112x1xf32, #tpu.memory_space<vmem>>, %arg3: memref<1x64xf32, #tpu.memory_space<vmem>>, %arg4: memref<64x64xf32, #tpu.memory_space<vmem>>, %arg5: memref<10112x64xf32, #tpu.memory_space<vmem>>) attributes {dimension_semantics = [], scalar_prefetch = 0 : i64, scratch_operands = 0 : i64, tpu.core_type = #tpu.core_type<tc>} {
    %get3A = arith.constant 0 : index
    %get3A_0 = arith.constant 0 : index
    %get3A_1 = arith.constant 0 : index
    %get3A_2 = vector.load %arg0[%get3A, %get3A_0, %get3A_1] : memref<2x10112x64xf32, #tpu.memory_space<vmem>>, vector<1x10112x64xf32>
    %get3A_3 = vector.shape_cast %get3A_2 : vector<1x10112x64xf32> to vector<10112x64xf32>
    %get3A_4 = arith.constant 1 : index
    %get3A_5 = arith.constant 0 : index
    %get3A_6 = arith.constant 0 : index
    %get3A_7 = vector.load %arg0[%get3A_4, %get3A_5, %get3A_6] : memref<2x10112x64xf32, #tpu.memory_space<vmem>>, vector<1x10112x64xf32>
    %get3A_8 = vector.shape_cast %get3A_7 : vector<1x10112x64xf32> to vector<10112x64xf32>
    %add3A = arith.addf %get3A_3, %get3A_8 : vector<10112x64xf32>
    %get3A_9 = arith.constant 0 : index
    %get3A_10 = arith.constant 0 : index
    %get3A_11 = vector.load %arg1[%get3A_9, %get3A_10] : memref<10112x64xf32, #tpu.memory_space<vmem>>, vector<10112x64xf32>
    %add3A_12 = arith.addf %add3A, %get3A_11 : vector<10112x64xf32>
    %get3A_13 = arith.constant 0 : index
    %get3A_14 = arith.constant 0 : index
    %get3A_15 = vector.load %arg2[%get3A_13, %get3A_14] : memref<10112x1xf32, #tpu.memory_space<vmem>>, vector<10112x1xf32>
    %mul3A = vector.broadcast %get3A_15 : vector<10112x1xf32> to vector<10112x64xf32>
    %mul3A_16 = arith.mulf %mul3A, %add3A_12 : vector<10112x64xf32>
    %get3A_17 = arith.constant 0 : index
    %get3A_18 = arith.constant 0 : index
    %get3A_19 = vector.load %arg3[%get3A_17, %get3A_18] : memref<1x64xf32, #tpu.memory_space<vmem>>, vector<1x64xf32>
    %add3A_20 = vector.broadcast %get3A_19 : vector<1x64xf32> to vector<10112x64xf32>
    %add3A_21 = arith.addf %mul3A_16, %add3A_20 : vector<10112x64xf32>
    %max3A = arith.constant 0.000000e+00 : f32
    %max3A_22 = vector.broadcast %max3A : f32 to vector<10112x64xf32>
    %max3A_23 = arith.maximumf %add3A_21, %max3A_22 : vector<10112x64xf32>
    %get3A_24 = arith.constant 0 : index
    %get3A_25 = arith.constant 0 : index
    %get3A_26 = vector.load %arg4[%get3A_24, %get3A_25] : memref<64x64xf32, #tpu.memory_space<vmem>>, vector<64x64xf32>
    %dot_general3A = arith.constant dense<0.000000e+00> : vector<10112x64xf32>
    %dot_general3A_27 = tpu.matmul %max3A_23, %get3A_26, %dot_general3A {dimension_numbers = #tpu.dot_dimension_numbers<[1], [0], [0], [1], [0, 0, 1, 1], [], []>, transpose_lhs_hint = false} : vector<10112x64xf32>, vector<64x64xf32>, vector<10112x64xf32> -> vector<10112x64xf32>
    %get3A_28 = arith.constant 0 : index
    %get3A_29 = arith.constant 0 : index
    %get3A_30 = vector.load %arg2[%get3A_28, %get3A_29] : memref<10112x1xf32, #tpu.memory_space<vmem>>, vector<10112x1xf32>
    %mul3A_31 = vector.broadcast %get3A_30 : vector<10112x1xf32> to vector<10112x64xf32>
    %mul3A_32 = arith.mulf %mul3A_31, %dot_general3A_27 : vector<10112x64xf32>
    %swap3A = arith.constant 0 : index
    %swap3A_33 = arith.constant 0 : index
    %swap3A_34 = vector.load %arg5[%swap3A, %swap3A_33] : memref<10112x64xf32, #tpu.memory_space<vmem>>, vector<10112x64xf32>
    tpu.vector_store %arg5[%swap3A, %swap3A_33], %mul3A_32 {strides = array<i32>} : memref<10112x64xf32, #tpu.memory_space<vmem>>, vector<10112x64xf32>,
    return
  }
}

module attributes {stable_mosaic.version = 14 : i64} {
  func.func @_final_body(%arg0: memref<2x10112x64xf32, #tpu.memory_space<vmem>>, %arg1: memref<10112x64xf32, #tpu.memory_space<vmem>>, %arg2: memref<10112x1xf32, #tpu.memory_space<vmem>>, %arg3: memref<1x64xf32, #tpu.memory_space<vmem>>, %arg4: memref<10112x1xi32, #tpu.memory_space<vmem>>, %arg5: memref<64x128xf32, #tpu.memory_space<vmem>>, %arg6: memref<1x128xf32, #tpu.memory_space<vmem>>, %arg7: memref<64x128xf32, #tpu.memory_space<vmem>>) attributes {dimension_semantics = [], scalar_prefetch = 0 : i64, scratch_operands = 0 : i64, tpu.core_type = #tpu.core_type<tc>} {
    %get3A = arith.constant 0 : index
    %get3A_0 = arith.constant 0 : index
    %get3A_1 = arith.constant 0 : index
    %get3A_2 = vector.load %arg0[%get3A, %get3A_0, %get3A_1] : memref<2x10112x64xf32, #tpu.memory_space<vmem>>, vector<1x10112x64xf32>
    %get3A_3 = vector.shape_cast %get3A_2 : vector<1x10112x64xf32> to vector<10112x64xf32>
    %get3A_4 = arith.constant 1 : index
    %get3A_5 = arith.constant 0 : index
    %get3A_6 = arith.constant 0 : index
    %get3A_7 = vector.load %arg0[%get3A_4, %get3A_5, %get3A_6] : memref<2x10112x64xf32, #tpu.memory_space<vmem>>, vector<1x10112x64xf32>
    %get3A_8 = vector.shape_cast %get3A_7 : vector<1x10112x64xf32> to vector<10112x64xf32>
    %add3A = arith.addf %get3A_3, %get3A_8 : vector<10112x64xf32>
    %get3A_9 = arith.constant 0 : index
    %get3A_10 = arith.constant 0 : index
    %get3A_11 = vector.load %arg1[%get3A_9, %get3A_10] : memref<10112x64xf32, #tpu.memory_space<vmem>>, vector<10112x64xf32>
    %add3A_12 = arith.addf %add3A, %get3A_11 : vector<10112x64xf32>
    %get3A_13 = arith.constant 0 : index
    %get3A_14 = arith.constant 0 : index
    %get3A_15 = vector.load %arg2[%get3A_13, %get3A_14] : memref<10112x1xf32, #tpu.memory_space<vmem>>, vector<10112x1xf32>
    %mul3A = vector.broadcast %get3A_15 : vector<10112x1xf32> to vector<10112x64xf32>
    %mul3A_16 = arith.mulf %mul3A, %add3A_12 : vector<10112x64xf32>
    %get3A_17 = arith.constant 0 : index
    %get3A_18 = arith.constant 0 : index
    %get3A_19 = vector.load %arg3[%get3A_17, %get3A_18] : memref<1x64xf32, #tpu.memory_space<vmem>>, vector<1x64xf32>
    %add3A_20 = vector.broadcast %get3A_19 : vector<1x64xf32> to vector<10112x64xf32>
    %add3A_21 = arith.addf %mul3A_16, %add3A_20 : vector<10112x64xf32>
    %max3A = arith.constant 0.000000e+00 : f32
    %max3A_22 = vector.broadcast %max3A : f32 to vector<10112x64xf32>
    %max3A_23 = arith.maximumf %add3A_21, %max3A_22 : vector<10112x64xf32>
    %iota3A = tpu.iota {dimensions = array<i32: 1>} : vector<10112x64xi32>
    %get3A_24 = arith.constant 0 : index
    %get3A_25 = arith.constant 0 : index
    %get3A_26 = vector.load %arg4[%get3A_24, %get3A_25] : memref<10112x1xi32, #tpu.memory_space<vmem>>, vector<10112x1xi32>
    %eq3A = vector.broadcast %get3A_26 : vector<10112x1xi32> to vector<10112x64xi32>
    %eq3A_27 = arith.cmpi eq, %eq3A, %iota3A : vector<10112x64xi32>
    %convert_element_type3A = arith.extui %eq3A_27 : vector<10112x64xi1> to vector<10112x64xi32>
    %convert_element_type3A_28 = arith.sitofp %convert_element_type3A : vector<10112x64xi32> to vector<10112x64xf32>
    %dot_general3A = arith.constant dense<0.000000e+00> : vector<64x64xf32>
    %dot_general3A_29 = tpu.matmul %convert_element_type3A_28, %max3A_23, %dot_general3A {dimension_numbers = #tpu.dot_dimension_numbers<[0], [0], [1], [1], [0, 1, 1, 1], [], []>, transpose_lhs_hint = false} : vector<10112x64xf32>, vector<10112x64xf32>, vector<64x64xf32> -> vector<64x64xf32>
    %broadcast_in_dim3A = arith.constant 1.000000e+00 : f32
    %broadcast_in_dim3A_30 = vector.broadcast %broadcast_in_dim3A : f32 to vector<10112x1xf32>
    %dot_general3A_31 = arith.constant dense<0.000000e+00> : vector<64x1xf32>
    %dot_general3A_32 = tpu.matmul %convert_element_type3A_28, %broadcast_in_dim3A_30, %dot_general3A_31 {dimension_numbers = #tpu.dot_dimension_numbers<[0], [0], [1], [1], [0, 1, 1, 1], [], []>, transpose_lhs_hint = false} : vector<10112x64xf32>, vector<10112x1xf32>, vector<64x1xf32> -> vector<64x1xf32>
    %max3A_33 = arith.constant 1.000000e+00 : f32
    %max3A_34 = vector.broadcast %max3A_33 : f32 to vector<64x1xf32>
    %max3A_35 = arith.maximumf %dot_general3A_32, %max3A_34 : vector<64x1xf32>
    %div3A = vector.broadcast %max3A_35 : vector<64x1xf32> to vector<64x64xf32>
    %div3A_36 = arith.divf %dot_general3A_29, %div3A : vector<64x64xf32>
    %get3A_37 = arith.constant 0 : index
    %get3A_38 = arith.constant 0 : index
    %get3A_39 = vector.load %arg5[%get3A_37, %get3A_38] : memref<64x128xf32, #tpu.memory_space<vmem>>, vector<64x128xf32>
    %dot_general3A_40 = arith.constant dense<0.000000e+00> : vector<64x128xf32>
    %dot_general3A_41 = tpu.matmul %div3A_36, %get3A_39, %dot_general3A_40 {dimension_numbers = #tpu.dot_dimension_numbers<[1], [0], [0], [1], [0, 0, 1, 1], [], []>, transpose_lhs_hint = false} : vector<64x64xf32>, vector<64x128xf32>, vector<64x128xf32> -> vector<64x128xf32>
    %get3A_42 = arith.constant 0 : index
    %get3A_43 = arith.constant 0 : index
    %get3A_44 = vector.load %arg6[%get3A_42, %get3A_43] : memref<1x128xf32, #tpu.memory_space<vmem>>, vector<1x128xf32>
    %add3A_45 = vector.broadcast %get3A_44 : vector<1x128xf32> to vector<64x128xf32>
    %add3A_46 = arith.addf %dot_general3A_41, %add3A_45 : vector<64x128xf32>
    %swap3A = arith.constant 0 : index
    %swap3A_47 = arith.constant 0 : index
    %swap3A_48 = vector.load %arg7[%swap3A, %swap3A_47] : memref<64x128xf32, #tpu.memory_space<vmem>>, vector<64x128xf32>
    tpu.vector_store %arg7[%swap3A, %swap3A_47], %add3A_46 {strides = array<i32>} : memref<64x128xf32, #tpu.memory_space<vmem>>, vector<64x128xf32>,
    return
  }
}

</mosaic_0001>

<sc_bundles>
// kernel: kernel.25.cloned.1.call-start
scs
__scs_entry_jumppad:
0x0: {  	(pc) =	sbr.rel $0x88, $3  }
0x1: {  	(tag) =	ssettag $0x0;
	lr =	simm.s32 $0x1  }
0x2: {  	[smem:$0x3F98] =	sst lr;
	_ =	strace $0xD0000000  }
0x3: {  	_ = 	snop  }
0x4: {  	_ = 	snop  }
0x5: {  	_ = 	snop  }
0x6: {  	_ = 	snop  }
0x7: {  	_ = 	snop  }
__scs_overlays_trampoline_lowered:
0x8: {  	[smem:$0x3FA7] =	sst s0  }
0x9: {  	[smem:$0x3FA8] =	sst s1  }
0xa: {  	[smem:$0x3FA9] =	sst s2  }
0xb: {  	[smem:$0x3FAA] =	sst s3  }
0xc: {  	[smem:$0x3FAB] =	sst s4  }
0xd: {  	[smem:$0x3FAC] =	sst s5  }
0xe: {  	[smem:$0x3FAD] =	sst s6  }
0xf: {  	[smem:$0x3FAE] =	sst s7  }
0x10: {  	[smem:$0x3FAF] =	sst s8  }
0x11: {  	[smem:$0x3FB0] =	sst s9;
	s0 =	simm.s32 @!p0 $0x0  }
0x12: {  	s1 =	sld [smem:$0x3F96];
	s0 =	simm.s32 @p0 $0x1  }
0x13: {  	[smem:$0x3FB1] =	sst s0;
	s0 =	simm.s32 @!p1 $0x0  }
0x14: {  	s2 =	sld [smem:$0x3F95];
	s0 =	simm.s32 @p1 $0x1  }
0x15: {  	[smem:$0x3FB2] =	sst s0;
	s0 =	simm.s32 @!p2 $0x0  }
0x16: {  	s3 =	sld [smem:$0x3FDB];
	s0 =	simm.s32 @p2 $0x1  }
0x17: {  	s4 =	simm.s32 $0x1BF5;
	[smem:$0x3FB4] =	sst s0  }
0x18: {  	s0 =	sld [smem:$0x3F97];
	_ =	swait.ge [sflag:s4], $0x0  }
0x19: {  	s7 =	sld [smem:$0x3F98]  }
0x1a: {  	s8 =	sadd.s32 $0xFFFFE003, lr  }
0x1b: {  	s9 =	sadd.s32 $0xFFFFFEF7, lr;
	s5 =	simm.s32 $0xFFFFFFFF;
	p2 =	slt.u32 s8, $0xFFFFF086  }
0x1c: {  	p1 =	slt.u32 s9, $0xF7A;
	s5 =	simm.s32 @!p2 $0x0  }
0x1d: {  	s5 =	simm.s32 @p1 $0x1;
	p0 =	seq.s32 s7, s2  }
0x1e: {  	s7 =	smul.u32 @!p0 $0xF7A, s2;
	p2 =	seq.s32 @!p0 s5, $0x0  }
0x1f: {  	s9 =	smul.u32 $0xF7A, s1;
	s8 =	simm.s32 @!p0 $0x1BF5;
	p2 =	por !p2, p0  }
0x20: {  	[sflag:s8] =	ssyncset.s32 @!p0 $0xFFFFF086;
	s6 =	sadd.s32 @!p0 s3, s7;
	s7 =	simm.s32 @!p0 $0x108  }
0x21: {  	s3 =	sadd.s32 s3, s9;
	s6 =	sadd.s32 @!p0 $0x88, s6;
	s7 =	simm.s32 @p2 $0x1082  }
0x22: {  	[simem:s7], [sflag:s8] =	dma.local @!p0 [hbm:s6], $0xF7A  }
0x23: {  	s9 =	sor.u32 $0xD0000000, s2;
	s6 =	simm.s32 $0x108;
	_ =	swait.ge @!p0 [sflag:s8], $0x0  }
0x24: {  	s3 =	sadd.s32 $0x88, s3;
	s6 =	simm.s32 @!p1 $0x1082;
	[sflag:s4] =	ssyncset.s32 $0xFFFFF086  }
0x25: {  	[simem:s6], [sflag:s4] =	dma.local [hbm:s3], $0xF7A  }
0x26: {  	[smem:$0x3F98] =	sst s1;
	(tag) =	ssettag s2;
	_ =	strace s9  }
0x27: {  	s1 =	sld [smem:$0x3FA8]  }
0x28: {  	s2 =	sld [smem:$0x3FA9]  }
0x29: {  	s4 =	sld [smem:$0x3FAB]  }
0x2a: {  	p0 =	seq.s32 s5, $0x0;
	s5 =	sld [smem:$0x3FAC]  }
0x2b: {  	s6 =	sld [smem:$0x3FAD]  }
0x2c: {  	s7 =	sld [smem:$0x3FAE]  }
0x2d: {  	s3 =	simm.s32 $0x108;
	s8 =	sld [smem:$0x3FAF]  }
0x2e: {  	s3 =	simm.s32 @!p0 $0x1082;
	s9 =	sld [smem:$0x3FB0]  }
0x2f: {  	lr =	sadd.s32 s0, s3;
	s0 =	sld [smem:$0x3FA7]  }
0x30: {  	s3 =	sld [smem:$0x3FAA]  }
0x31: {  	[smem:$0x3FB3] =	sst s10  }
0x32: {  	s10 =	sld [smem:$0x3FB1];
	_ =	sdelay $0x3  }
0x33: {  	p0 =	seq.s32 s10, $0x1;
	s10 =	sld [smem:$0x3FB3];
	_ =	sdelay $0x3  }
0x34: {  	[smem:$0x3FB3] =	sst s10  }
0x35: {  	s10 =	sld [smem:$0x3FB2];
	_ =	sdelay $0x3  }
0x36: {  	p1 =	seq.s32 s10, $0x1;
	s10 =	sld [smem:$0x3FB3];
	_ =	sdelay $0x3  }
0x37: {  	[smem:$0x3FB3] =	sst s10  }
0x38: {  	s10 =	sld [smem:$0x3FB4]  }
0x39: {  	_ = 	snop;
	(pc) =	sbr.ind lr, $3  }
0x3a: {  	_ = 	snop  }
0x3b: {  	_ = 	snop  }
0x3c: {  	p2 =	seq.s32 s10, $0x1;
	s10 =	sld [smem:$0x3FB3]  }
0x3d: {  	_ =	shalt  }
0x3e: {  	_ =	shalt  }
0x3f: {  	_ =	shalt  }
0x40: {  	_ =	shalt  }
0x41: {  	_ =	shalt  }
0x42: {  	_ =	shalt  }
0x43: {  	_ =	shalt  }
0x44: {  	_ =	shalt  }
0x45: {  	_ =	shalt  }
0x46: {  	_ =	shalt  }
0x47: {  	_ =	shalt  }
0x48: {  	_ =	shalt  }
0x49: {  	_ =	shalt  }
0x4a: {  	_ =	shalt  }
0x4b: {  	_ =	shalt  }
0x4c: {  	_ =	shalt  }
0x4d: {  	_ =	shalt  }
0x4e: {  	_ =	shalt  }
0x4f: {  	_ =	shalt  }
0x50: {  	_ =	shalt  }
0x51: {  	_ =	shalt  }
0x52: {  	_ =	shalt  }
0x53: {  	_ =	shalt  }
0x54: {  	_ =	shalt  }
0x55: {  	_ =	shalt  }
0x56: {  	_ =	shalt  }
0x57: {  	_ =	shalt  }
0x58: {  	_ =	shalt  }
0x59: {  	_ =	shalt  }
0x5a: {  	_ =	shalt  }
0x5b: {  	_ =	shalt  }
0x5c: {  	_ =	shalt  }
0x5d: {  	_ =	shalt  }
0x5e: {  	_ =	shalt  }
0x5f: {  	_ =	shalt  }
0x60: {  	_ =	shalt  }
0x61: {  	_ =	shalt  }
0x62: {  	_ =	shalt  }
0x63: {  	_ =	shalt  }
0x64: {  	_ =	shalt  }
0x65: {  	_ =	shalt  }
0x66: {  	_ =	shalt  }
0x67: {  	_ =	shalt  }
0x68: {  	_ =	shalt  }
0x69: {  	_ =	shalt  }
0x6a: {  	_ =	shalt  }
0x6b: {  	_ =	shalt  }
0x6c: {  	_ =	shalt  }
0x6d: {  	_ =	shalt  }
0x6e: {  	_ =	shalt  }
0x6f: {  	_ =	shalt  }
0x70: {  	_ =	shalt  }
0x71: {  	_ =	shalt  }
0x72: {  	_ =	shalt  }
0x73: {  	_ =	shalt  }
0x74: {  	_ =	shalt  }
0x75: {  	_ =	shalt  }
0x76: {  	_ =	shalt  }
0x77: {  	_ =	shalt  }
0x78: {  	_ =	shalt  }
0x79: {  	_ =	shalt  }
0x7a: {  	_ =	shalt  }
0x7b: {  	_ =	shalt  }
0x7c: {  	_ =	shalt  }
0x7d: {  	_ =	shalt  }
0x7e: {  	_ =	shalt  }
0x7f: {  	_ =	shalt  }
0x80: {  	_ =	shalt  }
0x81: {  	_ =	shalt  }
0x82: {  	_ =	shalt  }
0x83: {  	_ =	shalt  }
0x84: {  	_ =	shalt  }
0x85: {  	_ =	shalt  }
0x86: {  	_ =	shalt  }
0x87: {  	_ =	shalt  }
.Lfunc_end0:
.L_simem_size_0:
called_computation_lowered:
.L_overlay_start_0:
0x88: {  	s2 =	sld [smem:$0x3FD9]  }
0x89: {  	s3 =	sld [smem:$0x3FFE];
	_ =	sdelay $0x1  }
0x8a: {  	s1 =	srdreg.scid  }
0x8b: {  	s0 =	sand.u32 $0x1, s1  }
0x8c: {  	s17 =	sshll.u32 s0, $0xA;
	s2 =	sadd.s32 s3, s2  }
0x8d: {  	s2 =	sadd.s32 s2, s17  }
0x8e: {  	[smem:$0x3FBF] =	sst s2  }
0x8f: {  	_ = 	snop  }
0x90: {  	s2 =	sld [smem:$0x3FD0];
	(tm) =	ssettm $0x1  }
0x91: {  	s18 =	sld [smem:$0x3FFB];
	_ =	sdelay $0x3  }
0x92: {  	_ =	strace s18  }
0x93: {  	s3 =	sld [smem:$0x3FFC];
	_ =	sdelay $0x3  }
0x94: {  	_ =	strace s3  }
0x95: {  	s3 =	sld [smem:$0x3FFD];
	_ =	sdelay $0x3  }
0x96: {  	_ =	strace s3  }
0x97: {  	_ =	strace $0x8FFFFFFF  }
0x98: {  	s19 =	sld [smem:$0x3FDB];
	_ =	sdelay $0x1  }
0x99: {  	s4 =	simm.s32 $_scs_section_size  }
0x9a: {  	s5 =	simm.s32 $_size__tile_overlayer_lowered;
	s6 =	simm.s32 $_tile_overlayer_lowered  }
0x9b: {  	s22 =	simm.s32 $0x1BFF;
	s21 =	sshll.u32 s6, $0x1;
	s3 =	sadd.s32 s4, s19  }
0x9c: {  	s7 =	simm.s32 $0x0;
	s20 =	sshll.u32 s5, $0x1;
	s5 =	sadd.s32 s21, s3  }
0x9d: {  	[timem:s7], [sflag:s22] =	dma.local [hbm:s5], s20  }
0x9e: {  	_ =	swait.ge [sflag:s22], s20  }
0x9f: {  	s4 =	ssub.s32 $0x0, s20;
	[sflag:s22] =	ssyncset.done $0x0  }
0xa0: {  	[sflag:s22] =	ssyncadd.s32 s4;
	_ =	sdelay $0x1  }
0xa1: {  	s23 =	simm.s32 $0x1B8B  }
0xa2: {  	_ =	swait.ge [sflag:s23], $0x1  }
0xa3: {  	[sflag:s23] =	ssyncset.done $0x0  }
0xa4: {  	s25 =	simm.s32 $0x1B8E;
	s24 =	sld [smem:$0x3FFE];
	[sflag:s23] =	ssyncadd.s32 $0xFFFFFFFF  }
0xa5: {  	s26 =	simm.s32 $execute0_lowered;
	[smem:$0x3FD2] =	sst s25  }
0xa6: {  	s5 =	sshll.u32 s26, $0x1;
	_ =	strace $0x80000046;
	[dreg:$0x1] =	wrdreg $0xFFFFFFFF  }
0xa7: {  	s28 =	simm.s32 $_size_execute0_lowered;
	s3 =	sadd.s32 s3, s5;
	[dreg:$0x0] =	wrdreg $0x0  }
0xa8: {  	s5 =	sshll.u32 s28, $0x1;
	[dreg:$0x2] =	wrdreg s3  }
0xa9: {  	[dreg:$0x3] =	wrdreg s5  }
0xaa: {  	[dreg:$0x4] =	wrdreg $0xC0  }
0xab: {  	_ =	task [dreg:s7], $0x5FFFF  }
0xac: {  	[dreg:$0x1] =	wrdreg $0xFFFFFFFF  }
0xad: {  	[dreg:$0x0] =	wrdreg $0x60  }
0xae: {  	[dreg:$0x2] =	wrdreg s24  }
0xaf: {  	[dreg:$0x3] =	wrdreg s2  }
0xb0: {  	[dreg:$0x4] =	wrdreg $0x30000  }
0xb1: {  	[dreg:$0x5] =	wrdreg $0x9  }
0xb2: {  	_ =	task.clear_ibuf [dreg:s7], $0x6FFFF;
	_ =	strace $0x90000046  }
0xb3: {  	s29 =	simm.s32 $0x9;
	_ =	strace $0x80000048  }
0xb4: {  	_ =	swait.ge [sflag:s29], $0x1  }
0xb5: {  	[sflag:s29] =	ssyncadd.s32 $0xFFFFFFFF  }
0xb6: {  	_ =	strace $0x90000048  }
0xb7: {  	_ =	sfence  }
0xb8: {  	s30 =	sld [smem:$0x0];
	_ =	sdelay $0x2  }
0xb9: {  	s31 =	sshll.u32 s1, $0xD;
	s1 =	sshrl.u32 s1, $0x2  }
0xba: {  	s3 =	sand.u32 $0x4000, s31;
	s1 =	sadd.s32 s1, s30  }
0xbb: {  	s0 =	sor.u32 s3, s0;
	s1 =	sshll.u32 s1, $0x11  }
0xbc: {  	s0 =	sor.u32 s1, s0  }
0xbd: {  	s0 =	sadd.s32 $0x8F2B, s0  }
0xbe: {  	[sflag:s0] =	ssyncadd.remote.s32 $0x1  }
0xbf: {  	_ =	sfence.sel $0xFFFF  }
0xc0: {  	[dreg:$0x0] =	wrdreg $0xFFFFFFFF;
	(pc) =	sbr.abs _section_cstart, $3  }
0xc1: {  	[dreg:$0x1] =	wrdreg $0xFFFFFFFF  }
0xc2: {  	_ =	task.clear_ibuf [dreg:s7], $0x2FFFF;
	_ =	strace $0x9FFFFFFF  }
0xc3: {  	(tm) =	ssettm $0x7FFFFFFF  }
tec
execute0_lowered:
.L_overlay_start_1:
0x0: {  	(tag) =	ssettag $0x1  }
0x1: {  	s5 =	rddreg [dreg:$0x0]  }
0x2: {  	s1 =	srdreg.scid;
	s2 =	rddreg [dreg:$0x1]  }
0x3: {  	s0 =	stileid.u32;
	s3 =	rddreg [dreg:$0x2];
	s4 =	simm.s32 $0x0  }
0x4: {  	s13 =	simm.s32 $0x80;
	s14 =	simm.s32 $0x0;
	s6 =	sand.u32 $0x1, s1  }
0x5: {  	s30 =	sshll.u32 s0, $0x1;
	s8 =	smul.u32 $0x2780, s0;
	[smem:$0x7FF] =	sst s4  }
0x6: {  	s31 =	sshll.u32 s0, $0x6;
	s1 =	sor.u32 s6, s30;
	s9 =	smul.u32 $0x27800, s6  }
0x7: {  	s6 =	ssub.s32 $0x2, s6;
	s7 =	smul.u32 $0x500, s1;
	s1 =	rddreg [dreg:$0x3]  }
0x8: {  	_ =	strace $0x80000047;
	s10 =	sshrl.u32 s8, $0x3;
	s11 =	sshrl.u32 s6, $0x1  }
0x9: {  	s12 =	sadd.s32 s8, s3;
	s9 =	sadd.s32 s8, s9;
	s10 =	sadd.s32 s10, s5  }
0xa: {  	s11 =	ssub.s32 s6, s11;
	s6 =	sor.u32 $0x1C01, s31;
	s9 =	sshrl.u32 s9, $0x3  }
0xb: {  	s7 =	sadd.s32 s7, s5;
	s9 =	sadd.s32 s9, s5;
	s5 =	sadd.s32 $0xE800, s10  }
0xc: {  	s7 =	sadd.s32 $0x4800, s7;
	s10 =	sshrl.u32 s12, $0x3;
	s12 =	simm.s32 $0x2800  }
0xd: {  	s8 =	sadd.s32 $0x13800, s9;
	s9 =	smax.u32 s11, $0x1;
	s11 =	simm.s32 $0x1  }
.LBB2_1:
0xe: {  	[spmem:s10], [sflag:s6] =	dma.local [hbm:s5], $0x4F0  }
0xf: {  	_ =	swait.ge [sflag:s11], $0x4F0  }
0x10: {  	[sflag:s11] =	ssyncset.done $0x0  }
0x11: {  	[sflag:s11] =	ssyncadd.s32 $0xFFFFFB10  }
0x12: {  	[tilespmem:s4], [sflag:$0x1] =	stream.linear.gather [hbm4b:s7+s4], $0x2800, $0x38;
	[tilespmem:$0x5780] =	vst v63  }
0x13: {  	_ =	swait.ge [sflag:s11], $0x2800  }
0x14: {  	[sflag:s11] =	ssyncset.done $0x0  }
0x15: {  	[sflag:s11] =	ssyncadd.s32 $0xFFFFD800  }
0x16: {  	[tilespmem:s12], [sflag:$0x1] =	stream.linear.gather [hbm4b:s2+s4], $0x800, $0x38;
	[tilespmem:$0x5780] =	vst v63  }
0x17: {  	_ =	swait.ge [sflag:s11], $0x800  }
0x18: {  	[sflag:s11] =	ssyncset.done $0x0  }
0x19: {  	[sflag:s11] =	ssyncadd.s32 $0xFFFFF800  }
0x1a: {  	s15 =	simm.s32 $0x0;
	[bflag:$0x0] =	sbarrier.arrive $0xFFFF  }
0x1b: {  	[spmem:s3] =	stream.indirect.scatter.add.f32 [tilespmem:s12], [sflag:$0x1], $0x10, s15, s13, $0xb8;
	[tilespmem:$0x5780] =	vst v63  }
0x1c: {  	_ =	swait.ge [sflag:s11], $0x800  }
0x1d: {  	s15 =	simm.s32 $0x200;
	[sflag:s11] =	ssyncset.done $0x0  }
.LBB2_2:
0x1e: {  	s16 =	sshra.s32 s15, $0x2;
	[sflag:s11] =	ssyncadd.s32 $0xFFFFF800;
	p0 =	sne.s32 s15, $0x9E00  }
0x1f: {  	[spmem:s3] =	stream.indirect.scatter.add.f32 [tilespmem:s12], [sflag:$0x1], $0x10, s16, s13, $0xb8;
	[tilespmem:$0x5780] =	vst v63  }
.Ltmp0:
0x20: {  	_ = 	snop;
	(pc) =	sbr.rel @p0 .LBB2_2-.Ltmp0, $4  }
0x21: {  	_ = 	snop  }
0x22: {  	s15 =	sadd.s32 $0x200, s15  }
0x23: {  	_ =	swait.ge [sflag:s11], $0x800  }
0x24: {  	[sflag:s11] =	ssyncset.done $0x0  }
0x25: {  	s14 =	sadd.s32 $0x1, s14  }
0x26: {  	[sflag:s11] =	ssyncadd.s32 $0xFFFFF800;
	p0 =	sne.s32 s14, s9  }
.Ltmp1:
0x27: {  	[bflag:$0x0] =	sbarrier.arrive $0xFFFF;
	(pc) =	sbr.rel @p0 .LBB2_1-.Ltmp1, $4  }
0x28: {  	[hbm:s8], [sflag:s6] =	dma.local [spmem:s10], $0x4F0  }
0x29: {  	_ =	swait.ge [sflag:s11], $0x4F0  }
0x2a: {  	[sflag:s11] =	ssyncset.done $0x0  }
0x2b: {  	[sflag:s11] =	ssyncadd.s32 $0xFFFFFB10  }
0x2c: {  	_ =	sfence.sel $0x180000  }
0x2d: {  	[bflag:$0x0] =	sbarrier.arrive $0xFFFF  }
0x2e: {  	p0 =	sne.s32 s0, $0x0;
	_ =	strace $0x90000047  }
0x2f: {  	s0 =	sadd.s32 @!p0 $0x100000, s1;
	[bflag:$0x2] =	sbarrier.arrive $0xFFFF  }
0x30: {  	[sflag:s0] =	ssyncadd.tile.s32 @!p0 $0x1;
	_ =	shalt  }
.Lfunc_end2:
_tile_overlayer_lowered:
.L_overlay_start_2:
0x31: {  	(tag) =	ssettag $0x2  }
0x32: {  	s0 =	rddreg [dreg:$0x0];
	s2 =	stileid.u32  }
0x33: {  	s1 =	rddreg [dreg:$0x1];
	p0 =	sne.s32 s2, $0x0  }
0x34: {  	s3 =	rddreg [dreg:$0x2];
	[bflag:$0x3] =	sbarrier.arrive $0xFFFF;
	s2 =	simm.s32 @!p0 $0x1C01  }
0x35: {  	[timem:s3], [sflag:s2] =	dma.local @!p0 [hbm:s0], s1  }
0x36: {  	s0 =	simm.s32 @!p0 $0x1  }
0x37: {  	_ =	swait.ge @!p0 [sflag:s0], s1  }
0x38: {  	s1 =	ssub.s32 @!p0 $0x0, s1;
	[sflag:s0] =	ssyncset.done @!p0 $0x0  }
0x39: {  	[sflag:s0] =	ssyncadd.s32 @!p0 s1  }
0x3a: {  	[bflag:$0x3] =	sbarrier.arrive $0xFFFF  }
0x3b: {  	_ =	shalt  }

// kernel: kernel.28.cloned.1.call-start
scs
__scs_entry_jumppad:
0x0: {  	(pc) =	sbr.rel $0x88, $3  }
0x1: {  	(tag) =	ssettag $0x0;
	lr =	simm.s32 $0x1  }
0x2: {  	[smem:$0x3F98] =	sst lr;
	_ =	strace $0xD0000000  }
0x3: {  	_ = 	snop  }
0x4: {  	_ = 	snop  }
0x5: {  	_ = 	snop  }
0x6: {  	_ = 	snop  }
0x7: {  	_ = 	snop  }
__scs_overlays_trampoline_lowered:
0x8: {  	[smem:$0x3FA7] =	sst s0  }
0x9: {  	[smem:$0x3FA8] =	sst s1  }
0xa: {  	[smem:$0x3FA9] =	sst s2  }
0xb: {  	[smem:$0x3FAA] =	sst s3  }
0xc: {  	[smem:$0x3FAB] =	sst s4  }
0xd: {  	[smem:$0x3FAC] =	sst s5  }
0xe: {  	[smem:$0x3FAD] =	sst s6  }
0xf: {  	[smem:$0x3FAE] =	sst s7  }
0x10: {  	[smem:$0x3FAF] =	sst s8  }
0x11: {  	[smem:$0x3FB0] =	sst s9;
	s0 =	simm.s32 @!p0 $0x0  }
0x12: {  	s1 =	sld [smem:$0x3F96];
	s0 =	simm.s32 @p0 $0x1  }
0x13: {  	[smem:$0x3FB1] =	sst s0;
	s0 =	simm.s32 @!p1 $0x0  }
0x14: {  	s2 =	sld [smem:$0x3F95];
	s0 =	simm.s32 @p1 $0x1  }
0x15: {  	[smem:$0x3FB2] =	sst s0;
	s0 =	simm.s32 @!p2 $0x0  }
0x16: {  	s3 =	sld [smem:$0x3FDB];
	s0 =	simm.s32 @p2 $0x1  }
0x17: {  	s4 =	simm.s32 $0x1BF5;
	[smem:$0x3FB4] =	sst s0  }
0x18: {  	s0 =	sld [smem:$0x3F97];
	_ =	swait.ge [sflag:s4], $0x0  }
0x19: {  	s7 =	sld [smem:$0x3F98]  }
0x1a: {  	s8 =	sadd.s32 $0xFFFFE003, lr  }
0x1b: {  	s9 =	sadd.s32 $0xFFFFFEF7, lr;
	s5 =	simm.s32 $0xFFFFFFFF;
	p2 =	slt.u32 s8, $0xFFFFF086  }
0x1c: {  	p1 =	slt.u32 s9, $0xF7A;
	s5 =	simm.s32 @!p2 $0x0  }
0x1d: {  	s5 =	simm.s32 @p1 $0x1;
	p0 =	seq.s32 s7, s2  }
0x1e: {  	s7 =	smul.u32 @!p0 $0xF7A, s2;
	p2 =	seq.s32 @!p0 s5, $0x0  }
0x1f: {  	s9 =	smul.u32 $0xF7A, s1;
	s8 =	simm.s32 @!p0 $0x1BF5;
	p2 =	por !p2, p0  }
0x20: {  	[sflag:s8] =	ssyncset.s32 @!p0 $0xFFFFF086;
	s6 =	sadd.s32 @!p0 s3, s7;
	s7 =	simm.s32 @!p0 $0x108  }
0x21: {  	s3 =	sadd.s32 s3, s9;
	s6 =	sadd.s32 @!p0 $0x88, s6;
	s7 =	simm.s32 @p2 $0x1082  }
0x22: {  	[simem:s7], [sflag:s8] =	dma.local @!p0 [hbm:s6], $0xF7A  }
0x23: {  	s9 =	sor.u32 $0xD0000000, s2;
	s6 =	simm.s32 $0x108;
	_ =	swait.ge @!p0 [sflag:s8], $0x0  }
0x24: {  	s3 =	sadd.s32 $0x88, s3;
	s6 =	simm.s32 @!p1 $0x1082;
	[sflag:s4] =	ssyncset.s32 $0xFFFFF086  }
0x25: {  	[simem:s6], [sflag:s4] =	dma.local [hbm:s3], $0xF7A  }
0x26: {  	[smem:$0x3F98] =	sst s1;
	(tag) =	ssettag s2;
	_ =	strace s9  }
0x27: {  	s1 =	sld [smem:$0x3FA8]  }
0x28: {  	s2 =	sld [smem:$0x3FA9]  }
0x29: {  	s4 =	sld [smem:$0x3FAB]  }
0x2a: {  	p0 =	seq.s32 s5, $0x0;
	s5 =	sld [smem:$0x3FAC]  }
0x2b: {  	s6 =	sld [smem:$0x3FAD]  }
0x2c: {  	s7 =	sld [smem:$0x3FAE]  }
0x2d: {  	s3 =	simm.s32 $0x108;
	s8 =	sld [smem:$0x3FAF]  }
0x2e: {  	s3 =	simm.s32 @!p0 $0x1082;
	s9 =	sld [smem:$0x3FB0]  }
0x2f: {  	lr =	sadd.s32 s0, s3;
	s0 =	sld [smem:$0x3FA7]  }
0x30: {  	s3 =	sld [smem:$0x3FAA]  }
0x31: {  	[smem:$0x3FB3] =	sst s10  }
0x32: {  	s10 =	sld [smem:$0x3FB1];
	_ =	sdelay $0x3  }
0x33: {  	p0 =	seq.s32 s10, $0x1;
	s10 =	sld [smem:$0x3FB3];
	_ =	sdelay $0x3  }
0x34: {  	[smem:$0x3FB3] =	sst s10  }
0x35: {  	s10 =	sld [smem:$0x3FB2];
	_ =	sdelay $0x3  }
0x36: {  	p1 =	seq.s32 s10, $0x1;
	s10 =	sld [smem:$0x3FB3];
	_ =	sdelay $0x3  }
0x37: {  	[smem:$0x3FB3] =	sst s10  }
0x38: {  	s10 =	sld [smem:$0x3FB4]  }
0x39: {  	_ = 	snop;
	(pc) =	sbr.ind lr, $3  }
0x3a: {  	_ = 	snop  }
0x3b: {  	_ = 	snop  }
0x3c: {  	p2 =	seq.s32 s10, $0x1;
	s10 =	sld [smem:$0x3FB3]  }
0x3d: {  	_ =	shalt  }
0x3e: {  	_ =	shalt  }
0x3f: {  	_ =	shalt  }
0x40: {  	_ =	shalt  }
0x41: {  	_ =	shalt  }
0x42: {  	_ =	shalt  }
0x43: {  	_ =	shalt  }
0x44: {  	_ =	shalt  }
0x45: {  	_ =	shalt  }
0x46: {  	_ =	shalt  }
0x47: {  	_ =	shalt  }
0x48: {  	_ =	shalt  }
0x49: {  	_ =	shalt  }
0x4a: {  	_ =	shalt  }
0x4b: {  	_ =	shalt  }
0x4c: {  	_ =	shalt  }
0x4d: {  	_ =	shalt  }
0x4e: {  	_ =	shalt  }
0x4f: {  	_ =	shalt  }
0x50: {  	_ =	shalt  }
0x51: {  	_ =	shalt  }
0x52: {  	_ =	shalt  }
0x53: {  	_ =	shalt  }
0x54: {  	_ =	shalt  }
0x55: {  	_ =	shalt  }
0x56: {  	_ =	shalt  }
0x57: {  	_ =	shalt  }
0x58: {  	_ =	shalt  }
0x59: {  	_ =	shalt  }
0x5a: {  	_ =	shalt  }
0x5b: {  	_ =	shalt  }
0x5c: {  	_ =	shalt  }
0x5d: {  	_ =	shalt  }
0x5e: {  	_ =	shalt  }
0x5f: {  	_ =	shalt  }
0x60: {  	_ =	shalt  }
0x61: {  	_ =	shalt  }
0x62: {  	_ =	shalt  }
0x63: {  	_ =	shalt  }
0x64: {  	_ =	shalt  }
0x65: {  	_ =	shalt  }
0x66: {  	_ =	shalt  }
0x67: {  	_ =	shalt  }
0x68: {  	_ =	shalt  }
0x69: {  	_ =	shalt  }
0x6a: {  	_ =	shalt  }
0x6b: {  	_ =	shalt  }
0x6c: {  	_ =	shalt  }
0x6d: {  	_ =	shalt  }
0x6e: {  	_ =	shalt  }
0x6f: {  	_ =	shalt  }
0x70: {  	_ =	shalt  }
0x71: {  	_ =	shalt  }
0x72: {  	_ =	shalt  }
0x73: {  	_ =	shalt  }
0x74: {  	_ =	shalt  }
0x75: {  	_ =	shalt  }
0x76: {  	_ =	shalt  }
0x77: {  	_ =	shalt  }
0x78: {  	_ =	shalt  }
0x79: {  	_ =	shalt  }
0x7a: {  	_ =	shalt  }
0x7b: {  	_ =	shalt  }
0x7c: {  	_ =	shalt  }
0x7d: {  	_ =	shalt  }
0x7e: {  	_ =	shalt  }
0x7f: {  	_ =	shalt  }
0x80: {  	_ =	shalt  }
0x81: {  	_ =	shalt  }
0x82: {  	_ =	shalt  }
0x83: {  	_ =	shalt  }
0x84: {  	_ =	shalt  }
0x85: {  	_ =	shalt  }
0x86: {  	_ =	shalt  }
0x87: {  	_ =	shalt  }
.Lfunc_end0:
.L_simem_size_0:
called_computation.1_lowered:
.L_overlay_start_0:
0x88: {  	s2 =	sld [smem:$0x3FD9]  }
0x89: {  	s3 =	sld [smem:$0x3FFE];
	_ =	sdelay $0x1  }
0x8a: {  	s1 =	srdreg.scid  }
0x8b: {  	s0 =	sand.u32 $0x1, s1  }
0x8c: {  	s17 =	sshll.u32 s0, $0xA;
	s2 =	sadd.s32 s3, s2  }
0x8d: {  	s2 =	sadd.s32 s2, s17  }
0x8e: {  	[smem:$0x3FBF] =	sst s2  }
0x8f: {  	_ = 	snop  }
0x90: {  	s2 =	sld [smem:$0x3FD0];
	(tm) =	ssettm $0x1  }
0x91: {  	s18 =	sld [smem:$0x3FFB];
	_ =	sdelay $0x3  }
0x92: {  	_ =	strace s18  }
0x93: {  	s3 =	sld [smem:$0x3FFC];
	_ =	sdelay $0x3  }
0x94: {  	_ =	strace s3  }
0x95: {  	s3 =	sld [smem:$0x3FFD];
	_ =	sdelay $0x3  }
0x96: {  	_ =	strace s3  }
0x97: {  	_ =	strace $0x8FFFFFFF  }
0x98: {  	s19 =	sld [smem:$0x3FDB];
	_ =	sdelay $0x1  }
0x99: {  	s4 =	simm.s32 $_scs_section_size  }
0x9a: {  	s5 =	simm.s32 $_size__tile_overlayer_lowered;
	s6 =	simm.s32 $_tile_overlayer_lowered  }
0x9b: {  	s22 =	simm.s32 $0x1BFF;
	s21 =	sshll.u32 s6, $0x1;
	s3 =	sadd.s32 s4, s19  }
0x9c: {  	s7 =	simm.s32 $0x0;
	s20 =	sshll.u32 s5, $0x1;
	s5 =	sadd.s32 s21, s3  }
0x9d: {  	[timem:s7], [sflag:s22] =	dma.local [hbm:s5], s20  }
0x9e: {  	_ =	swait.ge [sflag:s22], s20  }
0x9f: {  	s4 =	ssub.s32 $0x0, s20;
	[sflag:s22] =	ssyncset.done $0x0  }
0xa0: {  	[sflag:s22] =	ssyncadd.s32 s4;
	_ =	sdelay $0x1  }
0xa1: {  	s23 =	simm.s32 $0x1B8B  }
0xa2: {  	_ =	swait.ge [sflag:s23], $0x1  }
0xa3: {  	[sflag:s23] =	ssyncset.done $0x0  }
0xa4: {  	s25 =	simm.s32 $0x1B8E;
	s24 =	sld [smem:$0x3FFE];
	[sflag:s23] =	ssyncadd.s32 $0xFFFFFFFF  }
0xa5: {  	s26 =	simm.s32 $execute0_lowered;
	[smem:$0x3FD2] =	sst s25  }
0xa6: {  	s5 =	sshll.u32 s26, $0x1;
	_ =	strace $0x80000049;
	[dreg:$0x1] =	wrdreg $0xFFFFFFFF  }
0xa7: {  	s28 =	simm.s32 $_size_execute0_lowered;
	s3 =	sadd.s32 s3, s5;
	[dreg:$0x0] =	wrdreg $0x0  }
0xa8: {  	s5 =	sshll.u32 s28, $0x1;
	[dreg:$0x2] =	wrdreg s3  }
0xa9: {  	[dreg:$0x3] =	wrdreg s5  }
0xaa: {  	[dreg:$0x4] =	wrdreg $0xC0  }
0xab: {  	_ =	task [dreg:s7], $0x5FFFF  }
0xac: {  	[dreg:$0x1] =	wrdreg $0xFFFFFFFF  }
0xad: {  	[dreg:$0x0] =	wrdreg $0x60  }
0xae: {  	[dreg:$0x2] =	wrdreg s24  }
0xaf: {  	[dreg:$0x3] =	wrdreg s2  }
0xb0: {  	[dreg:$0x4] =	wrdreg $0xEE000  }
0xb1: {  	[dreg:$0x5] =	wrdreg $0x50000  }
0xb2: {  	[dreg:$0x6] =	wrdreg $0x9  }
0xb3: {  	_ =	task.clear_ibuf [dreg:s7], $0x7FFFF;
	_ =	strace $0x90000049  }
0xb4: {  	s29 =	simm.s32 $0x9;
	_ =	strace $0x8000004B  }
0xb5: {  	_ =	swait.ge [sflag:s29], $0x1  }
0xb6: {  	[sflag:s29] =	ssyncadd.s32 $0xFFFFFFFF  }
0xb7: {  	_ =	strace $0x9000004B  }
0xb8: {  	_ =	sfence  }
0xb9: {  	s30 =	sld [smem:$0x0];
	_ =	sdelay $0x2  }
0xba: {  	s31 =	sshll.u32 s1, $0xD;
	s1 =	sshrl.u32 s1, $0x2  }
0xbb: {  	s3 =	sand.u32 $0x4000, s31;
	s1 =	sadd.s32 s1, s30  }
0xbc: {  	s0 =	sor.u32 s3, s0;
	s1 =	sshll.u32 s1, $0x11  }
0xbd: {  	s0 =	sor.u32 s1, s0  }
0xbe: {  	s0 =	sadd.s32 $0x8F2B, s0  }
0xbf: {  	[sflag:s0] =	ssyncadd.remote.s32 $0x1  }
0xc0: {  	_ =	sfence.sel $0xFFFF  }
0xc1: {  	[dreg:$0x0] =	wrdreg $0xFFFFFFFF;
	(pc) =	sbr.abs _section_cstart, $3  }
0xc2: {  	[dreg:$0x1] =	wrdreg $0xFFFFFFFF  }
0xc3: {  	_ =	task.clear_ibuf [dreg:s7], $0x2FFFF;
	_ =	strace $0x9FFFFFFF  }
0xc4: {  	(tm) =	ssettm $0x7FFFFFFF  }
0xc5: {  	_ =	shalt  }
tec
execute0_lowered:
.L_overlay_start_1:
0x0: {  	(tag) =	ssettag $0x1  }
0x1: {  	s0 =	rddreg [dreg:$0x0]  }
0x2: {  	s2 =	rddreg [dreg:$0x1]  }
0x3: {  	s3 =	rddreg [dreg:$0x2]  }
0x4: {  	s4 =	rddreg [dreg:$0x3]  }
0x5: {  	s13 =	stileid.u32;
	s1 =	srdreg.scid;
	s5 =	simm.s32 $0x0  }
0x6: {  	s16 =	simm.s32 $0x4;
	s21 =	simm.s32 $0x3;
	s22 =	simm.s32 $0x80  }
0x7: {  	s28 =	simm.s32 $0x2;
	s29 =	simm.s32 $0x4F00;
	s30 =	simm.s32 $0x4F80  }
0x8: {  	s31 =	simm.s32 $0x0;
	s11 =	smul.u32 $0x9E00, s13;
	s1 =	sand.u32 $0x1, s1  }
0x9: {  	[smem:$0x7FF] =	sst s5;
	s6 =	sshll.u32 s13, $0x1;
	s14 =	sshll.u32 s13, $0x6  }
0xa: {  	s24 =	sshll.u32 s13, $0xD;
	p0 =	seq.s32 s13, $0xF;
	s7 =	smul.u32 $0x9E000, s1  }
0xb: {  	_ =	strace $0x8000004A;
	s6 =	sor.u32 s1, s6;
	s1 =	ssub.s32 $0x2, s1  }
0xc: {  	s8 =	sshrl.u32 s11, $0x3;
	s6 =	smul.u32 $0x500, s6;
	s23 =	sshrl.u32 s1, $0x1  }
0xd: {  	s12 =	sadd.s32 s11, s3;
	s25 =	sadd.s32 s11, s4;
	s7 =	sadd.s32 s11, s7  }
0xe: {  	s8 =	sadd.s32 s8, s0;
	s1 =	ssub.s32 s1, s23;
	s12 =	sshrl.u32 s12, $0x3  }
0xf: {  	s23 =	simm.s32 $0x18C00;
	s25 =	sshrl.u32 s25, $0x3;
	s7 =	sshrl.u32 s7, $0x3  }
0x10: {  	s9 =	sadd.s32 s6, s0;
	s6 =	sadd.s32 $0x27600, s8;
	s11 =	smax.u32 s1, $0x1  }
0x11: {  	s0 =	sadd.s32 s7, s0;
	s7 =	sor.u32 $0x1C03, s14;
	s8 =	sadd.s32 $0x1D600, s9  }
0x12: {  	s9 =	sadd.s32 $0x4800, s9;
	s10 =	sadd.s32 $0x3B200, s0;
	s0 =	sadd.s32 s24, s4  }
0x13: {  	s14 =	sor.u32 $0x1C04, s14;
	s24 =	simm.s32 $0x1AC00;
	s26 =	sadd.s32 $0x20000, s0  }
0x14: {  	s18 =	sadd.s32 $0x40000, s0;
	s19 =	sadd.s32 $0x60000, s0;
	s20 =	sadd.s32 $0x80000, s0  }
0x15: {  	s15 =	sshrl.u32 s0, $0x3;
	s17 =	sshrl.u32 s26, $0x3;
	s18 =	sshrl.u32 s18, $0x3  }
0x16: {  	s19 =	sshrl.u32 s19, $0x3;
	s20 =	sshrl.u32 @!p0 s20, $0x3;
	s26 =	simm.s32 $0x1  }
.LBB2_1:
0x17: {  	[spmem:s12], [sflag:s7] =	dma.local [hbm:s6], $0x13C0  }
0x18: {  	[tilespmem:s5], [sflag:$0x3] =	stream.linear.gather [hbm4b:s8+s5], $0x2800, $0x38;
	[tilespmem:$0x1CC00] =	vst v63  }
0x19: {  	s0 =	simm.s32 $0x2800  }
0x1a: {  	[tilespmem:s0], [sflag:$0x3] =	stream.linear.gather [hbm4b:s9+s5], $0x2800, $0x38;
	[tilespmem:$0x1CC00] =	vst v63  }
0x1b: {  	[spmem:s15], [sflag:s14] =	dma.local [hbm:s2], $0x400  }
0x1c: {  	_ =	swait.ge [sflag:s16], $0x400  }
0x1d: {  	[sflag:s16] =	ssyncset.done $0x0  }
0x1e: {  	[sflag:s16] =	ssyncadd.s32 $0xFFFFFC00  }
0x1f: {  	[spmem:s17], [sflag:s14] =	dma.local [hbm:s2], $0x400  }
0x20: {  	_ =	swait.ge [sflag:s16], $0x400  }
0x21: {  	[sflag:s16] =	ssyncset.done $0x0  }
0x22: {  	[sflag:s16] =	ssyncadd.s32 $0xFFFFFC00  }
0x23: {  	[spmem:s18], [sflag:s14] =	dma.local [hbm:s2], $0x400  }
0x24: {  	_ =	swait.ge [sflag:s16], $0x400  }
0x25: {  	[sflag:s16] =	ssyncset.done $0x0  }
0x26: {  	[sflag:s16] =	ssyncadd.s32 $0xFFFFFC00  }
0x27: {  	[spmem:s19], [sflag:s14] =	dma.local [hbm:s2], $0x400  }
0x28: {  	_ =	swait.ge [sflag:s16], $0x400  }
0x29: {  	[sflag:s16] =	ssyncset.done $0x0  }
0x2a: {  	s0 =	simm.s32 @!p0 $0x4;
	[sflag:s16] =	ssyncadd.s32 $0xFFFFFC00  }
0x2b: {  	[spmem:s20], [sflag:s14] =	dma.local @!p0 [hbm:s2], $0x400  }
0x2c: {  	_ =	swait.ge @!p0 [sflag:s0], $0x400  }
0x2d: {  	[sflag:s0] =	ssyncset.done @!p0 $0x0  }
0x2e: {  	[sflag:s0] =	ssyncadd.s32 @!p0 $0xFFFFFC00  }
0x2f: {  	_ =	swait.ge [sflag:s21], $0x13C0  }
0x30: {  	[sflag:s21] =	ssyncset.done $0x0  }
0x31: {  	[sflag:s21] =	ssyncadd.s32 $0xFFFFEC40  }
0x32: {  	_ =	swait.ge [sflag:s21], $0x2800  }
0x33: {  	[sflag:s21] =	ssyncset.done $0x0  }
0x34: {  	[sflag:s21] =	ssyncadd.s32 $0xFFFFD800  }
0x35: {  	_ =	swait.ge [sflag:s21], $0x2800  }
0x36: {  	[sflag:s21] =	ssyncset.done $0x0  }
0x37: {  	[sflag:s21] =	ssyncadd.s32 $0xFFFFD800  }
0x38: {  	[bflag:$0x0] =	sbarrier.arrive $0xFFFF  }
0x39: {  	[tilespmem:s23], [sflag:$0x1] =	stream.indirect.gather [spmem:s3], $0x40, s5, s22, $0xb8;
	[tilespmem:$0x1CC00] =	vst v63  }
0x3a: {  	_ = 	snop  }
0x3b: {  	[tilespmem:s24], [sflag:$0x2] =	stream.indirect.gather [spmem:s3], $0x40, s22, s22, $0xb8;
	[tilespmem:$0x1CC00] =	vst v63  }
0x3c: {  	_ =	swait.ge [sflag:s26], $0x2000  }
0x3d: {  	[sflag:s26] =	ssyncset.done $0x0  }
0x3e: {  	s13 =	simm.s32 $0x2800;
	[sflag:s26] =	ssyncadd.s32 $0xFFFFE000  }
0x3f: {  	[spmem:s4] =	stream.indirect.scatter.add.f32 [tilespmem:s23], [sflag:$0x4], $0x40, s13, s22, $0xb8;
	[tilespmem:$0x1CC00] =	vst v63  }
0x40: {  	_ =	swait.ge [sflag:s16], $0x2000  }
0x41: {  	[sflag:s16] =	ssyncset.done $0x0  }
0x42: {  	s1 =	simm.s32 $0x100;
	[sflag:s16] =	ssyncadd.s32 $0xFFFFE000  }
0x43: {  	[tilespmem:s23], [sflag:$0x1] =	stream.indirect.gather [spmem:s3], $0x40, s1, s22, $0xb8;
	[tilespmem:$0x1CC00] =	vst v63  }
0x44: {  	_ =	swait.ge [sflag:s28], $0x2000  }
0x45: {  	[sflag:s28] =	ssyncset.done $0x0  }
0x46: {  	s13 =	simm.s32 $0x2880;
	[sflag:s28] =	ssyncadd.s32 $0xFFFFE000  }
0x47: {  	[spmem:s4] =	stream.indirect.scatter.add.f32 [tilespmem:s24], [sflag:$0x4], $0x40, s13, s22, $0xb8;
	[tilespmem:$0x1CC00] =	vst v63  }
0x48: {  	_ =	swait.ge [sflag:s16], $0x2000  }
0x49: {  	[sflag:s16] =	ssyncset.done $0x0  }
0x4a: {  	s0 =	simm.s32 $0x400;
	s1 =	simm.s32 $0x180;
	[sflag:s16] =	ssyncadd.s32 $0xFFFFE000  }
.LBB2_2:
0x4b: {  	[tilespmem:s24], [sflag:$0x2] =	stream.indirect.gather [spmem:s3], $0x40, s1, s22, $0xb8;
	[tilespmem:$0x1CC00] =	vst v63  }
0x4c: {  	s1 =	smov.u32 s0  }
0x4d: {  	p1 =	sne.s32 s0, $0x9800;
	s0 =	sadd.s32 $0x400, s0;
	_ =	swait.ge [sflag:s26], $0x2000  }
0x4e: {  	s1 =	sshra.s32 s1, $0x2;
	[sflag:s26] =	ssyncset.done $0x0  }
0x4f: {  	s13 =	sadd.s32 $0x2800, s1;
	[sflag:s26] =	ssyncadd.s32 $0xFFFFE000  }
0x50: {  	[spmem:s4] =	stream.indirect.scatter.add.f32 [tilespmem:s23], [sflag:$0x4], $0x40, s13, s22, $0xb8;
	[tilespmem:$0x1CC00] =	vst v63  }
0x51: {  	_ =	swait.ge [sflag:s16], $0x2000  }
0x52: {  	[sflag:s16] =	ssyncset.done $0x0  }
0x53: {  	s13 =	sadd.s32 $0x100, s1;
	[sflag:s16] =	ssyncadd.s32 $0xFFFFE000  }
0x54: {  	[tilespmem:s23], [sflag:$0x1] =	stream.indirect.gather [spmem:s3], $0x40, s13, s22, $0xb8;
	[tilespmem:$0x1CC00] =	vst v63  }
0x55: {  	_ =	swait.ge [sflag:s28], $0x2000  }
0x56: {  	[sflag:s28] =	ssyncset.done $0x0  }
.Ltmp0:
0x57: {  	s13 =	sadd.s32 $0x2880, s1;
	[sflag:s28] =	ssyncadd.s32 $0xFFFFE000;
	(pc) =	sbr.rel @p1 .LBB2_2-.Ltmp0, $4  }
0x58: {  	[spmem:s4] =	stream.indirect.scatter.add.f32 [tilespmem:s24], [sflag:$0x4], $0x40, s13, s22, $0xb8;
	[tilespmem:$0x1CC00] =	vst v63  }
0x59: {  	_ =	swait.ge [sflag:s16], $0x2000  }
0x5a: {  	[sflag:s16] =	ssyncset.done $0x0  }
0x5b: {  	s1 =	sadd.s32 $0x180, s1;
	[sflag:s16] =	ssyncadd.s32 $0xFFFFE000  }
0x5c: {  	[tilespmem:s24], [sflag:$0x2] =	stream.indirect.gather [spmem:s3], $0x40, s1, s22, $0xb8;
	[tilespmem:$0x1CC00] =	vst v63  }
0x5d: {  	_ =	swait.ge [sflag:s26], $0x2000  }
0x5e: {  	[sflag:s26] =	ssyncset.done $0x0  }
0x5f: {  	[sflag:s26] =	ssyncadd.s32 $0xFFFFE000  }
0x60: {  	[spmem:s4] =	stream.indirect.scatter.add.f32 [tilespmem:s23], [sflag:$0x4], $0x40, s29, s22, $0xb8;
	[tilespmem:$0x1CC00] =	vst v63  }
0x61: {  	_ =	swait.ge [sflag:s16], $0x2000  }
0x62: {  	[sflag:s16] =	ssyncset.done $0x0  }
0x63: {  	[sflag:s16] =	ssyncadd.s32 $0xFFFFE000  }
0x64: {  	_ =	swait.ge [sflag:s28], $0x2000  }
0x65: {  	[sflag:s28] =	ssyncset.done $0x0  }
0x66: {  	[sflag:s28] =	ssyncadd.s32 $0xFFFFE000  }
0x67: {  	[spmem:s4] =	stream.indirect.scatter.add.f32 [tilespmem:s24], [sflag:$0x4], $0x40, s30, s22, $0xb8;
	[tilespmem:$0x1CC00] =	vst v63  }
0x68: {  	_ =	swait.ge [sflag:s16], $0x2000  }
0x69: {  	s31 =	sadd.s32 $0x1, s31;
	[sflag:s16] =	ssyncset.done $0x0  }
0x6a: {  	p1 =	sne.s32 s31, s11;
	[sflag:s16] =	ssyncadd.s32 $0xFFFFE000  }
.Ltmp1:
0x6b: {  	[bflag:$0x0] =	sbarrier.arrive $0xFFFF;
	(pc) =	sbr.rel @p1 .LBB2_1-.Ltmp1, $4  }
0x6c: {  	[hbm:s10], [sflag:s14] =	dma.local [spmem:s25], $0x13C0  }
0x6d: {  	_ =	swait.ge [sflag:s16], $0x13C0  }
0x6e: {  	[sflag:s16] =	ssyncset.done $0x0  }
0x6f: {  	[sflag:s16] =	ssyncadd.s32 $0xFFFFEC40  }
0x70: {  	_ =	sfence.sel $0x180000  }
0x71: {  	[bflag:$0x0] =	sbarrier.arrive $0xFFFF  }
0x72: {  	_ =	strace $0x9000004A  }
0x73: {  	s0 =	stileid.u32;
	[bflag:$0x2] =	sbarrier.arrive $0xFFFF  }
0x74: {  	p0 =	sne.s32 s0, $0x0;
	s0 =	rddreg [dreg:$0x4]  }
0x75: {  	s0 =	sadd.s32 @!p0 $0x100000, s0  }
0x76: {  	[sflag:s0] =	ssyncadd.tile.s32 @!p0 $0x1;
	_ =	shalt  }
.Lfunc_end2:
_tile_overlayer_lowered:
.L_overlay_start_2:
0x77: {  	(tag) =	ssettag $0x2  }
0x78: {  	s0 =	rddreg [dreg:$0x0];
	s2 =	stileid.u32  }
0x79: {  	s1 =	rddreg [dreg:$0x1];
	p0 =	sne.s32 s2, $0x0  }
0x7a: {  	s3 =	rddreg [dreg:$0x2];
	[bflag:$0x3] =	sbarrier.arrive $0xFFFF;
	s2 =	simm.s32 @!p0 $0x1C04  }
0x7b: {  	[timem:s3], [sflag:s2] =	dma.local @!p0 [hbm:s0], s1  }
0x7c: {  	s0 =	simm.s32 @!p0 $0x4  }
0x7d: {  	_ =	swait.ge @!p0 [sflag:s0], s1  }
0x7e: {  	s1 =	ssub.s32 @!p0 $0x0, s1;
	[sflag:s0] =	ssyncset.done @!p0 $0x0  }
0x7f: {  	[sflag:s0] =	ssyncadd.s32 @!p0 s1  }
0x80: {  	[bflag:$0x3] =	sbarrier.arrive $0xFFFF  }
0x81: {  	_ =	shalt  }

// kernel: kernel.31.cloned.1.call-start
scs
__scs_entry_jumppad:
0x0: {  	(pc) =	sbr.rel $0x88, $3  }
0x1: {  	(tag) =	ssettag $0x0;
	lr =	simm.s32 $0x1  }
0x2: {  	[smem:$0x3F98] =	sst lr;
	_ =	strace $0xD0000000  }
0x3: {  	_ = 	snop  }
0x4: {  	_ = 	snop  }
0x5: {  	_ = 	snop  }
0x6: {  	_ = 	snop  }
0x7: {  	_ = 	snop  }
__scs_overlays_trampoline_lowered:
0x8: {  	[smem:$0x3FA7] =	sst s0  }
0x9: {  	[smem:$0x3FA8] =	sst s1  }
0xa: {  	[smem:$0x3FA9] =	sst s2  }
0xb: {  	[smem:$0x3FAA] =	sst s3  }
0xc: {  	[smem:$0x3FAB] =	sst s4  }
0xd: {  	[smem:$0x3FAC] =	sst s5  }
0xe: {  	[smem:$0x3FAD] =	sst s6  }
0xf: {  	[smem:$0x3FAE] =	sst s7  }
0x10: {  	[smem:$0x3FAF] =	sst s8  }
0x11: {  	[smem:$0x3FB0] =	sst s9;
	s0 =	simm.s32 @!p0 $0x0  }
0x12: {  	s1 =	sld [smem:$0x3F96];
	s0 =	simm.s32 @p0 $0x1  }
0x13: {  	[smem:$0x3FB1] =	sst s0;
	s0 =	simm.s32 @!p1 $0x0  }
0x14: {  	s2 =	sld [smem:$0x3F95];
	s0 =	simm.s32 @p1 $0x1  }
0x15: {  	[smem:$0x3FB2] =	sst s0;
	s0 =	simm.s32 @!p2 $0x0  }
0x16: {  	s3 =	sld [smem:$0x3FDB];
	s0 =	simm.s32 @p2 $0x1  }
0x17: {  	s4 =	simm.s32 $0x1BF5;
	[smem:$0x3FB4] =	sst s0  }
0x18: {  	s0 =	sld [smem:$0x3F97];
	_ =	swait.ge [sflag:s4], $0x0  }
0x19: {  	s7 =	sld [smem:$0x3F98]  }
0x1a: {  	s8 =	sadd.s32 $0xFFFFE003, lr  }
0x1b: {  	s9 =	sadd.s32 $0xFFFFFEF7, lr;
	s5 =	simm.s32 $0xFFFFFFFF;
	p2 =	slt.u32 s8, $0xFFFFF086  }
0x1c: {  	p1 =	slt.u32 s9, $0xF7A;
	s5 =	simm.s32 @!p2 $0x0  }
0x1d: {  	s5 =	simm.s32 @p1 $0x1;
	p0 =	seq.s32 s7, s2  }
0x1e: {  	s7 =	smul.u32 @!p0 $0xF7A, s2;
	p2 =	seq.s32 @!p0 s5, $0x0  }
0x1f: {  	s9 =	smul.u32 $0xF7A, s1;
	s8 =	simm.s32 @!p0 $0x1BF5;
	p2 =	por !p2, p0  }
0x20: {  	[sflag:s8] =	ssyncset.s32 @!p0 $0xFFFFF086;
	s6 =	sadd.s32 @!p0 s3, s7;
	s7 =	simm.s32 @!p0 $0x108  }
0x21: {  	s3 =	sadd.s32 s3, s9;
	s6 =	sadd.s32 @!p0 $0x88, s6;
	s7 =	simm.s32 @p2 $0x1082  }
0x22: {  	[simem:s7], [sflag:s8] =	dma.local @!p0 [hbm:s6], $0xF7A  }
0x23: {  	s9 =	sor.u32 $0xD0000000, s2;
	s6 =	simm.s32 $0x108;
	_ =	swait.ge @!p0 [sflag:s8], $0x0  }
0x24: {  	s3 =	sadd.s32 $0x88, s3;
	s6 =	simm.s32 @!p1 $0x1082;
	[sflag:s4] =	ssyncset.s32 $0xFFFFF086  }
0x25: {  	[simem:s6], [sflag:s4] =	dma.local [hbm:s3], $0xF7A  }
0x26: {  	[smem:$0x3F98] =	sst s1;
	(tag) =	ssettag s2;
	_ =	strace s9  }
0x27: {  	s1 =	sld [smem:$0x3FA8]  }
0x28: {  	s2 =	sld [smem:$0x3FA9]  }
0x29: {  	s4 =	sld [smem:$0x3FAB]  }
0x2a: {  	p0 =	seq.s32 s5, $0x0;
	s5 =	sld [smem:$0x3FAC]  }
0x2b: {  	s6 =	sld [smem:$0x3FAD]  }
0x2c: {  	s7 =	sld [smem:$0x3FAE]  }
0x2d: {  	s3 =	simm.s32 $0x108;
	s8 =	sld [smem:$0x3FAF]  }
0x2e: {  	s3 =	simm.s32 @!p0 $0x1082;
	s9 =	sld [smem:$0x3FB0]  }
0x2f: {  	lr =	sadd.s32 s0, s3;
	s0 =	sld [smem:$0x3FA7]  }
0x30: {  	s3 =	sld [smem:$0x3FAA]  }
0x31: {  	[smem:$0x3FB3] =	sst s10  }
0x32: {  	s10 =	sld [smem:$0x3FB1];
	_ =	sdelay $0x3  }
0x33: {  	p0 =	seq.s32 s10, $0x1;
	s10 =	sld [smem:$0x3FB3];
	_ =	sdelay $0x3  }
0x34: {  	[smem:$0x3FB3] =	sst s10  }
0x35: {  	s10 =	sld [smem:$0x3FB2];
	_ =	sdelay $0x3  }
0x36: {  	p1 =	seq.s32 s10, $0x1;
	s10 =	sld [smem:$0x3FB3];
	_ =	sdelay $0x3  }
0x37: {  	[smem:$0x3FB3] =	sst s10  }
0x38: {  	s10 =	sld [smem:$0x3FB4]  }
0x39: {  	_ = 	snop;
	(pc) =	sbr.ind lr, $3  }
0x3a: {  	_ = 	snop  }
0x3b: {  	_ = 	snop  }
0x3c: {  	p2 =	seq.s32 s10, $0x1;
	s10 =	sld [smem:$0x3FB3]  }
0x3d: {  	_ =	shalt  }
0x3e: {  	_ =	shalt  }
0x3f: {  	_ =	shalt  }
0x40: {  	_ =	shalt  }
0x41: {  	_ =	shalt  }
0x42: {  	_ =	shalt  }
0x43: {  	_ =	shalt  }
0x44: {  	_ =	shalt  }
0x45: {  	_ =	shalt  }
0x46: {  	_ =	shalt  }
0x47: {  	_ =	shalt  }
0x48: {  	_ =	shalt  }
0x49: {  	_ =	shalt  }
0x4a: {  	_ =	shalt  }
0x4b: {  	_ =	shalt  }
0x4c: {  	_ =	shalt  }
0x4d: {  	_ =	shalt  }
0x4e: {  	_ =	shalt  }
0x4f: {  	_ =	shalt  }
0x50: {  	_ =	shalt  }
0x51: {  	_ =	shalt  }
0x52: {  	_ =	shalt  }
0x53: {  	_ =	shalt  }
0x54: {  	_ =	shalt  }
0x55: {  	_ =	shalt  }
0x56: {  	_ =	shalt  }
0x57: {  	_ =	shalt  }
0x58: {  	_ =	shalt  }
0x59: {  	_ =	shalt  }
0x5a: {  	_ =	shalt  }
0x5b: {  	_ =	shalt  }
0x5c: {  	_ =	shalt  }
0x5d: {  	_ =	shalt  }
0x5e: {  	_ =	shalt  }
0x5f: {  	_ =	shalt  }
0x60: {  	_ =	shalt  }
0x61: {  	_ =	shalt  }
0x62: {  	_ =	shalt  }
0x63: {  	_ =	shalt  }
0x64: {  	_ =	shalt  }
0x65: {  	_ =	shalt  }
0x66: {  	_ =	shalt  }
0x67: {  	_ =	shalt  }
0x68: {  	_ =	shalt  }
0x69: {  	_ =	shalt  }
0x6a: {  	_ =	shalt  }
0x6b: {  	_ =	shalt  }
0x6c: {  	_ =	shalt  }
0x6d: {  	_ =	shalt  }
0x6e: {  	_ =	shalt  }
0x6f: {  	_ =	shalt  }
0x70: {  	_ =	shalt  }
0x71: {  	_ =	shalt  }
0x72: {  	_ =	shalt  }
0x73: {  	_ =	shalt  }
0x74: {  	_ =	shalt  }
0x75: {  	_ =	shalt  }
0x76: {  	_ =	shalt  }
0x77: {  	_ =	shalt  }
0x78: {  	_ =	shalt  }
0x79: {  	_ =	shalt  }
0x7a: {  	_ =	shalt  }
0x7b: {  	_ =	shalt  }
0x7c: {  	_ =	shalt  }
0x7d: {  	_ =	shalt  }
0x7e: {  	_ =	shalt  }
0x7f: {  	_ =	shalt  }
0x80: {  	_ =	shalt  }
0x81: {  	_ =	shalt  }
0x82: {  	_ =	shalt  }
0x83: {  	_ =	shalt  }
0x84: {  	_ =	shalt  }
0x85: {  	_ =	shalt  }
0x86: {  	_ =	shalt  }
0x87: {  	_ =	shalt  }
.Lfunc_end0:
.L_simem_size_0:
called_computation.2_lowered:
.L_overlay_start_0:
0x88: {  	s2 =	sld [smem:$0x3FD9]  }
0x89: {  	s3 =	sld [smem:$0x3FFE];
	_ =	sdelay $0x1  }
0x8a: {  	s1 =	srdreg.scid  }
0x8b: {  	s0 =	sand.u32 $0x1, s1  }
0x8c: {  	s17 =	sshll.u32 s0, $0xA;
	s2 =	sadd.s32 s3, s2  }
0x8d: {  	s2 =	sadd.s32 s2, s17  }
0x8e: {  	[smem:$0x3FBF] =	sst s2  }
0x8f: {  	_ = 	snop  }
0x90: {  	s2 =	sld [smem:$0x3FD0];
	(tm) =	ssettm $0x1  }
0x91: {  	s18 =	sld [smem:$0x3FFB];
	_ =	sdelay $0x3  }
0x92: {  	_ =	strace s18  }
0x93: {  	s3 =	sld [smem:$0x3FFC];
	_ =	sdelay $0x3  }
0x94: {  	_ =	strace s3  }
0x95: {  	s3 =	sld [smem:$0x3FFD];
	_ =	sdelay $0x3  }
0x96: {  	_ =	strace s3  }
0x97: {  	_ =	strace $0x8FFFFFFF  }
0x98: {  	s19 =	sld [smem:$0x3FDB];
	_ =	sdelay $0x1  }
0x99: {  	s4 =	simm.s32 $_scs_section_size  }
0x9a: {  	s5 =	simm.s32 $_size__tile_overlayer_lowered;
	s6 =	simm.s32 $_tile_overlayer_lowered  }
0x9b: {  	s22 =	simm.s32 $0x1BFF;
	s21 =	sshll.u32 s6, $0x1;
	s3 =	sadd.s32 s4, s19  }
0x9c: {  	s7 =	simm.s32 $0x0;
	s20 =	sshll.u32 s5, $0x1;
	s5 =	sadd.s32 s21, s3  }
0x9d: {  	[timem:s7], [sflag:s22] =	dma.local [hbm:s5], s20  }
0x9e: {  	_ =	swait.ge [sflag:s22], s20  }
0x9f: {  	s4 =	ssub.s32 $0x0, s20;
	[sflag:s22] =	ssyncset.done $0x0  }
0xa0: {  	[sflag:s22] =	ssyncadd.s32 s4;
	_ =	sdelay $0x1  }
0xa1: {  	s23 =	simm.s32 $0x1B8B  }
0xa2: {  	_ =	swait.ge [sflag:s23], $0x1  }
0xa3: {  	[sflag:s23] =	ssyncset.done $0x0  }
0xa4: {  	s25 =	simm.s32 $0x1B8E;
	s24 =	sld [smem:$0x3FFE];
	[sflag:s23] =	ssyncadd.s32 $0xFFFFFFFF  }
0xa5: {  	s26 =	simm.s32 $execute0_lowered;
	[smem:$0x3FD2] =	sst s25  }
0xa6: {  	s5 =	sshll.u32 s26, $0x1;
	_ =	strace $0x8000004C;
	[dreg:$0x1] =	wrdreg $0xFFFFFFFF  }
0xa7: {  	s28 =	simm.s32 $_size_execute0_lowered;
	s3 =	sadd.s32 s3, s5;
	[dreg:$0x0] =	wrdreg $0x0  }
0xa8: {  	s5 =	sshll.u32 s28, $0x1;
	[dreg:$0x2] =	wrdreg s3  }
0xa9: {  	[dreg:$0x3] =	wrdreg s5  }
0xaa: {  	[dreg:$0x4] =	wrdreg $0xC0  }
0xab: {  	_ =	task [dreg:s7], $0x5FFFF  }
0xac: {  	[dreg:$0x1] =	wrdreg $0xFFFFFFFF  }
0xad: {  	[dreg:$0x0] =	wrdreg $0x60  }
0xae: {  	[dreg:$0x2] =	wrdreg s24  }
0xaf: {  	[dreg:$0x3] =	wrdreg s2  }
0xb0: {  	[dreg:$0x4] =	wrdreg $0xEE000  }
0xb1: {  	[dreg:$0x5] =	wrdreg $0x50000  }
0xb2: {  	[dreg:$0x6] =	wrdreg $0x9  }
0xb3: {  	_ =	task.clear_ibuf [dreg:s7], $0x7FFFF;
	_ =	strace $0x9000004C  }
0xb4: {  	s29 =	simm.s32 $0x9;
	_ =	strace $0x8000004E  }
0xb5: {  	_ =	swait.ge [sflag:s29], $0x1  }
0xb6: {  	[sflag:s29] =	ssyncadd.s32 $0xFFFFFFFF  }
0xb7: {  	_ =	strace $0x9000004E  }
0xb8: {  	_ =	sfence  }
0xb9: {  	s30 =	sld [smem:$0x0];
	_ =	sdelay $0x2  }
0xba: {  	s31 =	sshll.u32 s1, $0xD;
	s1 =	sshrl.u32 s1, $0x2  }
0xbb: {  	s3 =	sand.u32 $0x4000, s31;
	s1 =	sadd.s32 s1, s30  }
0xbc: {  	s0 =	sor.u32 s3, s0;
	s1 =	sshll.u32 s1, $0x11  }
0xbd: {  	s0 =	sor.u32 s1, s0  }
0xbe: {  	s0 =	sadd.s32 $0x8F2B, s0  }
0xbf: {  	[sflag:s0] =	ssyncadd.remote.s32 $0x1  }
0xc0: {  	_ =	sfence.sel $0xFFFF  }
0xc1: {  	[dreg:$0x0] =	wrdreg $0xFFFFFFFF;
	(pc) =	sbr.abs _section_cstart, $3  }
0xc2: {  	[dreg:$0x1] =	wrdreg $0xFFFFFFFF  }
0xc3: {  	_ =	task.clear_ibuf [dreg:s7], $0x2FFFF;
	_ =	strace $0x9FFFFFFF  }
0xc4: {  	(tm) =	ssettm $0x7FFFFFFF  }
0xc5: {  	_ =	shalt  }
tec
execute0_lowered:
.L_overlay_start_1:
0x0: {  	(tag) =	ssettag $0x1  }
0x1: {  	s0 =	rddreg [dreg:$0x0]  }
0x2: {  	s2 =	rddreg [dreg:$0x1]  }
0x3: {  	s3 =	rddreg [dreg:$0x2]  }
0x4: {  	s4 =	rddreg [dreg:$0x3]  }
0x5: {  	s13 =	stileid.u32;
	s1 =	srdreg.scid;
	s5 =	simm.s32 $0x0  }
0x6: {  	s16 =	simm.s32 $0x4;
	s21 =	simm.s32 $0x3;
	s22 =	simm.s32 $0x80  }
0x7: {  	s28 =	simm.s32 $0x2;
	s29 =	simm.s32 $0x4F00;
	s30 =	simm.s32 $0x4F80  }
0x8: {  	s31 =	simm.s32 $0x0;
	s11 =	smul.u32 $0x9E00, s13;
	s1 =	sand.u32 $0x1, s1  }
0x9: {  	[smem:$0x7FF] =	sst s5;
	s6 =	sshll.u32 s13, $0x1;
	s14 =	sshll.u32 s13, $0x6  }
0xa: {  	s24 =	sshll.u32 s13, $0xD;
	p0 =	seq.s32 s13, $0xF;
	s7 =	smul.u32 $0x9E000, s1  }
0xb: {  	_ =	strace $0x8000004D;
	s6 =	sor.u32 s1, s6;
	s1 =	ssub.s32 $0x2, s1  }
0xc: {  	s8 =	sshrl.u32 s11, $0x3;
	s6 =	smul.u32 $0x500, s6;
	s23 =	sshrl.u32 s1, $0x1  }
0xd: {  	s12 =	sadd.s32 s11, s3;
	s25 =	sadd.s32 s11, s4;
	s7 =	sadd.s32 s11, s7  }
0xe: {  	s8 =	sadd.s32 s8, s0;
	s1 =	ssub.s32 s1, s23;
	s12 =	sshrl.u32 s12, $0x3  }
0xf: {  	s23 =	simm.s32 $0x18C00;
	s25 =	sshrl.u32 s25, $0x3;
	s7 =	sshrl.u32 s7, $0x3  }
0x10: {  	s9 =	sadd.s32 s6, s0;
	s6 =	sadd.s32 $0x27600, s8;
	s11 =	smax.u32 s1, $0x1  }
0x11: {  	s0 =	sadd.s32 s7, s0;
	s7 =	sor.u32 $0x1C03, s14;
	s8 =	sadd.s32 $0x1D600, s9  }
0x12: {  	s9 =	sadd.s32 $0x4800, s9;
	s10 =	sadd.s32 $0x3B200, s0;
	s0 =	sadd.s32 s24, s4  }
0x13: {  	s14 =	sor.u32 $0x1C04, s14;
	s24 =	simm.s32 $0x1AC00;
	s26 =	sadd.s32 $0x20000, s0  }
0x14: {  	s18 =	sadd.s32 $0x40000, s0;
	s19 =	sadd.s32 $0x60000, s0;
	s20 =	sadd.s32 $0x80000, s0  }
0x15: {  	s15 =	sshrl.u32 s0, $0x3;
	s17 =	sshrl.u32 s26, $0x3;
	s18 =	sshrl.u32 s18, $0x3  }
0x16: {  	s19 =	sshrl.u32 s19, $0x3;
	s20 =	sshrl.u32 @!p0 s20, $0x3;
	s26 =	simm.s32 $0x1  }
.LBB2_1:
0x17: {  	[spmem:s12], [sflag:s7] =	dma.local [hbm:s6], $0x13C0  }
0x18: {  	[tilespmem:s5], [sflag:$0x3] =	stream.linear.gather [hbm4b:s8+s5], $0x2800, $0x38;
	[tilespmem:$0x1CC00] =	vst v63  }
0x19: {  	s0 =	simm.s32 $0x2800  }
0x1a: {  	[tilespmem:s0], [sflag:$0x3] =	stream.linear.gather [hbm4b:s9+s5], $0x2800, $0x38;
	[tilespmem:$0x1CC00] =	vst v63  }
0x1b: {  	[spmem:s15], [sflag:s14] =	dma.local [hbm:s2], $0x400  }
0x1c: {  	_ =	swait.ge [sflag:s16], $0x400  }
0x1d: {  	[sflag:s16] =	ssyncset.done $0x0  }
0x1e: {  	[sflag:s16] =	ssyncadd.s32 $0xFFFFFC00  }
0x1f: {  	[spmem:s17], [sflag:s14] =	dma.local [hbm:s2], $0x400  }
0x20: {  	_ =	swait.ge [sflag:s16], $0x400  }
0x21: {  	[sflag:s16] =	ssyncset.done $0x0  }
0x22: {  	[sflag:s16] =	ssyncadd.s32 $0xFFFFFC00  }
0x23: {  	[spmem:s18], [sflag:s14] =	dma.local [hbm:s2], $0x400  }
0x24: {  	_ =	swait.ge [sflag:s16], $0x400  }
0x25: {  	[sflag:s16] =	ssyncset.done $0x0  }
0x26: {  	[sflag:s16] =	ssyncadd.s32 $0xFFFFFC00  }
0x27: {  	[spmem:s19], [sflag:s14] =	dma.local [hbm:s2], $0x400  }
0x28: {  	_ =	swait.ge [sflag:s16], $0x400  }
0x29: {  	[sflag:s16] =	ssyncset.done $0x0  }
0x2a: {  	s0 =	simm.s32 @!p0 $0x4;
	[sflag:s16] =	ssyncadd.s32 $0xFFFFFC00  }
0x2b: {  	[spmem:s20], [sflag:s14] =	dma.local @!p0 [hbm:s2], $0x400  }
0x2c: {  	_ =	swait.ge @!p0 [sflag:s0], $0x400  }
0x2d: {  	[sflag:s0] =	ssyncset.done @!p0 $0x0  }
0x2e: {  	[sflag:s0] =	ssyncadd.s32 @!p0 $0xFFFFFC00  }
0x2f: {  	_ =	swait.ge [sflag:s21], $0x13C0  }
0x30: {  	[sflag:s21] =	ssyncset.done $0x0  }
0x31: {  	[sflag:s21] =	ssyncadd.s32 $0xFFFFEC40  }
0x32: {  	_ =	swait.ge [sflag:s21], $0x2800  }
0x33: {  	[sflag:s21] =	ssyncset.done $0x0  }
0x34: {  	[sflag:s21] =	ssyncadd.s32 $0xFFFFD800  }
0x35: {  	_ =	swait.ge [sflag:s21], $0x2800  }
0x36: {  	[sflag:s21] =	ssyncset.done $0x0  }
0x37: {  	[sflag:s21] =	ssyncadd.s32 $0xFFFFD800  }
0x38: {  	[bflag:$0x0] =	sbarrier.arrive $0xFFFF  }
0x39: {  	[tilespmem:s23], [sflag:$0x1] =	stream.indirect.gather [spmem:s3], $0x40, s5, s22, $0xb8;
	[tilespmem:$0x1CC00] =	vst v63  }
0x3a: {  	_ = 	snop  }
0x3b: {  	[tilespmem:s24], [sflag:$0x2] =	stream.indirect.gather [spmem:s3], $0x40, s22, s22, $0xb8;
	[tilespmem:$0x1CC00] =	vst v63  }
0x3c: {  	_ =	swait.ge [sflag:s26], $0x2000  }
0x3d: {  	[sflag:s26] =	ssyncset.done $0x0  }
0x3e: {  	s13 =	simm.s32 $0x2800;
	[sflag:s26] =	ssyncadd.s32 $0xFFFFE000  }
0x3f: {  	[spmem:s4] =	stream.indirect.scatter.add.f32 [tilespmem:s23], [sflag:$0x4], $0x40, s13, s22, $0xb8;
	[tilespmem:$0x1CC00] =	vst v63  }
0x40: {  	_ =	swait.ge [sflag:s16], $0x2000  }
0x41: {  	[sflag:s16] =	ssyncset.done $0x0  }
0x42: {  	s1 =	simm.s32 $0x100;
	[sflag:s16] =	ssyncadd.s32 $0xFFFFE000  }
0x43: {  	[tilespmem:s23], [sflag:$0x1] =	stream.indirect.gather [spmem:s3], $0x40, s1, s22, $0xb8;
	[tilespmem:$0x1CC00] =	vst v63  }
0x44: {  	_ =	swait.ge [sflag:s28], $0x2000  }
0x45: {  	[sflag:s28] =	ssyncset.done $0x0  }
0x46: {  	s13 =	simm.s32 $0x2880;
	[sflag:s28] =	ssyncadd.s32 $0xFFFFE000  }
0x47: {  	[spmem:s4] =	stream.indirect.scatter.add.f32 [tilespmem:s24], [sflag:$0x4], $0x40, s13, s22, $0xb8;
	[tilespmem:$0x1CC00] =	vst v63  }
0x48: {  	_ =	swait.ge [sflag:s16], $0x2000  }
0x49: {  	[sflag:s16] =	ssyncset.done $0x0  }
0x4a: {  	s0 =	simm.s32 $0x400;
	s1 =	simm.s32 $0x180;
	[sflag:s16] =	ssyncadd.s32 $0xFFFFE000  }
.LBB2_2:
0x4b: {  	[tilespmem:s24], [sflag:$0x2] =	stream.indirect.gather [spmem:s3], $0x40, s1, s22, $0xb8;
	[tilespmem:$0x1CC00] =	vst v63  }
0x4c: {  	s1 =	smov.u32 s0  }
0x4d: {  	p1 =	sne.s32 s0, $0x9800;
	s0 =	sadd.s32 $0x400, s0;
	_ =	swait.ge [sflag:s26], $0x2000  }
0x4e: {  	s1 =	sshra.s32 s1, $0x2;
	[sflag:s26] =	ssyncset.done $0x0  }
0x4f: {  	s13 =	sadd.s32 $0x2800, s1;
	[sflag:s26] =	ssyncadd.s32 $0xFFFFE000  }
0x50: {  	[spmem:s4] =	stream.indirect.scatter.add.f32 [tilespmem:s23], [sflag:$0x4], $0x40, s13, s22, $0xb8;
	[tilespmem:$0x1CC00] =	vst v63  }
0x51: {  	_ =	swait.ge [sflag:s16], $0x2000  }
0x52: {  	[sflag:s16] =	ssyncset.done $0x0  }
0x53: {  	s13 =	sadd.s32 $0x100, s1;
	[sflag:s16] =	ssyncadd.s32 $0xFFFFE000  }
0x54: {  	[tilespmem:s23], [sflag:$0x1] =	stream.indirect.gather [spmem:s3], $0x40, s13, s22, $0xb8;
	[tilespmem:$0x1CC00] =	vst v63  }
0x55: {  	_ =	swait.ge [sflag:s28], $0x2000  }
0x56: {  	[sflag:s28] =	ssyncset.done $0x0  }
.Ltmp0:
0x57: {  	s13 =	sadd.s32 $0x2880, s1;
	[sflag:s28] =	ssyncadd.s32 $0xFFFFE000;
	(pc) =	sbr.rel @p1 .LBB2_2-.Ltmp0, $4  }
0x58: {  	[spmem:s4] =	stream.indirect.scatter.add.f32 [tilespmem:s24], [sflag:$0x4], $0x40, s13, s22, $0xb8;
	[tilespmem:$0x1CC00] =	vst v63  }
0x59: {  	_ =	swait.ge [sflag:s16], $0x2000  }
0x5a: {  	[sflag:s16] =	ssyncset.done $0x0  }
0x5b: {  	s1 =	sadd.s32 $0x180, s1;
	[sflag:s16] =	ssyncadd.s32 $0xFFFFE000  }
0x5c: {  	[tilespmem:s24], [sflag:$0x2] =	stream.indirect.gather [spmem:s3], $0x40, s1, s22, $0xb8;
	[tilespmem:$0x1CC00] =	vst v63  }
0x5d: {  	_ =	swait.ge [sflag:s26], $0x2000  }
0x5e: {  	[sflag:s26] =	ssyncset.done $0x0  }
0x5f: {  	[sflag:s26] =	ssyncadd.s32 $0xFFFFE000  }
0x60: {  	[spmem:s4] =	stream.indirect.scatter.add.f32 [tilespmem:s23], [sflag:$0x4], $0x40, s29, s22, $0xb8;
	[tilespmem:$0x1CC00] =	vst v63  }
0x61: {  	_ =	swait.ge [sflag:s16], $0x2000  }
0x62: {  	[sflag:s16] =	ssyncset.done $0x0  }
0x63: {  	[sflag:s16] =	ssyncadd.s32 $0xFFFFE000  }
0x64: {  	_ =	swait.ge [sflag:s28], $0x2000  }
0x65: {  	[sflag:s28] =	ssyncset.done $0x0  }
0x66: {  	[sflag:s28] =	ssyncadd.s32 $0xFFFFE000  }
0x67: {  	[spmem:s4] =	stream.indirect.scatter.add.f32 [tilespmem:s24], [sflag:$0x4], $0x40, s30, s22, $0xb8;
	[tilespmem:$0x1CC00] =	vst v63  }
0x68: {  	_ =	swait.ge [sflag:s16], $0x2000  }
0x69: {  	s31 =	sadd.s32 $0x1, s31;
	[sflag:s16] =	ssyncset.done $0x0  }
0x6a: {  	p1 =	sne.s32 s31, s11;
	[sflag:s16] =	ssyncadd.s32 $0xFFFFE000  }
.Ltmp1:
0x6b: {  	[bflag:$0x0] =	sbarrier.arrive $0xFFFF;
	(pc) =	sbr.rel @p1 .LBB2_1-.Ltmp1, $4  }
0x6c: {  	[hbm:s10], [sflag:s14] =	dma.local [spmem:s25], $0x13C0  }
0x6d: {  	_ =	swait.ge [sflag:s16], $0x13C0  }
0x6e: {  	[sflag:s16] =	ssyncset.done $0x0  }
0x6f: {  	[sflag:s16] =	ssyncadd.s32 $0xFFFFEC40  }
0x70: {  	_ =	sfence.sel $0x180000  }
0x71: {  	[bflag:$0x0] =	sbarrier.arrive $0xFFFF  }
0x72: {  	_ =	strace $0x9000004D  }
0x73: {  	s0 =	stileid.u32;
	[bflag:$0x2] =	sbarrier.arrive $0xFFFF  }
0x74: {  	p0 =	sne.s32 s0, $0x0;
	s0 =	rddreg [dreg:$0x4]  }
0x75: {  	s0 =	sadd.s32 @!p0 $0x100000, s0  }
0x76: {  	[sflag:s0] =	ssyncadd.tile.s32 @!p0 $0x1;
	_ =	shalt  }
.Lfunc_end2:
_tile_overlayer_lowered:
.L_overlay_start_2:
0x77: {  	(tag) =	ssettag $0x2  }
0x78: {  	s0 =	rddreg [dreg:$0x0];
	s2 =	stileid.u32  }
0x79: {  	s1 =	rddreg [dreg:$0x1];
	p0 =	sne.s32 s2, $0x0  }
0x7a: {  	s3 =	rddreg [dreg:$0x2];
	[bflag:$0x3] =	sbarrier.arrive $0xFFFF;
	s2 =	simm.s32 @!p0 $0x1C04  }
0x7b: {  	[timem:s3], [sflag:s2] =	dma.local @!p0 [hbm:s0], s1  }
0x7c: {  	s0 =	simm.s32 @!p0 $0x4  }
0x7d: {  	_ =	swait.ge @!p0 [sflag:s0], s1  }
0x7e: {  	s1 =	ssub.s32 @!p0 $0x0, s1;
	[sflag:s0] =	ssyncset.done @!p0 $0x0  }
0x7f: {  	[sflag:s0] =	ssyncadd.s32 @!p0 s1  }
0x80: {  	[bflag:$0x3] =	sbarrier.arrive $0xFFFF  }
0x81: {  	_ =	shalt  }

// kernel: kernel.34.cloned.1.call-start
scs
__scs_entry_jumppad:
0x0: {  	(pc) =	sbr.rel $0x88, $3  }
0x1: {  	(tag) =	ssettag $0x0;
	lr =	simm.s32 $0x1  }
0x2: {  	[smem:$0x3F98] =	sst lr;
	_ =	strace $0xD0000000  }
0x3: {  	_ = 	snop  }
0x4: {  	_ = 	snop  }
0x5: {  	_ = 	snop  }
0x6: {  	_ = 	snop  }
0x7: {  	_ = 	snop  }
__scs_overlays_trampoline_lowered:
0x8: {  	[smem:$0x3FA7] =	sst s0  }
0x9: {  	[smem:$0x3FA8] =	sst s1  }
0xa: {  	[smem:$0x3FA9] =	sst s2  }
0xb: {  	[smem:$0x3FAA] =	sst s3  }
0xc: {  	[smem:$0x3FAB] =	sst s4  }
0xd: {  	[smem:$0x3FAC] =	sst s5  }
0xe: {  	[smem:$0x3FAD] =	sst s6  }
0xf: {  	[smem:$0x3FAE] =	sst s7  }
0x10: {  	[smem:$0x3FAF] =	sst s8  }
0x11: {  	[smem:$0x3FB0] =	sst s9;
	s0 =	simm.s32 @!p0 $0x0  }
0x12: {  	s1 =	sld [smem:$0x3F96];
	s0 =	simm.s32 @p0 $0x1  }
0x13: {  	[smem:$0x3FB1] =	sst s0;
	s0 =	simm.s32 @!p1 $0x0  }
0x14: {  	s2 =	sld [smem:$0x3F95];
	s0 =	simm.s32 @p1 $0x1  }
0x15: {  	[smem:$0x3FB2] =	sst s0;
	s0 =	simm.s32 @!p2 $0x0  }
0x16: {  	s3 =	sld [smem:$0x3FDB];
	s0 =	simm.s32 @p2 $0x1  }
0x17: {  	s4 =	simm.s32 $0x1BF5;
	[smem:$0x3FB4] =	sst s0  }
0x18: {  	s0 =	sld [smem:$0x3F97];
	_ =	swait.ge [sflag:s4], $0x0  }
0x19: {  	s7 =	sld [smem:$0x3F98]  }
0x1a: {  	s8 =	sadd.s32 $0xFFFFE003, lr  }
0x1b: {  	s9 =	sadd.s32 $0xFFFFFEF7, lr;
	s5 =	simm.s32 $0xFFFFFFFF;
	p2 =	slt.u32 s8, $0xFFFFF086  }
0x1c: {  	p1 =	slt.u32 s9, $0xF7A;
	s5 =	simm.s32 @!p2 $0x0  }
0x1d: {  	s5 =	simm.s32 @p1 $0x1;
	p0 =	seq.s32 s7, s2  }
0x1e: {  	s7 =	smul.u32 @!p0 $0xF7A, s2;
	p2 =	seq.s32 @!p0 s5, $0x0  }
0x1f: {  	s9 =	smul.u32 $0xF7A, s1;
	s8 =	simm.s32 @!p0 $0x1BF5;
	p2 =	por !p2, p0  }
0x20: {  	[sflag:s8] =	ssyncset.s32 @!p0 $0xFFFFF086;
	s6 =	sadd.s32 @!p0 s3, s7;
	s7 =	simm.s32 @!p0 $0x108  }
0x21: {  	s3 =	sadd.s32 s3, s9;
	s6 =	sadd.s32 @!p0 $0x88, s6;
	s7 =	simm.s32 @p2 $0x1082  }
0x22: {  	[simem:s7], [sflag:s8] =	dma.local @!p0 [hbm:s6], $0xF7A  }
0x23: {  	s9 =	sor.u32 $0xD0000000, s2;
	s6 =	simm.s32 $0x108;
	_ =	swait.ge @!p0 [sflag:s8], $0x0  }
0x24: {  	s3 =	sadd.s32 $0x88, s3;
	s6 =	simm.s32 @!p1 $0x1082;
	[sflag:s4] =	ssyncset.s32 $0xFFFFF086  }
0x25: {  	[simem:s6], [sflag:s4] =	dma.local [hbm:s3], $0xF7A  }
0x26: {  	[smem:$0x3F98] =	sst s1;
	(tag) =	ssettag s2;
	_ =	strace s9  }
0x27: {  	s1 =	sld [smem:$0x3FA8]  }
0x28: {  	s2 =	sld [smem:$0x3FA9]  }
0x29: {  	s4 =	sld [smem:$0x3FAB]  }
0x2a: {  	p0 =	seq.s32 s5, $0x0;
	s5 =	sld [smem:$0x3FAC]  }
0x2b: {  	s6 =	sld [smem:$0x3FAD]  }
0x2c: {  	s7 =	sld [smem:$0x3FAE]  }
0x2d: {  	s3 =	simm.s32 $0x108;
	s8 =	sld [smem:$0x3FAF]  }
0x2e: {  	s3 =	simm.s32 @!p0 $0x1082;
	s9 =	sld [smem:$0x3FB0]  }
0x2f: {  	lr =	sadd.s32 s0, s3;
	s0 =	sld [smem:$0x3FA7]  }
0x30: {  	s3 =	sld [smem:$0x3FAA]  }
0x31: {  	[smem:$0x3FB3] =	sst s10  }
0x32: {  	s10 =	sld [smem:$0x3FB1];
	_ =	sdelay $0x3  }
0x33: {  	p0 =	seq.s32 s10, $0x1;
	s10 =	sld [smem:$0x3FB3];
	_ =	sdelay $0x3  }
0x34: {  	[smem:$0x3FB3] =	sst s10  }
0x35: {  	s10 =	sld [smem:$0x3FB2];
	_ =	sdelay $0x3  }
0x36: {  	p1 =	seq.s32 s10, $0x1;
	s10 =	sld [smem:$0x3FB3];
	_ =	sdelay $0x3  }
0x37: {  	[smem:$0x3FB3] =	sst s10  }
0x38: {  	s10 =	sld [smem:$0x3FB4]  }
0x39: {  	_ = 	snop;
	(pc) =	sbr.ind lr, $3  }
0x3a: {  	_ = 	snop  }
0x3b: {  	_ = 	snop  }
0x3c: {  	p2 =	seq.s32 s10, $0x1;
	s10 =	sld [smem:$0x3FB3]  }
0x3d: {  	_ =	shalt  }
0x3e: {  	_ =	shalt  }
0x3f: {  	_ =	shalt  }
0x40: {  	_ =	shalt  }
0x41: {  	_ =	shalt  }
0x42: {  	_ =	shalt  }
0x43: {  	_ =	shalt  }
0x44: {  	_ =	shalt  }
0x45: {  	_ =	shalt  }
0x46: {  	_ =	shalt  }
0x47: {  	_ =	shalt  }
0x48: {  	_ =	shalt  }
0x49: {  	_ =	shalt  }
0x4a: {  	_ =	shalt  }
0x4b: {  	_ =	shalt  }
0x4c: {  	_ =	shalt  }
0x4d: {  	_ =	shalt  }
0x4e: {  	_ =	shalt  }
0x4f: {  	_ =	shalt  }
0x50: {  	_ =	shalt  }
0x51: {  	_ =	shalt  }
0x52: {  	_ =	shalt  }
0x53: {  	_ =	shalt  }
0x54: {  	_ =	shalt  }
0x55: {  	_ =	shalt  }
0x56: {  	_ =	shalt  }
0x57: {  	_ =	shalt  }
0x58: {  	_ =	shalt  }
0x59: {  	_ =	shalt  }
0x5a: {  	_ =	shalt  }
0x5b: {  	_ =	shalt  }
0x5c: {  	_ =	shalt  }
0x5d: {  	_ =	shalt  }
0x5e: {  	_ =	shalt  }
0x5f: {  	_ =	shalt  }
0x60: {  	_ =	shalt  }
0x61: {  	_ =	shalt  }
0x62: {  	_ =	shalt  }
0x63: {  	_ =	shalt  }
0x64: {  	_ =	shalt  }
0x65: {  	_ =	shalt  }
0x66: {  	_ =	shalt  }
0x67: {  	_ =	shalt  }
0x68: {  	_ =	shalt  }
0x69: {  	_ =	shalt  }
0x6a: {  	_ =	shalt  }
0x6b: {  	_ =	shalt  }
0x6c: {  	_ =	shalt  }
0x6d: {  	_ =	shalt  }
0x6e: {  	_ =	shalt  }
0x6f: {  	_ =	shalt  }
0x70: {  	_ =	shalt  }
0x71: {  	_ =	shalt  }
0x72: {  	_ =	shalt  }
0x73: {  	_ =	shalt  }
0x74: {  	_ =	shalt  }
0x75: {  	_ =	shalt  }
0x76: {  	_ =	shalt  }
0x77: {  	_ =	shalt  }
0x78: {  	_ =	shalt  }
0x79: {  	_ =	shalt  }
0x7a: {  	_ =	shalt  }
0x7b: {  	_ =	shalt  }
0x7c: {  	_ =	shalt  }
0x7d: {  	_ =	shalt  }
0x7e: {  	_ =	shalt  }
0x7f: {  	_ =	shalt  }
0x80: {  	_ =	shalt  }
0x81: {  	_ =	shalt  }
0x82: {  	_ =	shalt  }
0x83: {  	_ =	shalt  }
0x84: {  	_ =	shalt  }
0x85: {  	_ =	shalt  }
0x86: {  	_ =	shalt  }
0x87: {  	_ =	shalt  }
.Lfunc_end0:
.L_simem_size_0:
called_computation.3_lowered:
.L_overlay_start_0:
0x88: {  	s2 =	sld [smem:$0x3FD9]  }
0x89: {  	s3 =	sld [smem:$0x3FFE];
	_ =	sdelay $0x1  }
0x8a: {  	s1 =	srdreg.scid  }
0x8b: {  	s0 =	sand.u32 $0x1, s1  }
0x8c: {  	s17 =	sshll.u32 s0, $0xA;
	s2 =	sadd.s32 s3, s2  }
0x8d: {  	s2 =	sadd.s32 s2, s17  }
0x8e: {  	[smem:$0x3FBF] =	sst s2  }
0x8f: {  	_ = 	snop  }
0x90: {  	s2 =	sld [smem:$0x3FD0];
	(tm) =	ssettm $0x1  }
0x91: {  	s18 =	sld [smem:$0x3FFB];
	_ =	sdelay $0x3  }
0x92: {  	_ =	strace s18  }
0x93: {  	s3 =	sld [smem:$0x3FFC];
	_ =	sdelay $0x3  }
0x94: {  	_ =	strace s3  }
0x95: {  	s3 =	sld [smem:$0x3FFD];
	_ =	sdelay $0x3  }
0x96: {  	_ =	strace s3  }
0x97: {  	_ =	strace $0x8FFFFFFF  }
0x98: {  	s19 =	sld [smem:$0x3FDB];
	_ =	sdelay $0x1  }
0x99: {  	s4 =	simm.s32 $_scs_section_size  }
0x9a: {  	s5 =	simm.s32 $_size__tile_overlayer_lowered;
	s6 =	simm.s32 $_tile_overlayer_lowered  }
0x9b: {  	s22 =	simm.s32 $0x1BFF;
	s21 =	sshll.u32 s6, $0x1;
	s3 =	sadd.s32 s4, s19  }
0x9c: {  	s7 =	simm.s32 $0x0;
	s20 =	sshll.u32 s5, $0x1;
	s5 =	sadd.s32 s21, s3  }
0x9d: {  	[timem:s7], [sflag:s22] =	dma.local [hbm:s5], s20  }
0x9e: {  	_ =	swait.ge [sflag:s22], s20  }
0x9f: {  	s4 =	ssub.s32 $0x0, s20;
	[sflag:s22] =	ssyncset.done $0x0  }
0xa0: {  	[sflag:s22] =	ssyncadd.s32 s4;
	_ =	sdelay $0x1  }
0xa1: {  	s23 =	simm.s32 $0x1B8B  }
0xa2: {  	_ =	swait.ge [sflag:s23], $0x1  }
0xa3: {  	[sflag:s23] =	ssyncset.done $0x0  }
0xa4: {  	s25 =	simm.s32 $0x1B8E;
	s24 =	sld [smem:$0x3FFE];
	[sflag:s23] =	ssyncadd.s32 $0xFFFFFFFF  }
0xa5: {  	s26 =	simm.s32 $execute0_lowered;
	[smem:$0x3FD2] =	sst s25  }
0xa6: {  	s5 =	sshll.u32 s26, $0x1;
	_ =	strace $0x8000004F;
	[dreg:$0x1] =	wrdreg $0xFFFFFFFF  }
0xa7: {  	s28 =	simm.s32 $_size_execute0_lowered;
	s3 =	sadd.s32 s3, s5;
	[dreg:$0x0] =	wrdreg $0x0  }
0xa8: {  	s5 =	sshll.u32 s28, $0x1;
	[dreg:$0x2] =	wrdreg s3  }
0xa9: {  	[dreg:$0x3] =	wrdreg s5  }
0xaa: {  	[dreg:$0x4] =	wrdreg $0xC0  }
0xab: {  	_ =	task [dreg:s7], $0x5FFFF  }
0xac: {  	[dreg:$0x1] =	wrdreg $0xFFFFFFFF  }
0xad: {  	[dreg:$0x0] =	wrdreg $0x60  }
0xae: {  	[dreg:$0x2] =	wrdreg s24  }
0xaf: {  	[dreg:$0x3] =	wrdreg s2  }
0xb0: {  	[dreg:$0x4] =	wrdreg $0xEE000  }
0xb1: {  	[dreg:$0x5] =	wrdreg $0x50000  }
0xb2: {  	[dreg:$0x6] =	wrdreg $0x9  }
0xb3: {  	_ =	task.clear_ibuf [dreg:s7], $0x7FFFF;
	_ =	strace $0x9000004F  }
0xb4: {  	s29 =	simm.s32 $0x9;
	_ =	strace $0x80000051  }
0xb5: {  	_ =	swait.ge [sflag:s29], $0x1  }
0xb6: {  	[sflag:s29] =	ssyncadd.s32 $0xFFFFFFFF  }
0xb7: {  	_ =	strace $0x90000051  }
0xb8: {  	_ =	sfence  }
0xb9: {  	s30 =	sld [smem:$0x0];
	_ =	sdelay $0x2  }
0xba: {  	s31 =	sshll.u32 s1, $0xD;
	s1 =	sshrl.u32 s1, $0x2  }
0xbb: {  	s3 =	sand.u32 $0x4000, s31;
	s1 =	sadd.s32 s1, s30  }
0xbc: {  	s0 =	sor.u32 s3, s0;
	s1 =	sshll.u32 s1, $0x11  }
0xbd: {  	s0 =	sor.u32 s1, s0  }
0xbe: {  	s0 =	sadd.s32 $0x8F2B, s0  }
0xbf: {  	[sflag:s0] =	ssyncadd.remote.s32 $0x1  }
0xc0: {  	_ =	sfence.sel $0xFFFF  }
0xc1: {  	[dreg:$0x0] =	wrdreg $0xFFFFFFFF;
	(pc) =	sbr.abs _section_cstart, $3  }
0xc2: {  	[dreg:$0x1] =	wrdreg $0xFFFFFFFF  }
0xc3: {  	_ =	task.clear_ibuf [dreg:s7], $0x2FFFF;
	_ =	strace $0x9FFFFFFF  }
0xc4: {  	(tm) =	ssettm $0x7FFFFFFF  }
0xc5: {  	_ =	shalt  }
tec
execute0_lowered:
.L_overlay_start_1:
0x0: {  	(tag) =	ssettag $0x1  }
0x1: {  	s0 =	rddreg [dreg:$0x0]  }
0x2: {  	s2 =	rddreg [dreg:$0x1]  }
0x3: {  	s3 =	rddreg [dreg:$0x2]  }
0x4: {  	s4 =	rddreg [dreg:$0x3]  }
0x5: {  	s13 =	stileid.u32;
	s1 =	srdreg.scid;
	s5 =	simm.s32 $0x0  }
0x6: {  	s16 =	simm.s32 $0x4;
	s21 =	simm.s32 $0x3;
	s22 =	simm.s32 $0x80  }
0x7: {  	s28 =	simm.s32 $0x2;
	s29 =	simm.s32 $0x4F00;
	s30 =	simm.s32 $0x4F80  }
0x8: {  	s31 =	simm.s32 $0x0;
	s11 =	smul.u32 $0x9E00, s13;
	s1 =	sand.u32 $0x1, s1  }
0x9: {  	[smem:$0x7FF] =	sst s5;
	s6 =	sshll.u32 s13, $0x1;
	s14 =	sshll.u32 s13, $0x6  }
0xa: {  	s24 =	sshll.u32 s13, $0xD;
	p0 =	seq.s32 s13, $0xF;
	s7 =	smul.u32 $0x9E000, s1  }
0xb: {  	_ =	strace $0x80000050;
	s6 =	sor.u32 s1, s6;
	s1 =	ssub.s32 $0x2, s1  }
0xc: {  	s8 =	sshrl.u32 s11, $0x3;
	s6 =	smul.u32 $0x500, s6;
	s23 =	sshrl.u32 s1, $0x1  }
0xd: {  	s12 =	sadd.s32 s11, s3;
	s25 =	sadd.s32 s11, s4;
	s7 =	sadd.s32 s11, s7  }
0xe: {  	s8 =	sadd.s32 s8, s0;
	s1 =	ssub.s32 s1, s23;
	s12 =	sshrl.u32 s12, $0x3  }
0xf: {  	s23 =	simm.s32 $0x18C00;
	s25 =	sshrl.u32 s25, $0x3;
	s7 =	sshrl.u32 s7, $0x3  }
0x10: {  	s9 =	sadd.s32 s6, s0;
	s6 =	sadd.s32 $0x27600, s8;
	s11 =	smax.u32 s1, $0x1  }
0x11: {  	s0 =	sadd.s32 s7, s0;
	s7 =	sor.u32 $0x1C03, s14;
	s8 =	sadd.s32 $0x1D600, s9  }
0x12: {  	s9 =	sadd.s32 $0x4800, s9;
	s10 =	sadd.s32 $0x3B200, s0;
	s0 =	sadd.s32 s24, s4  }
0x13: {  	s14 =	sor.u32 $0x1C04, s14;
	s24 =	simm.s32 $0x1AC00;
	s26 =	sadd.s32 $0x20000, s0  }
0x14: {  	s18 =	sadd.s32 $0x40000, s0;
	s19 =	sadd.s32 $0x60000, s0;
	s20 =	sadd.s32 $0x80000, s0  }
0x15: {  	s15 =	sshrl.u32 s0, $0x3;
	s17 =	sshrl.u32 s26, $0x3;
	s18 =	sshrl.u32 s18, $0x3  }
0x16: {  	s19 =	sshrl.u32 s19, $0x3;
	s20 =	sshrl.u32 @!p0 s20, $0x3;
	s26 =	simm.s32 $0x1  }
.LBB2_1:
0x17: {  	[spmem:s12], [sflag:s7] =	dma.local [hbm:s6], $0x13C0  }
0x18: {  	[tilespmem:s5], [sflag:$0x3] =	stream.linear.gather [hbm4b:s8+s5], $0x2800, $0x38;
	[tilespmem:$0x1CC00] =	vst v63  }
0x19: {  	s0 =	simm.s32 $0x2800  }
0x1a: {  	[tilespmem:s0], [sflag:$0x3] =	stream.linear.gather [hbm4b:s9+s5], $0x2800, $0x38;
	[tilespmem:$0x1CC00] =	vst v63  }
0x1b: {  	[spmem:s15], [sflag:s14] =	dma.local [hbm:s2], $0x400  }
0x1c: {  	_ =	swait.ge [sflag:s16], $0x400  }
0x1d: {  	[sflag:s16] =	ssyncset.done $0x0  }
0x1e: {  	[sflag:s16] =	ssyncadd.s32 $0xFFFFFC00  }
0x1f: {  	[spmem:s17], [sflag:s14] =	dma.local [hbm:s2], $0x400  }
0x20: {  	_ =	swait.ge [sflag:s16], $0x400  }
0x21: {  	[sflag:s16] =	ssyncset.done $0x0  }
0x22: {  	[sflag:s16] =	ssyncadd.s32 $0xFFFFFC00  }
0x23: {  	[spmem:s18], [sflag:s14] =	dma.local [hbm:s2], $0x400  }
0x24: {  	_ =	swait.ge [sflag:s16], $0x400  }
0x25: {  	[sflag:s16] =	ssyncset.done $0x0  }
0x26: {  	[sflag:s16] =	ssyncadd.s32 $0xFFFFFC00  }
0x27: {  	[spmem:s19], [sflag:s14] =	dma.local [hbm:s2], $0x400  }
0x28: {  	_ =	swait.ge [sflag:s16], $0x400  }
0x29: {  	[sflag:s16] =	ssyncset.done $0x0  }
0x2a: {  	s0 =	simm.s32 @!p0 $0x4;
	[sflag:s16] =	ssyncadd.s32 $0xFFFFFC00  }
0x2b: {  	[spmem:s20], [sflag:s14] =	dma.local @!p0 [hbm:s2], $0x400  }
0x2c: {  	_ =	swait.ge @!p0 [sflag:s0], $0x400  }
0x2d: {  	[sflag:s0] =	ssyncset.done @!p0 $0x0  }
0x2e: {  	[sflag:s0] =	ssyncadd.s32 @!p0 $0xFFFFFC00  }
0x2f: {  	_ =	swait.ge [sflag:s21], $0x13C0  }
0x30: {  	[sflag:s21] =	ssyncset.done $0x0  }
0x31: {  	[sflag:s21] =	ssyncadd.s32 $0xFFFFEC40  }
0x32: {  	_ =	swait.ge [sflag:s21], $0x2800  }
0x33: {  	[sflag:s21] =	ssyncset.done $0x0  }
0x34: {  	[sflag:s21] =	ssyncadd.s32 $0xFFFFD800  }
0x35: {  	_ =	swait.ge [sflag:s21], $0x2800  }
0x36: {  	[sflag:s21] =	ssyncset.done $0x0  }
0x37: {  	[sflag:s21] =	ssyncadd.s32 $0xFFFFD800  }
0x38: {  	[bflag:$0x0] =	sbarrier.arrive $0xFFFF  }
0x39: {  	[tilespmem:s23], [sflag:$0x1] =	stream.indirect.gather [spmem:s3], $0x40, s5, s22, $0xb8;
	[tilespmem:$0x1CC00] =	vst v63  }
0x3a: {  	_ = 	snop  }
0x3b: {  	[tilespmem:s24], [sflag:$0x2] =	stream.indirect.gather [spmem:s3], $0x40, s22, s22, $0xb8;
	[tilespmem:$0x1CC00] =	vst v63  }
0x3c: {  	_ =	swait.ge [sflag:s26], $0x2000  }
0x3d: {  	[sflag:s26] =	ssyncset.done $0x0  }
0x3e: {  	s13 =	simm.s32 $0x2800;
	[sflag:s26] =	ssyncadd.s32 $0xFFFFE000  }
0x3f: {  	[spmem:s4] =	stream.indirect.scatter.add.f32 [tilespmem:s23], [sflag:$0x4], $0x40, s13, s22, $0xb8;
	[tilespmem:$0x1CC00] =	vst v63  }
0x40: {  	_ =	swait.ge [sflag:s16], $0x2000  }
0x41: {  	[sflag:s16] =	ssyncset.done $0x0  }
0x42: {  	s1 =	simm.s32 $0x100;
	[sflag:s16] =	ssyncadd.s32 $0xFFFFE000  }
0x43: {  	[tilespmem:s23], [sflag:$0x1] =	stream.indirect.gather [spmem:s3], $0x40, s1, s22, $0xb8;
	[tilespmem:$0x1CC00] =	vst v63  }
0x44: {  	_ =	swait.ge [sflag:s28], $0x2000  }
0x45: {  	[sflag:s28] =	ssyncset.done $0x0  }
0x46: {  	s13 =	simm.s32 $0x2880;
	[sflag:s28] =	ssyncadd.s32 $0xFFFFE000  }
0x47: {  	[spmem:s4] =	stream.indirect.scatter.add.f32 [tilespmem:s24], [sflag:$0x4], $0x40, s13, s22, $0xb8;
	[tilespmem:$0x1CC00] =	vst v63  }
0x48: {  	_ =	swait.ge [sflag:s16], $0x2000  }
0x49: {  	[sflag:s16] =	ssyncset.done $0x0  }
0x4a: {  	s0 =	simm.s32 $0x400;
	s1 =	simm.s32 $0x180;
	[sflag:s16] =	ssyncadd.s32 $0xFFFFE000  }
.LBB2_2:
0x4b: {  	[tilespmem:s24], [sflag:$0x2] =	stream.indirect.gather [spmem:s3], $0x40, s1, s22, $0xb8;
	[tilespmem:$0x1CC00] =	vst v63  }
0x4c: {  	s1 =	smov.u32 s0  }
0x4d: {  	p1 =	sne.s32 s0, $0x9800;
	s0 =	sadd.s32 $0x400, s0;
	_ =	swait.ge [sflag:s26], $0x2000  }
0x4e: {  	s1 =	sshra.s32 s1, $0x2;
	[sflag:s26] =	ssyncset.done $0x0  }
0x4f: {  	s13 =	sadd.s32 $0x2800, s1;
	[sflag:s26] =	ssyncadd.s32 $0xFFFFE000  }
0x50: {  	[spmem:s4] =	stream.indirect.scatter.add.f32 [tilespmem:s23], [sflag:$0x4], $0x40, s13, s22, $0xb8;
	[tilespmem:$0x1CC00] =	vst v63  }
0x51: {  	_ =	swait.ge [sflag:s16], $0x2000  }
0x52: {  	[sflag:s16] =	ssyncset.done $0x0  }
0x53: {  	s13 =	sadd.s32 $0x100, s1;
	[sflag:s16] =	ssyncadd.s32 $0xFFFFE000  }
0x54: {  	[tilespmem:s23], [sflag:$0x1] =	stream.indirect.gather [spmem:s3], $0x40, s13, s22, $0xb8;
	[tilespmem:$0x1CC00] =	vst v63  }
0x55: {  	_ =	swait.ge [sflag:s28], $0x2000  }
0x56: {  	[sflag:s28] =	ssyncset.done $0x0  }
.Ltmp0:
0x57: {  	s13 =	sadd.s32 $0x2880, s1;
	[sflag:s28] =	ssyncadd.s32 $0xFFFFE000;
	(pc) =	sbr.rel @p1 .LBB2_2-.Ltmp0, $4  }
0x58: {  	[spmem:s4] =	stream.indirect.scatter.add.f32 [tilespmem:s24], [sflag:$0x4], $0x40, s13, s22, $0xb8;
	[tilespmem:$0x1CC00] =	vst v63  }
0x59: {  	_ =	swait.ge [sflag:s16], $0x2000  }
0x5a: {  	[sflag:s16] =	ssyncset.done $0x0  }
0x5b: {  	s1 =	sadd.s32 $0x180, s1;
	[sflag:s16] =	ssyncadd.s32 $0xFFFFE000  }
0x5c: {  	[tilespmem:s24], [sflag:$0x2] =	stream.indirect.gather [spmem:s3], $0x40, s1, s22, $0xb8;
	[tilespmem:$0x1CC00] =	vst v63  }
0x5d: {  	_ =	swait.ge [sflag:s26], $0x2000  }
0x5e: {  	[sflag:s26] =	ssyncset.done $0x0  }
0x5f: {  	[sflag:s26] =	ssyncadd.s32 $0xFFFFE000  }
0x60: {  	[spmem:s4] =	stream.indirect.scatter.add.f32 [tilespmem:s23], [sflag:$0x4], $0x40, s29, s22, $0xb8;
	[tilespmem:$0x1CC00] =	vst v63  }
0x61: {  	_ =	swait.ge [sflag:s16], $0x2000  }
0x62: {  	[sflag:s16] =	ssyncset.done $0x0  }
0x63: {  	[sflag:s16] =	ssyncadd.s32 $0xFFFFE000  }
0x64: {  	_ =	swait.ge [sflag:s28], $0x2000  }
0x65: {  	[sflag:s28] =	ssyncset.done $0x0  }
0x66: {  	[sflag:s28] =	ssyncadd.s32 $0xFFFFE000  }
0x67: {  	[spmem:s4] =	stream.indirect.scatter.add.f32 [tilespmem:s24], [sflag:$0x4], $0x40, s30, s22, $0xb8;
	[tilespmem:$0x1CC00] =	vst v63  }
0x68: {  	_ =	swait.ge [sflag:s16], $0x2000  }
0x69: {  	s31 =	sadd.s32 $0x1, s31;
	[sflag:s16] =	ssyncset.done $0x0  }
0x6a: {  	p1 =	sne.s32 s31, s11;
	[sflag:s16] =	ssyncadd.s32 $0xFFFFE000  }
.Ltmp1:
0x6b: {  	[bflag:$0x0] =	sbarrier.arrive $0xFFFF;
	(pc) =	sbr.rel @p1 .LBB2_1-.Ltmp1, $4  }
0x6c: {  	[hbm:s10], [sflag:s14] =	dma.local [spmem:s25], $0x13C0  }
0x6d: {  	_ =	swait.ge [sflag:s16], $0x13C0  }
0x6e: {  	[sflag:s16] =	ssyncset.done $0x0  }
0x6f: {  	[sflag:s16] =	ssyncadd.s32 $0xFFFFEC40  }
0x70: {  	_ =	sfence.sel $0x180000  }
0x71: {  	[bflag:$0x0] =	sbarrier.arrive $0xFFFF  }
0x72: {  	_ =	strace $0x90000050  }
0x73: {  	s0 =	stileid.u32;
	[bflag:$0x2] =	sbarrier.arrive $0xFFFF  }
0x74: {  	p0 =	sne.s32 s0, $0x0;
	s0 =	rddreg [dreg:$0x4]  }
0x75: {  	s0 =	sadd.s32 @!p0 $0x100000, s0  }
0x76: {  	[sflag:s0] =	ssyncadd.tile.s32 @!p0 $0x1;
	_ =	shalt  }
.Lfunc_end2:
_tile_overlayer_lowered:
.L_overlay_start_2:
0x77: {  	(tag) =	ssettag $0x2  }
0x78: {  	s0 =	rddreg [dreg:$0x0];
	s2 =	stileid.u32  }
0x79: {  	s1 =	rddreg [dreg:$0x1];
	p0 =	sne.s32 s2, $0x0  }
0x7a: {  	s3 =	rddreg [dreg:$0x2];
	[bflag:$0x3] =	sbarrier.arrive $0xFFFF;
	s2 =	simm.s32 @!p0 $0x1C04  }
0x7b: {  	[timem:s3], [sflag:s2] =	dma.local @!p0 [hbm:s0], s1  }
0x7c: {  	s0 =	simm.s32 @!p0 $0x4  }
0x7d: {  	_ =	swait.ge @!p0 [sflag:s0], s1  }
0x7e: {  	s1 =	ssub.s32 @!p0 $0x0, s1;
	[sflag:s0] =	ssyncset.done @!p0 $0x0  }
0x7f: {  	[sflag:s0] =	ssyncadd.s32 @!p0 s1  }
0x80: {  	[bflag:$0x3] =	sbarrier.arrive $0xFFFF  }
0x81: {  	_ =	shalt  }

// kernel: kernel.37.cloned.1.call-start
scs
__scs_entry_jumppad:
0x0: {  	(pc) =	sbr.rel $0x88, $3  }
0x1: {  	(tag) =	ssettag $0x0;
	lr =	simm.s32 $0x1  }
0x2: {  	[smem:$0x3F98] =	sst lr;
	_ =	strace $0xD0000000  }
0x3: {  	_ = 	snop  }
0x4: {  	_ = 	snop  }
0x5: {  	_ = 	snop  }
0x6: {  	_ = 	snop  }
0x7: {  	_ = 	snop  }
__scs_overlays_trampoline_lowered:
0x8: {  	[smem:$0x3FA7] =	sst s0  }
0x9: {  	[smem:$0x3FA8] =	sst s1  }
0xa: {  	[smem:$0x3FA9] =	sst s2  }
0xb: {  	[smem:$0x3FAA] =	sst s3  }
0xc: {  	[smem:$0x3FAB] =	sst s4  }
0xd: {  	[smem:$0x3FAC] =	sst s5  }
0xe: {  	[smem:$0x3FAD] =	sst s6  }
0xf: {  	[smem:$0x3FAE] =	sst s7  }
0x10: {  	[smem:$0x3FAF] =	sst s8  }
0x11: {  	[smem:$0x3FB0] =	sst s9;
	s0 =	simm.s32 @!p0 $0x0  }
0x12: {  	s1 =	sld [smem:$0x3F96];
	s0 =	simm.s32 @p0 $0x1  }
0x13: {  	[smem:$0x3FB1] =	sst s0;
	s0 =	simm.s32 @!p1 $0x0  }
0x14: {  	s2 =	sld [smem:$0x3F95];
	s0 =	simm.s32 @p1 $0x1  }
0x15: {  	[smem:$0x3FB2] =	sst s0;
	s0 =	simm.s32 @!p2 $0x0  }
0x16: {  	s3 =	sld [smem:$0x3FDB];
	s0 =	simm.s32 @p2 $0x1  }
0x17: {  	s4 =	simm.s32 $0x1BF5;
	[smem:$0x3FB4] =	sst s0  }
0x18: {  	s0 =	sld [smem:$0x3F97];
	_ =	swait.ge [sflag:s4], $0x0  }
0x19: {  	s7 =	sld [smem:$0x3F98]  }
0x1a: {  	s8 =	sadd.s32 $0xFFFFE003, lr  }
0x1b: {  	s9 =	sadd.s32 $0xFFFFFEF7, lr;
	s5 =	simm.s32 $0xFFFFFFFF;
	p2 =	slt.u32 s8, $0xFFFFF086  }
0x1c: {  	p1 =	slt.u32 s9, $0xF7A;
	s5 =	simm.s32 @!p2 $0x0  }
0x1d: {  	s5 =	simm.s32 @p1 $0x1;
	p0 =	seq.s32 s7, s2  }
0x1e: {  	s7 =	smul.u32 @!p0 $0xF7A, s2;
	p2 =	seq.s32 @!p0 s5, $0x0  }
0x1f: {  	s9 =	smul.u32 $0xF7A, s1;
	s8 =	simm.s32 @!p0 $0x1BF5;
	p2 =	por !p2, p0  }
0x20: {  	[sflag:s8] =	ssyncset.s32 @!p0 $0xFFFFF086;
	s6 =	sadd.s32 @!p0 s3, s7;
	s7 =	simm.s32 @!p0 $0x108  }
0x21: {  	s3 =	sadd.s32 s3, s9;
	s6 =	sadd.s32 @!p0 $0x88, s6;
	s7 =	simm.s32 @p2 $0x1082  }
0x22: {  	[simem:s7], [sflag:s8] =	dma.local @!p0 [hbm:s6], $0xF7A  }
0x23: {  	s9 =	sor.u32 $0xD0000000, s2;
	s6 =	simm.s32 $0x108;
	_ =	swait.ge @!p0 [sflag:s8], $0x0  }
0x24: {  	s3 =	sadd.s32 $0x88, s3;
	s6 =	simm.s32 @!p1 $0x1082;
	[sflag:s4] =	ssyncset.s32 $0xFFFFF086  }
0x25: {  	[simem:s6], [sflag:s4] =	dma.local [hbm:s3], $0xF7A  }
0x26: {  	[smem:$0x3F98] =	sst s1;
	(tag) =	ssettag s2;
	_ =	strace s9  }
0x27: {  	s1 =	sld [smem:$0x3FA8]  }
0x28: {  	s2 =	sld [smem:$0x3FA9]  }
0x29: {  	s4 =	sld [smem:$0x3FAB]  }
0x2a: {  	p0 =	seq.s32 s5, $0x0;
	s5 =	sld [smem:$0x3FAC]  }
0x2b: {  	s6 =	sld [smem:$0x3FAD]  }
0x2c: {  	s7 =	sld [smem:$0x3FAE]  }
0x2d: {  	s3 =	simm.s32 $0x108;
	s8 =	sld [smem:$0x3FAF]  }
0x2e: {  	s3 =	simm.s32 @!p0 $0x1082;
	s9 =	sld [smem:$0x3FB0]  }
0x2f: {  	lr =	sadd.s32 s0, s3;
	s0 =	sld [smem:$0x3FA7]  }
0x30: {  	s3 =	sld [smem:$0x3FAA]  }
0x31: {  	[smem:$0x3FB3] =	sst s10  }
0x32: {  	s10 =	sld [smem:$0x3FB1];
	_ =	sdelay $0x3  }
0x33: {  	p0 =	seq.s32 s10, $0x1;
	s10 =	sld [smem:$0x3FB3];
	_ =	sdelay $0x3  }
0x34: {  	[smem:$0x3FB3] =	sst s10  }
0x35: {  	s10 =	sld [smem:$0x3FB2];
	_ =	sdelay $0x3  }
0x36: {  	p1 =	seq.s32 s10, $0x1;
	s10 =	sld [smem:$0x3FB3];
	_ =	sdelay $0x3  }
0x37: {  	[smem:$0x3FB3] =	sst s10  }
0x38: {  	s10 =	sld [smem:$0x3FB4]  }
0x39: {  	_ = 	snop;
	(pc) =	sbr.ind lr, $3  }
0x3a: {  	_ = 	snop  }
0x3b: {  	_ = 	snop  }
0x3c: {  	p2 =	seq.s32 s10, $0x1;
	s10 =	sld [smem:$0x3FB3]  }
0x3d: {  	_ =	shalt  }
0x3e: {  	_ =	shalt  }
0x3f: {  	_ =	shalt  }
0x40: {  	_ =	shalt  }
0x41: {  	_ =	shalt  }
0x42: {  	_ =	shalt  }
0x43: {  	_ =	shalt  }
0x44: {  	_ =	shalt  }
0x45: {  	_ =	shalt  }
0x46: {  	_ =	shalt  }
0x47: {  	_ =	shalt  }
0x48: {  	_ =	shalt  }
0x49: {  	_ =	shalt  }
0x4a: {  	_ =	shalt  }
0x4b: {  	_ =	shalt  }
0x4c: {  	_ =	shalt  }
0x4d: {  	_ =	shalt  }
0x4e: {  	_ =	shalt  }
0x4f: {  	_ =	shalt  }
0x50: {  	_ =	shalt  }
0x51: {  	_ =	shalt  }
0x52: {  	_ =	shalt  }
0x53: {  	_ =	shalt  }
0x54: {  	_ =	shalt  }
0x55: {  	_ =	shalt  }
0x56: {  	_ =	shalt  }
0x57: {  	_ =	shalt  }
0x58: {  	_ =	shalt  }
0x59: {  	_ =	shalt  }
0x5a: {  	_ =	shalt  }
0x5b: {  	_ =	shalt  }
0x5c: {  	_ =	shalt  }
0x5d: {  	_ =	shalt  }
0x5e: {  	_ =	shalt  }
0x5f: {  	_ =	shalt  }
0x60: {  	_ =	shalt  }
0x61: {  	_ =	shalt  }
0x62: {  	_ =	shalt  }
0x63: {  	_ =	shalt  }
0x64: {  	_ =	shalt  }
0x65: {  	_ =	shalt  }
0x66: {  	_ =	shalt  }
0x67: {  	_ =	shalt  }
0x68: {  	_ =	shalt  }
0x69: {  	_ =	shalt  }
0x6a: {  	_ =	shalt  }
0x6b: {  	_ =	shalt  }
0x6c: {  	_ =	shalt  }
0x6d: {  	_ =	shalt  }
0x6e: {  	_ =	shalt  }
0x6f: {  	_ =	shalt  }
0x70: {  	_ =	shalt  }
0x71: {  	_ =	shalt  }
0x72: {  	_ =	shalt  }
0x73: {  	_ =	shalt  }
0x74: {  	_ =	shalt  }
0x75: {  	_ =	shalt  }
0x76: {  	_ =	shalt  }
0x77: {  	_ =	shalt  }
0x78: {  	_ =	shalt  }
0x79: {  	_ =	shalt  }
0x7a: {  	_ =	shalt  }
0x7b: {  	_ =	shalt  }
0x7c: {  	_ =	shalt  }
0x7d: {  	_ =	shalt  }
0x7e: {  	_ =	shalt  }
0x7f: {  	_ =	shalt  }
0x80: {  	_ =	shalt  }
0x81: {  	_ =	shalt  }
0x82: {  	_ =	shalt  }
0x83: {  	_ =	shalt  }
0x84: {  	_ =	shalt  }
0x85: {  	_ =	shalt  }
0x86: {  	_ =	shalt  }
0x87: {  	_ =	shalt  }
.Lfunc_end0:
.L_simem_size_0:
called_computation.4_lowered:
.L_overlay_start_0:
0x88: {  	s2 =	sld [smem:$0x3FD9]  }
0x89: {  	s3 =	sld [smem:$0x3FFE];
	_ =	sdelay $0x1  }
0x8a: {  	s1 =	srdreg.scid  }
0x8b: {  	s0 =	sand.u32 $0x1, s1  }
0x8c: {  	s17 =	sshll.u32 s0, $0xA;
	s2 =	sadd.s32 s3, s2  }
0x8d: {  	s2 =	sadd.s32 s2, s17  }
0x8e: {  	[smem:$0x3FBF] =	sst s2  }
0x8f: {  	_ = 	snop  }
0x90: {  	s2 =	sld [smem:$0x3FD0];
	(tm) =	ssettm $0x1  }
0x91: {  	s18 =	sld [smem:$0x3FFB];
	_ =	sdelay $0x3  }
0x92: {  	_ =	strace s18  }
0x93: {  	s3 =	sld [smem:$0x3FFC];
	_ =	sdelay $0x3  }
0x94: {  	_ =	strace s3  }
0x95: {  	s3 =	sld [smem:$0x3FFD];
	_ =	sdelay $0x3  }
0x96: {  	_ =	strace s3  }
0x97: {  	_ =	strace $0x8FFFFFFF  }
0x98: {  	s19 =	sld [smem:$0x3FDB];
	_ =	sdelay $0x1  }
0x99: {  	s4 =	simm.s32 $_scs_section_size  }
0x9a: {  	s5 =	simm.s32 $_size__tile_overlayer_lowered;
	s6 =	simm.s32 $_tile_overlayer_lowered  }
0x9b: {  	s22 =	simm.s32 $0x1BFF;
	s21 =	sshll.u32 s6, $0x1;
	s3 =	sadd.s32 s4, s19  }
0x9c: {  	s7 =	simm.s32 $0x0;
	s20 =	sshll.u32 s5, $0x1;
	s5 =	sadd.s32 s21, s3  }
0x9d: {  	[timem:s7], [sflag:s22] =	dma.local [hbm:s5], s20  }
0x9e: {  	_ =	swait.ge [sflag:s22], s20  }
0x9f: {  	s4 =	ssub.s32 $0x0, s20;
	[sflag:s22] =	ssyncset.done $0x0  }
0xa0: {  	[sflag:s22] =	ssyncadd.s32 s4;
	_ =	sdelay $0x1  }
0xa1: {  	s23 =	simm.s32 $0x1B8B  }
0xa2: {  	_ =	swait.ge [sflag:s23], $0x1  }
0xa3: {  	[sflag:s23] =	ssyncset.done $0x0  }
0xa4: {  	s25 =	simm.s32 $0x1B8E;
	s24 =	sld [smem:$0x3FFE];
	[sflag:s23] =	ssyncadd.s32 $0xFFFFFFFF  }
0xa5: {  	s26 =	simm.s32 $execute0_lowered;
	[smem:$0x3FD2] =	sst s25  }
0xa6: {  	s5 =	sshll.u32 s26, $0x1;
	_ =	strace $0x80000052;
	[dreg:$0x1] =	wrdreg $0xFFFFFFFF  }
0xa7: {  	s28 =	simm.s32 $_size_execute0_lowered;
	s3 =	sadd.s32 s3, s5;
	[dreg:$0x0] =	wrdreg $0x0  }
0xa8: {  	s5 =	sshll.u32 s28, $0x1;
	[dreg:$0x2] =	wrdreg s3  }
0xa9: {  	[dreg:$0x3] =	wrdreg s5  }
0xaa: {  	[dreg:$0x4] =	wrdreg $0xC0  }
0xab: {  	_ =	task [dreg:s7], $0x5FFFF  }
0xac: {  	[dreg:$0x1] =	wrdreg $0xFFFFFFFF  }
0xad: {  	[dreg:$0x0] =	wrdreg $0x60  }
0xae: {  	[dreg:$0x2] =	wrdreg s24  }
0xaf: {  	[dreg:$0x3] =	wrdreg s2  }
0xb0: {  	[dreg:$0x4] =	wrdreg $0xEE000  }
0xb1: {  	[dreg:$0x5] =	wrdreg $0x50000  }
0xb2: {  	[dreg:$0x6] =	wrdreg $0x9  }
0xb3: {  	_ =	task.clear_ibuf [dreg:s7], $0x7FFFF;
	_ =	strace $0x90000052  }
0xb4: {  	s29 =	simm.s32 $0x9;
	_ =	strace $0x80000054  }
0xb5: {  	_ =	swait.ge [sflag:s29], $0x1  }
0xb6: {  	[sflag:s29] =	ssyncadd.s32 $0xFFFFFFFF  }
0xb7: {  	_ =	strace $0x90000054  }
0xb8: {  	_ =	sfence  }
0xb9: {  	s30 =	sld [smem:$0x0];
	_ =	sdelay $0x2  }
0xba: {  	s31 =	sshll.u32 s1, $0xD;
	s1 =	sshrl.u32 s1, $0x2  }
0xbb: {  	s3 =	sand.u32 $0x4000, s31;
	s1 =	sadd.s32 s1, s30  }
0xbc: {  	s0 =	sor.u32 s3, s0;
	s1 =	sshll.u32 s1, $0x11  }
0xbd: {  	s0 =	sor.u32 s1, s0  }
0xbe: {  	s0 =	sadd.s32 $0x8F2B, s0  }
0xbf: {  	[sflag:s0] =	ssyncadd.remote.s32 $0x1  }
0xc0: {  	_ =	sfence.sel $0xFFFF  }
0xc1: {  	[dreg:$0x0] =	wrdreg $0xFFFFFFFF;
	(pc) =	sbr.abs _section_cstart, $3  }
0xc2: {  	[dreg:$0x1] =	wrdreg $0xFFFFFFFF  }
0xc3: {  	_ =	task.clear_ibuf [dreg:s7], $0x2FFFF;
	_ =	strace $0x9FFFFFFF  }
0xc4: {  	(tm) =	ssettm $0x7FFFFFFF  }
0xc5: {  	_ =	shalt  }
tec
execute0_lowered:
.L_overlay_start_1:
0x0: {  	(tag) =	ssettag $0x1  }
0x1: {  	s0 =	rddreg [dreg:$0x0]  }
0x2: {  	s2 =	rddreg [dreg:$0x1]  }
0x3: {  	s3 =	rddreg [dreg:$0x2]  }
0x4: {  	s4 =	rddreg [dreg:$0x3]  }
0x5: {  	s13 =	stileid.u32;
	s1 =	srdreg.scid;
	s5 =	simm.s32 $0x0  }
0x6: {  	s16 =	simm.s32 $0x4;
	s21 =	simm.s32 $0x3;
	s22 =	simm.s32 $0x80  }
0x7: {  	s28 =	simm.s32 $0x2;
	s29 =	simm.s32 $0x4F00;
	s30 =	simm.s32 $0x4F80  }
0x8: {  	s31 =	simm.s32 $0x0;
	s11 =	smul.u32 $0x9E00, s13;
	s1 =	sand.u32 $0x1, s1  }
0x9: {  	[smem:$0x7FF] =	sst s5;
	s6 =	sshll.u32 s13, $0x1;
	s14 =	sshll.u32 s13, $0x6  }
0xa: {  	s24 =	sshll.u32 s13, $0xD;
	p0 =	seq.s32 s13, $0xF;
	s7 =	smul.u32 $0x9E000, s1  }
0xb: {  	_ =	strace $0x80000053;
	s6 =	sor.u32 s1, s6;
	s1 =	ssub.s32 $0x2, s1  }
0xc: {  	s8 =	sshrl.u32 s11, $0x3;
	s6 =	smul.u32 $0x500, s6;
	s23 =	sshrl.u32 s1, $0x1  }
0xd: {  	s12 =	sadd.s32 s11, s3;
	s25 =	sadd.s32 s11, s4;
	s7 =	sadd.s32 s11, s7  }
0xe: {  	s8 =	sadd.s32 s8, s0;
	s1 =	ssub.s32 s1, s23;
	s12 =	sshrl.u32 s12, $0x3  }
0xf: {  	s23 =	simm.s32 $0x18C00;
	s25 =	sshrl.u32 s25, $0x3;
	s7 =	sshrl.u32 s7, $0x3  }
0x10: {  	s9 =	sadd.s32 s6, s0;
	s6 =	sadd.s32 $0x27600, s8;
	s11 =	smax.u32 s1, $0x1  }
0x11: {  	s0 =	sadd.s32 s7, s0;
	s7 =	sor.u32 $0x1C03, s14;
	s8 =	sadd.s32 $0x1D600, s9  }
0x12: {  	s9 =	sadd.s32 $0x4800, s9;
	s10 =	sadd.s32 $0x3B200, s0;
	s0 =	sadd.s32 s24, s4  }
0x13: {  	s14 =	sor.u32 $0x1C04, s14;
	s24 =	simm.s32 $0x1AC00;
	s26 =	sadd.s32 $0x20000, s0  }
0x14: {  	s18 =	sadd.s32 $0x40000, s0;
	s19 =	sadd.s32 $0x60000, s0;
	s20 =	sadd.s32 $0x80000, s0  }
0x15: {  	s15 =	sshrl.u32 s0, $0x3;
	s17 =	sshrl.u32 s26, $0x3;
	s18 =	sshrl.u32 s18, $0x3  }
0x16: {  	s19 =	sshrl.u32 s19, $0x3;
	s20 =	sshrl.u32 @!p0 s20, $0x3;
	s26 =	simm.s32 $0x1  }
.LBB2_1:
0x17: {  	[spmem:s12], [sflag:s7] =	dma.local [hbm:s6], $0x13C0  }
0x18: {  	[tilespmem:s5], [sflag:$0x3] =	stream.linear.gather [hbm4b:s8+s5], $0x2800, $0x38;
	[tilespmem:$0x1CC00] =	vst v63  }
0x19: {  	s0 =	simm.s32 $0x2800  }
0x1a: {  	[tilespmem:s0], [sflag:$0x3] =	stream.linear.gather [hbm4b:s9+s5], $0x2800, $0x38;
	[tilespmem:$0x1CC00] =	vst v63  }
0x1b: {  	[spmem:s15], [sflag:s14] =	dma.local [hbm:s2], $0x400  }
0x1c: {  	_ =	swait.ge [sflag:s16], $0x400  }
0x1d: {  	[sflag:s16] =	ssyncset.done $0x0  }
0x1e: {  	[sflag:s16] =	ssyncadd.s32 $0xFFFFFC00  }
0x1f: {  	[spmem:s17], [sflag:s14] =	dma.local [hbm:s2], $0x400  }
0x20: {  	_ =	swait.ge [sflag:s16], $0x400  }
0x21: {  	[sflag:s16] =	ssyncset.done $0x0  }
0x22: {  	[sflag:s16] =	ssyncadd.s32 $0xFFFFFC00  }
0x23: {  	[spmem:s18], [sflag:s14] =	dma.local [hbm:s2], $0x400  }
0x24: {  	_ =	swait.ge [sflag:s16], $0x400  }
0x25: {  	[sflag:s16] =	ssyncset.done $0x0  }
0x26: {  	[sflag:s16] =	ssyncadd.s32 $0xFFFFFC00  }
0x27: {  	[spmem:s19], [sflag:s14] =	dma.local [hbm:s2], $0x400  }
0x28: {  	_ =	swait.ge [sflag:s16], $0x400  }
0x29: {  	[sflag:s16] =	ssyncset.done $0x0  }
0x2a: {  	s0 =	simm.s32 @!p0 $0x4;
	[sflag:s16] =	ssyncadd.s32 $0xFFFFFC00  }
0x2b: {  	[spmem:s20], [sflag:s14] =	dma.local @!p0 [hbm:s2], $0x400  }
0x2c: {  	_ =	swait.ge @!p0 [sflag:s0], $0x400  }
0x2d: {  	[sflag:s0] =	ssyncset.done @!p0 $0x0  }
0x2e: {  	[sflag:s0] =	ssyncadd.s32 @!p0 $0xFFFFFC00  }
0x2f: {  	_ =	swait.ge [sflag:s21], $0x13C0  }
0x30: {  	[sflag:s21] =	ssyncset.done $0x0  }
0x31: {  	[sflag:s21] =	ssyncadd.s32 $0xFFFFEC40  }
0x32: {  	_ =	swait.ge [sflag:s21], $0x2800  }
0x33: {  	[sflag:s21] =	ssyncset.done $0x0  }
0x34: {  	[sflag:s21] =	ssyncadd.s32 $0xFFFFD800  }
0x35: {  	_ =	swait.ge [sflag:s21], $0x2800  }
0x36: {  	[sflag:s21] =	ssyncset.done $0x0  }
0x37: {  	[sflag:s21] =	ssyncadd.s32 $0xFFFFD800  }
0x38: {  	[bflag:$0x0] =	sbarrier.arrive $0xFFFF  }
0x39: {  	[tilespmem:s23], [sflag:$0x1] =	stream.indirect.gather [spmem:s3], $0x40, s5, s22, $0xb8;
	[tilespmem:$0x1CC00] =	vst v63  }
0x3a: {  	_ = 	snop  }
0x3b: {  	[tilespmem:s24], [sflag:$0x2] =	stream.indirect.gather [spmem:s3], $0x40, s22, s22, $0xb8;
	[tilespmem:$0x1CC00] =	vst v63  }
0x3c: {  	_ =	swait.ge [sflag:s26], $0x2000  }
0x3d: {  	[sflag:s26] =	ssyncset.done $0x0  }
0x3e: {  	s13 =	simm.s32 $0x2800;
	[sflag:s26] =	ssyncadd.s32 $0xFFFFE000  }
0x3f: {  	[spmem:s4] =	stream.indirect.scatter.add.f32 [tilespmem:s23], [sflag:$0x4], $0x40, s13, s22, $0xb8;
	[tilespmem:$0x1CC00] =	vst v63  }
0x40: {  	_ =	swait.ge [sflag:s16], $0x2000  }
0x41: {  	[sflag:s16] =	ssyncset.done $0x0  }
0x42: {  	s1 =	simm.s32 $0x100;
	[sflag:s16] =	ssyncadd.s32 $0xFFFFE000  }
0x43: {  	[tilespmem:s23], [sflag:$0x1] =	stream.indirect.gather [spmem:s3], $0x40, s1, s22, $0xb8;
	[tilespmem:$0x1CC00] =	vst v63  }
0x44: {  	_ =	swait.ge [sflag:s28], $0x2000  }
0x45: {  	[sflag:s28] =	ssyncset.done $0x0  }
0x46: {  	s13 =	simm.s32 $0x2880;
	[sflag:s28] =	ssyncadd.s32 $0xFFFFE000  }
0x47: {  	[spmem:s4] =	stream.indirect.scatter.add.f32 [tilespmem:s24], [sflag:$0x4], $0x40, s13, s22, $0xb8;
	[tilespmem:$0x1CC00] =	vst v63  }
0x48: {  	_ =	swait.ge [sflag:s16], $0x2000  }
0x49: {  	[sflag:s16] =	ssyncset.done $0x0  }
0x4a: {  	s0 =	simm.s32 $0x400;
	s1 =	simm.s32 $0x180;
	[sflag:s16] =	ssyncadd.s32 $0xFFFFE000  }
.LBB2_2:
0x4b: {  	[tilespmem:s24], [sflag:$0x2] =	stream.indirect.gather [spmem:s3], $0x40, s1, s22, $0xb8;
	[tilespmem:$0x1CC00] =	vst v63  }
0x4c: {  	s1 =	smov.u32 s0  }
0x4d: {  	p1 =	sne.s32 s0, $0x9800;
	s0 =	sadd.s32 $0x400, s0;
	_ =	swait.ge [sflag:s26], $0x2000  }
0x4e: {  	s1 =	sshra.s32 s1, $0x2;
	[sflag:s26] =	ssyncset.done $0x0  }
0x4f: {  	s13 =	sadd.s32 $0x2800, s1;
	[sflag:s26] =	ssyncadd.s32 $0xFFFFE000  }
0x50: {  	[spmem:s4] =	stream.indirect.scatter.add.f32 [tilespmem:s23], [sflag:$0x4], $0x40, s13, s22, $0xb8;
	[tilespmem:$0x1CC00] =	vst v63  }
0x51: {  	_ =	swait.ge [sflag:s16], $0x2000  }
0x52: {  	[sflag:s16] =	ssyncset.done $0x0  }
0x53: {  	s13 =	sadd.s32 $0x100, s1;
	[sflag:s16] =	ssyncadd.s32 $0xFFFFE000  }
0x54: {  	[tilespmem:s23], [sflag:$0x1] =	stream.indirect.gather [spmem:s3], $0x40, s13, s22, $0xb8;
	[tilespmem:$0x1CC00] =	vst v63  }
0x55: {  	_ =	swait.ge [sflag:s28], $0x2000  }
0x56: {  	[sflag:s28] =	ssyncset.done $0x0  }
.Ltmp0:
0x57: {  	s13 =	sadd.s32 $0x2880, s1;
	[sflag:s28] =	ssyncadd.s32 $0xFFFFE000;
	(pc) =	sbr.rel @p1 .LBB2_2-.Ltmp0, $4  }
0x58: {  	[spmem:s4] =	stream.indirect.scatter.add.f32 [tilespmem:s24], [sflag:$0x4], $0x40, s13, s22, $0xb8;
	[tilespmem:$0x1CC00] =	vst v63  }
0x59: {  	_ =	swait.ge [sflag:s16], $0x2000  }
0x5a: {  	[sflag:s16] =	ssyncset.done $0x0  }
0x5b: {  	s1 =	sadd.s32 $0x180, s1;
	[sflag:s16] =	ssyncadd.s32 $0xFFFFE000  }
0x5c: {  	[tilespmem:s24], [sflag:$0x2] =	stream.indirect.gather [spmem:s3], $0x40, s1, s22, $0xb8;
	[tilespmem:$0x1CC00] =	vst v63  }
0x5d: {  	_ =	swait.ge [sflag:s26], $0x2000  }
0x5e: {  	[sflag:s26] =	ssyncset.done $0x0  }
0x5f: {  	[sflag:s26] =	ssyncadd.s32 $0xFFFFE000  }
0x60: {  	[spmem:s4] =	stream.indirect.scatter.add.f32 [tilespmem:s23], [sflag:$0x4], $0x40, s29, s22, $0xb8;
	[tilespmem:$0x1CC00] =	vst v63  }
0x61: {  	_ =	swait.ge [sflag:s16], $0x2000  }
0x62: {  	[sflag:s16] =	ssyncset.done $0x0  }
0x63: {  	[sflag:s16] =	ssyncadd.s32 $0xFFFFE000  }
0x64: {  	_ =	swait.ge [sflag:s28], $0x2000  }
0x65: {  	[sflag:s28] =	ssyncset.done $0x0  }
0x66: {  	[sflag:s28] =	ssyncadd.s32 $0xFFFFE000  }
0x67: {  	[spmem:s4] =	stream.indirect.scatter.add.f32 [tilespmem:s24], [sflag:$0x4], $0x40, s30, s22, $0xb8;
	[tilespmem:$0x1CC00] =	vst v63  }
0x68: {  	_ =	swait.ge [sflag:s16], $0x2000  }
0x69: {  	s31 =	sadd.s32 $0x1, s31;
	[sflag:s16] =	ssyncset.done $0x0  }
0x6a: {  	p1 =	sne.s32 s31, s11;
	[sflag:s16] =	ssyncadd.s32 $0xFFFFE000  }
.Ltmp1:
0x6b: {  	[bflag:$0x0] =	sbarrier.arrive $0xFFFF;
	(pc) =	sbr.rel @p1 .LBB2_1-.Ltmp1, $4  }
0x6c: {  	[hbm:s10], [sflag:s14] =	dma.local [spmem:s25], $0x13C0  }
0x6d: {  	_ =	swait.ge [sflag:s16], $0x13C0  }
0x6e: {  	[sflag:s16] =	ssyncset.done $0x0  }
0x6f: {  	[sflag:s16] =	ssyncadd.s32 $0xFFFFEC40  }
0x70: {  	_ =	sfence.sel $0x180000  }
0x71: {  	[bflag:$0x0] =	sbarrier.arrive $0xFFFF  }
0x72: {  	_ =	strace $0x90000053  }
0x73: {  	s0 =	stileid.u32;
	[bflag:$0x2] =	sbarrier.arrive $0xFFFF  }
0x74: {  	p0 =	sne.s32 s0, $0x0;
	s0 =	rddreg [dreg:$0x4]  }
0x75: {  	s0 =	sadd.s32 @!p0 $0x100000, s0  }
0x76: {  	[sflag:s0] =	ssyncadd.tile.s32 @!p0 $0x1;
	_ =	shalt  }
.Lfunc_end2:
_tile_overlayer_lowered:
.L_overlay_start_2:
0x77: {  	(tag) =	ssettag $0x2  }
0x78: {  	s0 =	rddreg [dreg:$0x0];
	s2 =	stileid.u32  }
0x79: {  	s1 =	rddreg [dreg:$0x1];
	p0 =	sne.s32 s2, $0x0  }
0x7a: {  	s3 =	rddreg [dreg:$0x2];
	[bflag:$0x3] =	sbarrier.arrive $0xFFFF;
	s2 =	simm.s32 @!p0 $0x1C04  }
0x7b: {  	[timem:s3], [sflag:s2] =	dma.local @!p0 [hbm:s0], s1  }
0x7c: {  	s0 =	simm.s32 @!p0 $0x4  }
0x7d: {  	_ =	swait.ge @!p0 [sflag:s0], s1  }
0x7e: {  	s1 =	ssub.s32 @!p0 $0x0, s1;
	[sflag:s0] =	ssyncset.done @!p0 $0x0  }
0x7f: {  	[sflag:s0] =	ssyncadd.s32 @!p0 s1  }
0x80: {  	[bflag:$0x3] =	sbarrier.arrive $0xFFFF  }
0x81: {  	_ =	shalt  }

// kernel: kernel.40.cloned.1.call-start
scs
__scs_entry_jumppad:
0x0: {  	(pc) =	sbr.rel $0x88, $3  }
0x1: {  	(tag) =	ssettag $0x0;
	lr =	simm.s32 $0x1  }
0x2: {  	[smem:$0x3F98] =	sst lr;
	_ =	strace $0xD0000000  }
0x3: {  	_ = 	snop  }
0x4: {  	_ = 	snop  }
0x5: {  	_ = 	snop  }
0x6: {  	_ = 	snop  }
0x7: {  	_ = 	snop  }
__scs_overlays_trampoline_lowered:
0x8: {  	[smem:$0x3FA7] =	sst s0  }
0x9: {  	[smem:$0x3FA8] =	sst s1  }
0xa: {  	[smem:$0x3FA9] =	sst s2  }
0xb: {  	[smem:$0x3FAA] =	sst s3  }
0xc: {  	[smem:$0x3FAB] =	sst s4  }
0xd: {  	[smem:$0x3FAC] =	sst s5  }
0xe: {  	[smem:$0x3FAD] =	sst s6  }
0xf: {  	[smem:$0x3FAE] =	sst s7  }
0x10: {  	[smem:$0x3FAF] =	sst s8  }
0x11: {  	[smem:$0x3FB0] =	sst s9;
	s0 =	simm.s32 @!p0 $0x0  }
0x12: {  	s1 =	sld [smem:$0x3F96];
	s0 =	simm.s32 @p0 $0x1  }
0x13: {  	[smem:$0x3FB1] =	sst s0;
	s0 =	simm.s32 @!p1 $0x0  }
0x14: {  	s2 =	sld [smem:$0x3F95];
	s0 =	simm.s32 @p1 $0x1  }
0x15: {  	[smem:$0x3FB2] =	sst s0;
	s0 =	simm.s32 @!p2 $0x0  }
0x16: {  	s3 =	sld [smem:$0x3FDB];
	s0 =	simm.s32 @p2 $0x1  }
0x17: {  	s4 =	simm.s32 $0x1BF5;
	[smem:$0x3FB4] =	sst s0  }
0x18: {  	s0 =	sld [smem:$0x3F97];
	_ =	swait.ge [sflag:s4], $0x0  }
0x19: {  	s7 =	sld [smem:$0x3F98]  }
0x1a: {  	s8 =	sadd.s32 $0xFFFFE003, lr  }
0x1b: {  	s9 =	sadd.s32 $0xFFFFFEF7, lr;
	s5 =	simm.s32 $0xFFFFFFFF;
	p2 =	slt.u32 s8, $0xFFFFF086  }
0x1c: {  	p1 =	slt.u32 s9, $0xF7A;
	s5 =	simm.s32 @!p2 $0x0  }
0x1d: {  	s5 =	simm.s32 @p1 $0x1;
	p0 =	seq.s32 s7, s2  }
0x1e: {  	s7 =	smul.u32 @!p0 $0xF7A, s2;
	p2 =	seq.s32 @!p0 s5, $0x0  }
0x1f: {  	s9 =	smul.u32 $0xF7A, s1;
	s8 =	simm.s32 @!p0 $0x1BF5;
	p2 =	por !p2, p0  }
0x20: {  	[sflag:s8] =	ssyncset.s32 @!p0 $0xFFFFF086;
	s6 =	sadd.s32 @!p0 s3, s7;
	s7 =	simm.s32 @!p0 $0x108  }
0x21: {  	s3 =	sadd.s32 s3, s9;
	s6 =	sadd.s32 @!p0 $0x88, s6;
	s7 =	simm.s32 @p2 $0x1082  }
0x22: {  	[simem:s7], [sflag:s8] =	dma.local @!p0 [hbm:s6], $0xF7A  }
0x23: {  	s9 =	sor.u32 $0xD0000000, s2;
	s6 =	simm.s32 $0x108;
	_ =	swait.ge @!p0 [sflag:s8], $0x0  }
0x24: {  	s3 =	sadd.s32 $0x88, s3;
	s6 =	simm.s32 @!p1 $0x1082;
	[sflag:s4] =	ssyncset.s32 $0xFFFFF086  }
0x25: {  	[simem:s6], [sflag:s4] =	dma.local [hbm:s3], $0xF7A  }
0x26: {  	[smem:$0x3F98] =	sst s1;
	(tag) =	ssettag s2;
	_ =	strace s9  }
0x27: {  	s1 =	sld [smem:$0x3FA8]  }
0x28: {  	s2 =	sld [smem:$0x3FA9]  }
0x29: {  	s4 =	sld [smem:$0x3FAB]  }
0x2a: {  	p0 =	seq.s32 s5, $0x0;
	s5 =	sld [smem:$0x3FAC]  }
0x2b: {  	s6 =	sld [smem:$0x3FAD]  }
0x2c: {  	s7 =	sld [smem:$0x3FAE]  }
0x2d: {  	s3 =	simm.s32 $0x108;
	s8 =	sld [smem:$0x3FAF]  }
0x2e: {  	s3 =	simm.s32 @!p0 $0x1082;
	s9 =	sld [smem:$0x3FB0]  }
0x2f: {  	lr =	sadd.s32 s0, s3;
	s0 =	sld [smem:$0x3FA7]  }
0x30: {  	s3 =	sld [smem:$0x3FAA]  }
0x31: {  	[smem:$0x3FB3] =	sst s10  }
0x32: {  	s10 =	sld [smem:$0x3FB1];
	_ =	sdelay $0x3  }
0x33: {  	p0 =	seq.s32 s10, $0x1;
	s10 =	sld [smem:$0x3FB3];
	_ =	sdelay $0x3  }
0x34: {  	[smem:$0x3FB3] =	sst s10  }
0x35: {  	s10 =	sld [smem:$0x3FB2];
	_ =	sdelay $0x3  }
0x36: {  	p1 =	seq.s32 s10, $0x1;
	s10 =	sld [smem:$0x3FB3];
	_ =	sdelay $0x3  }
0x37: {  	[smem:$0x3FB3] =	sst s10  }
0x38: {  	s10 =	sld [smem:$0x3FB4]  }
0x39: {  	_ = 	snop;
	(pc) =	sbr.ind lr, $3  }
0x3a: {  	_ = 	snop  }
0x3b: {  	_ = 	snop  }
0x3c: {  	p2 =	seq.s32 s10, $0x1;
	s10 =	sld [smem:$0x3FB3]  }
0x3d: {  	_ =	shalt  }
0x3e: {  	_ =	shalt  }
0x3f: {  	_ =	shalt  }
0x40: {  	_ =	shalt  }
0x41: {  	_ =	shalt  }
0x42: {  	_ =	shalt  }
0x43: {  	_ =	shalt  }
0x44: {  	_ =	shalt  }
0x45: {  	_ =	shalt  }
0x46: {  	_ =	shalt  }
0x47: {  	_ =	shalt  }
0x48: {  	_ =	shalt  }
0x49: {  	_ =	shalt  }
0x4a: {  	_ =	shalt  }
0x4b: {  	_ =	shalt  }
0x4c: {  	_ =	shalt  }
0x4d: {  	_ =	shalt  }
0x4e: {  	_ =	shalt  }
0x4f: {  	_ =	shalt  }
0x50: {  	_ =	shalt  }
0x51: {  	_ =	shalt  }
0x52: {  	_ =	shalt  }
0x53: {  	_ =	shalt  }
0x54: {  	_ =	shalt  }
0x55: {  	_ =	shalt  }
0x56: {  	_ =	shalt  }
0x57: {  	_ =	shalt  }
0x58: {  	_ =	shalt  }
0x59: {  	_ =	shalt  }
0x5a: {  	_ =	shalt  }
0x5b: {  	_ =	shalt  }
0x5c: {  	_ =	shalt  }
0x5d: {  	_ =	shalt  }
0x5e: {  	_ =	shalt  }
0x5f: {  	_ =	shalt  }
0x60: {  	_ =	shalt  }
0x61: {  	_ =	shalt  }
0x62: {  	_ =	shalt  }
0x63: {  	_ =	shalt  }
0x64: {  	_ =	shalt  }
0x65: {  	_ =	shalt  }
0x66: {  	_ =	shalt  }
0x67: {  	_ =	shalt  }
0x68: {  	_ =	shalt  }
0x69: {  	_ =	shalt  }
0x6a: {  	_ =	shalt  }
0x6b: {  	_ =	shalt  }
0x6c: {  	_ =	shalt  }
0x6d: {  	_ =	shalt  }
0x6e: {  	_ =	shalt  }
0x6f: {  	_ =	shalt  }
0x70: {  	_ =	shalt  }
0x71: {  	_ =	shalt  }
0x72: {  	_ =	shalt  }
0x73: {  	_ =	shalt  }
0x74: {  	_ =	shalt  }
0x75: {  	_ =	shalt  }
0x76: {  	_ =	shalt  }
0x77: {  	_ =	shalt  }
0x78: {  	_ =	shalt  }
0x79: {  	_ =	shalt  }
0x7a: {  	_ =	shalt  }
0x7b: {  	_ =	shalt  }
0x7c: {  	_ =	shalt  }
0x7d: {  	_ =	shalt  }
0x7e: {  	_ =	shalt  }
0x7f: {  	_ =	shalt  }
0x80: {  	_ =	shalt  }
0x81: {  	_ =	shalt  }
0x82: {  	_ =	shalt  }
0x83: {  	_ =	shalt  }
0x84: {  	_ =	shalt  }
0x85: {  	_ =	shalt  }
0x86: {  	_ =	shalt  }
0x87: {  	_ =	shalt  }
.Lfunc_end0:
.L_simem_size_0:
called_computation.5_lowered:
.L_overlay_start_0:
0x88: {  	s2 =	sld [smem:$0x3FD9]  }
0x89: {  	s3 =	sld [smem:$0x3FFE];
	_ =	sdelay $0x1  }
0x8a: {  	s1 =	srdreg.scid  }
0x8b: {  	s0 =	sand.u32 $0x1, s1  }
0x8c: {  	s17 =	sshll.u32 s0, $0xA;
	s2 =	sadd.s32 s3, s2  }
0x8d: {  	s2 =	sadd.s32 s2, s17  }
0x8e: {  	[smem:$0x3FBF] =	sst s2  }
0x8f: {  	_ = 	snop  }
0x90: {  	s2 =	sld [smem:$0x3FD0];
	(tm) =	ssettm $0x1  }
0x91: {  	s18 =	sld [smem:$0x3FFB];
	_ =	sdelay $0x3  }
0x92: {  	_ =	strace s18  }
0x93: {  	s3 =	sld [smem:$0x3FFC];
	_ =	sdelay $0x3  }
0x94: {  	_ =	strace s3  }
0x95: {  	s3 =	sld [smem:$0x3FFD];
	_ =	sdelay $0x3  }
0x96: {  	_ =	strace s3  }
0x97: {  	_ =	strace $0x8FFFFFFF  }
0x98: {  	s19 =	sld [smem:$0x3FDB];
	_ =	sdelay $0x1  }
0x99: {  	s4 =	simm.s32 $_scs_section_size  }
0x9a: {  	s5 =	simm.s32 $_size__tile_overlayer_lowered;
	s6 =	simm.s32 $_tile_overlayer_lowered  }
0x9b: {  	s22 =	simm.s32 $0x1BFF;
	s21 =	sshll.u32 s6, $0x1;
	s3 =	sadd.s32 s4, s19  }
0x9c: {  	s7 =	simm.s32 $0x0;
	s20 =	sshll.u32 s5, $0x1;
	s5 =	sadd.s32 s21, s3  }
0x9d: {  	[timem:s7], [sflag:s22] =	dma.local [hbm:s5], s20  }
0x9e: {  	_ =	swait.ge [sflag:s22], s20  }
0x9f: {  	s4 =	ssub.s32 $0x0, s20;
	[sflag:s22] =	ssyncset.done $0x0  }
0xa0: {  	[sflag:s22] =	ssyncadd.s32 s4;
	_ =	sdelay $0x1  }
0xa1: {  	s23 =	simm.s32 $0x1B8B  }
0xa2: {  	_ =	swait.ge [sflag:s23], $0x1  }
0xa3: {  	[sflag:s23] =	ssyncset.done $0x0  }
0xa4: {  	s25 =	simm.s32 $0x1B8E;
	s24 =	sld [smem:$0x3FFE];
	[sflag:s23] =	ssyncadd.s32 $0xFFFFFFFF  }
0xa5: {  	s26 =	simm.s32 $execute0_lowered;
	[smem:$0x3FD2] =	sst s25  }
0xa6: {  	s5 =	sshll.u32 s26, $0x1;
	_ =	strace $0x80000055;
	[dreg:$0x1] =	wrdreg $0xFFFFFFFF  }
0xa7: {  	s28 =	simm.s32 $_size_execute0_lowered;
	s3 =	sadd.s32 s3, s5;
	[dreg:$0x0] =	wrdreg $0x0  }
0xa8: {  	s5 =	sshll.u32 s28, $0x1;
	[dreg:$0x2] =	wrdreg s3  }
0xa9: {  	[dreg:$0x3] =	wrdreg s5  }
0xaa: {  	[dreg:$0x4] =	wrdreg $0xC0  }
0xab: {  	_ =	task [dreg:s7], $0x5FFFF  }
0xac: {  	[dreg:$0x1] =	wrdreg $0xFFFFFFFF  }
0xad: {  	[dreg:$0x0] =	wrdreg $0x60  }
0xae: {  	[dreg:$0x2] =	wrdreg s24  }
0xaf: {  	[dreg:$0x3] =	wrdreg s2  }
0xb0: {  	[dreg:$0x4] =	wrdreg $0xEE000  }
0xb1: {  	[dreg:$0x5] =	wrdreg $0x50000  }
0xb2: {  	[dreg:$0x6] =	wrdreg $0x9  }
0xb3: {  	_ =	task.clear_ibuf [dreg:s7], $0x7FFFF;
	_ =	strace $0x90000055  }
0xb4: {  	s29 =	simm.s32 $0x9;
	_ =	strace $0x80000057  }
0xb5: {  	_ =	swait.ge [sflag:s29], $0x1  }
0xb6: {  	[sflag:s29] =	ssyncadd.s32 $0xFFFFFFFF  }
0xb7: {  	_ =	strace $0x90000057  }
0xb8: {  	_ =	sfence  }
0xb9: {  	s30 =	sld [smem:$0x0];
	_ =	sdelay $0x2  }
0xba: {  	s31 =	sshll.u32 s1, $0xD;
	s1 =	sshrl.u32 s1, $0x2  }
0xbb: {  	s3 =	sand.u32 $0x4000, s31;
	s1 =	sadd.s32 s1, s30  }
0xbc: {  	s0 =	sor.u32 s3, s0;
	s1 =	sshll.u32 s1, $0x11  }
0xbd: {  	s0 =	sor.u32 s1, s0  }
0xbe: {  	s0 =	sadd.s32 $0x8F2B, s0  }
0xbf: {  	[sflag:s0] =	ssyncadd.remote.s32 $0x1  }
0xc0: {  	_ =	sfence.sel $0xFFFF  }
0xc1: {  	[dreg:$0x0] =	wrdreg $0xFFFFFFFF;
	(pc) =	sbr.abs _section_cstart, $3  }
0xc2: {  	[dreg:$0x1] =	wrdreg $0xFFFFFFFF  }
0xc3: {  	_ =	task.clear_ibuf [dreg:s7], $0x2FFFF;
	_ =	strace $0x9FFFFFFF  }
0xc4: {  	(tm) =	ssettm $0x7FFFFFFF  }
0xc5: {  	_ =	shalt  }
tec
execute0_lowered:
.L_overlay_start_1:
0x0: {  	(tag) =	ssettag $0x1  }
0x1: {  	s0 =	rddreg [dreg:$0x0]  }
0x2: {  	s2 =	rddreg [dreg:$0x1]  }
0x3: {  	s3 =	rddreg [dreg:$0x2]  }
0x4: {  	s4 =	rddreg [dreg:$0x3]  }
0x5: {  	s13 =	stileid.u32;
	s1 =	srdreg.scid;
	s5 =	simm.s32 $0x0  }
0x6: {  	s16 =	simm.s32 $0x4;
	s21 =	simm.s32 $0x3;
	s22 =	simm.s32 $0x80  }
0x7: {  	s28 =	simm.s32 $0x2;
	s29 =	simm.s32 $0x4F00;
	s30 =	simm.s32 $0x4F80  }
0x8: {  	s31 =	simm.s32 $0x0;
	s11 =	smul.u32 $0x9E00, s13;
	s1 =	sand.u32 $0x1, s1  }
0x9: {  	[smem:$0x7FF] =	sst s5;
	s6 =	sshll.u32 s13, $0x1;
	s14 =	sshll.u32 s13, $0x6  }
0xa: {  	s24 =	sshll.u32 s13, $0xD;
	p0 =	seq.s32 s13, $0xF;
	s7 =	smul.u32 $0x9E000, s1  }
0xb: {  	_ =	strace $0x80000056;
	s6 =	sor.u32 s1, s6;
	s1 =	ssub.s32 $0x2, s1  }
0xc: {  	s8 =	sshrl.u32 s11, $0x3;
	s6 =	smul.u32 $0x500, s6;
	s23 =	sshrl.u32 s1, $0x1  }
0xd: {  	s12 =	sadd.s32 s11, s3;
	s25 =	sadd.s32 s11, s4;
	s7 =	sadd.s32 s11, s7  }
0xe: {  	s8 =	sadd.s32 s8, s0;
	s1 =	ssub.s32 s1, s23;
	s12 =	sshrl.u32 s12, $0x3  }
0xf: {  	s23 =	simm.s32 $0x18C00;
	s25 =	sshrl.u32 s25, $0x3;
	s7 =	sshrl.u32 s7, $0x3  }
0x10: {  	s9 =	sadd.s32 s6, s0;
	s6 =	sadd.s32 $0x27600, s8;
	s11 =	smax.u32 s1, $0x1  }
0x11: {  	s0 =	sadd.s32 s7, s0;
	s7 =	sor.u32 $0x1C03, s14;
	s8 =	sadd.s32 $0x1D600, s9  }
0x12: {  	s9 =	sadd.s32 $0x4800, s9;
	s10 =	sadd.s32 $0x3B200, s0;
	s0 =	sadd.s32 s24, s4  }
0x13: {  	s14 =	sor.u32 $0x1C04, s14;
	s24 =	simm.s32 $0x1AC00;
	s26 =	sadd.s32 $0x20000, s0  }
0x14: {  	s18 =	sadd.s32 $0x40000, s0;
	s19 =	sadd.s32 $0x60000, s0;
	s20 =	sadd.s32 $0x80000, s0  }
0x15: {  	s15 =	sshrl.u32 s0, $0x3;
	s17 =	sshrl.u32 s26, $0x3;
	s18 =	sshrl.u32 s18, $0x3  }
0x16: {  	s19 =	sshrl.u32 s19, $0x3;
	s20 =	sshrl.u32 @!p0 s20, $0x3;
	s26 =	simm.s32 $0x1  }
.LBB2_1:
0x17: {  	[spmem:s12], [sflag:s7] =	dma.local [hbm:s6], $0x13C0  }
0x18: {  	[tilespmem:s5], [sflag:$0x3] =	stream.linear.gather [hbm4b:s8+s5], $0x2800, $0x38;
	[tilespmem:$0x1CC00] =	vst v63  }
0x19: {  	s0 =	simm.s32 $0x2800  }
0x1a: {  	[tilespmem:s0], [sflag:$0x3] =	stream.linear.gather [hbm4b:s9+s5], $0x2800, $0x38;
	[tilespmem:$0x1CC00] =	vst v63  }
0x1b: {  	[spmem:s15], [sflag:s14] =	dma.local [hbm:s2], $0x400  }
0x1c: {  	_ =	swait.ge [sflag:s16], $0x400  }
0x1d: {  	[sflag:s16] =	ssyncset.done $0x0  }
0x1e: {  	[sflag:s16] =	ssyncadd.s32 $0xFFFFFC00  }
0x1f: {  	[spmem:s17], [sflag:s14] =	dma.local [hbm:s2], $0x400  }
0x20: {  	_ =	swait.ge [sflag:s16], $0x400  }
0x21: {  	[sflag:s16] =	ssyncset.done $0x0  }
0x22: {  	[sflag:s16] =	ssyncadd.s32 $0xFFFFFC00  }
0x23: {  	[spmem:s18], [sflag:s14] =	dma.local [hbm:s2], $0x400  }
0x24: {  	_ =	swait.ge [sflag:s16], $0x400  }
0x25: {  	[sflag:s16] =	ssyncset.done $0x0  }
0x26: {  	[sflag:s16] =	ssyncadd.s32 $0xFFFFFC00  }
0x27: {  	[spmem:s19], [sflag:s14] =	dma.local [hbm:s2], $0x400  }
0x28: {  	_ =	swait.ge [sflag:s16], $0x400  }
0x29: {  	[sflag:s16] =	ssyncset.done $0x0  }
0x2a: {  	s0 =	simm.s32 @!p0 $0x4;
	[sflag:s16] =	ssyncadd.s32 $0xFFFFFC00  }
0x2b: {  	[spmem:s20], [sflag:s14] =	dma.local @!p0 [hbm:s2], $0x400  }
0x2c: {  	_ =	swait.ge @!p0 [sflag:s0], $0x400  }
0x2d: {  	[sflag:s0] =	ssyncset.done @!p0 $0x0  }
0x2e: {  	[sflag:s0] =	ssyncadd.s32 @!p0 $0xFFFFFC00  }
0x2f: {  	_ =	swait.ge [sflag:s21], $0x13C0  }
0x30: {  	[sflag:s21] =	ssyncset.done $0x0  }
0x31: {  	[sflag:s21] =	ssyncadd.s32 $0xFFFFEC40  }
0x32: {  	_ =	swait.ge [sflag:s21], $0x2800  }
0x33: {  	[sflag:s21] =	ssyncset.done $0x0  }
0x34: {  	[sflag:s21] =	ssyncadd.s32 $0xFFFFD800  }
0x35: {  	_ =	swait.ge [sflag:s21], $0x2800  }
0x36: {  	[sflag:s21] =	ssyncset.done $0x0  }
0x37: {  	[sflag:s21] =	ssyncadd.s32 $0xFFFFD800  }
0x38: {  	[bflag:$0x0] =	sbarrier.arrive $0xFFFF  }
0x39: {  	[tilespmem:s23], [sflag:$0x1] =	stream.indirect.gather [spmem:s3], $0x40, s5, s22, $0xb8;
	[tilespmem:$0x1CC00] =	vst v63  }
0x3a: {  	_ = 	snop  }
0x3b: {  	[tilespmem:s24], [sflag:$0x2] =	stream.indirect.gather [spmem:s3], $0x40, s22, s22, $0xb8;
	[tilespmem:$0x1CC00] =	vst v63  }
0x3c: {  	_ =	swait.ge [sflag:s26], $0x2000  }
0x3d: {  	[sflag:s26] =	ssyncset.done $0x0  }
0x3e: {  	s13 =	simm.s32 $0x2800;
	[sflag:s26] =	ssyncadd.s32 $0xFFFFE000  }
0x3f: {  	[spmem:s4] =	stream.indirect.scatter.add.f32 [tilespmem:s23], [sflag:$0x4], $0x40, s13, s22, $0xb8;
	[tilespmem:$0x1CC00] =	vst v63  }
0x40: {  	_ =	swait.ge [sflag:s16], $0x2000  }
0x41: {  	[sflag:s16] =	ssyncset.done $0x0  }
0x42: {  	s1 =	simm.s32 $0x100;
	[sflag:s16] =	ssyncadd.s32 $0xFFFFE000  }
0x43: {  	[tilespmem:s23], [sflag:$0x1] =	stream.indirect.gather [spmem:s3], $0x40, s1, s22, $0xb8;
	[tilespmem:$0x1CC00] =	vst v63  }
0x44: {  	_ =	swait.ge [sflag:s28], $0x2000  }
0x45: {  	[sflag:s28] =	ssyncset.done $0x0  }
0x46: {  	s13 =	simm.s32 $0x2880;
	[sflag:s28] =	ssyncadd.s32 $0xFFFFE000  }
0x47: {  	[spmem:s4] =	stream.indirect.scatter.add.f32 [tilespmem:s24], [sflag:$0x4], $0x40, s13, s22, $0xb8;
	[tilespmem:$0x1CC00] =	vst v63  }
0x48: {  	_ =	swait.ge [sflag:s16], $0x2000  }
0x49: {  	[sflag:s16] =	ssyncset.done $0x0  }
0x4a: {  	s0 =	simm.s32 $0x400;
	s1 =	simm.s32 $0x180;
	[sflag:s16] =	ssyncadd.s32 $0xFFFFE000  }
.LBB2_2:
0x4b: {  	[tilespmem:s24], [sflag:$0x2] =	stream.indirect.gather [spmem:s3], $0x40, s1, s22, $0xb8;
	[tilespmem:$0x1CC00] =	vst v63  }
0x4c: {  	s1 =	smov.u32 s0  }
0x4d: {  	p1 =	sne.s32 s0, $0x9800;
	s0 =	sadd.s32 $0x400, s0;
	_ =	swait.ge [sflag:s26], $0x2000  }
0x4e: {  	s1 =	sshra.s32 s1, $0x2;
	[sflag:s26] =	ssyncset.done $0x0  }
0x4f: {  	s13 =	sadd.s32 $0x2800, s1;
	[sflag:s26] =	ssyncadd.s32 $0xFFFFE000  }
0x50: {  	[spmem:s4] =	stream.indirect.scatter.add.f32 [tilespmem:s23], [sflag:$0x4], $0x40, s13, s22, $0xb8;
	[tilespmem:$0x1CC00] =	vst v63  }
0x51: {  	_ =	swait.ge [sflag:s16], $0x2000  }
0x52: {  	[sflag:s16] =	ssyncset.done $0x0  }
0x53: {  	s13 =	sadd.s32 $0x100, s1;
	[sflag:s16] =	ssyncadd.s32 $0xFFFFE000  }
0x54: {  	[tilespmem:s23], [sflag:$0x1] =	stream.indirect.gather [spmem:s3], $0x40, s13, s22, $0xb8;
	[tilespmem:$0x1CC00] =	vst v63  }
0x55: {  	_ =	swait.ge [sflag:s28], $0x2000  }
0x56: {  	[sflag:s28] =	ssyncset.done $0x0  }
.Ltmp0:
0x57: {  	s13 =	sadd.s32 $0x2880, s1;
	[sflag:s28] =	ssyncadd.s32 $0xFFFFE000;
	(pc) =	sbr.rel @p1 .LBB2_2-.Ltmp0, $4  }
0x58: {  	[spmem:s4] =	stream.indirect.scatter.add.f32 [tilespmem:s24], [sflag:$0x4], $0x40, s13, s22, $0xb8;
	[tilespmem:$0x1CC00] =	vst v63  }
0x59: {  	_ =	swait.ge [sflag:s16], $0x2000  }
0x5a: {  	[sflag:s16] =	ssyncset.done $0x0  }
0x5b: {  	s1 =	sadd.s32 $0x180, s1;
	[sflag:s16] =	ssyncadd.s32 $0xFFFFE000  }
0x5c: {  	[tilespmem:s24], [sflag:$0x2] =	stream.indirect.gather [spmem:s3], $0x40, s1, s22, $0xb8;
	[tilespmem:$0x1CC00] =	vst v63  }
0x5d: {  	_ =	swait.ge [sflag:s26], $0x2000  }
0x5e: {  	[sflag:s26] =	ssyncset.done $0x0  }
0x5f: {  	[sflag:s26] =	ssyncadd.s32 $0xFFFFE000  }
0x60: {  	[spmem:s4] =	stream.indirect.scatter.add.f32 [tilespmem:s23], [sflag:$0x4], $0x40, s29, s22, $0xb8;
	[tilespmem:$0x1CC00] =	vst v63  }
0x61: {  	_ =	swait.ge [sflag:s16], $0x2000  }
0x62: {  	[sflag:s16] =	ssyncset.done $0x0  }
0x63: {  	[sflag:s16] =	ssyncadd.s32 $0xFFFFE000  }
0x64: {  	_ =	swait.ge [sflag:s28], $0x2000  }
0x65: {  	[sflag:s28] =	ssyncset.done $0x0  }
0x66: {  	[sflag:s28] =	ssyncadd.s32 $0xFFFFE000  }
0x67: {  	[spmem:s4] =	stream.indirect.scatter.add.f32 [tilespmem:s24], [sflag:$0x4], $0x40, s30, s22, $0xb8;
	[tilespmem:$0x1CC00] =	vst v63  }
0x68: {  	_ =	swait.ge [sflag:s16], $0x2000  }
0x69: {  	s31 =	sadd.s32 $0x1, s31;
	[sflag:s16] =	ssyncset.done $0x0  }
0x6a: {  	p1 =	sne.s32 s31, s11;
	[sflag:s16] =	ssyncadd.s32 $0xFFFFE000  }
.Ltmp1:
0x6b: {  	[bflag:$0x0] =	sbarrier.arrive $0xFFFF;
	(pc) =	sbr.rel @p1 .LBB2_1-.Ltmp1, $4  }
0x6c: {  	[hbm:s10], [sflag:s14] =	dma.local [spmem:s25], $0x13C0  }
0x6d: {  	_ =	swait.ge [sflag:s16], $0x13C0  }
0x6e: {  	[sflag:s16] =	ssyncset.done $0x0  }
0x6f: {  	[sflag:s16] =	ssyncadd.s32 $0xFFFFEC40  }
0x70: {  	_ =	sfence.sel $0x180000  }
0x71: {  	[bflag:$0x0] =	sbarrier.arrive $0xFFFF  }
0x72: {  	_ =	strace $0x90000056  }
0x73: {  	s0 =	stileid.u32;
	[bflag:$0x2] =	sbarrier.arrive $0xFFFF  }
0x74: {  	p0 =	sne.s32 s0, $0x0;
	s0 =	rddreg [dreg:$0x4]  }
0x75: {  	s0 =	sadd.s32 @!p0 $0x100000, s0  }
0x76: {  	[sflag:s0] =	ssyncadd.tile.s32 @!p0 $0x1;
	_ =	shalt  }
.Lfunc_end2:
_tile_overlayer_lowered:
.L_overlay_start_2:
0x77: {  	(tag) =	ssettag $0x2  }
0x78: {  	s0 =	rddreg [dreg:$0x0];
	s2 =	stileid.u32  }
0x79: {  	s1 =	rddreg [dreg:$0x1];
	p0 =	sne.s32 s2, $0x0  }
0x7a: {  	s3 =	rddreg [dreg:$0x2];
	[bflag:$0x3] =	sbarrier.arrive $0xFFFF;
	s2 =	simm.s32 @!p0 $0x1C04  }
0x7b: {  	[timem:s3], [sflag:s2] =	dma.local @!p0 [hbm:s0], s1  }
0x7c: {  	s0 =	simm.s32 @!p0 $0x4  }
0x7d: {  	_ =	swait.ge @!p0 [sflag:s0], s1  }
0x7e: {  	s1 =	ssub.s32 @!p0 $0x0, s1;
	[sflag:s0] =	ssyncset.done @!p0 $0x0  }
0x7f: {  	[sflag:s0] =	ssyncadd.s32 @!p0 s1  }
0x80: {  	[bflag:$0x3] =	sbarrier.arrive $0xFFFF  }
0x81: {  	_ =	shalt  }

// kernel: kernel.43.cloned.1.call-start
scs
__scs_entry_jumppad:
0x0: {  	(pc) =	sbr.rel $0x88, $3  }
0x1: {  	(tag) =	ssettag $0x0;
	lr =	simm.s32 $0x1  }
0x2: {  	[smem:$0x3F98] =	sst lr;
	_ =	strace $0xD0000000  }
0x3: {  	_ = 	snop  }
0x4: {  	_ = 	snop  }
0x5: {  	_ = 	snop  }
0x6: {  	_ = 	snop  }
0x7: {  	_ = 	snop  }
__scs_overlays_trampoline_lowered:
0x8: {  	[smem:$0x3FA7] =	sst s0  }
0x9: {  	[smem:$0x3FA8] =	sst s1  }
0xa: {  	[smem:$0x3FA9] =	sst s2  }
0xb: {  	[smem:$0x3FAA] =	sst s3  }
0xc: {  	[smem:$0x3FAB] =	sst s4  }
0xd: {  	[smem:$0x3FAC] =	sst s5  }
0xe: {  	[smem:$0x3FAD] =	sst s6  }
0xf: {  	[smem:$0x3FAE] =	sst s7  }
0x10: {  	[smem:$0x3FAF] =	sst s8  }
0x11: {  	[smem:$0x3FB0] =	sst s9;
	s0 =	simm.s32 @!p0 $0x0  }
0x12: {  	s1 =	sld [smem:$0x3F96];
	s0 =	simm.s32 @p0 $0x1  }
0x13: {  	[smem:$0x3FB1] =	sst s0;
	s0 =	simm.s32 @!p1 $0x0  }
0x14: {  	s2 =	sld [smem:$0x3F95];
	s0 =	simm.s32 @p1 $0x1  }
0x15: {  	[smem:$0x3FB2] =	sst s0;
	s0 =	simm.s32 @!p2 $0x0  }
0x16: {  	s3 =	sld [smem:$0x3FDB];
	s0 =	simm.s32 @p2 $0x1  }
0x17: {  	s4 =	simm.s32 $0x1BF5;
	[smem:$0x3FB4] =	sst s0  }
0x18: {  	s0 =	sld [smem:$0x3F97];
	_ =	swait.ge [sflag:s4], $0x0  }
0x19: {  	s7 =	sld [smem:$0x3F98]  }
0x1a: {  	s8 =	sadd.s32 $0xFFFFE003, lr  }
0x1b: {  	s9 =	sadd.s32 $0xFFFFFEF7, lr;
	s5 =	simm.s32 $0xFFFFFFFF;
	p2 =	slt.u32 s8, $0xFFFFF086  }
0x1c: {  	p1 =	slt.u32 s9, $0xF7A;
	s5 =	simm.s32 @!p2 $0x0  }
0x1d: {  	s5 =	simm.s32 @p1 $0x1;
	p0 =	seq.s32 s7, s2  }
0x1e: {  	s7 =	smul.u32 @!p0 $0xF7A, s2;
	p2 =	seq.s32 @!p0 s5, $0x0  }
0x1f: {  	s9 =	smul.u32 $0xF7A, s1;
	s8 =	simm.s32 @!p0 $0x1BF5;
	p2 =	por !p2, p0  }
0x20: {  	[sflag:s8] =	ssyncset.s32 @!p0 $0xFFFFF086;
	s6 =	sadd.s32 @!p0 s3, s7;
	s7 =	simm.s32 @!p0 $0x108  }
0x21: {  	s3 =	sadd.s32 s3, s9;
	s6 =	sadd.s32 @!p0 $0x88, s6;
	s7 =	simm.s32 @p2 $0x1082  }
0x22: {  	[simem:s7], [sflag:s8] =	dma.local @!p0 [hbm:s6], $0xF7A  }
0x23: {  	s9 =	sor.u32 $0xD0000000, s2;
	s6 =	simm.s32 $0x108;
	_ =	swait.ge @!p0 [sflag:s8], $0x0  }
0x24: {  	s3 =	sadd.s32 $0x88, s3;
	s6 =	simm.s32 @!p1 $0x1082;
	[sflag:s4] =	ssyncset.s32 $0xFFFFF086  }
0x25: {  	[simem:s6], [sflag:s4] =	dma.local [hbm:s3], $0xF7A  }
0x26: {  	[smem:$0x3F98] =	sst s1;
	(tag) =	ssettag s2;
	_ =	strace s9  }
0x27: {  	s1 =	sld [smem:$0x3FA8]  }
0x28: {  	s2 =	sld [smem:$0x3FA9]  }
0x29: {  	s4 =	sld [smem:$0x3FAB]  }
0x2a: {  	p0 =	seq.s32 s5, $0x0;
	s5 =	sld [smem:$0x3FAC]  }
0x2b: {  	s6 =	sld [smem:$0x3FAD]  }
0x2c: {  	s7 =	sld [smem:$0x3FAE]  }
0x2d: {  	s3 =	simm.s32 $0x108;
	s8 =	sld [smem:$0x3FAF]  }
0x2e: {  	s3 =	simm.s32 @!p0 $0x1082;
	s9 =	sld [smem:$0x3FB0]  }
0x2f: {  	lr =	sadd.s32 s0, s3;
	s0 =	sld [smem:$0x3FA7]  }
0x30: {  	s3 =	sld [smem:$0x3FAA]  }
0x31: {  	[smem:$0x3FB3] =	sst s10  }
0x32: {  	s10 =	sld [smem:$0x3FB1];
	_ =	sdelay $0x3  }
0x33: {  	p0 =	seq.s32 s10, $0x1;
	s10 =	sld [smem:$0x3FB3];
	_ =	sdelay $0x3  }
0x34: {  	[smem:$0x3FB3] =	sst s10  }
0x35: {  	s10 =	sld [smem:$0x3FB2];
	_ =	sdelay $0x3  }
0x36: {  	p1 =	seq.s32 s10, $0x1;
	s10 =	sld [smem:$0x3FB3];
	_ =	sdelay $0x3  }
0x37: {  	[smem:$0x3FB3] =	sst s10  }
0x38: {  	s10 =	sld [smem:$0x3FB4]  }
0x39: {  	_ = 	snop;
	(pc) =	sbr.ind lr, $3  }
0x3a: {  	_ = 	snop  }
0x3b: {  	_ = 	snop  }
0x3c: {  	p2 =	seq.s32 s10, $0x1;
	s10 =	sld [smem:$0x3FB3]  }
0x3d: {  	_ =	shalt  }
0x3e: {  	_ =	shalt  }
0x3f: {  	_ =	shalt  }
0x40: {  	_ =	shalt  }
0x41: {  	_ =	shalt  }
0x42: {  	_ =	shalt  }
0x43: {  	_ =	shalt  }
0x44: {  	_ =	shalt  }
0x45: {  	_ =	shalt  }
0x46: {  	_ =	shalt  }
0x47: {  	_ =	shalt  }
0x48: {  	_ =	shalt  }
0x49: {  	_ =	shalt  }
0x4a: {  	_ =	shalt  }
0x4b: {  	_ =	shalt  }
0x4c: {  	_ =	shalt  }
0x4d: {  	_ =	shalt  }
0x4e: {  	_ =	shalt  }
0x4f: {  	_ =	shalt  }
0x50: {  	_ =	shalt  }
0x51: {  	_ =	shalt  }
0x52: {  	_ =	shalt  }
0x53: {  	_ =	shalt  }
0x54: {  	_ =	shalt  }
0x55: {  	_ =	shalt  }
0x56: {  	_ =	shalt  }
0x57: {  	_ =	shalt  }
0x58: {  	_ =	shalt  }
0x59: {  	_ =	shalt  }
0x5a: {  	_ =	shalt  }
0x5b: {  	_ =	shalt  }
0x5c: {  	_ =	shalt  }
0x5d: {  	_ =	shalt  }
0x5e: {  	_ =	shalt  }
0x5f: {  	_ =	shalt  }
0x60: {  	_ =	shalt  }
0x61: {  	_ =	shalt  }
0x62: {  	_ =	shalt  }
0x63: {  	_ =	shalt  }
0x64: {  	_ =	shalt  }
0x65: {  	_ =	shalt  }
0x66: {  	_ =	shalt  }
0x67: {  	_ =	shalt  }
0x68: {  	_ =	shalt  }
0x69: {  	_ =	shalt  }
0x6a: {  	_ =	shalt  }
0x6b: {  	_ =	shalt  }
0x6c: {  	_ =	shalt  }
0x6d: {  	_ =	shalt  }
0x6e: {  	_ =	shalt  }
0x6f: {  	_ =	shalt  }
0x70: {  	_ =	shalt  }
0x71: {  	_ =	shalt  }
0x72: {  	_ =	shalt  }
0x73: {  	_ =	shalt  }
0x74: {  	_ =	shalt  }
0x75: {  	_ =	shalt  }
0x76: {  	_ =	shalt  }
0x77: {  	_ =	shalt  }
0x78: {  	_ =	shalt  }
0x79: {  	_ =	shalt  }
0x7a: {  	_ =	shalt  }
0x7b: {  	_ =	shalt  }
0x7c: {  	_ =	shalt  }
0x7d: {  	_ =	shalt  }
0x7e: {  	_ =	shalt  }
0x7f: {  	_ =	shalt  }
0x80: {  	_ =	shalt  }
0x81: {  	_ =	shalt  }
0x82: {  	_ =	shalt  }
0x83: {  	_ =	shalt  }
0x84: {  	_ =	shalt  }
0x85: {  	_ =	shalt  }
0x86: {  	_ =	shalt  }
0x87: {  	_ =	shalt  }
.Lfunc_end0:
.L_simem_size_0:
called_computation.6_lowered:
.L_overlay_start_0:
0x88: {  	s2 =	sld [smem:$0x3FD9]  }
0x89: {  	s3 =	sld [smem:$0x3FFE];
	_ =	sdelay $0x1  }
0x8a: {  	s1 =	srdreg.scid  }
0x8b: {  	s0 =	sand.u32 $0x1, s1  }
0x8c: {  	s17 =	sshll.u32 s0, $0xA;
	s2 =	sadd.s32 s3, s2  }
0x8d: {  	s2 =	sadd.s32 s2, s17  }
0x8e: {  	[smem:$0x3FBF] =	sst s2  }
0x8f: {  	_ = 	snop  }
0x90: {  	s2 =	sld [smem:$0x3FD0];
	(tm) =	ssettm $0x1  }
0x91: {  	s18 =	sld [smem:$0x3FFB];
	_ =	sdelay $0x3  }
0x92: {  	_ =	strace s18  }
0x93: {  	s3 =	sld [smem:$0x3FFC];
	_ =	sdelay $0x3  }
0x94: {  	_ =	strace s3  }
0x95: {  	s3 =	sld [smem:$0x3FFD];
	_ =	sdelay $0x3  }
0x96: {  	_ =	strace s3  }
0x97: {  	_ =	strace $0x8FFFFFFF  }
0x98: {  	s19 =	sld [smem:$0x3FDB];
	_ =	sdelay $0x1  }
0x99: {  	s4 =	simm.s32 $_scs_section_size  }
0x9a: {  	s5 =	simm.s32 $_size__tile_overlayer_lowered;
	s6 =	simm.s32 $_tile_overlayer_lowered  }
0x9b: {  	s22 =	simm.s32 $0x1BFF;
	s21 =	sshll.u32 s6, $0x1;
	s3 =	sadd.s32 s4, s19  }
0x9c: {  	s7 =	simm.s32 $0x0;
	s20 =	sshll.u32 s5, $0x1;
	s5 =	sadd.s32 s21, s3  }
0x9d: {  	[timem:s7], [sflag:s22] =	dma.local [hbm:s5], s20  }
0x9e: {  	_ =	swait.ge [sflag:s22], s20  }
0x9f: {  	s4 =	ssub.s32 $0x0, s20;
	[sflag:s22] =	ssyncset.done $0x0  }
0xa0: {  	[sflag:s22] =	ssyncadd.s32 s4;
	_ =	sdelay $0x1  }
0xa1: {  	s23 =	simm.s32 $0x1B8B  }
0xa2: {  	_ =	swait.ge [sflag:s23], $0x1  }
0xa3: {  	[sflag:s23] =	ssyncset.done $0x0  }
0xa4: {  	s25 =	simm.s32 $0x1B8E;
	s24 =	sld [smem:$0x3FFE];
	[sflag:s23] =	ssyncadd.s32 $0xFFFFFFFF  }
0xa5: {  	s26 =	simm.s32 $execute0_lowered;
	[smem:$0x3FD2] =	sst s25  }
0xa6: {  	s5 =	sshll.u32 s26, $0x1;
	_ =	strace $0x80000058;
	[dreg:$0x1] =	wrdreg $0xFFFFFFFF  }
0xa7: {  	s28 =	simm.s32 $_size_execute0_lowered;
	s3 =	sadd.s32 s3, s5;
	[dreg:$0x0] =	wrdreg $0x0  }
0xa8: {  	s5 =	sshll.u32 s28, $0x1;
	[dreg:$0x2] =	wrdreg s3  }
0xa9: {  	[dreg:$0x3] =	wrdreg s5  }
0xaa: {  	[dreg:$0x4] =	wrdreg $0xC0  }
0xab: {  	_ =	task [dreg:s7], $0x5FFFF  }
0xac: {  	[dreg:$0x1] =	wrdreg $0xFFFFFFFF  }
0xad: {  	[dreg:$0x0] =	wrdreg $0x60  }
0xae: {  	[dreg:$0x2] =	wrdreg s24  }
0xaf: {  	[dreg:$0x3] =	wrdreg s2  }
0xb0: {  	[dreg:$0x4] =	wrdreg $0xEE000  }
0xb1: {  	[dreg:$0x5] =	wrdreg $0x50000  }
0xb2: {  	[dreg:$0x6] =	wrdreg $0x9  }
0xb3: {  	_ =	task.clear_ibuf [dreg:s7], $0x7FFFF;
	_ =	strace $0x90000058  }
0xb4: {  	s29 =	simm.s32 $0x9;
	_ =	strace $0x8000005A  }
0xb5: {  	_ =	swait.ge [sflag:s29], $0x1  }
0xb6: {  	[sflag:s29] =	ssyncadd.s32 $0xFFFFFFFF  }
0xb7: {  	_ =	strace $0x9000005A  }
0xb8: {  	_ =	sfence  }
0xb9: {  	s30 =	sld [smem:$0x0];
	_ =	sdelay $0x2  }
0xba: {  	s31 =	sshll.u32 s1, $0xD;
	s1 =	sshrl.u32 s1, $0x2  }
0xbb: {  	s3 =	sand.u32 $0x4000, s31;
	s1 =	sadd.s32 s1, s30  }
0xbc: {  	s0 =	sor.u32 s3, s0;
	s1 =	sshll.u32 s1, $0x11  }
0xbd: {  	s0 =	sor.u32 s1, s0  }
0xbe: {  	s0 =	sadd.s32 $0x8F2B, s0  }
0xbf: {  	[sflag:s0] =	ssyncadd.remote.s32 $0x1  }
0xc0: {  	_ =	sfence.sel $0xFFFF  }
0xc1: {  	[dreg:$0x0] =	wrdreg $0xFFFFFFFF;
	(pc) =	sbr.abs _section_cstart, $3  }
0xc2: {  	[dreg:$0x1] =	wrdreg $0xFFFFFFFF  }
0xc3: {  	_ =	task.clear_ibuf [dreg:s7], $0x2FFFF;
	_ =	strace $0x9FFFFFFF  }
0xc4: {  	(tm) =	ssettm $0x7FFFFFFF  }
0xc5: {  	_ =	shalt  }
tec
execute0_lowered:
.L_overlay_start_1:
0x0: {  	(tag) =	ssettag $0x1  }
0x1: {  	s0 =	rddreg [dreg:$0x0]  }
0x2: {  	s2 =	rddreg [dreg:$0x1]  }
0x3: {  	s3 =	rddreg [dreg:$0x2]  }
0x4: {  	s4 =	rddreg [dreg:$0x3]  }
0x5: {  	s13 =	stileid.u32;
	s1 =	srdreg.scid;
	s5 =	simm.s32 $0x0  }
0x6: {  	s16 =	simm.s32 $0x4;
	s21 =	simm.s32 $0x3;
	s22 =	simm.s32 $0x80  }
0x7: {  	s28 =	simm.s32 $0x2;
	s29 =	simm.s32 $0x4F00;
	s30 =	simm.s32 $0x4F80  }
0x8: {  	s31 =	simm.s32 $0x0;
	s11 =	smul.u32 $0x9E00, s13;
	s1 =	sand.u32 $0x1, s1  }
0x9: {  	[smem:$0x7FF] =	sst s5;
	s6 =	sshll.u32 s13, $0x1;
	s14 =	sshll.u32 s13, $0x6  }
0xa: {  	s24 =	sshll.u32 s13, $0xD;
	p0 =	seq.s32 s13, $0xF;
	s7 =	smul.u32 $0x9E000, s1  }
0xb: {  	_ =	strace $0x80000059;
	s6 =	sor.u32 s1, s6;
	s1 =	ssub.s32 $0x2, s1  }
0xc: {  	s8 =	sshrl.u32 s11, $0x3;
	s6 =	smul.u32 $0x500, s6;
	s23 =	sshrl.u32 s1, $0x1  }
0xd: {  	s12 =	sadd.s32 s11, s3;
	s25 =	sadd.s32 s11, s4;
	s7 =	sadd.s32 s11, s7  }
0xe: {  	s8 =	sadd.s32 s8, s0;
	s1 =	ssub.s32 s1, s23;
	s12 =	sshrl.u32 s12, $0x3  }
0xf: {  	s23 =	simm.s32 $0x18C00;
	s25 =	sshrl.u32 s25, $0x3;
	s7 =	sshrl.u32 s7, $0x3  }
0x10: {  	s9 =	sadd.s32 s6, s0;
	s6 =	sadd.s32 $0x27600, s8;
	s11 =	smax.u32 s1, $0x1  }
0x11: {  	s0 =	sadd.s32 s7, s0;
	s7 =	sor.u32 $0x1C03, s14;
	s8 =	sadd.s32 $0x1D600, s9  }
0x12: {  	s9 =	sadd.s32 $0x4800, s9;
	s10 =	sadd.s32 $0x3B200, s0;
	s0 =	sadd.s32 s24, s4  }
0x13: {  	s14 =	sor.u32 $0x1C04, s14;
	s24 =	simm.s32 $0x1AC00;
	s26 =	sadd.s32 $0x20000, s0  }
0x14: {  	s18 =	sadd.s32 $0x40000, s0;
	s19 =	sadd.s32 $0x60000, s0;
	s20 =	sadd.s32 $0x80000, s0  }
0x15: {  	s15 =	sshrl.u32 s0, $0x3;
	s17 =	sshrl.u32 s26, $0x3;
	s18 =	sshrl.u32 s18, $0x3  }
0x16: {  	s19 =	sshrl.u32 s19, $0x3;
	s20 =	sshrl.u32 @!p0 s20, $0x3;
	s26 =	simm.s32 $0x1  }
.LBB2_1:
0x17: {  	[spmem:s12], [sflag:s7] =	dma.local [hbm:s6], $0x13C0  }
0x18: {  	[tilespmem:s5], [sflag:$0x3] =	stream.linear.gather [hbm4b:s8+s5], $0x2800, $0x38;
	[tilespmem:$0x1CC00] =	vst v63  }
0x19: {  	s0 =	simm.s32 $0x2800  }
0x1a: {  	[tilespmem:s0], [sflag:$0x3] =	stream.linear.gather [hbm4b:s9+s5], $0x2800, $0x38;
	[tilespmem:$0x1CC00] =	vst v63  }
0x1b: {  	[spmem:s15], [sflag:s14] =	dma.local [hbm:s2], $0x400  }
0x1c: {  	_ =	swait.ge [sflag:s16], $0x400  }
0x1d: {  	[sflag:s16] =	ssyncset.done $0x0  }
0x1e: {  	[sflag:s16] =	ssyncadd.s32 $0xFFFFFC00  }
0x1f: {  	[spmem:s17], [sflag:s14] =	dma.local [hbm:s2], $0x400  }
0x20: {  	_ =	swait.ge [sflag:s16], $0x400  }
0x21: {  	[sflag:s16] =	ssyncset.done $0x0  }
0x22: {  	[sflag:s16] =	ssyncadd.s32 $0xFFFFFC00  }
0x23: {  	[spmem:s18], [sflag:s14] =	dma.local [hbm:s2], $0x400  }
0x24: {  	_ =	swait.ge [sflag:s16], $0x400  }
0x25: {  	[sflag:s16] =	ssyncset.done $0x0  }
0x26: {  	[sflag:s16] =	ssyncadd.s32 $0xFFFFFC00  }
0x27: {  	[spmem:s19], [sflag:s14] =	dma.local [hbm:s2], $0x400  }
0x28: {  	_ =	swait.ge [sflag:s16], $0x400  }
0x29: {  	[sflag:s16] =	ssyncset.done $0x0  }
0x2a: {  	s0 =	simm.s32 @!p0 $0x4;
	[sflag:s16] =	ssyncadd.s32 $0xFFFFFC00  }
0x2b: {  	[spmem:s20], [sflag:s14] =	dma.local @!p0 [hbm:s2], $0x400  }
0x2c: {  	_ =	swait.ge @!p0 [sflag:s0], $0x400  }
0x2d: {  	[sflag:s0] =	ssyncset.done @!p0 $0x0  }
0x2e: {  	[sflag:s0] =	ssyncadd.s32 @!p0 $0xFFFFFC00  }
0x2f: {  	_ =	swait.ge [sflag:s21], $0x13C0  }
0x30: {  	[sflag:s21] =	ssyncset.done $0x0  }
0x31: {  	[sflag:s21] =	ssyncadd.s32 $0xFFFFEC40  }
0x32: {  	_ =	swait.ge [sflag:s21], $0x2800  }
0x33: {  	[sflag:s21] =	ssyncset.done $0x0  }
0x34: {  	[sflag:s21] =	ssyncadd.s32 $0xFFFFD800  }
0x35: {  	_ =	swait.ge [sflag:s21], $0x2800  }
0x36: {  	[sflag:s21] =	ssyncset.done $0x0  }
0x37: {  	[sflag:s21] =	ssyncadd.s32 $0xFFFFD800  }
0x38: {  	[bflag:$0x0] =	sbarrier.arrive $0xFFFF  }
0x39: {  	[tilespmem:s23], [sflag:$0x1] =	stream.indirect.gather [spmem:s3], $0x40, s5, s22, $0xb8;
	[tilespmem:$0x1CC00] =	vst v63  }
0x3a: {  	_ = 	snop  }
0x3b: {  	[tilespmem:s24], [sflag:$0x2] =	stream.indirect.gather [spmem:s3], $0x40, s22, s22, $0xb8;
	[tilespmem:$0x1CC00] =	vst v63  }
0x3c: {  	_ =	swait.ge [sflag:s26], $0x2000  }
0x3d: {  	[sflag:s26] =	ssyncset.done $0x0  }
0x3e: {  	s13 =	simm.s32 $0x2800;
	[sflag:s26] =	ssyncadd.s32 $0xFFFFE000  }
0x3f: {  	[spmem:s4] =	stream.indirect.scatter.add.f32 [tilespmem:s23], [sflag:$0x4], $0x40, s13, s22, $0xb8;
	[tilespmem:$0x1CC00] =	vst v63  }
0x40: {  	_ =	swait.ge [sflag:s16], $0x2000  }
0x41: {  	[sflag:s16] =	ssyncset.done $0x0  }
0x42: {  	s1 =	simm.s32 $0x100;
	[sflag:s16] =	ssyncadd.s32 $0xFFFFE000  }
0x43: {  	[tilespmem:s23], [sflag:$0x1] =	stream.indirect.gather [spmem:s3], $0x40, s1, s22, $0xb8;
	[tilespmem:$0x1CC00] =	vst v63  }
0x44: {  	_ =	swait.ge [sflag:s28], $0x2000  }
0x45: {  	[sflag:s28] =	ssyncset.done $0x0  }
0x46: {  	s13 =	simm.s32 $0x2880;
	[sflag:s28] =	ssyncadd.s32 $0xFFFFE000  }
0x47: {  	[spmem:s4] =	stream.indirect.scatter.add.f32 [tilespmem:s24], [sflag:$0x4], $0x40, s13, s22, $0xb8;
	[tilespmem:$0x1CC00] =	vst v63  }
0x48: {  	_ =	swait.ge [sflag:s16], $0x2000  }
0x49: {  	[sflag:s16] =	ssyncset.done $0x0  }
0x4a: {  	s0 =	simm.s32 $0x400;
	s1 =	simm.s32 $0x180;
	[sflag:s16] =	ssyncadd.s32 $0xFFFFE000  }
.LBB2_2:
0x4b: {  	[tilespmem:s24], [sflag:$0x2] =	stream.indirect.gather [spmem:s3], $0x40, s1, s22, $0xb8;
	[tilespmem:$0x1CC00] =	vst v63  }
0x4c: {  	s1 =	smov.u32 s0  }
0x4d: {  	p1 =	sne.s32 s0, $0x9800;
	s0 =	sadd.s32 $0x400, s0;
	_ =	swait.ge [sflag:s26], $0x2000  }
0x4e: {  	s1 =	sshra.s32 s1, $0x2;
	[sflag:s26] =	ssyncset.done $0x0  }
0x4f: {  	s13 =	sadd.s32 $0x2800, s1;
	[sflag:s26] =	ssyncadd.s32 $0xFFFFE000  }
0x50: {  	[spmem:s4] =	stream.indirect.scatter.add.f32 [tilespmem:s23], [sflag:$0x4], $0x40, s13, s22, $0xb8;
	[tilespmem:$0x1CC00] =	vst v63  }
0x51: {  	_ =	swait.ge [sflag:s16], $0x2000  }
0x52: {  	[sflag:s16] =	ssyncset.done $0x0  }
0x53: {  	s13 =	sadd.s32 $0x100, s1;
	[sflag:s16] =	ssyncadd.s32 $0xFFFFE000  }
0x54: {  	[tilespmem:s23], [sflag:$0x1] =	stream.indirect.gather [spmem:s3], $0x40, s13, s22, $0xb8;
	[tilespmem:$0x1CC00] =	vst v63  }
0x55: {  	_ =	swait.ge [sflag:s28], $0x2000  }
0x56: {  	[sflag:s28] =	ssyncset.done $0x0  }
.Ltmp0:
0x57: {  	s13 =	sadd.s32 $0x2880, s1;
	[sflag:s28] =	ssyncadd.s32 $0xFFFFE000;
	(pc) =	sbr.rel @p1 .LBB2_2-.Ltmp0, $4  }
0x58: {  	[spmem:s4] =	stream.indirect.scatter.add.f32 [tilespmem:s24], [sflag:$0x4], $0x40, s13, s22, $0xb8;
	[tilespmem:$0x1CC00] =	vst v63  }
0x59: {  	_ =	swait.ge [sflag:s16], $0x2000  }
0x5a: {  	[sflag:s16] =	ssyncset.done $0x0  }
0x5b: {  	s1 =	sadd.s32 $0x180, s1;
	[sflag:s16] =	ssyncadd.s32 $0xFFFFE000  }
0x5c: {  	[tilespmem:s24], [sflag:$0x2] =	stream.indirect.gather [spmem:s3], $0x40, s1, s22, $0xb8;
	[tilespmem:$0x1CC00] =	vst v63  }
0x5d: {  	_ =	swait.ge [sflag:s26], $0x2000  }
0x5e: {  	[sflag:s26] =	ssyncset.done $0x0  }
0x5f: {  	[sflag:s26] =	ssyncadd.s32 $0xFFFFE000  }
0x60: {  	[spmem:s4] =	stream.indirect.scatter.add.f32 [tilespmem:s23], [sflag:$0x4], $0x40, s29, s22, $0xb8;
	[tilespmem:$0x1CC00] =	vst v63  }
0x61: {  	_ =	swait.ge [sflag:s16], $0x2000  }
0x62: {  	[sflag:s16] =	ssyncset.done $0x0  }
0x63: {  	[sflag:s16] =	ssyncadd.s32 $0xFFFFE000  }
0x64: {  	_ =	swait.ge [sflag:s28], $0x2000  }
0x65: {  	[sflag:s28] =	ssyncset.done $0x0  }
0x66: {  	[sflag:s28] =	ssyncadd.s32 $0xFFFFE000  }
0x67: {  	[spmem:s4] =	stream.indirect.scatter.add.f32 [tilespmem:s24], [sflag:$0x4], $0x40, s30, s22, $0xb8;
	[tilespmem:$0x1CC00] =	vst v63  }
0x68: {  	_ =	swait.ge [sflag:s16], $0x2000  }
0x69: {  	s31 =	sadd.s32 $0x1, s31;
	[sflag:s16] =	ssyncset.done $0x0  }
0x6a: {  	p1 =	sne.s32 s31, s11;
	[sflag:s16] =	ssyncadd.s32 $0xFFFFE000  }
.Ltmp1:
0x6b: {  	[bflag:$0x0] =	sbarrier.arrive $0xFFFF;
	(pc) =	sbr.rel @p1 .LBB2_1-.Ltmp1, $4  }
0x6c: {  	[hbm:s10], [sflag:s14] =	dma.local [spmem:s25], $0x13C0  }
0x6d: {  	_ =	swait.ge [sflag:s16], $0x13C0  }
0x6e: {  	[sflag:s16] =	ssyncset.done $0x0  }
0x6f: {  	[sflag:s16] =	ssyncadd.s32 $0xFFFFEC40  }
0x70: {  	_ =	sfence.sel $0x180000  }
0x71: {  	[bflag:$0x0] =	sbarrier.arrive $0xFFFF  }
0x72: {  	_ =	strace $0x90000059  }
0x73: {  	s0 =	stileid.u32;
	[bflag:$0x2] =	sbarrier.arrive $0xFFFF  }
0x74: {  	p0 =	sne.s32 s0, $0x0;
	s0 =	rddreg [dreg:$0x4]  }
0x75: {  	s0 =	sadd.s32 @!p0 $0x100000, s0  }
0x76: {  	[sflag:s0] =	ssyncadd.tile.s32 @!p0 $0x1;
	_ =	shalt  }
.Lfunc_end2:
_tile_overlayer_lowered:
.L_overlay_start_2:
0x77: {  	(tag) =	ssettag $0x2  }
0x78: {  	s0 =	rddreg [dreg:$0x0];
	s2 =	stileid.u32  }
0x79: {  	s1 =	rddreg [dreg:$0x1];
	p0 =	sne.s32 s2, $0x0  }
0x7a: {  	s3 =	rddreg [dreg:$0x2];
	[bflag:$0x3] =	sbarrier.arrive $0xFFFF;
	s2 =	simm.s32 @!p0 $0x1C04  }
0x7b: {  	[timem:s3], [sflag:s2] =	dma.local @!p0 [hbm:s0], s1  }
0x7c: {  	s0 =	simm.s32 @!p0 $0x4  }
0x7d: {  	_ =	swait.ge @!p0 [sflag:s0], s1  }
0x7e: {  	s1 =	ssub.s32 @!p0 $0x0, s1;
	[sflag:s0] =	ssyncset.done @!p0 $0x0  }
0x7f: {  	[sflag:s0] =	ssyncadd.s32 @!p0 s1  }
0x80: {  	[bflag:$0x3] =	sbarrier.arrive $0xFFFF  }
0x81: {  	_ =	shalt  }

// kernel: kernel.46.cloned.1.call-start
scs
__scs_entry_jumppad:
0x0: {  	(pc) =	sbr.rel $0x88, $3  }
0x1: {  	(tag) =	ssettag $0x0;
	lr =	simm.s32 $0x1  }
0x2: {  	[smem:$0x3F98] =	sst lr;
	_ =	strace $0xD0000000  }
0x3: {  	_ = 	snop  }
0x4: {  	_ = 	snop  }
0x5: {  	_ = 	snop  }
0x6: {  	_ = 	snop  }
0x7: {  	_ = 	snop  }
__scs_overlays_trampoline_lowered:
0x8: {  	[smem:$0x3FA7] =	sst s0  }
0x9: {  	[smem:$0x3FA8] =	sst s1  }
0xa: {  	[smem:$0x3FA9] =	sst s2  }
0xb: {  	[smem:$0x3FAA] =	sst s3  }
0xc: {  	[smem:$0x3FAB] =	sst s4  }
0xd: {  	[smem:$0x3FAC] =	sst s5  }
0xe: {  	[smem:$0x3FAD] =	sst s6  }
0xf: {  	[smem:$0x3FAE] =	sst s7  }
0x10: {  	[smem:$0x3FAF] =	sst s8  }
0x11: {  	[smem:$0x3FB0] =	sst s9;
	s0 =	simm.s32 @!p0 $0x0  }
0x12: {  	s1 =	sld [smem:$0x3F96];
	s0 =	simm.s32 @p0 $0x1  }
0x13: {  	[smem:$0x3FB1] =	sst s0;
	s0 =	simm.s32 @!p1 $0x0  }
0x14: {  	s2 =	sld [smem:$0x3F95];
	s0 =	simm.s32 @p1 $0x1  }
0x15: {  	[smem:$0x3FB2] =	sst s0;
	s0 =	simm.s32 @!p2 $0x0  }
0x16: {  	s3 =	sld [smem:$0x3FDB];
	s0 =	simm.s32 @p2 $0x1  }
0x17: {  	s4 =	simm.s32 $0x1BF5;
	[smem:$0x3FB4] =	sst s0  }
0x18: {  	s0 =	sld [smem:$0x3F97];
	_ =	swait.ge [sflag:s4], $0x0  }
0x19: {  	s7 =	sld [smem:$0x3F98]  }
0x1a: {  	s8 =	sadd.s32 $0xFFFFE003, lr  }
0x1b: {  	s9 =	sadd.s32 $0xFFFFFEF7, lr;
	s5 =	simm.s32 $0xFFFFFFFF;
	p2 =	slt.u32 s8, $0xFFFFF086  }
0x1c: {  	p1 =	slt.u32 s9, $0xF7A;
	s5 =	simm.s32 @!p2 $0x0  }
0x1d: {  	s5 =	simm.s32 @p1 $0x1;
	p0 =	seq.s32 s7, s2  }
0x1e: {  	s7 =	smul.u32 @!p0 $0xF7A, s2;
	p2 =	seq.s32 @!p0 s5, $0x0  }
0x1f: {  	s9 =	smul.u32 $0xF7A, s1;
	s8 =	simm.s32 @!p0 $0x1BF5;
	p2 =	por !p2, p0  }
0x20: {  	[sflag:s8] =	ssyncset.s32 @!p0 $0xFFFFF086;
	s6 =	sadd.s32 @!p0 s3, s7;
	s7 =	simm.s32 @!p0 $0x108  }
0x21: {  	s3 =	sadd.s32 s3, s9;
	s6 =	sadd.s32 @!p0 $0x88, s6;
	s7 =	simm.s32 @p2 $0x1082  }
0x22: {  	[simem:s7], [sflag:s8] =	dma.local @!p0 [hbm:s6], $0xF7A  }
0x23: {  	s9 =	sor.u32 $0xD0000000, s2;
	s6 =	simm.s32 $0x108;
	_ =	swait.ge @!p0 [sflag:s8], $0x0  }
0x24: {  	s3 =	sadd.s32 $0x88, s3;
	s6 =	simm.s32 @!p1 $0x1082;
	[sflag:s4] =	ssyncset.s32 $0xFFFFF086  }
0x25: {  	[simem:s6], [sflag:s4] =	dma.local [hbm:s3], $0xF7A  }
0x26: {  	[smem:$0x3F98] =	sst s1;
	(tag) =	ssettag s2;
	_ =	strace s9  }
0x27: {  	s1 =	sld [smem:$0x3FA8]  }
0x28: {  	s2 =	sld [smem:$0x3FA9]  }
0x29: {  	s4 =	sld [smem:$0x3FAB]  }
0x2a: {  	p0 =	seq.s32 s5, $0x0;
	s5 =	sld [smem:$0x3FAC]  }
0x2b: {  	s6 =	sld [smem:$0x3FAD]  }
0x2c: {  	s7 =	sld [smem:$0x3FAE]  }
0x2d: {  	s3 =	simm.s32 $0x108;
	s8 =	sld [smem:$0x3FAF]  }
0x2e: {  	s3 =	simm.s32 @!p0 $0x1082;
	s9 =	sld [smem:$0x3FB0]  }
0x2f: {  	lr =	sadd.s32 s0, s3;
	s0 =	sld [smem:$0x3FA7]  }
0x30: {  	s3 =	sld [smem:$0x3FAA]  }
0x31: {  	[smem:$0x3FB3] =	sst s10  }
0x32: {  	s10 =	sld [smem:$0x3FB1];
	_ =	sdelay $0x3  }
0x33: {  	p0 =	seq.s32 s10, $0x1;
	s10 =	sld [smem:$0x3FB3];
	_ =	sdelay $0x3  }
0x34: {  	[smem:$0x3FB3] =	sst s10  }
0x35: {  	s10 =	sld [smem:$0x3FB2];
	_ =	sdelay $0x3  }
0x36: {  	p1 =	seq.s32 s10, $0x1;
	s10 =	sld [smem:$0x3FB3];
	_ =	sdelay $0x3  }
0x37: {  	[smem:$0x3FB3] =	sst s10  }
0x38: {  	s10 =	sld [smem:$0x3FB4]  }
0x39: {  	_ = 	snop;
	(pc) =	sbr.ind lr, $3  }
0x3a: {  	_ = 	snop  }
0x3b: {  	_ = 	snop  }
0x3c: {  	p2 =	seq.s32 s10, $0x1;
	s10 =	sld [smem:$0x3FB3]  }
0x3d: {  	_ =	shalt  }
0x3e: {  	_ =	shalt  }
0x3f: {  	_ =	shalt  }
0x40: {  	_ =	shalt  }
0x41: {  	_ =	shalt  }
0x42: {  	_ =	shalt  }
0x43: {  	_ =	shalt  }
0x44: {  	_ =	shalt  }
0x45: {  	_ =	shalt  }
0x46: {  	_ =	shalt  }
0x47: {  	_ =	shalt  }
0x48: {  	_ =	shalt  }
0x49: {  	_ =	shalt  }
0x4a: {  	_ =	shalt  }
0x4b: {  	_ =	shalt  }
0x4c: {  	_ =	shalt  }
0x4d: {  	_ =	shalt  }
0x4e: {  	_ =	shalt  }
0x4f: {  	_ =	shalt  }
0x50: {  	_ =	shalt  }
0x51: {  	_ =	shalt  }
0x52: {  	_ =	shalt  }
0x53: {  	_ =	shalt  }
0x54: {  	_ =	shalt  }
0x55: {  	_ =	shalt  }
0x56: {  	_ =	shalt  }
0x57: {  	_ =	shalt  }
0x58: {  	_ =	shalt  }
0x59: {  	_ =	shalt  }
0x5a: {  	_ =	shalt  }
0x5b: {  	_ =	shalt  }
0x5c: {  	_ =	shalt  }
0x5d: {  	_ =	shalt  }
0x5e: {  	_ =	shalt  }
0x5f: {  	_ =	shalt  }
0x60: {  	_ =	shalt  }
0x61: {  	_ =	shalt  }
0x62: {  	_ =	shalt  }
0x63: {  	_ =	shalt  }
0x64: {  	_ =	shalt  }
0x65: {  	_ =	shalt  }
0x66: {  	_ =	shalt  }
0x67: {  	_ =	shalt  }
0x68: {  	_ =	shalt  }
0x69: {  	_ =	shalt  }
0x6a: {  	_ =	shalt  }
0x6b: {  	_ =	shalt  }
0x6c: {  	_ =	shalt  }
0x6d: {  	_ =	shalt  }
0x6e: {  	_ =	shalt  }
0x6f: {  	_ =	shalt  }
0x70: {  	_ =	shalt  }
0x71: {  	_ =	shalt  }
0x72: {  	_ =	shalt  }
0x73: {  	_ =	shalt  }
0x74: {  	_ =	shalt  }
0x75: {  	_ =	shalt  }
0x76: {  	_ =	shalt  }
0x77: {  	_ =	shalt  }
0x78: {  	_ =	shalt  }
0x79: {  	_ =	shalt  }
0x7a: {  	_ =	shalt  }
0x7b: {  	_ =	shalt  }
0x7c: {  	_ =	shalt  }
0x7d: {  	_ =	shalt  }
0x7e: {  	_ =	shalt  }
0x7f: {  	_ =	shalt  }
0x80: {  	_ =	shalt  }
0x81: {  	_ =	shalt  }
0x82: {  	_ =	shalt  }
0x83: {  	_ =	shalt  }
0x84: {  	_ =	shalt  }
0x85: {  	_ =	shalt  }
0x86: {  	_ =	shalt  }
0x87: {  	_ =	shalt  }
.Lfunc_end0:
.L_simem_size_0:
called_computation.7_lowered:
.L_overlay_start_0:
0x88: {  	s2 =	sld [smem:$0x3FD9]  }
0x89: {  	s3 =	sld [smem:$0x3FFE];
	_ =	sdelay $0x1  }
0x8a: {  	s1 =	srdreg.scid  }
0x8b: {  	s0 =	sand.u32 $0x1, s1  }
0x8c: {  	s17 =	sshll.u32 s0, $0xA;
	s2 =	sadd.s32 s3, s2  }
0x8d: {  	s2 =	sadd.s32 s2, s17  }
0x8e: {  	[smem:$0x3FBF] =	sst s2  }
0x8f: {  	_ = 	snop  }
0x90: {  	s2 =	sld [smem:$0x3FD0];
	(tm) =	ssettm $0x1  }
0x91: {  	s18 =	sld [smem:$0x3FFB];
	_ =	sdelay $0x3  }
0x92: {  	_ =	strace s18  }
0x93: {  	s3 =	sld [smem:$0x3FFC];
	_ =	sdelay $0x3  }
0x94: {  	_ =	strace s3  }
0x95: {  	s3 =	sld [smem:$0x3FFD];
	_ =	sdelay $0x3  }
0x96: {  	_ =	strace s3  }
0x97: {  	_ =	strace $0x8FFFFFFF  }
0x98: {  	s19 =	sld [smem:$0x3FDB];
	_ =	sdelay $0x1  }
0x99: {  	s4 =	simm.s32 $_scs_section_size  }
0x9a: {  	s5 =	simm.s32 $_size__tile_overlayer_lowered;
	s6 =	simm.s32 $_tile_overlayer_lowered  }
0x9b: {  	s22 =	simm.s32 $0x1BFF;
	s21 =	sshll.u32 s6, $0x1;
	s3 =	sadd.s32 s4, s19  }
0x9c: {  	s7 =	simm.s32 $0x0;
	s20 =	sshll.u32 s5, $0x1;
	s5 =	sadd.s32 s21, s3  }
0x9d: {  	[timem:s7], [sflag:s22] =	dma.local [hbm:s5], s20  }
0x9e: {  	_ =	swait.ge [sflag:s22], s20  }
0x9f: {  	s4 =	ssub.s32 $0x0, s20;
	[sflag:s22] =	ssyncset.done $0x0  }
0xa0: {  	[sflag:s22] =	ssyncadd.s32 s4;
	_ =	sdelay $0x1  }
0xa1: {  	s23 =	simm.s32 $0x1B8B  }
0xa2: {  	_ =	swait.ge [sflag:s23], $0x1  }
0xa3: {  	[sflag:s23] =	ssyncset.done $0x0  }
0xa4: {  	s25 =	simm.s32 $0x1B8E;
	s24 =	sld [smem:$0x3FFE];
	[sflag:s23] =	ssyncadd.s32 $0xFFFFFFFF  }
0xa5: {  	s26 =	simm.s32 $execute0_lowered;
	[smem:$0x3FD2] =	sst s25  }
0xa6: {  	s5 =	sshll.u32 s26, $0x1;
	_ =	strace $0x8000005B;
	[dreg:$0x1] =	wrdreg $0xFFFFFFFF  }
0xa7: {  	s28 =	simm.s32 $_size_execute0_lowered;
	s3 =	sadd.s32 s3, s5;
	[dreg:$0x0] =	wrdreg $0x0  }
0xa8: {  	s5 =	sshll.u32 s28, $0x1;
	[dreg:$0x2] =	wrdreg s3  }
0xa9: {  	[dreg:$0x3] =	wrdreg s5  }
0xaa: {  	[dreg:$0x4] =	wrdreg $0xC0  }
0xab: {  	_ =	task [dreg:s7], $0x5FFFF  }
0xac: {  	[dreg:$0x1] =	wrdreg $0xFFFFFFFF  }
0xad: {  	[dreg:$0x0] =	wrdreg $0x60  }
0xae: {  	[dreg:$0x2] =	wrdreg s24  }
0xaf: {  	[dreg:$0x3] =	wrdreg s2  }
0xb0: {  	[dreg:$0x4] =	wrdreg $0xEE000  }
0xb1: {  	[dreg:$0x5] =	wrdreg $0x50000  }
0xb2: {  	[dreg:$0x6] =	wrdreg $0x9  }
0xb3: {  	_ =	task.clear_ibuf [dreg:s7], $0x7FFFF;
	_ =	strace $0x9000005B  }
0xb4: {  	s29 =	simm.s32 $0x9;
	_ =	strace $0x8000005D  }
0xb5: {  	_ =	swait.ge [sflag:s29], $0x1  }
0xb6: {  	[sflag:s29] =	ssyncadd.s32 $0xFFFFFFFF  }
0xb7: {  	_ =	strace $0x9000005D  }
0xb8: {  	_ =	sfence  }
0xb9: {  	s30 =	sld [smem:$0x0];
	_ =	sdelay $0x2  }
0xba: {  	s31 =	sshll.u32 s1, $0xD;
	s1 =	sshrl.u32 s1, $0x2  }
0xbb: {  	s3 =	sand.u32 $0x4000, s31;
	s1 =	sadd.s32 s1, s30  }
0xbc: {  	s0 =	sor.u32 s3, s0;
	s1 =	sshll.u32 s1, $0x11  }
0xbd: {  	s0 =	sor.u32 s1, s0  }
0xbe: {  	s0 =	sadd.s32 $0x8F2B, s0  }
0xbf: {  	[sflag:s0] =	ssyncadd.remote.s32 $0x1  }
0xc0: {  	_ =	sfence.sel $0xFFFF  }
0xc1: {  	[dreg:$0x0] =	wrdreg $0xFFFFFFFF;
	(pc) =	sbr.abs _section_cstart, $3  }
0xc2: {  	[dreg:$0x1] =	wrdreg $0xFFFFFFFF  }
0xc3: {  	_ =	task.clear_ibuf [dreg:s7], $0x2FFFF;
	_ =	strace $0x9FFFFFFF  }
0xc4: {  	(tm) =	ssettm $0x7FFFFFFF  }
0xc5: {  	_ =	shalt  }
tec
execute0_lowered:
.L_overlay_start_1:
0x0: {  	(tag) =	ssettag $0x1  }
0x1: {  	s0 =	rddreg [dreg:$0x0]  }
0x2: {  	s2 =	rddreg [dreg:$0x1]  }
0x3: {  	s3 =	rddreg [dreg:$0x2]  }
0x4: {  	s4 =	rddreg [dreg:$0x3]  }
0x5: {  	s13 =	stileid.u32;
	s1 =	srdreg.scid;
	s5 =	simm.s32 $0x0  }
0x6: {  	s16 =	simm.s32 $0x4;
	s21 =	simm.s32 $0x3;
	s22 =	simm.s32 $0x80  }
0x7: {  	s28 =	simm.s32 $0x2;
	s29 =	simm.s32 $0x4F00;
	s30 =	simm.s32 $0x4F80  }
0x8: {  	s31 =	simm.s32 $0x0;
	s11 =	smul.u32 $0x9E00, s13;
	s1 =	sand.u32 $0x1, s1  }
0x9: {  	[smem:$0x7FF] =	sst s5;
	s6 =	sshll.u32 s13, $0x1;
	s14 =	sshll.u32 s13, $0x6  }
0xa: {  	s24 =	sshll.u32 s13, $0xD;
	p0 =	seq.s32 s13, $0xF;
	s7 =	smul.u32 $0x9E000, s1  }
0xb: {  	_ =	strace $0x8000005C;
	s6 =	sor.u32 s1, s6;
	s1 =	ssub.s32 $0x2, s1  }
0xc: {  	s8 =	sshrl.u32 s11, $0x3;
	s6 =	smul.u32 $0x500, s6;
	s23 =	sshrl.u32 s1, $0x1  }
0xd: {  	s12 =	sadd.s32 s11, s3;
	s25 =	sadd.s32 s11, s4;
	s7 =	sadd.s32 s11, s7  }
0xe: {  	s8 =	sadd.s32 s8, s0;
	s1 =	ssub.s32 s1, s23;
	s12 =	sshrl.u32 s12, $0x3  }
0xf: {  	s23 =	simm.s32 $0x18C00;
	s25 =	sshrl.u32 s25, $0x3;
	s7 =	sshrl.u32 s7, $0x3  }
0x10: {  	s9 =	sadd.s32 s6, s0;
	s6 =	sadd.s32 $0x27600, s8;
	s11 =	smax.u32 s1, $0x1  }
0x11: {  	s0 =	sadd.s32 s7, s0;
	s7 =	sor.u32 $0x1C03, s14;
	s8 =	sadd.s32 $0x1D600, s9  }
0x12: {  	s9 =	sadd.s32 $0x4800, s9;
	s10 =	sadd.s32 $0x3B200, s0;
	s0 =	sadd.s32 s24, s4  }
0x13: {  	s14 =	sor.u32 $0x1C04, s14;
	s24 =	simm.s32 $0x1AC00;
	s26 =	sadd.s32 $0x20000, s0  }
0x14: {  	s18 =	sadd.s32 $0x40000, s0;
	s19 =	sadd.s32 $0x60000, s0;
	s20 =	sadd.s32 $0x80000, s0  }
0x15: {  	s15 =	sshrl.u32 s0, $0x3;
	s17 =	sshrl.u32 s26, $0x3;
	s18 =	sshrl.u32 s18, $0x3  }
0x16: {  	s19 =	sshrl.u32 s19, $0x3;
	s20 =	sshrl.u32 @!p0 s20, $0x3;
	s26 =	simm.s32 $0x1  }
.LBB2_1:
0x17: {  	[spmem:s12], [sflag:s7] =	dma.local [hbm:s6], $0x13C0  }
0x18: {  	[tilespmem:s5], [sflag:$0x3] =	stream.linear.gather [hbm4b:s8+s5], $0x2800, $0x38;
	[tilespmem:$0x1CC00] =	vst v63  }
0x19: {  	s0 =	simm.s32 $0x2800  }
0x1a: {  	[tilespmem:s0], [sflag:$0x3] =	stream.linear.gather [hbm4b:s9+s5], $0x2800, $0x38;
	[tilespmem:$0x1CC00] =	vst v63  }
0x1b: {  	[spmem:s15], [sflag:s14] =	dma.local [hbm:s2], $0x400  }
0x1c: {  	_ =	swait.ge [sflag:s16], $0x400  }
0x1d: {  	[sflag:s16] =	ssyncset.done $0x0  }
0x1e: {  	[sflag:s16] =	ssyncadd.s32 $0xFFFFFC00  }
0x1f: {  	[spmem:s17], [sflag:s14] =	dma.local [hbm:s2], $0x400  }
0x20: {  	_ =	swait.ge [sflag:s16], $0x400  }
0x21: {  	[sflag:s16] =	ssyncset.done $0x0  }
0x22: {  	[sflag:s16] =	ssyncadd.s32 $0xFFFFFC00  }
0x23: {  	[spmem:s18], [sflag:s14] =	dma.local [hbm:s2], $0x400  }
0x24: {  	_ =	swait.ge [sflag:s16], $0x400  }
0x25: {  	[sflag:s16] =	ssyncset.done $0x0  }
0x26: {  	[sflag:s16] =	ssyncadd.s32 $0xFFFFFC00  }
0x27: {  	[spmem:s19], [sflag:s14] =	dma.local [hbm:s2], $0x400  }
0x28: {  	_ =	swait.ge [sflag:s16], $0x400  }
0x29: {  	[sflag:s16] =	ssyncset.done $0x0  }
0x2a: {  	s0 =	simm.s32 @!p0 $0x4;
	[sflag:s16] =	ssyncadd.s32 $0xFFFFFC00  }
0x2b: {  	[spmem:s20], [sflag:s14] =	dma.local @!p0 [hbm:s2], $0x400  }
0x2c: {  	_ =	swait.ge @!p0 [sflag:s0], $0x400  }
0x2d: {  	[sflag:s0] =	ssyncset.done @!p0 $0x0  }
0x2e: {  	[sflag:s0] =	ssyncadd.s32 @!p0 $0xFFFFFC00  }
0x2f: {  	_ =	swait.ge [sflag:s21], $0x13C0  }
0x30: {  	[sflag:s21] =	ssyncset.done $0x0  }
0x31: {  	[sflag:s21] =	ssyncadd.s32 $0xFFFFEC40  }
0x32: {  	_ =	swait.ge [sflag:s21], $0x2800  }
0x33: {  	[sflag:s21] =	ssyncset.done $0x0  }
0x34: {  	[sflag:s21] =	ssyncadd.s32 $0xFFFFD800  }
0x35: {  	_ =	swait.ge [sflag:s21], $0x2800  }
0x36: {  	[sflag:s21] =	ssyncset.done $0x0  }
0x37: {  	[sflag:s21] =	ssyncadd.s32 $0xFFFFD800  }
0x38: {  	[bflag:$0x0] =	sbarrier.arrive $0xFFFF  }
0x39: {  	[tilespmem:s23], [sflag:$0x1] =	stream.indirect.gather [spmem:s3], $0x40, s5, s22, $0xb8;
	[tilespmem:$0x1CC00] =	vst v63  }
0x3a: {  	_ = 	snop  }
0x3b: {  	[tilespmem:s24], [sflag:$0x2] =	stream.indirect.gather [spmem:s3], $0x40, s22, s22, $0xb8;
	[tilespmem:$0x1CC00] =	vst v63  }
0x3c: {  	_ =	swait.ge [sflag:s26], $0x2000  }
0x3d: {  	[sflag:s26] =	ssyncset.done $0x0  }
0x3e: {  	s13 =	simm.s32 $0x2800;
	[sflag:s26] =	ssyncadd.s32 $0xFFFFE000  }
0x3f: {  	[spmem:s4] =	stream.indirect.scatter.add.f32 [tilespmem:s23], [sflag:$0x4], $0x40, s13, s22, $0xb8;
	[tilespmem:$0x1CC00] =	vst v63  }
0x40: {  	_ =	swait.ge [sflag:s16], $0x2000  }
0x41: {  	[sflag:s16] =	ssyncset.done $0x0  }
0x42: {  	s1 =	simm.s32 $0x100;
	[sflag:s16] =	ssyncadd.s32 $0xFFFFE000  }
0x43: {  	[tilespmem:s23], [sflag:$0x1] =	stream.indirect.gather [spmem:s3], $0x40, s1, s22, $0xb8;
	[tilespmem:$0x1CC00] =	vst v63  }
0x44: {  	_ =	swait.ge [sflag:s28], $0x2000  }
0x45: {  	[sflag:s28] =	ssyncset.done $0x0  }
0x46: {  	s13 =	simm.s32 $0x2880;
	[sflag:s28] =	ssyncadd.s32 $0xFFFFE000  }
0x47: {  	[spmem:s4] =	stream.indirect.scatter.add.f32 [tilespmem:s24], [sflag:$0x4], $0x40, s13, s22, $0xb8;
	[tilespmem:$0x1CC00] =	vst v63  }
0x48: {  	_ =	swait.ge [sflag:s16], $0x2000  }
0x49: {  	[sflag:s16] =	ssyncset.done $0x0  }
0x4a: {  	s0 =	simm.s32 $0x400;
	s1 =	simm.s32 $0x180;
	[sflag:s16] =	ssyncadd.s32 $0xFFFFE000  }
.LBB2_2:
0x4b: {  	[tilespmem:s24], [sflag:$0x2] =	stream.indirect.gather [spmem:s3], $0x40, s1, s22, $0xb8;
	[tilespmem:$0x1CC00] =	vst v63  }
0x4c: {  	s1 =	smov.u32 s0  }
0x4d: {  	p1 =	sne.s32 s0, $0x9800;
	s0 =	sadd.s32 $0x400, s0;
	_ =	swait.ge [sflag:s26], $0x2000  }
0x4e: {  	s1 =	sshra.s32 s1, $0x2;
	[sflag:s26] =	ssyncset.done $0x0  }
0x4f: {  	s13 =	sadd.s32 $0x2800, s1;
	[sflag:s26] =	ssyncadd.s32 $0xFFFFE000  }
0x50: {  	[spmem:s4] =	stream.indirect.scatter.add.f32 [tilespmem:s23], [sflag:$0x4], $0x40, s13, s22, $0xb8;
	[tilespmem:$0x1CC00] =	vst v63  }
0x51: {  	_ =	swait.ge [sflag:s16], $0x2000  }
0x52: {  	[sflag:s16] =	ssyncset.done $0x0  }
0x53: {  	s13 =	sadd.s32 $0x100, s1;
	[sflag:s16] =	ssyncadd.s32 $0xFFFFE000  }
0x54: {  	[tilespmem:s23], [sflag:$0x1] =	stream.indirect.gather [spmem:s3], $0x40, s13, s22, $0xb8;
	[tilespmem:$0x1CC00] =	vst v63  }
0x55: {  	_ =	swait.ge [sflag:s28], $0x2000  }
0x56: {  	[sflag:s28] =	ssyncset.done $0x0  }
.Ltmp0:
0x57: {  	s13 =	sadd.s32 $0x2880, s1;
	[sflag:s28] =	ssyncadd.s32 $0xFFFFE000;
	(pc) =	sbr.rel @p1 .LBB2_2-.Ltmp0, $4  }
0x58: {  	[spmem:s4] =	stream.indirect.scatter.add.f32 [tilespmem:s24], [sflag:$0x4], $0x40, s13, s22, $0xb8;
	[tilespmem:$0x1CC00] =	vst v63  }
0x59: {  	_ =	swait.ge [sflag:s16], $0x2000  }
0x5a: {  	[sflag:s16] =	ssyncset.done $0x0  }
0x5b: {  	s1 =	sadd.s32 $0x180, s1;
	[sflag:s16] =	ssyncadd.s32 $0xFFFFE000  }
0x5c: {  	[tilespmem:s24], [sflag:$0x2] =	stream.indirect.gather [spmem:s3], $0x40, s1, s22, $0xb8;
	[tilespmem:$0x1CC00] =	vst v63  }
0x5d: {  	_ =	swait.ge [sflag:s26], $0x2000  }
0x5e: {  	[sflag:s26] =	ssyncset.done $0x0  }
0x5f: {  	[sflag:s26] =	ssyncadd.s32 $0xFFFFE000  }
0x60: {  	[spmem:s4] =	stream.indirect.scatter.add.f32 [tilespmem:s23], [sflag:$0x4], $0x40, s29, s22, $0xb8;
	[tilespmem:$0x1CC00] =	vst v63  }
0x61: {  	_ =	swait.ge [sflag:s16], $0x2000  }
0x62: {  	[sflag:s16] =	ssyncset.done $0x0  }
0x63: {  	[sflag:s16] =	ssyncadd.s32 $0xFFFFE000  }
0x64: {  	_ =	swait.ge [sflag:s28], $0x2000  }
0x65: {  	[sflag:s28] =	ssyncset.done $0x0  }
0x66: {  	[sflag:s28] =	ssyncadd.s32 $0xFFFFE000  }
0x67: {  	[spmem:s4] =	stream.indirect.scatter.add.f32 [tilespmem:s24], [sflag:$0x4], $0x40, s30, s22, $0xb8;
	[tilespmem:$0x1CC00] =	vst v63  }
0x68: {  	_ =	swait.ge [sflag:s16], $0x2000  }
0x69: {  	s31 =	sadd.s32 $0x1, s31;
	[sflag:s16] =	ssyncset.done $0x0  }
0x6a: {  	p1 =	sne.s32 s31, s11;
	[sflag:s16] =	ssyncadd.s32 $0xFFFFE000  }
.Ltmp1:
0x6b: {  	[bflag:$0x0] =	sbarrier.arrive $0xFFFF;
	(pc) =	sbr.rel @p1 .LBB2_1-.Ltmp1, $4  }
0x6c: {  	[hbm:s10], [sflag:s14] =	dma.local [spmem:s25], $0x13C0  }
0x6d: {  	_ =	swait.ge [sflag:s16], $0x13C0  }
0x6e: {  	[sflag:s16] =	ssyncset.done $0x0  }
0x6f: {  	[sflag:s16] =	ssyncadd.s32 $0xFFFFEC40  }
0x70: {  	_ =	sfence.sel $0x180000  }
0x71: {  	[bflag:$0x0] =	sbarrier.arrive $0xFFFF  }
0x72: {  	_ =	strace $0x9000005C  }
0x73: {  	s0 =	stileid.u32;
	[bflag:$0x2] =	sbarrier.arrive $0xFFFF  }
0x74: {  	p0 =	sne.s32 s0, $0x0;
	s0 =	rddreg [dreg:$0x4]  }
0x75: {  	s0 =	sadd.s32 @!p0 $0x100000, s0  }
0x76: {  	[sflag:s0] =	ssyncadd.tile.s32 @!p0 $0x1;
	_ =	shalt  }
.Lfunc_end2:
_tile_overlayer_lowered:
.L_overlay_start_2:
0x77: {  	(tag) =	ssettag $0x2  }
0x78: {  	s0 =	rddreg [dreg:$0x0];
	s2 =	stileid.u32  }
0x79: {  	s1 =	rddreg [dreg:$0x1];
	p0 =	sne.s32 s2, $0x0  }
0x7a: {  	s3 =	rddreg [dreg:$0x2];
	[bflag:$0x3] =	sbarrier.arrive $0xFFFF;
	s2 =	simm.s32 @!p0 $0x1C04  }
0x7b: {  	[timem:s3], [sflag:s2] =	dma.local @!p0 [hbm:s0], s1  }
0x7c: {  	s0 =	simm.s32 @!p0 $0x4  }
0x7d: {  	_ =	swait.ge @!p0 [sflag:s0], s1  }
0x7e: {  	s1 =	ssub.s32 @!p0 $0x0, s1;
	[sflag:s0] =	ssyncset.done @!p0 $0x0  }
0x7f: {  	[sflag:s0] =	ssyncadd.s32 @!p0 s1  }
0x80: {  	[bflag:$0x3] =	sbarrier.arrive $0xFFFF  }
0x81: {  	_ =	shalt  }

// kernel: kernel.49.cloned.1.call-start
scs
__scs_entry_jumppad:
0x0: {  	(pc) =	sbr.rel $0x88, $3  }
0x1: {  	(tag) =	ssettag $0x0;
	lr =	simm.s32 $0x1  }
0x2: {  	[smem:$0x3F98] =	sst lr;
	_ =	strace $0xD0000000  }
0x3: {  	_ = 	snop  }
0x4: {  	_ = 	snop  }
0x5: {  	_ = 	snop  }
0x6: {  	_ = 	snop  }
0x7: {  	_ = 	snop  }
__scs_overlays_trampoline_lowered:
0x8: {  	[smem:$0x3FA7] =	sst s0  }
0x9: {  	[smem:$0x3FA8] =	sst s1  }
0xa: {  	[smem:$0x3FA9] =	sst s2  }
0xb: {  	[smem:$0x3FAA] =	sst s3  }
0xc: {  	[smem:$0x3FAB] =	sst s4  }
0xd: {  	[smem:$0x3FAC] =	sst s5  }
0xe: {  	[smem:$0x3FAD] =	sst s6  }
0xf: {  	[smem:$0x3FAE] =	sst s7  }
0x10: {  	[smem:$0x3FAF] =	sst s8  }
0x11: {  	[smem:$0x3FB0] =	sst s9;
	s0 =	simm.s32 @!p0 $0x0  }
0x12: {  	s1 =	sld [smem:$0x3F96];
	s0 =	simm.s32 @p0 $0x1  }
0x13: {  	[smem:$0x3FB1] =	sst s0;
	s0 =	simm.s32 @!p1 $0x0  }
0x14: {  	s2 =	sld [smem:$0x3F95];
	s0 =	simm.s32 @p1 $0x1  }
0x15: {  	[smem:$0x3FB2] =	sst s0;
	s0 =	simm.s32 @!p2 $0x0  }
0x16: {  	s3 =	sld [smem:$0x3FDB];
	s0 =	simm.s32 @p2 $0x1  }
0x17: {  	s4 =	simm.s32 $0x1BF5;
	[smem:$0x3FB4] =	sst s0  }
0x18: {  	s0 =	sld [smem:$0x3F97];
	_ =	swait.ge [sflag:s4], $0x0  }
0x19: {  	s7 =	sld [smem:$0x3F98]  }
0x1a: {  	s8 =	sadd.s32 $0xFFFFE003, lr  }
0x1b: {  	s9 =	sadd.s32 $0xFFFFFEF7, lr;
	s5 =	simm.s32 $0xFFFFFFFF;
	p2 =	slt.u32 s8, $0xFFFFF086  }
0x1c: {  	p1 =	slt.u32 s9, $0xF7A;
	s5 =	simm.s32 @!p2 $0x0  }
0x1d: {  	s5 =	simm.s32 @p1 $0x1;
	p0 =	seq.s32 s7, s2  }
0x1e: {  	s7 =	smul.u32 @!p0 $0xF7A, s2;
	p2 =	seq.s32 @!p0 s5, $0x0  }
0x1f: {  	s9 =	smul.u32 $0xF7A, s1;
	s8 =	simm.s32 @!p0 $0x1BF5;
	p2 =	por !p2, p0  }
0x20: {  	[sflag:s8] =	ssyncset.s32 @!p0 $0xFFFFF086;
	s6 =	sadd.s32 @!p0 s3, s7;
	s7 =	simm.s32 @!p0 $0x108  }
0x21: {  	s3 =	sadd.s32 s3, s9;
	s6 =	sadd.s32 @!p0 $0x88, s6;
	s7 =	simm.s32 @p2 $0x1082  }
0x22: {  	[simem:s7], [sflag:s8] =	dma.local @!p0 [hbm:s6], $0xF7A  }
0x23: {  	s9 =	sor.u32 $0xD0000000, s2;
	s6 =	simm.s32 $0x108;
	_ =	swait.ge @!p0 [sflag:s8], $0x0  }
0x24: {  	s3 =	sadd.s32 $0x88, s3;
	s6 =	simm.s32 @!p1 $0x1082;
	[sflag:s4] =	ssyncset.s32 $0xFFFFF086  }
0x25: {  	[simem:s6], [sflag:s4] =	dma.local [hbm:s3], $0xF7A  }
0x26: {  	[smem:$0x3F98] =	sst s1;
	(tag) =	ssettag s2;
	_ =	strace s9  }
0x27: {  	s1 =	sld [smem:$0x3FA8]  }
0x28: {  	s2 =	sld [smem:$0x3FA9]  }
0x29: {  	s4 =	sld [smem:$0x3FAB]  }
0x2a: {  	p0 =	seq.s32 s5, $0x0;
	s5 =	sld [smem:$0x3FAC]  }
0x2b: {  	s6 =	sld [smem:$0x3FAD]  }
0x2c: {  	s7 =	sld [smem:$0x3FAE]  }
0x2d: {  	s3 =	simm.s32 $0x108;
	s8 =	sld [smem:$0x3FAF]  }
0x2e: {  	s3 =	simm.s32 @!p0 $0x1082;
	s9 =	sld [smem:$0x3FB0]  }
0x2f: {  	lr =	sadd.s32 s0, s3;
	s0 =	sld [smem:$0x3FA7]  }
0x30: {  	s3 =	sld [smem:$0x3FAA]  }
0x31: {  	[smem:$0x3FB3] =	sst s10  }
0x32: {  	s10 =	sld [smem:$0x3FB1];
	_ =	sdelay $0x3  }
0x33: {  	p0 =	seq.s32 s10, $0x1;
	s10 =	sld [smem:$0x3FB3];
	_ =	sdelay $0x3  }
0x34: {  	[smem:$0x3FB3] =	sst s10  }
0x35: {  	s10 =	sld [smem:$0x3FB2];
	_ =	sdelay $0x3  }
0x36: {  	p1 =	seq.s32 s10, $0x1;
	s10 =	sld [smem:$0x3FB3];
	_ =	sdelay $0x3  }
0x37: {  	[smem:$0x3FB3] =	sst s10  }
0x38: {  	s10 =	sld [smem:$0x3FB4]  }
0x39: {  	_ = 	snop;
	(pc) =	sbr.ind lr, $3  }
0x3a: {  	_ = 	snop  }
0x3b: {  	_ = 	snop  }
0x3c: {  	p2 =	seq.s32 s10, $0x1;
	s10 =	sld [smem:$0x3FB3]  }
0x3d: {  	_ =	shalt  }
0x3e: {  	_ =	shalt  }
0x3f: {  	_ =	shalt  }
0x40: {  	_ =	shalt  }
0x41: {  	_ =	shalt  }
0x42: {  	_ =	shalt  }
0x43: {  	_ =	shalt  }
0x44: {  	_ =	shalt  }
0x45: {  	_ =	shalt  }
0x46: {  	_ =	shalt  }
0x47: {  	_ =	shalt  }
0x48: {  	_ =	shalt  }
0x49: {  	_ =	shalt  }
0x4a: {  	_ =	shalt  }
0x4b: {  	_ =	shalt  }
0x4c: {  	_ =	shalt  }
0x4d: {  	_ =	shalt  }
0x4e: {  	_ =	shalt  }
0x4f: {  	_ =	shalt  }
0x50: {  	_ =	shalt  }
0x51: {  	_ =	shalt  }
0x52: {  	_ =	shalt  }
0x53: {  	_ =	shalt  }
0x54: {  	_ =	shalt  }
0x55: {  	_ =	shalt  }
0x56: {  	_ =	shalt  }
0x57: {  	_ =	shalt  }
0x58: {  	_ =	shalt  }
0x59: {  	_ =	shalt  }
0x5a: {  	_ =	shalt  }
0x5b: {  	_ =	shalt  }
0x5c: {  	_ =	shalt  }
0x5d: {  	_ =	shalt  }
0x5e: {  	_ =	shalt  }
0x5f: {  	_ =	shalt  }
0x60: {  	_ =	shalt  }
0x61: {  	_ =	shalt  }
0x62: {  	_ =	shalt  }
0x63: {  	_ =	shalt  }
0x64: {  	_ =	shalt  }
0x65: {  	_ =	shalt  }
0x66: {  	_ =	shalt  }
0x67: {  	_ =	shalt  }
0x68: {  	_ =	shalt  }
0x69: {  	_ =	shalt  }
0x6a: {  	_ =	shalt  }
0x6b: {  	_ =	shalt  }
0x6c: {  	_ =	shalt  }
0x6d: {  	_ =	shalt  }
0x6e: {  	_ =	shalt  }
0x6f: {  	_ =	shalt  }
0x70: {  	_ =	shalt  }
0x71: {  	_ =	shalt  }
0x72: {  	_ =	shalt  }
0x73: {  	_ =	shalt  }
0x74: {  	_ =	shalt  }
0x75: {  	_ =	shalt  }
0x76: {  	_ =	shalt  }
0x77: {  	_ =	shalt  }
0x78: {  	_ =	shalt  }
0x79: {  	_ =	shalt  }
0x7a: {  	_ =	shalt  }
0x7b: {  	_ =	shalt  }
0x7c: {  	_ =	shalt  }
0x7d: {  	_ =	shalt  }
0x7e: {  	_ =	shalt  }
0x7f: {  	_ =	shalt  }
0x80: {  	_ =	shalt  }
0x81: {  	_ =	shalt  }
0x82: {  	_ =	shalt  }
0x83: {  	_ =	shalt  }
0x84: {  	_ =	shalt  }
0x85: {  	_ =	shalt  }
0x86: {  	_ =	shalt  }
0x87: {  	_ =	shalt  }
.Lfunc_end0:
.L_simem_size_0:
called_computation.8_lowered:
.L_overlay_start_0:
0x88: {  	s2 =	sld [smem:$0x3FD9]  }
0x89: {  	s3 =	sld [smem:$0x3FFE];
	_ =	sdelay $0x1  }
0x8a: {  	s1 =	srdreg.scid  }
0x8b: {  	s0 =	sand.u32 $0x1, s1  }
0x8c: {  	s17 =	sshll.u32 s0, $0xA;
	s2 =	sadd.s32 s3, s2  }
0x8d: {  	s2 =	sadd.s32 s2, s17  }
0x8e: {  	[smem:$0x3FBF] =	sst s2  }
0x8f: {  	_ = 	snop  }
0x90: {  	s2 =	sld [smem:$0x3FD0];
	(tm) =	ssettm $0x1  }
0x91: {  	s18 =	sld [smem:$0x3FFB];
	_ =	sdelay $0x3  }
0x92: {  	_ =	strace s18  }
0x93: {  	s3 =	sld [smem:$0x3FFC];
	_ =	sdelay $0x3  }
0x94: {  	_ =	strace s3  }
0x95: {  	s3 =	sld [smem:$0x3FFD];
	_ =	sdelay $0x3  }
0x96: {  	_ =	strace s3  }
0x97: {  	_ =	strace $0x8FFFFFFF  }
0x98: {  	s19 =	sld [smem:$0x3FDB];
	_ =	sdelay $0x1  }
0x99: {  	s4 =	simm.s32 $_scs_section_size  }
0x9a: {  	s5 =	simm.s32 $_size__tile_overlayer_lowered;
	s6 =	simm.s32 $_tile_overlayer_lowered  }
0x9b: {  	s22 =	simm.s32 $0x1BFF;
	s21 =	sshll.u32 s6, $0x1;
	s3 =	sadd.s32 s4, s19  }
0x9c: {  	s7 =	simm.s32 $0x0;
	s20 =	sshll.u32 s5, $0x1;
	s5 =	sadd.s32 s21, s3  }
0x9d: {  	[timem:s7], [sflag:s22] =	dma.local [hbm:s5], s20  }
0x9e: {  	_ =	swait.ge [sflag:s22], s20  }
0x9f: {  	s4 =	ssub.s32 $0x0, s20;
	[sflag:s22] =	ssyncset.done $0x0  }
0xa0: {  	[sflag:s22] =	ssyncadd.s32 s4;
	_ =	sdelay $0x1  }
0xa1: {  	s23 =	simm.s32 $0x1B8B  }
0xa2: {  	_ =	swait.ge [sflag:s23], $0x1  }
0xa3: {  	[sflag:s23] =	ssyncset.done $0x0  }
0xa4: {  	s25 =	simm.s32 $0x1B8E;
	s24 =	sld [smem:$0x3FFE];
	[sflag:s23] =	ssyncadd.s32 $0xFFFFFFFF  }
0xa5: {  	s26 =	simm.s32 $execute0_lowered;
	[smem:$0x3FD2] =	sst s25  }
0xa6: {  	s5 =	sshll.u32 s26, $0x1;
	_ =	strace $0x8000005E;
	[dreg:$0x1] =	wrdreg $0xFFFFFFFF  }
0xa7: {  	s28 =	simm.s32 $_size_execute0_lowered;
	s3 =	sadd.s32 s3, s5;
	[dreg:$0x0] =	wrdreg $0x0  }
0xa8: {  	s5 =	sshll.u32 s28, $0x1;
	[dreg:$0x2] =	wrdreg s3  }
0xa9: {  	[dreg:$0x3] =	wrdreg s5  }
0xaa: {  	[dreg:$0x4] =	wrdreg $0xC0  }
0xab: {  	_ =	task [dreg:s7], $0x5FFFF  }
0xac: {  	[dreg:$0x1] =	wrdreg $0xFFFFFFFF  }
0xad: {  	[dreg:$0x0] =	wrdreg $0x60  }
0xae: {  	[dreg:$0x2] =	wrdreg s24  }
0xaf: {  	[dreg:$0x3] =	wrdreg s2  }
0xb0: {  	[dreg:$0x4] =	wrdreg $0xEE000  }
0xb1: {  	[dreg:$0x5] =	wrdreg $0x50000  }
0xb2: {  	[dreg:$0x6] =	wrdreg $0x9  }
0xb3: {  	_ =	task.clear_ibuf [dreg:s7], $0x7FFFF;
	_ =	strace $0x9000005E  }
0xb4: {  	s29 =	simm.s32 $0x9;
	_ =	strace $0x80000060  }
0xb5: {  	_ =	swait.ge [sflag:s29], $0x1  }
0xb6: {  	[sflag:s29] =	ssyncadd.s32 $0xFFFFFFFF  }
0xb7: {  	_ =	strace $0x90000060  }
0xb8: {  	_ =	sfence  }
0xb9: {  	s30 =	sld [smem:$0x0];
	_ =	sdelay $0x2  }
0xba: {  	s31 =	sshll.u32 s1, $0xD;
	s1 =	sshrl.u32 s1, $0x2  }
0xbb: {  	s3 =	sand.u32 $0x4000, s31;
	s1 =	sadd.s32 s1, s30  }
0xbc: {  	s0 =	sor.u32 s3, s0;
	s1 =	sshll.u32 s1, $0x11  }
0xbd: {  	s0 =	sor.u32 s1, s0  }
0xbe: {  	s0 =	sadd.s32 $0x8F2B, s0  }
0xbf: {  	[sflag:s0] =	ssyncadd.remote.s32 $0x1  }
0xc0: {  	_ =	sfence.sel $0xFFFF  }
0xc1: {  	[dreg:$0x0] =	wrdreg $0xFFFFFFFF;
	(pc) =	sbr.abs _section_cstart, $3  }
0xc2: {  	[dreg:$0x1] =	wrdreg $0xFFFFFFFF  }
0xc3: {  	_ =	task.clear_ibuf [dreg:s7], $0x2FFFF;
	_ =	strace $0x9FFFFFFF  }
0xc4: {  	(tm) =	ssettm $0x7FFFFFFF  }
0xc5: {  	_ =	shalt  }
tec
execute0_lowered:
.L_overlay_start_1:
0x0: {  	(tag) =	ssettag $0x1  }
0x1: {  	s0 =	rddreg [dreg:$0x0]  }
0x2: {  	s2 =	rddreg [dreg:$0x1]  }
0x3: {  	s3 =	rddreg [dreg:$0x2]  }
0x4: {  	s4 =	rddreg [dreg:$0x3]  }
0x5: {  	s13 =	stileid.u32;
	s1 =	srdreg.scid;
	s5 =	simm.s32 $0x0  }
0x6: {  	s16 =	simm.s32 $0x4;
	s21 =	simm.s32 $0x3;
	s22 =	simm.s32 $0x80  }
0x7: {  	s28 =	simm.s32 $0x2;
	s29 =	simm.s32 $0x4F00;
	s30 =	simm.s32 $0x4F80  }
0x8: {  	s31 =	simm.s32 $0x0;
	s11 =	smul.u32 $0x9E00, s13;
	s1 =	sand.u32 $0x1, s1  }
0x9: {  	[smem:$0x7FF] =	sst s5;
	s6 =	sshll.u32 s13, $0x1;
	s14 =	sshll.u32 s13, $0x6  }
0xa: {  	s24 =	sshll.u32 s13, $0xD;
	p0 =	seq.s32 s13, $0xF;
	s7 =	smul.u32 $0x9E000, s1  }
0xb: {  	_ =	strace $0x8000005F;
	s6 =	sor.u32 s1, s6;
	s1 =	ssub.s32 $0x2, s1  }
0xc: {  	s8 =	sshrl.u32 s11, $0x3;
	s6 =	smul.u32 $0x500, s6;
	s23 =	sshrl.u32 s1, $0x1  }
0xd: {  	s12 =	sadd.s32 s11, s3;
	s25 =	sadd.s32 s11, s4;
	s7 =	sadd.s32 s11, s7  }
0xe: {  	s8 =	sadd.s32 s8, s0;
	s1 =	ssub.s32 s1, s23;
	s12 =	sshrl.u32 s12, $0x3  }
0xf: {  	s23 =	simm.s32 $0x18C00;
	s25 =	sshrl.u32 s25, $0x3;
	s7 =	sshrl.u32 s7, $0x3  }
0x10: {  	s9 =	sadd.s32 s6, s0;
	s6 =	sadd.s32 $0x27600, s8;
	s11 =	smax.u32 s1, $0x1  }
0x11: {  	s0 =	sadd.s32 s7, s0;
	s7 =	sor.u32 $0x1C03, s14;
	s8 =	sadd.s32 $0x1D600, s9  }
0x12: {  	s9 =	sadd.s32 $0x4800, s9;
	s10 =	sadd.s32 $0x3B200, s0;
	s0 =	sadd.s32 s24, s4  }
0x13: {  	s14 =	sor.u32 $0x1C04, s14;
	s24 =	simm.s32 $0x1AC00;
	s26 =	sadd.s32 $0x20000, s0  }
0x14: {  	s18 =	sadd.s32 $0x40000, s0;
	s19 =	sadd.s32 $0x60000, s0;
	s20 =	sadd.s32 $0x80000, s0  }
0x15: {  	s15 =	sshrl.u32 s0, $0x3;
	s17 =	sshrl.u32 s26, $0x3;
	s18 =	sshrl.u32 s18, $0x3  }
0x16: {  	s19 =	sshrl.u32 s19, $0x3;
	s20 =	sshrl.u32 @!p0 s20, $0x3;
	s26 =	simm.s32 $0x1  }
.LBB2_1:
0x17: {  	[spmem:s12], [sflag:s7] =	dma.local [hbm:s6], $0x13C0  }
0x18: {  	[tilespmem:s5], [sflag:$0x3] =	stream.linear.gather [hbm4b:s8+s5], $0x2800, $0x38;
	[tilespmem:$0x1CC00] =	vst v63  }
0x19: {  	s0 =	simm.s32 $0x2800  }
0x1a: {  	[tilespmem:s0], [sflag:$0x3] =	stream.linear.gather [hbm4b:s9+s5], $0x2800, $0x38;
	[tilespmem:$0x1CC00] =	vst v63  }
0x1b: {  	[spmem:s15], [sflag:s14] =	dma.local [hbm:s2], $0x400  }
0x1c: {  	_ =	swait.ge [sflag:s16], $0x400  }
0x1d: {  	[sflag:s16] =	ssyncset.done $0x0  }
0x1e: {  	[sflag:s16] =	ssyncadd.s32 $0xFFFFFC00  }
0x1f: {  	[spmem:s17], [sflag:s14] =	dma.local [hbm:s2], $0x400  }
0x20: {  	_ =	swait.ge [sflag:s16], $0x400  }
0x21: {  	[sflag:s16] =	ssyncset.done $0x0  }
0x22: {  	[sflag:s16] =	ssyncadd.s32 $0xFFFFFC00  }
0x23: {  	[spmem:s18], [sflag:s14] =	dma.local [hbm:s2], $0x400  }
0x24: {  	_ =	swait.ge [sflag:s16], $0x400  }
0x25: {  	[sflag:s16] =	ssyncset.done $0x0  }
0x26: {  	[sflag:s16] =	ssyncadd.s32 $0xFFFFFC00  }
0x27: {  	[spmem:s19], [sflag:s14] =	dma.local [hbm:s2], $0x400  }
0x28: {  	_ =	swait.ge [sflag:s16], $0x400  }
0x29: {  	[sflag:s16] =	ssyncset.done $0x0  }
0x2a: {  	s0 =	simm.s32 @!p0 $0x4;
	[sflag:s16] =	ssyncadd.s32 $0xFFFFFC00  }
0x2b: {  	[spmem:s20], [sflag:s14] =	dma.local @!p0 [hbm:s2], $0x400  }
0x2c: {  	_ =	swait.ge @!p0 [sflag:s0], $0x400  }
0x2d: {  	[sflag:s0] =	ssyncset.done @!p0 $0x0  }
0x2e: {  	[sflag:s0] =	ssyncadd.s32 @!p0 $0xFFFFFC00  }
0x2f: {  	_ =	swait.ge [sflag:s21], $0x13C0  }
0x30: {  	[sflag:s21] =	ssyncset.done $0x0  }
0x31: {  	[sflag:s21] =	ssyncadd.s32 $0xFFFFEC40  }
0x32: {  	_ =	swait.ge [sflag:s21], $0x2800  }
0x33: {  	[sflag:s21] =	ssyncset.done $0x0  }
0x34: {  	[sflag:s21] =	ssyncadd.s32 $0xFFFFD800  }
0x35: {  	_ =	swait.ge [sflag:s21], $0x2800  }
0x36: {  	[sflag:s21] =	ssyncset.done $0x0  }
0x37: {  	[sflag:s21] =	ssyncadd.s32 $0xFFFFD800  }
0x38: {  	[bflag:$0x0] =	sbarrier.arrive $0xFFFF  }
0x39: {  	[tilespmem:s23], [sflag:$0x1] =	stream.indirect.gather [spmem:s3], $0x40, s5, s22, $0xb8;
	[tilespmem:$0x1CC00] =	vst v63  }
0x3a: {  	_ = 	snop  }
0x3b: {  	[tilespmem:s24], [sflag:$0x2] =	stream.indirect.gather [spmem:s3], $0x40, s22, s22, $0xb8;
	[tilespmem:$0x1CC00] =	vst v63  }
0x3c: {  	_ =	swait.ge [sflag:s26], $0x2000  }
0x3d: {  	[sflag:s26] =	ssyncset.done $0x0  }
0x3e: {  	s13 =	simm.s32 $0x2800;
	[sflag:s26] =	ssyncadd.s32 $0xFFFFE000  }
0x3f: {  	[spmem:s4] =	stream.indirect.scatter.add.f32 [tilespmem:s23], [sflag:$0x4], $0x40, s13, s22, $0xb8;
	[tilespmem:$0x1CC00] =	vst v63  }
0x40: {  	_ =	swait.ge [sflag:s16], $0x2000  }
0x41: {  	[sflag:s16] =	ssyncset.done $0x0  }
0x42: {  	s1 =	simm.s32 $0x100;
	[sflag:s16] =	ssyncadd.s32 $0xFFFFE000  }
0x43: {  	[tilespmem:s23], [sflag:$0x1] =	stream.indirect.gather [spmem:s3], $0x40, s1, s22, $0xb8;
	[tilespmem:$0x1CC00] =	vst v63  }
0x44: {  	_ =	swait.ge [sflag:s28], $0x2000  }
0x45: {  	[sflag:s28] =	ssyncset.done $0x0  }
0x46: {  	s13 =	simm.s32 $0x2880;
	[sflag:s28] =	ssyncadd.s32 $0xFFFFE000  }
0x47: {  	[spmem:s4] =	stream.indirect.scatter.add.f32 [tilespmem:s24], [sflag:$0x4], $0x40, s13, s22, $0xb8;
	[tilespmem:$0x1CC00] =	vst v63  }
0x48: {  	_ =	swait.ge [sflag:s16], $0x2000  }
0x49: {  	[sflag:s16] =	ssyncset.done $0x0  }
0x4a: {  	s0 =	simm.s32 $0x400;
	s1 =	simm.s32 $0x180;
	[sflag:s16] =	ssyncadd.s32 $0xFFFFE000  }
.LBB2_2:
0x4b: {  	[tilespmem:s24], [sflag:$0x2] =	stream.indirect.gather [spmem:s3], $0x40, s1, s22, $0xb8;
	[tilespmem:$0x1CC00] =	vst v63  }
0x4c: {  	s1 =	smov.u32 s0  }
0x4d: {  	p1 =	sne.s32 s0, $0x9800;
	s0 =	sadd.s32 $0x400, s0;
	_ =	swait.ge [sflag:s26], $0x2000  }
0x4e: {  	s1 =	sshra.s32 s1, $0x2;
	[sflag:s26] =	ssyncset.done $0x0  }
0x4f: {  	s13 =	sadd.s32 $0x2800, s1;
	[sflag:s26] =	ssyncadd.s32 $0xFFFFE000  }
0x50: {  	[spmem:s4] =	stream.indirect.scatter.add.f32 [tilespmem:s23], [sflag:$0x4], $0x40, s13, s22, $0xb8;
	[tilespmem:$0x1CC00] =	vst v63  }
0x51: {  	_ =	swait.ge [sflag:s16], $0x2000  }
0x52: {  	[sflag:s16] =	ssyncset.done $0x0  }
0x53: {  	s13 =	sadd.s32 $0x100, s1;
	[sflag:s16] =	ssyncadd.s32 $0xFFFFE000  }
0x54: {  	[tilespmem:s23], [sflag:$0x1] =	stream.indirect.gather [spmem:s3], $0x40, s13, s22, $0xb8;
	[tilespmem:$0x1CC00] =	vst v63  }
0x55: {  	_ =	swait.ge [sflag:s28], $0x2000  }
0x56: {  	[sflag:s28] =	ssyncset.done $0x0  }
.Ltmp0:
0x57: {  	s13 =	sadd.s32 $0x2880, s1;
	[sflag:s28] =	ssyncadd.s32 $0xFFFFE000;
	(pc) =	sbr.rel @p1 .LBB2_2-.Ltmp0, $4  }
0x58: {  	[spmem:s4] =	stream.indirect.scatter.add.f32 [tilespmem:s24], [sflag:$0x4], $0x40, s13, s22, $0xb8;
	[tilespmem:$0x1CC00] =	vst v63  }
0x59: {  	_ =	swait.ge [sflag:s16], $0x2000  }
0x5a: {  	[sflag:s16] =	ssyncset.done $0x0  }
0x5b: {  	s1 =	sadd.s32 $0x180, s1;
	[sflag:s16] =	ssyncadd.s32 $0xFFFFE000  }
0x5c: {  	[tilespmem:s24], [sflag:$0x2] =	stream.indirect.gather [spmem:s3], $0x40, s1, s22, $0xb8;
	[tilespmem:$0x1CC00] =	vst v63  }
0x5d: {  	_ =	swait.ge [sflag:s26], $0x2000  }
0x5e: {  	[sflag:s26] =	ssyncset.done $0x0  }
0x5f: {  	[sflag:s26] =	ssyncadd.s32 $0xFFFFE000  }
0x60: {  	[spmem:s4] =	stream.indirect.scatter.add.f32 [tilespmem:s23], [sflag:$0x4], $0x40, s29, s22, $0xb8;
	[tilespmem:$0x1CC00] =	vst v63  }
0x61: {  	_ =	swait.ge [sflag:s16], $0x2000  }
0x62: {  	[sflag:s16] =	ssyncset.done $0x0  }
0x63: {  	[sflag:s16] =	ssyncadd.s32 $0xFFFFE000  }
0x64: {  	_ =	swait.ge [sflag:s28], $0x2000  }
0x65: {  	[sflag:s28] =	ssyncset.done $0x0  }
0x66: {  	[sflag:s28] =	ssyncadd.s32 $0xFFFFE000  }
0x67: {  	[spmem:s4] =	stream.indirect.scatter.add.f32 [tilespmem:s24], [sflag:$0x4], $0x40, s30, s22, $0xb8;
	[tilespmem:$0x1CC00] =	vst v63  }
0x68: {  	_ =	swait.ge [sflag:s16], $0x2000  }
0x69: {  	s31 =	sadd.s32 $0x1, s31;
	[sflag:s16] =	ssyncset.done $0x0  }
0x6a: {  	p1 =	sne.s32 s31, s11;
	[sflag:s16] =	ssyncadd.s32 $0xFFFFE000  }
.Ltmp1:
0x6b: {  	[bflag:$0x0] =	sbarrier.arrive $0xFFFF;
	(pc) =	sbr.rel @p1 .LBB2_1-.Ltmp1, $4  }
0x6c: {  	[hbm:s10], [sflag:s14] =	dma.local [spmem:s25], $0x13C0  }
0x6d: {  	_ =	swait.ge [sflag:s16], $0x13C0  }
0x6e: {  	[sflag:s16] =	ssyncset.done $0x0  }
0x6f: {  	[sflag:s16] =	ssyncadd.s32 $0xFFFFEC40  }
0x70: {  	_ =	sfence.sel $0x180000  }
0x71: {  	[bflag:$0x0] =	sbarrier.arrive $0xFFFF  }
0x72: {  	_ =	strace $0x9000005F  }
0x73: {  	s0 =	stileid.u32;
	[bflag:$0x2] =	sbarrier.arrive $0xFFFF  }
0x74: {  	p0 =	sne.s32 s0, $0x0;
	s0 =	rddreg [dreg:$0x4]  }
0x75: {  	s0 =	sadd.s32 @!p0 $0x100000, s0  }
0x76: {  	[sflag:s0] =	ssyncadd.tile.s32 @!p0 $0x1;
	_ =	shalt  }
.Lfunc_end2:
_tile_overlayer_lowered:
.L_overlay_start_2:
0x77: {  	(tag) =	ssettag $0x2  }
0x78: {  	s0 =	rddreg [dreg:$0x0];
	s2 =	stileid.u32  }
0x79: {  	s1 =	rddreg [dreg:$0x1];
	p0 =	sne.s32 s2, $0x0  }
0x7a: {  	s3 =	rddreg [dreg:$0x2];
	[bflag:$0x3] =	sbarrier.arrive $0xFFFF;
	s2 =	simm.s32 @!p0 $0x1C04  }
0x7b: {  	[timem:s3], [sflag:s2] =	dma.local @!p0 [hbm:s0], s1  }
0x7c: {  	s0 =	simm.s32 @!p0 $0x4  }
0x7d: {  	_ =	swait.ge @!p0 [sflag:s0], s1  }
0x7e: {  	s1 =	ssub.s32 @!p0 $0x0, s1;
	[sflag:s0] =	ssyncset.done @!p0 $0x0  }
0x7f: {  	[sflag:s0] =	ssyncadd.s32 @!p0 s1  }
0x80: {  	[bflag:$0x3] =	sbarrier.arrive $0xFFFF  }
0x81: {  	_ =	shalt  }

// kernel: kernel.52.cloned.1.call-start
scs
__scs_entry_jumppad:
0x0: {  	(pc) =	sbr.rel $0x88, $3  }
0x1: {  	(tag) =	ssettag $0x0;
	lr =	simm.s32 $0x1  }
0x2: {  	[smem:$0x3F98] =	sst lr;
	_ =	strace $0xD0000000  }
0x3: {  	_ = 	snop  }
0x4: {  	_ = 	snop  }
0x5: {  	_ = 	snop  }
0x6: {  	_ = 	snop  }
0x7: {  	_ = 	snop  }
__scs_overlays_trampoline_lowered:
0x8: {  	[smem:$0x3FA7] =	sst s0  }
0x9: {  	[smem:$0x3FA8] =	sst s1  }
0xa: {  	[smem:$0x3FA9] =	sst s2  }
0xb: {  	[smem:$0x3FAA] =	sst s3  }
0xc: {  	[smem:$0x3FAB] =	sst s4  }
0xd: {  	[smem:$0x3FAC] =	sst s5  }
0xe: {  	[smem:$0x3FAD] =	sst s6  }
0xf: {  	[smem:$0x3FAE] =	sst s7  }
0x10: {  	[smem:$0x3FAF] =	sst s8  }
0x11: {  	[smem:$0x3FB0] =	sst s9;
	s0 =	simm.s32 @!p0 $0x0  }
0x12: {  	s1 =	sld [smem:$0x3F96];
	s0 =	simm.s32 @p0 $0x1  }
0x13: {  	[smem:$0x3FB1] =	sst s0;
	s0 =	simm.s32 @!p1 $0x0  }
0x14: {  	s2 =	sld [smem:$0x3F95];
	s0 =	simm.s32 @p1 $0x1  }
0x15: {  	[smem:$0x3FB2] =	sst s0;
	s0 =	simm.s32 @!p2 $0x0  }
0x16: {  	s3 =	sld [smem:$0x3FDB];
	s0 =	simm.s32 @p2 $0x1  }
0x17: {  	s4 =	simm.s32 $0x1BF5;
	[smem:$0x3FB4] =	sst s0  }
0x18: {  	s0 =	sld [smem:$0x3F97];
	_ =	swait.ge [sflag:s4], $0x0  }
0x19: {  	s7 =	sld [smem:$0x3F98]  }
0x1a: {  	s8 =	sadd.s32 $0xFFFFE003, lr  }
0x1b: {  	s9 =	sadd.s32 $0xFFFFFEF7, lr;
	s5 =	simm.s32 $0xFFFFFFFF;
	p2 =	slt.u32 s8, $0xFFFFF086  }
0x1c: {  	p1 =	slt.u32 s9, $0xF7A;
	s5 =	simm.s32 @!p2 $0x0  }
0x1d: {  	s5 =	simm.s32 @p1 $0x1;
	p0 =	seq.s32 s7, s2  }
0x1e: {  	s7 =	smul.u32 @!p0 $0xF7A, s2;
	p2 =	seq.s32 @!p0 s5, $0x0  }
0x1f: {  	s9 =	smul.u32 $0xF7A, s1;
	s8 =	simm.s32 @!p0 $0x1BF5;
	p2 =	por !p2, p0  }
0x20: {  	[sflag:s8] =	ssyncset.s32 @!p0 $0xFFFFF086;
	s6 =	sadd.s32 @!p0 s3, s7;
	s7 =	simm.s32 @!p0 $0x108  }
0x21: {  	s3 =	sadd.s32 s3, s9;
	s6 =	sadd.s32 @!p0 $0x88, s6;
	s7 =	simm.s32 @p2 $0x1082  }
0x22: {  	[simem:s7], [sflag:s8] =	dma.local @!p0 [hbm:s6], $0xF7A  }
0x23: {  	s9 =	sor.u32 $0xD0000000, s2;
	s6 =	simm.s32 $0x108;
	_ =	swait.ge @!p0 [sflag:s8], $0x0  }
0x24: {  	s3 =	sadd.s32 $0x88, s3;
	s6 =	simm.s32 @!p1 $0x1082;
	[sflag:s4] =	ssyncset.s32 $0xFFFFF086  }
0x25: {  	[simem:s6], [sflag:s4] =	dma.local [hbm:s3], $0xF7A  }
0x26: {  	[smem:$0x3F98] =	sst s1;
	(tag) =	ssettag s2;
	_ =	strace s9  }
0x27: {  	s1 =	sld [smem:$0x3FA8]  }
0x28: {  	s2 =	sld [smem:$0x3FA9]  }
0x29: {  	s4 =	sld [smem:$0x3FAB]  }
0x2a: {  	p0 =	seq.s32 s5, $0x0;
	s5 =	sld [smem:$0x3FAC]  }
0x2b: {  	s6 =	sld [smem:$0x3FAD]  }
0x2c: {  	s7 =	sld [smem:$0x3FAE]  }
0x2d: {  	s3 =	simm.s32 $0x108;
	s8 =	sld [smem:$0x3FAF]  }
0x2e: {  	s3 =	simm.s32 @!p0 $0x1082;
	s9 =	sld [smem:$0x3FB0]  }
0x2f: {  	lr =	sadd.s32 s0, s3;
	s0 =	sld [smem:$0x3FA7]  }
0x30: {  	s3 =	sld [smem:$0x3FAA]  }
0x31: {  	[smem:$0x3FB3] =	sst s10  }
0x32: {  	s10 =	sld [smem:$0x3FB1];
	_ =	sdelay $0x3  }
0x33: {  	p0 =	seq.s32 s10, $0x1;
	s10 =	sld [smem:$0x3FB3];
	_ =	sdelay $0x3  }
0x34: {  	[smem:$0x3FB3] =	sst s10  }
0x35: {  	s10 =	sld [smem:$0x3FB2];
	_ =	sdelay $0x3  }
0x36: {  	p1 =	seq.s32 s10, $0x1;
	s10 =	sld [smem:$0x3FB3];
	_ =	sdelay $0x3  }
0x37: {  	[smem:$0x3FB3] =	sst s10  }
0x38: {  	s10 =	sld [smem:$0x3FB4]  }
0x39: {  	_ = 	snop;
	(pc) =	sbr.ind lr, $3  }
0x3a: {  	_ = 	snop  }
0x3b: {  	_ = 	snop  }
0x3c: {  	p2 =	seq.s32 s10, $0x1;
	s10 =	sld [smem:$0x3FB3]  }
0x3d: {  	_ =	shalt  }
0x3e: {  	_ =	shalt  }
0x3f: {  	_ =	shalt  }
0x40: {  	_ =	shalt  }
0x41: {  	_ =	shalt  }
0x42: {  	_ =	shalt  }
0x43: {  	_ =	shalt  }
0x44: {  	_ =	shalt  }
0x45: {  	_ =	shalt  }
0x46: {  	_ =	shalt  }
0x47: {  	_ =	shalt  }
0x48: {  	_ =	shalt  }
0x49: {  	_ =	shalt  }
0x4a: {  	_ =	shalt  }
0x4b: {  	_ =	shalt  }
0x4c: {  	_ =	shalt  }
0x4d: {  	_ =	shalt  }
0x4e: {  	_ =	shalt  }
0x4f: {  	_ =	shalt  }
0x50: {  	_ =	shalt  }
0x51: {  	_ =	shalt  }
0x52: {  	_ =	shalt  }
0x53: {  	_ =	shalt  }
0x54: {  	_ =	shalt  }
0x55: {  	_ =	shalt  }
0x56: {  	_ =	shalt  }
0x57: {  	_ =	shalt  }
0x58: {  	_ =	shalt  }
0x59: {  	_ =	shalt  }
0x5a: {  	_ =	shalt  }
0x5b: {  	_ =	shalt  }
0x5c: {  	_ =	shalt  }
0x5d: {  	_ =	shalt  }
0x5e: {  	_ =	shalt  }
0x5f: {  	_ =	shalt  }
0x60: {  	_ =	shalt  }
0x61: {  	_ =	shalt  }
0x62: {  	_ =	shalt  }
0x63: {  	_ =	shalt  }
0x64: {  	_ =	shalt  }
0x65: {  	_ =	shalt  }
0x66: {  	_ =	shalt  }
0x67: {  	_ =	shalt  }
0x68: {  	_ =	shalt  }
0x69: {  	_ =	shalt  }
0x6a: {  	_ =	shalt  }
0x6b: {  	_ =	shalt  }
0x6c: {  	_ =	shalt  }
0x6d: {  	_ =	shalt  }
0x6e: {  	_ =	shalt  }
0x6f: {  	_ =	shalt  }
0x70: {  	_ =	shalt  }
0x71: {  	_ =	shalt  }
0x72: {  	_ =	shalt  }
0x73: {  	_ =	shalt  }
0x74: {  	_ =	shalt  }
0x75: {  	_ =	shalt  }
0x76: {  	_ =	shalt  }
0x77: {  	_ =	shalt  }
0x78: {  	_ =	shalt  }
0x79: {  	_ =	shalt  }
0x7a: {  	_ =	shalt  }
0x7b: {  	_ =	shalt  }
0x7c: {  	_ =	shalt  }
0x7d: {  	_ =	shalt  }
0x7e: {  	_ =	shalt  }
0x7f: {  	_ =	shalt  }
0x80: {  	_ =	shalt  }
0x81: {  	_ =	shalt  }
0x82: {  	_ =	shalt  }
0x83: {  	_ =	shalt  }
0x84: {  	_ =	shalt  }
0x85: {  	_ =	shalt  }
0x86: {  	_ =	shalt  }
0x87: {  	_ =	shalt  }
.Lfunc_end0:
.L_simem_size_0:
called_computation.9_lowered:
.L_overlay_start_0:
0x88: {  	s2 =	sld [smem:$0x3FD9]  }
0x89: {  	s3 =	sld [smem:$0x3FFE];
	_ =	sdelay $0x1  }
0x8a: {  	s1 =	srdreg.scid  }
0x8b: {  	s0 =	sand.u32 $0x1, s1  }
0x8c: {  	s17 =	sshll.u32 s0, $0xA;
	s2 =	sadd.s32 s3, s2  }
0x8d: {  	s2 =	sadd.s32 s2, s17  }
0x8e: {  	[smem:$0x3FBF] =	sst s2  }
0x8f: {  	_ = 	snop  }
0x90: {  	s2 =	sld [smem:$0x3FD0];
	(tm) =	ssettm $0x1  }
0x91: {  	s18 =	sld [smem:$0x3FFB];
	_ =	sdelay $0x3  }
0x92: {  	_ =	strace s18  }
0x93: {  	s3 =	sld [smem:$0x3FFC];
	_ =	sdelay $0x3  }
0x94: {  	_ =	strace s3  }
0x95: {  	s3 =	sld [smem:$0x3FFD];
	_ =	sdelay $0x3  }
0x96: {  	_ =	strace s3  }
0x97: {  	_ =	strace $0x8FFFFFFF  }
0x98: {  	s19 =	sld [smem:$0x3FDB];
	_ =	sdelay $0x1  }
0x99: {  	s4 =	simm.s32 $_scs_section_size  }
0x9a: {  	s5 =	simm.s32 $_size__tile_overlayer_lowered;
	s6 =	simm.s32 $_tile_overlayer_lowered  }
0x9b: {  	s22 =	simm.s32 $0x1BFF;
	s21 =	sshll.u32 s6, $0x1;
	s3 =	sadd.s32 s4, s19  }
0x9c: {  	s7 =	simm.s32 $0x0;
	s20 =	sshll.u32 s5, $0x1;
	s5 =	sadd.s32 s21, s3  }
0x9d: {  	[timem:s7], [sflag:s22] =	dma.local [hbm:s5], s20  }
0x9e: {  	_ =	swait.ge [sflag:s22], s20  }
0x9f: {  	s4 =	ssub.s32 $0x0, s20;
	[sflag:s22] =	ssyncset.done $0x0  }
0xa0: {  	[sflag:s22] =	ssyncadd.s32 s4;
	_ =	sdelay $0x1  }
0xa1: {  	s23 =	simm.s32 $0x1B8B  }
0xa2: {  	_ =	swait.ge [sflag:s23], $0x1  }
0xa3: {  	[sflag:s23] =	ssyncset.done $0x0  }
0xa4: {  	s25 =	simm.s32 $0x1B8E;
	s24 =	sld [smem:$0x3FFE];
	[sflag:s23] =	ssyncadd.s32 $0xFFFFFFFF  }
0xa5: {  	s26 =	simm.s32 $execute0_lowered;
	[smem:$0x3FD2] =	sst s25  }
0xa6: {  	s5 =	sshll.u32 s26, $0x1;
	_ =	strace $0x80000061;
	[dreg:$0x1] =	wrdreg $0xFFFFFFFF  }
0xa7: {  	s28 =	simm.s32 $_size_execute0_lowered;
	s3 =	sadd.s32 s3, s5;
	[dreg:$0x0] =	wrdreg $0x0  }
0xa8: {  	s5 =	sshll.u32 s28, $0x1;
	[dreg:$0x2] =	wrdreg s3  }
0xa9: {  	[dreg:$0x3] =	wrdreg s5  }
0xaa: {  	[dreg:$0x4] =	wrdreg $0xC0  }
0xab: {  	_ =	task [dreg:s7], $0x5FFFF  }
0xac: {  	[dreg:$0x1] =	wrdreg $0xFFFFFFFF  }
0xad: {  	[dreg:$0x0] =	wrdreg $0x60  }
0xae: {  	[dreg:$0x2] =	wrdreg s24  }
0xaf: {  	[dreg:$0x3] =	wrdreg s2  }
0xb0: {  	[dreg:$0x4] =	wrdreg $0xEE000  }
0xb1: {  	[dreg:$0x5] =	wrdreg $0x50000  }
0xb2: {  	[dreg:$0x6] =	wrdreg $0x9  }
0xb3: {  	_ =	task.clear_ibuf [dreg:s7], $0x7FFFF;
	_ =	strace $0x90000061  }
0xb4: {  	s29 =	simm.s32 $0x9;
	_ =	strace $0x80000063  }
0xb5: {  	_ =	swait.ge [sflag:s29], $0x1  }
0xb6: {  	[sflag:s29] =	ssyncadd.s32 $0xFFFFFFFF  }
0xb7: {  	_ =	strace $0x90000063  }
0xb8: {  	_ =	sfence  }
0xb9: {  	s30 =	sld [smem:$0x0];
	_ =	sdelay $0x2  }
0xba: {  	s31 =	sshll.u32 s1, $0xD;
	s1 =	sshrl.u32 s1, $0x2  }
0xbb: {  	s3 =	sand.u32 $0x4000, s31;
	s1 =	sadd.s32 s1, s30  }
0xbc: {  	s0 =	sor.u32 s3, s0;
	s1 =	sshll.u32 s1, $0x11  }
0xbd: {  	s0 =	sor.u32 s1, s0  }
0xbe: {  	s0 =	sadd.s32 $0x8F2B, s0  }
0xbf: {  	[sflag:s0] =	ssyncadd.remote.s32 $0x1  }
0xc0: {  	_ =	sfence.sel $0xFFFF  }
0xc1: {  	[dreg:$0x0] =	wrdreg $0xFFFFFFFF;
	(pc) =	sbr.abs _section_cstart, $3  }
0xc2: {  	[dreg:$0x1] =	wrdreg $0xFFFFFFFF  }
0xc3: {  	_ =	task.clear_ibuf [dreg:s7], $0x2FFFF;
	_ =	strace $0x9FFFFFFF  }
0xc4: {  	(tm) =	ssettm $0x7FFFFFFF  }
0xc5: {  	_ =	shalt  }
tec
execute0_lowered:
.L_overlay_start_1:
0x0: {  	(tag) =	ssettag $0x1  }
0x1: {  	s0 =	rddreg [dreg:$0x0]  }
0x2: {  	s2 =	rddreg [dreg:$0x1]  }
0x3: {  	s3 =	rddreg [dreg:$0x2]  }
0x4: {  	s4 =	rddreg [dreg:$0x3]  }
0x5: {  	s13 =	stileid.u32;
	s1 =	srdreg.scid;
	s5 =	simm.s32 $0x0  }
0x6: {  	s16 =	simm.s32 $0x4;
	s21 =	simm.s32 $0x3;
	s22 =	simm.s32 $0x80  }
0x7: {  	s28 =	simm.s32 $0x2;
	s29 =	simm.s32 $0x4F00;
	s30 =	simm.s32 $0x4F80  }
0x8: {  	s31 =	simm.s32 $0x0;
	s11 =	smul.u32 $0x9E00, s13;
	s1 =	sand.u32 $0x1, s1  }
0x9: {  	[smem:$0x7FF] =	sst s5;
	s6 =	sshll.u32 s13, $0x1;
	s14 =	sshll.u32 s13, $0x6  }
0xa: {  	s24 =	sshll.u32 s13, $0xD;
	p0 =	seq.s32 s13, $0xF;
	s7 =	smul.u32 $0x9E000, s1  }
0xb: {  	_ =	strace $0x80000062;
	s6 =	sor.u32 s1, s6;
	s1 =	ssub.s32 $0x2, s1  }
0xc: {  	s8 =	sshrl.u32 s11, $0x3;
	s6 =	smul.u32 $0x500, s6;
	s23 =	sshrl.u32 s1, $0x1  }
0xd: {  	s12 =	sadd.s32 s11, s3;
	s25 =	sadd.s32 s11, s4;
	s7 =	sadd.s32 s11, s7  }
0xe: {  	s8 =	sadd.s32 s8, s0;
	s1 =	ssub.s32 s1, s23;
	s12 =	sshrl.u32 s12, $0x3  }
0xf: {  	s23 =	simm.s32 $0x18C00;
	s25 =	sshrl.u32 s25, $0x3;
	s7 =	sshrl.u32 s7, $0x3  }
0x10: {  	s9 =	sadd.s32 s6, s0;
	s6 =	sadd.s32 $0x27600, s8;
	s11 =	smax.u32 s1, $0x1  }
0x11: {  	s0 =	sadd.s32 s7, s0;
	s7 =	sor.u32 $0x1C03, s14;
	s8 =	sadd.s32 $0x1D600, s9  }
0x12: {  	s9 =	sadd.s32 $0x4800, s9;
	s10 =	sadd.s32 $0x3B200, s0;
	s0 =	sadd.s32 s24, s4  }
0x13: {  	s14 =	sor.u32 $0x1C04, s14;
	s24 =	simm.s32 $0x1AC00;
	s26 =	sadd.s32 $0x20000, s0  }
0x14: {  	s18 =	sadd.s32 $0x40000, s0;
	s19 =	sadd.s32 $0x60000, s0;
	s20 =	sadd.s32 $0x80000, s0  }
0x15: {  	s15 =	sshrl.u32 s0, $0x3;
	s17 =	sshrl.u32 s26, $0x3;
	s18 =	sshrl.u32 s18, $0x3  }
0x16: {  	s19 =	sshrl.u32 s19, $0x3;
	s20 =	sshrl.u32 @!p0 s20, $0x3;
	s26 =	simm.s32 $0x1  }
.LBB2_1:
0x17: {  	[spmem:s12], [sflag:s7] =	dma.local [hbm:s6], $0x13C0  }
0x18: {  	[tilespmem:s5], [sflag:$0x3] =	stream.linear.gather [hbm4b:s8+s5], $0x2800, $0x38;
	[tilespmem:$0x1CC00] =	vst v63  }
0x19: {  	s0 =	simm.s32 $0x2800  }
0x1a: {  	[tilespmem:s0], [sflag:$0x3] =	stream.linear.gather [hbm4b:s9+s5], $0x2800, $0x38;
	[tilespmem:$0x1CC00] =	vst v63  }
0x1b: {  	[spmem:s15], [sflag:s14] =	dma.local [hbm:s2], $0x400  }
0x1c: {  	_ =	swait.ge [sflag:s16], $0x400  }
0x1d: {  	[sflag:s16] =	ssyncset.done $0x0  }
0x1e: {  	[sflag:s16] =	ssyncadd.s32 $0xFFFFFC00  }
0x1f: {  	[spmem:s17], [sflag:s14] =	dma.local [hbm:s2], $0x400  }
0x20: {  	_ =	swait.ge [sflag:s16], $0x400  }
0x21: {  	[sflag:s16] =	ssyncset.done $0x0  }
0x22: {  	[sflag:s16] =	ssyncadd.s32 $0xFFFFFC00  }
0x23: {  	[spmem:s18], [sflag:s14] =	dma.local [hbm:s2], $0x400  }
0x24: {  	_ =	swait.ge [sflag:s16], $0x400  }
0x25: {  	[sflag:s16] =	ssyncset.done $0x0  }
0x26: {  	[sflag:s16] =	ssyncadd.s32 $0xFFFFFC00  }
0x27: {  	[spmem:s19], [sflag:s14] =	dma.local [hbm:s2], $0x400  }
0x28: {  	_ =	swait.ge [sflag:s16], $0x400  }
0x29: {  	[sflag:s16] =	ssyncset.done $0x0  }
0x2a: {  	s0 =	simm.s32 @!p0 $0x4;
	[sflag:s16] =	ssyncadd.s32 $0xFFFFFC00  }
0x2b: {  	[spmem:s20], [sflag:s14] =	dma.local @!p0 [hbm:s2], $0x400  }
0x2c: {  	_ =	swait.ge @!p0 [sflag:s0], $0x400  }
0x2d: {  	[sflag:s0] =	ssyncset.done @!p0 $0x0  }
0x2e: {  	[sflag:s0] =	ssyncadd.s32 @!p0 $0xFFFFFC00  }
0x2f: {  	_ =	swait.ge [sflag:s21], $0x13C0  }
0x30: {  	[sflag:s21] =	ssyncset.done $0x0  }
0x31: {  	[sflag:s21] =	ssyncadd.s32 $0xFFFFEC40  }
0x32: {  	_ =	swait.ge [sflag:s21], $0x2800  }
0x33: {  	[sflag:s21] =	ssyncset.done $0x0  }
0x34: {  	[sflag:s21] =	ssyncadd.s32 $0xFFFFD800  }
0x35: {  	_ =	swait.ge [sflag:s21], $0x2800  }
0x36: {  	[sflag:s21] =	ssyncset.done $0x0  }
0x37: {  	[sflag:s21] =	ssyncadd.s32 $0xFFFFD800  }
0x38: {  	[bflag:$0x0] =	sbarrier.arrive $0xFFFF  }
0x39: {  	[tilespmem:s23], [sflag:$0x1] =	stream.indirect.gather [spmem:s3], $0x40, s5, s22, $0xb8;
	[tilespmem:$0x1CC00] =	vst v63  }
0x3a: {  	_ = 	snop  }
0x3b: {  	[tilespmem:s24], [sflag:$0x2] =	stream.indirect.gather [spmem:s3], $0x40, s22, s22, $0xb8;
	[tilespmem:$0x1CC00] =	vst v63  }
0x3c: {  	_ =	swait.ge [sflag:s26], $0x2000  }
0x3d: {  	[sflag:s26] =	ssyncset.done $0x0  }
0x3e: {  	s13 =	simm.s32 $0x2800;
	[sflag:s26] =	ssyncadd.s32 $0xFFFFE000  }
0x3f: {  	[spmem:s4] =	stream.indirect.scatter.add.f32 [tilespmem:s23], [sflag:$0x4], $0x40, s13, s22, $0xb8;
	[tilespmem:$0x1CC00] =	vst v63  }
0x40: {  	_ =	swait.ge [sflag:s16], $0x2000  }
0x41: {  	[sflag:s16] =	ssyncset.done $0x0  }
0x42: {  	s1 =	simm.s32 $0x100;
	[sflag:s16] =	ssyncadd.s32 $0xFFFFE000  }
0x43: {  	[tilespmem:s23], [sflag:$0x1] =	stream.indirect.gather [spmem:s3], $0x40, s1, s22, $0xb8;
	[tilespmem:$0x1CC00] =	vst v63  }
0x44: {  	_ =	swait.ge [sflag:s28], $0x2000  }
0x45: {  	[sflag:s28] =	ssyncset.done $0x0  }
0x46: {  	s13 =	simm.s32 $0x2880;
	[sflag:s28] =	ssyncadd.s32 $0xFFFFE000  }
0x47: {  	[spmem:s4] =	stream.indirect.scatter.add.f32 [tilespmem:s24], [sflag:$0x4], $0x40, s13, s22, $0xb8;
	[tilespmem:$0x1CC00] =	vst v63  }
0x48: {  	_ =	swait.ge [sflag:s16], $0x2000  }
0x49: {  	[sflag:s16] =	ssyncset.done $0x0  }
0x4a: {  	s0 =	simm.s32 $0x400;
	s1 =	simm.s32 $0x180;
	[sflag:s16] =	ssyncadd.s32 $0xFFFFE000  }
.LBB2_2:
0x4b: {  	[tilespmem:s24], [sflag:$0x2] =	stream.indirect.gather [spmem:s3], $0x40, s1, s22, $0xb8;
	[tilespmem:$0x1CC00] =	vst v63  }
0x4c: {  	s1 =	smov.u32 s0  }
0x4d: {  	p1 =	sne.s32 s0, $0x9800;
	s0 =	sadd.s32 $0x400, s0;
	_ =	swait.ge [sflag:s26], $0x2000  }
0x4e: {  	s1 =	sshra.s32 s1, $0x2;
	[sflag:s26] =	ssyncset.done $0x0  }
0x4f: {  	s13 =	sadd.s32 $0x2800, s1;
	[sflag:s26] =	ssyncadd.s32 $0xFFFFE000  }
0x50: {  	[spmem:s4] =	stream.indirect.scatter.add.f32 [tilespmem:s23], [sflag:$0x4], $0x40, s13, s22, $0xb8;
	[tilespmem:$0x1CC00] =	vst v63  }
0x51: {  	_ =	swait.ge [sflag:s16], $0x2000  }
0x52: {  	[sflag:s16] =	ssyncset.done $0x0  }
0x53: {  	s13 =	sadd.s32 $0x100, s1;
	[sflag:s16] =	ssyncadd.s32 $0xFFFFE000  }
0x54: {  	[tilespmem:s23], [sflag:$0x1] =	stream.indirect.gather [spmem:s3], $0x40, s13, s22, $0xb8;
	[tilespmem:$0x1CC00] =	vst v63  }
0x55: {  	_ =	swait.ge [sflag:s28], $0x2000  }
0x56: {  	[sflag:s28] =	ssyncset.done $0x0  }
.Ltmp0:
0x57: {  	s13 =	sadd.s32 $0x2880, s1;
	[sflag:s28] =	ssyncadd.s32 $0xFFFFE000;
	(pc) =	sbr.rel @p1 .LBB2_2-.Ltmp0, $4  }
0x58: {  	[spmem:s4] =	stream.indirect.scatter.add.f32 [tilespmem:s24], [sflag:$0x4], $0x40, s13, s22, $0xb8;
	[tilespmem:$0x1CC00] =	vst v63  }
0x59: {  	_ =	swait.ge [sflag:s16], $0x2000  }
0x5a: {  	[sflag:s16] =	ssyncset.done $0x0  }
0x5b: {  	s1 =	sadd.s32 $0x180, s1;
	[sflag:s16] =	ssyncadd.s32 $0xFFFFE000  }
0x5c: {  	[tilespmem:s24], [sflag:$0x2] =	stream.indirect.gather [spmem:s3], $0x40, s1, s22, $0xb8;
	[tilespmem:$0x1CC00] =	vst v63  }
0x5d: {  	_ =	swait.ge [sflag:s26], $0x2000  }
0x5e: {  	[sflag:s26] =	ssyncset.done $0x0  }
0x5f: {  	[sflag:s26] =	ssyncadd.s32 $0xFFFFE000  }
0x60: {  	[spmem:s4] =	stream.indirect.scatter.add.f32 [tilespmem:s23], [sflag:$0x4], $0x40, s29, s22, $0xb8;
	[tilespmem:$0x1CC00] =	vst v63  }
0x61: {  	_ =	swait.ge [sflag:s16], $0x2000  }
0x62: {  	[sflag:s16] =	ssyncset.done $0x0  }
0x63: {  	[sflag:s16] =	ssyncadd.s32 $0xFFFFE000  }
0x64: {  	_ =	swait.ge [sflag:s28], $0x2000  }
0x65: {  	[sflag:s28] =	ssyncset.done $0x0  }
0x66: {  	[sflag:s28] =	ssyncadd.s32 $0xFFFFE000  }
0x67: {  	[spmem:s4] =	stream.indirect.scatter.add.f32 [tilespmem:s24], [sflag:$0x4], $0x40, s30, s22, $0xb8;
	[tilespmem:$0x1CC00] =	vst v63  }
0x68: {  	_ =	swait.ge [sflag:s16], $0x2000  }
0x69: {  	s31 =	sadd.s32 $0x1, s31;
	[sflag:s16] =	ssyncset.done $0x0  }
0x6a: {  	p1 =	sne.s32 s31, s11;
	[sflag:s16] =	ssyncadd.s32 $0xFFFFE000  }
.Ltmp1:
0x6b: {  	[bflag:$0x0] =	sbarrier.arrive $0xFFFF;
	(pc) =	sbr.rel @p1 .LBB2_1-.Ltmp1, $4  }
0x6c: {  	[hbm:s10], [sflag:s14] =	dma.local [spmem:s25], $0x13C0  }
0x6d: {  	_ =	swait.ge [sflag:s16], $0x13C0  }
0x6e: {  	[sflag:s16] =	ssyncset.done $0x0  }
0x6f: {  	[sflag:s16] =	ssyncadd.s32 $0xFFFFEC40  }
0x70: {  	_ =	sfence.sel $0x180000  }
0x71: {  	[bflag:$0x0] =	sbarrier.arrive $0xFFFF  }
0x72: {  	_ =	strace $0x90000062  }
0x73: {  	s0 =	stileid.u32;
	[bflag:$0x2] =	sbarrier.arrive $0xFFFF  }
0x74: {  	p0 =	sne.s32 s0, $0x0;
	s0 =	rddreg [dreg:$0x4]  }
0x75: {  	s0 =	sadd.s32 @!p0 $0x100000, s0  }
0x76: {  	[sflag:s0] =	ssyncadd.tile.s32 @!p0 $0x1;
	_ =	shalt  }
.Lfunc_end2:
_tile_overlayer_lowered:
.L_overlay_start_2:
0x77: {  	(tag) =	ssettag $0x2  }
0x78: {  	s0 =	rddreg [dreg:$0x0];
	s2 =	stileid.u32  }
0x79: {  	s1 =	rddreg [dreg:$0x1];
	p0 =	sne.s32 s2, $0x0  }
0x7a: {  	s3 =	rddreg [dreg:$0x2];
	[bflag:$0x3] =	sbarrier.arrive $0xFFFF;
	s2 =	simm.s32 @!p0 $0x1C04  }
0x7b: {  	[timem:s3], [sflag:s2] =	dma.local @!p0 [hbm:s0], s1  }
0x7c: {  	s0 =	simm.s32 @!p0 $0x4  }
0x7d: {  	_ =	swait.ge @!p0 [sflag:s0], s1  }
0x7e: {  	s1 =	ssub.s32 @!p0 $0x0, s1;
	[sflag:s0] =	ssyncset.done @!p0 $0x0  }
0x7f: {  	[sflag:s0] =	ssyncadd.s32 @!p0 s1  }
0x80: {  	[bflag:$0x3] =	sbarrier.arrive $0xFFFF  }
0x81: {  	_ =	shalt  }

// kernel: kernel.55.cloned.1.call-start
scs
__scs_entry_jumppad:
0x0: {  	(pc) =	sbr.rel $0x88, $3  }
0x1: {  	(tag) =	ssettag $0x0;
	lr =	simm.s32 $0x1  }
0x2: {  	[smem:$0x3F98] =	sst lr;
	_ =	strace $0xD0000000  }
0x3: {  	_ = 	snop  }
0x4: {  	_ = 	snop  }
0x5: {  	_ = 	snop  }
0x6: {  	_ = 	snop  }
0x7: {  	_ = 	snop  }
__scs_overlays_trampoline_lowered:
0x8: {  	[smem:$0x3FA7] =	sst s0  }
0x9: {  	[smem:$0x3FA8] =	sst s1  }
0xa: {  	[smem:$0x3FA9] =	sst s2  }
0xb: {  	[smem:$0x3FAA] =	sst s3  }
0xc: {  	[smem:$0x3FAB] =	sst s4  }
0xd: {  	[smem:$0x3FAC] =	sst s5  }
0xe: {  	[smem:$0x3FAD] =	sst s6  }
0xf: {  	[smem:$0x3FAE] =	sst s7  }
0x10: {  	[smem:$0x3FAF] =	sst s8  }
0x11: {  	[smem:$0x3FB0] =	sst s9;
	s0 =	simm.s32 @!p0 $0x0  }
0x12: {  	s1 =	sld [smem:$0x3F96];
	s0 =	simm.s32 @p0 $0x1  }
0x13: {  	[smem:$0x3FB1] =	sst s0;
	s0 =	simm.s32 @!p1 $0x0  }
0x14: {  	s2 =	sld [smem:$0x3F95];
	s0 =	simm.s32 @p1 $0x1  }
0x15: {  	[smem:$0x3FB2] =	sst s0;
	s0 =	simm.s32 @!p2 $0x0  }
0x16: {  	s3 =	sld [smem:$0x3FDB];
	s0 =	simm.s32 @p2 $0x1  }
0x17: {  	s4 =	simm.s32 $0x1BF5;
	[smem:$0x3FB4] =	sst s0  }
0x18: {  	s0 =	sld [smem:$0x3F97];
	_ =	swait.ge [sflag:s4], $0x0  }
0x19: {  	s7 =	sld [smem:$0x3F98]  }
0x1a: {  	s8 =	sadd.s32 $0xFFFFE003, lr  }
0x1b: {  	s9 =	sadd.s32 $0xFFFFFEF7, lr;
	s5 =	simm.s32 $0xFFFFFFFF;
	p2 =	slt.u32 s8, $0xFFFFF086  }
0x1c: {  	p1 =	slt.u32 s9, $0xF7A;
	s5 =	simm.s32 @!p2 $0x0  }
0x1d: {  	s5 =	simm.s32 @p1 $0x1;
	p0 =	seq.s32 s7, s2  }
0x1e: {  	s7 =	smul.u32 @!p0 $0xF7A, s2;
	p2 =	seq.s32 @!p0 s5, $0x0  }
0x1f: {  	s9 =	smul.u32 $0xF7A, s1;
	s8 =	simm.s32 @!p0 $0x1BF5;
	p2 =	por !p2, p0  }
0x20: {  	[sflag:s8] =	ssyncset.s32 @!p0 $0xFFFFF086;
	s6 =	sadd.s32 @!p0 s3, s7;
	s7 =	simm.s32 @!p0 $0x108  }
0x21: {  	s3 =	sadd.s32 s3, s9;
	s6 =	sadd.s32 @!p0 $0x88, s6;
	s7 =	simm.s32 @p2 $0x1082  }
0x22: {  	[simem:s7], [sflag:s8] =	dma.local @!p0 [hbm:s6], $0xF7A  }
0x23: {  	s9 =	sor.u32 $0xD0000000, s2;
	s6 =	simm.s32 $0x108;
	_ =	swait.ge @!p0 [sflag:s8], $0x0  }
0x24: {  	s3 =	sadd.s32 $0x88, s3;
	s6 =	simm.s32 @!p1 $0x1082;
	[sflag:s4] =	ssyncset.s32 $0xFFFFF086  }
0x25: {  	[simem:s6], [sflag:s4] =	dma.local [hbm:s3], $0xF7A  }
0x26: {  	[smem:$0x3F98] =	sst s1;
	(tag) =	ssettag s2;
	_ =	strace s9  }
0x27: {  	s1 =	sld [smem:$0x3FA8]  }
0x28: {  	s2 =	sld [smem:$0x3FA9]  }
0x29: {  	s4 =	sld [smem:$0x3FAB]  }
0x2a: {  	p0 =	seq.s32 s5, $0x0;
	s5 =	sld [smem:$0x3FAC]  }
0x2b: {  	s6 =	sld [smem:$0x3FAD]  }
0x2c: {  	s7 =	sld [smem:$0x3FAE]  }
0x2d: {  	s3 =	simm.s32 $0x108;
	s8 =	sld [smem:$0x3FAF]  }
0x2e: {  	s3 =	simm.s32 @!p0 $0x1082;
	s9 =	sld [smem:$0x3FB0]  }
0x2f: {  	lr =	sadd.s32 s0, s3;
	s0 =	sld [smem:$0x3FA7]  }
0x30: {  	s3 =	sld [smem:$0x3FAA]  }
0x31: {  	[smem:$0x3FB3] =	sst s10  }
0x32: {  	s10 =	sld [smem:$0x3FB1];
	_ =	sdelay $0x3  }
0x33: {  	p0 =	seq.s32 s10, $0x1;
	s10 =	sld [smem:$0x3FB3];
	_ =	sdelay $0x3  }
0x34: {  	[smem:$0x3FB3] =	sst s10  }
0x35: {  	s10 =	sld [smem:$0x3FB2];
	_ =	sdelay $0x3  }
0x36: {  	p1 =	seq.s32 s10, $0x1;
	s10 =	sld [smem:$0x3FB3];
	_ =	sdelay $0x3  }
0x37: {  	[smem:$0x3FB3] =	sst s10  }
0x38: {  	s10 =	sld [smem:$0x3FB4]  }
0x39: {  	_ = 	snop;
	(pc) =	sbr.ind lr, $3  }
0x3a: {  	_ = 	snop  }
0x3b: {  	_ = 	snop  }
0x3c: {  	p2 =	seq.s32 s10, $0x1;
	s10 =	sld [smem:$0x3FB3]  }
0x3d: {  	_ =	shalt  }
0x3e: {  	_ =	shalt  }
0x3f: {  	_ =	shalt  }
0x40: {  	_ =	shalt  }
0x41: {  	_ =	shalt  }
0x42: {  	_ =	shalt  }
0x43: {  	_ =	shalt  }
0x44: {  	_ =	shalt  }
0x45: {  	_ =	shalt  }
0x46: {  	_ =	shalt  }
0x47: {  	_ =	shalt  }
0x48: {  	_ =	shalt  }
0x49: {  	_ =	shalt  }
0x4a: {  	_ =	shalt  }
0x4b: {  	_ =	shalt  }
0x4c: {  	_ =	shalt  }
0x4d: {  	_ =	shalt  }
0x4e: {  	_ =	shalt  }
0x4f: {  	_ =	shalt  }
0x50: {  	_ =	shalt  }
0x51: {  	_ =	shalt  }
0x52: {  	_ =	shalt  }
0x53: {  	_ =	shalt  }
0x54: {  	_ =	shalt  }
0x55: {  	_ =	shalt  }
0x56: {  	_ =	shalt  }
0x57: {  	_ =	shalt  }
0x58: {  	_ =	shalt  }
0x59: {  	_ =	shalt  }
0x5a: {  	_ =	shalt  }
0x5b: {  	_ =	shalt  }
0x5c: {  	_ =	shalt  }
0x5d: {  	_ =	shalt  }
0x5e: {  	_ =	shalt  }
0x5f: {  	_ =	shalt  }
0x60: {  	_ =	shalt  }
0x61: {  	_ =	shalt  }
0x62: {  	_ =	shalt  }
0x63: {  	_ =	shalt  }
0x64: {  	_ =	shalt  }
0x65: {  	_ =	shalt  }
0x66: {  	_ =	shalt  }
0x67: {  	_ =	shalt  }
0x68: {  	_ =	shalt  }
0x69: {  	_ =	shalt  }
0x6a: {  	_ =	shalt  }
0x6b: {  	_ =	shalt  }
0x6c: {  	_ =	shalt  }
0x6d: {  	_ =	shalt  }
0x6e: {  	_ =	shalt  }
0x6f: {  	_ =	shalt  }
0x70: {  	_ =	shalt  }
0x71: {  	_ =	shalt  }
0x72: {  	_ =	shalt  }
0x73: {  	_ =	shalt  }
0x74: {  	_ =	shalt  }
0x75: {  	_ =	shalt  }
0x76: {  	_ =	shalt  }
0x77: {  	_ =	shalt  }
0x78: {  	_ =	shalt  }
0x79: {  	_ =	shalt  }
0x7a: {  	_ =	shalt  }
0x7b: {  	_ =	shalt  }
0x7c: {  	_ =	shalt  }
0x7d: {  	_ =	shalt  }
0x7e: {  	_ =	shalt  }
0x7f: {  	_ =	shalt  }
0x80: {  	_ =	shalt  }
0x81: {  	_ =	shalt  }
0x82: {  	_ =	shalt  }
0x83: {  	_ =	shalt  }
0x84: {  	_ =	shalt  }
0x85: {  	_ =	shalt  }
0x86: {  	_ =	shalt  }
0x87: {  	_ =	shalt  }
.Lfunc_end0:
.L_simem_size_0:
called_computation.10_lowered:
.L_overlay_start_0:
0x88: {  	s2 =	sld [smem:$0x3FD9]  }
0x89: {  	s3 =	sld [smem:$0x3FFE];
	_ =	sdelay $0x1  }
0x8a: {  	s1 =	srdreg.scid  }
0x8b: {  	s0 =	sand.u32 $0x1, s1  }
0x8c: {  	s17 =	sshll.u32 s0, $0xA;
	s2 =	sadd.s32 s3, s2  }
0x8d: {  	s2 =	sadd.s32 s2, s17  }
0x8e: {  	[smem:$0x3FBF] =	sst s2  }
0x8f: {  	_ = 	snop  }
0x90: {  	s2 =	sld [smem:$0x3FD0];
	(tm) =	ssettm $0x1  }
0x91: {  	s18 =	sld [smem:$0x3FFB];
	_ =	sdelay $0x3  }
0x92: {  	_ =	strace s18  }
0x93: {  	s3 =	sld [smem:$0x3FFC];
	_ =	sdelay $0x3  }
0x94: {  	_ =	strace s3  }
0x95: {  	s3 =	sld [smem:$0x3FFD];
	_ =	sdelay $0x3  }
0x96: {  	_ =	strace s3  }
0x97: {  	_ =	strace $0x8FFFFFFF  }
0x98: {  	s19 =	sld [smem:$0x3FDB];
	_ =	sdelay $0x1  }
0x99: {  	s4 =	simm.s32 $_scs_section_size  }
0x9a: {  	s5 =	simm.s32 $_size__tile_overlayer_lowered;
	s6 =	simm.s32 $_tile_overlayer_lowered  }
0x9b: {  	s22 =	simm.s32 $0x1BFF;
	s21 =	sshll.u32 s6, $0x1;
	s3 =	sadd.s32 s4, s19  }
0x9c: {  	s7 =	simm.s32 $0x0;
	s20 =	sshll.u32 s5, $0x1;
	s5 =	sadd.s32 s21, s3  }
0x9d: {  	[timem:s7], [sflag:s22] =	dma.local [hbm:s5], s20  }
0x9e: {  	_ =	swait.ge [sflag:s22], s20  }
0x9f: {  	s4 =	ssub.s32 $0x0, s20;
	[sflag:s22] =	ssyncset.done $0x0  }
0xa0: {  	[sflag:s22] =	ssyncadd.s32 s4;
	_ =	sdelay $0x1  }
0xa1: {  	s23 =	simm.s32 $0x1B8B  }
0xa2: {  	_ =	swait.ge [sflag:s23], $0x1  }
0xa3: {  	[sflag:s23] =	ssyncset.done $0x0  }
0xa4: {  	s25 =	simm.s32 $0x1B8E;
	s24 =	sld [smem:$0x3FFE];
	[sflag:s23] =	ssyncadd.s32 $0xFFFFFFFF  }
0xa5: {  	s26 =	simm.s32 $execute0_lowered;
	[smem:$0x3FD2] =	sst s25  }
0xa6: {  	s5 =	sshll.u32 s26, $0x1;
	_ =	strace $0x80000064;
	[dreg:$0x1] =	wrdreg $0xFFFFFFFF  }
0xa7: {  	s28 =	simm.s32 $_size_execute0_lowered;
	s3 =	sadd.s32 s3, s5;
	[dreg:$0x0] =	wrdreg $0x0  }
0xa8: {  	s5 =	sshll.u32 s28, $0x1;
	[dreg:$0x2] =	wrdreg s3  }
0xa9: {  	[dreg:$0x3] =	wrdreg s5  }
0xaa: {  	[dreg:$0x4] =	wrdreg $0xC0  }
0xab: {  	_ =	task [dreg:s7], $0x5FFFF  }
0xac: {  	[dreg:$0x1] =	wrdreg $0xFFFFFFFF  }
0xad: {  	[dreg:$0x0] =	wrdreg $0x60  }
0xae: {  	[dreg:$0x2] =	wrdreg s24  }
0xaf: {  	[dreg:$0x3] =	wrdreg s2  }
0xb0: {  	[dreg:$0x4] =	wrdreg $0xEE000  }
0xb1: {  	[dreg:$0x5] =	wrdreg $0x50000  }
0xb2: {  	[dreg:$0x6] =	wrdreg $0x9  }
0xb3: {  	_ =	task.clear_ibuf [dreg:s7], $0x7FFFF;
	_ =	strace $0x90000064  }
0xb4: {  	s29 =	simm.s32 $0x9;
	_ =	strace $0x80000066  }
0xb5: {  	_ =	swait.ge [sflag:s29], $0x1  }
0xb6: {  	[sflag:s29] =	ssyncadd.s32 $0xFFFFFFFF  }
0xb7: {  	_ =	strace $0x90000066  }
0xb8: {  	_ =	sfence  }
0xb9: {  	s30 =	sld [smem:$0x0];
	_ =	sdelay $0x2  }
0xba: {  	s31 =	sshll.u32 s1, $0xD;
	s1 =	sshrl.u32 s1, $0x2  }
0xbb: {  	s3 =	sand.u32 $0x4000, s31;
	s1 =	sadd.s32 s1, s30  }
0xbc: {  	s0 =	sor.u32 s3, s0;
	s1 =	sshll.u32 s1, $0x11  }
0xbd: {  	s0 =	sor.u32 s1, s0  }
0xbe: {  	s0 =	sadd.s32 $0x8F2B, s0  }
0xbf: {  	[sflag:s0] =	ssyncadd.remote.s32 $0x1  }
0xc0: {  	_ =	sfence.sel $0xFFFF  }
0xc1: {  	[dreg:$0x0] =	wrdreg $0xFFFFFFFF;
	(pc) =	sbr.abs _section_cstart, $3  }
0xc2: {  	[dreg:$0x1] =	wrdreg $0xFFFFFFFF  }
0xc3: {  	_ =	task.clear_ibuf [dreg:s7], $0x2FFFF;
	_ =	strace $0x9FFFFFFF  }
0xc4: {  	(tm) =	ssettm $0x7FFFFFFF  }
0xc5: {  	_ =	shalt  }
tec
execute0_lowered:
.L_overlay_start_1:
0x0: {  	(tag) =	ssettag $0x1  }
0x1: {  	s0 =	rddreg [dreg:$0x0]  }
0x2: {  	s2 =	rddreg [dreg:$0x1]  }
0x3: {  	s3 =	rddreg [dreg:$0x2]  }
0x4: {  	s4 =	rddreg [dreg:$0x3]  }
0x5: {  	s13 =	stileid.u32;
	s1 =	srdreg.scid;
	s5 =	simm.s32 $0x0  }
0x6: {  	s16 =	simm.s32 $0x4;
	s21 =	simm.s32 $0x3;
	s22 =	simm.s32 $0x80  }
0x7: {  	s28 =	simm.s32 $0x2;
	s29 =	simm.s32 $0x4F00;
	s30 =	simm.s32 $0x4F80  }
0x8: {  	s31 =	simm.s32 $0x0;
	s11 =	smul.u32 $0x9E00, s13;
	s1 =	sand.u32 $0x1, s1  }
0x9: {  	[smem:$0x7FF] =	sst s5;
	s6 =	sshll.u32 s13, $0x1;
	s14 =	sshll.u32 s13, $0x6  }
0xa: {  	s24 =	sshll.u32 s13, $0xD;
	p0 =	seq.s32 s13, $0xF;
	s7 =	smul.u32 $0x9E000, s1  }
0xb: {  	_ =	strace $0x80000065;
	s6 =	sor.u32 s1, s6;
	s1 =	ssub.s32 $0x2, s1  }
0xc: {  	s8 =	sshrl.u32 s11, $0x3;
	s6 =	smul.u32 $0x500, s6;
	s23 =	sshrl.u32 s1, $0x1  }
0xd: {  	s12 =	sadd.s32 s11, s3;
	s25 =	sadd.s32 s11, s4;
	s7 =	sadd.s32 s11, s7  }
0xe: {  	s8 =	sadd.s32 s8, s0;
	s1 =	ssub.s32 s1, s23;
	s12 =	sshrl.u32 s12, $0x3  }
0xf: {  	s23 =	simm.s32 $0x18C00;
	s25 =	sshrl.u32 s25, $0x3;
	s7 =	sshrl.u32 s7, $0x3  }
0x10: {  	s9 =	sadd.s32 s6, s0;
	s6 =	sadd.s32 $0x27600, s8;
	s11 =	smax.u32 s1, $0x1  }
0x11: {  	s0 =	sadd.s32 s7, s0;
	s7 =	sor.u32 $0x1C03, s14;
	s8 =	sadd.s32 $0x1D600, s9  }
0x12: {  	s9 =	sadd.s32 $0x4800, s9;
	s10 =	sadd.s32 $0x3B200, s0;
	s0 =	sadd.s32 s24, s4  }
0x13: {  	s14 =	sor.u32 $0x1C04, s14;
	s24 =	simm.s32 $0x1AC00;
	s26 =	sadd.s32 $0x20000, s0  }
0x14: {  	s18 =	sadd.s32 $0x40000, s0;
	s19 =	sadd.s32 $0x60000, s0;
	s20 =	sadd.s32 $0x80000, s0  }
0x15: {  	s15 =	sshrl.u32 s0, $0x3;
	s17 =	sshrl.u32 s26, $0x3;
	s18 =	sshrl.u32 s18, $0x3  }
0x16: {  	s19 =	sshrl.u32 s19, $0x3;
	s20 =	sshrl.u32 @!p0 s20, $0x3;
	s26 =	simm.s32 $0x1  }
.LBB2_1:
0x17: {  	[spmem:s12], [sflag:s7] =	dma.local [hbm:s6], $0x13C0  }
0x18: {  	[tilespmem:s5], [sflag:$0x3] =	stream.linear.gather [hbm4b:s8+s5], $0x2800, $0x38;
	[tilespmem:$0x1CC00] =	vst v63  }
0x19: {  	s0 =	simm.s32 $0x2800  }
0x1a: {  	[tilespmem:s0], [sflag:$0x3] =	stream.linear.gather [hbm4b:s9+s5], $0x2800, $0x38;
	[tilespmem:$0x1CC00] =	vst v63  }
0x1b: {  	[spmem:s15], [sflag:s14] =	dma.local [hbm:s2], $0x400  }
0x1c: {  	_ =	swait.ge [sflag:s16], $0x400  }
0x1d: {  	[sflag:s16] =	ssyncset.done $0x0  }
0x1e: {  	[sflag:s16] =	ssyncadd.s32 $0xFFFFFC00  }
0x1f: {  	[spmem:s17], [sflag:s14] =	dma.local [hbm:s2], $0x400  }
0x20: {  	_ =	swait.ge [sflag:s16], $0x400  }
0x21: {  	[sflag:s16] =	ssyncset.done $0x0  }
0x22: {  	[sflag:s16] =	ssyncadd.s32 $0xFFFFFC00  }
0x23: {  	[spmem:s18], [sflag:s14] =	dma.local [hbm:s2], $0x400  }
0x24: {  	_ =	swait.ge [sflag:s16], $0x400  }
0x25: {  	[sflag:s16] =	ssyncset.done $0x0  }
0x26: {  	[sflag:s16] =	ssyncadd.s32 $0xFFFFFC00  }
0x27: {  	[spmem:s19], [sflag:s14] =	dma.local [hbm:s2], $0x400  }
0x28: {  	_ =	swait.ge [sflag:s16], $0x400  }
0x29: {  	[sflag:s16] =	ssyncset.done $0x0  }
0x2a: {  	s0 =	simm.s32 @!p0 $0x4;
	[sflag:s16] =	ssyncadd.s32 $0xFFFFFC00  }
0x2b: {  	[spmem:s20], [sflag:s14] =	dma.local @!p0 [hbm:s2], $0x400  }
0x2c: {  	_ =	swait.ge @!p0 [sflag:s0], $0x400  }
0x2d: {  	[sflag:s0] =	ssyncset.done @!p0 $0x0  }
0x2e: {  	[sflag:s0] =	ssyncadd.s32 @!p0 $0xFFFFFC00  }
0x2f: {  	_ =	swait.ge [sflag:s21], $0x13C0  }
0x30: {  	[sflag:s21] =	ssyncset.done $0x0  }
0x31: {  	[sflag:s21] =	ssyncadd.s32 $0xFFFFEC40  }
0x32: {  	_ =	swait.ge [sflag:s21], $0x2800  }
0x33: {  	[sflag:s21] =	ssyncset.done $0x0  }
0x34: {  	[sflag:s21] =	ssyncadd.s32 $0xFFFFD800  }
0x35: {  	_ =	swait.ge [sflag:s21], $0x2800  }
0x36: {  	[sflag:s21] =	ssyncset.done $0x0  }
0x37: {  	[sflag:s21] =	ssyncadd.s32 $0xFFFFD800  }
0x38: {  	[bflag:$0x0] =	sbarrier.arrive $0xFFFF  }
0x39: {  	[tilespmem:s23], [sflag:$0x1] =	stream.indirect.gather [spmem:s3], $0x40, s5, s22, $0xb8;
	[tilespmem:$0x1CC00] =	vst v63  }
0x3a: {  	_ = 	snop  }
0x3b: {  	[tilespmem:s24], [sflag:$0x2] =	stream.indirect.gather [spmem:s3], $0x40, s22, s22, $0xb8;
	[tilespmem:$0x1CC00] =	vst v63  }
0x3c: {  	_ =	swait.ge [sflag:s26], $0x2000  }
0x3d: {  	[sflag:s26] =	ssyncset.done $0x0  }
0x3e: {  	s13 =	simm.s32 $0x2800;
	[sflag:s26] =	ssyncadd.s32 $0xFFFFE000  }
0x3f: {  	[spmem:s4] =	stream.indirect.scatter.add.f32 [tilespmem:s23], [sflag:$0x4], $0x40, s13, s22, $0xb8;
	[tilespmem:$0x1CC00] =	vst v63  }
0x40: {  	_ =	swait.ge [sflag:s16], $0x2000  }
0x41: {  	[sflag:s16] =	ssyncset.done $0x0  }
0x42: {  	s1 =	simm.s32 $0x100;
	[sflag:s16] =	ssyncadd.s32 $0xFFFFE000  }
0x43: {  	[tilespmem:s23], [sflag:$0x1] =	stream.indirect.gather [spmem:s3], $0x40, s1, s22, $0xb8;
	[tilespmem:$0x1CC00] =	vst v63  }
0x44: {  	_ =	swait.ge [sflag:s28], $0x2000  }
0x45: {  	[sflag:s28] =	ssyncset.done $0x0  }
0x46: {  	s13 =	simm.s32 $0x2880;
	[sflag:s28] =	ssyncadd.s32 $0xFFFFE000  }
0x47: {  	[spmem:s4] =	stream.indirect.scatter.add.f32 [tilespmem:s24], [sflag:$0x4], $0x40, s13, s22, $0xb8;
	[tilespmem:$0x1CC00] =	vst v63  }
0x48: {  	_ =	swait.ge [sflag:s16], $0x2000  }
0x49: {  	[sflag:s16] =	ssyncset.done $0x0  }
0x4a: {  	s0 =	simm.s32 $0x400;
	s1 =	simm.s32 $0x180;
	[sflag:s16] =	ssyncadd.s32 $0xFFFFE000  }
.LBB2_2:
0x4b: {  	[tilespmem:s24], [sflag:$0x2] =	stream.indirect.gather [spmem:s3], $0x40, s1, s22, $0xb8;
	[tilespmem:$0x1CC00] =	vst v63  }
0x4c: {  	s1 =	smov.u32 s0  }
0x4d: {  	p1 =	sne.s32 s0, $0x9800;
	s0 =	sadd.s32 $0x400, s0;
	_ =	swait.ge [sflag:s26], $0x2000  }
0x4e: {  	s1 =	sshra.s32 s1, $0x2;
	[sflag:s26] =	ssyncset.done $0x0  }
0x4f: {  	s13 =	sadd.s32 $0x2800, s1;
	[sflag:s26] =	ssyncadd.s32 $0xFFFFE000  }
0x50: {  	[spmem:s4] =	stream.indirect.scatter.add.f32 [tilespmem:s23], [sflag:$0x4], $0x40, s13, s22, $0xb8;
	[tilespmem:$0x1CC00] =	vst v63  }
0x51: {  	_ =	swait.ge [sflag:s16], $0x2000  }
0x52: {  	[sflag:s16] =	ssyncset.done $0x0  }
0x53: {  	s13 =	sadd.s32 $0x100, s1;
	[sflag:s16] =	ssyncadd.s32 $0xFFFFE000  }
0x54: {  	[tilespmem:s23], [sflag:$0x1] =	stream.indirect.gather [spmem:s3], $0x40, s13, s22, $0xb8;
	[tilespmem:$0x1CC00] =	vst v63  }
0x55: {  	_ =	swait.ge [sflag:s28], $0x2000  }
0x56: {  	[sflag:s28] =	ssyncset.done $0x0  }
.Ltmp0:
0x57: {  	s13 =	sadd.s32 $0x2880, s1;
	[sflag:s28] =	ssyncadd.s32 $0xFFFFE000;
	(pc) =	sbr.rel @p1 .LBB2_2-.Ltmp0, $4  }
0x58: {  	[spmem:s4] =	stream.indirect.scatter.add.f32 [tilespmem:s24], [sflag:$0x4], $0x40, s13, s22, $0xb8;
	[tilespmem:$0x1CC00] =	vst v63  }
0x59: {  	_ =	swait.ge [sflag:s16], $0x2000  }
0x5a: {  	[sflag:s16] =	ssyncset.done $0x0  }
0x5b: {  	s1 =	sadd.s32 $0x180, s1;
	[sflag:s16] =	ssyncadd.s32 $0xFFFFE000  }
0x5c: {  	[tilespmem:s24], [sflag:$0x2] =	stream.indirect.gather [spmem:s3], $0x40, s1, s22, $0xb8;
	[tilespmem:$0x1CC00] =	vst v63  }
0x5d: {  	_ =	swait.ge [sflag:s26], $0x2000  }
0x5e: {  	[sflag:s26] =	ssyncset.done $0x0  }
0x5f: {  	[sflag:s26] =	ssyncadd.s32 $0xFFFFE000  }
0x60: {  	[spmem:s4] =	stream.indirect.scatter.add.f32 [tilespmem:s23], [sflag:$0x4], $0x40, s29, s22, $0xb8;
	[tilespmem:$0x1CC00] =	vst v63  }
0x61: {  	_ =	swait.ge [sflag:s16], $0x2000  }
0x62: {  	[sflag:s16] =	ssyncset.done $0x0  }
0x63: {  	[sflag:s16] =	ssyncadd.s32 $0xFFFFE000  }
0x64: {  	_ =	swait.ge [sflag:s28], $0x2000  }
0x65: {  	[sflag:s28] =	ssyncset.done $0x0  }
0x66: {  	[sflag:s28] =	ssyncadd.s32 $0xFFFFE000  }
0x67: {  	[spmem:s4] =	stream.indirect.scatter.add.f32 [tilespmem:s24], [sflag:$0x4], $0x40, s30, s22, $0xb8;
	[tilespmem:$0x1CC00] =	vst v63  }
0x68: {  	_ =	swait.ge [sflag:s16], $0x2000  }
0x69: {  	s31 =	sadd.s32 $0x1, s31;
	[sflag:s16] =	ssyncset.done $0x0  }
0x6a: {  	p1 =	sne.s32 s31, s11;
	[sflag:s16] =	ssyncadd.s32 $0xFFFFE000  }
.Ltmp1:
0x6b: {  	[bflag:$0x0] =	sbarrier.arrive $0xFFFF;
	(pc) =	sbr.rel @p1 .LBB2_1-.Ltmp1, $4  }
0x6c: {  	[hbm:s10], [sflag:s14] =	dma.local [spmem:s25], $0x13C0  }
0x6d: {  	_ =	swait.ge [sflag:s16], $0x13C0  }
0x6e: {  	[sflag:s16] =	ssyncset.done $0x0  }
0x6f: {  	[sflag:s16] =	ssyncadd.s32 $0xFFFFEC40  }
0x70: {  	_ =	sfence.sel $0x180000  }
0x71: {  	[bflag:$0x0] =	sbarrier.arrive $0xFFFF  }
0x72: {  	_ =	strace $0x90000065  }
0x73: {  	s0 =	stileid.u32;
	[bflag:$0x2] =	sbarrier.arrive $0xFFFF  }
0x74: {  	p0 =	sne.s32 s0, $0x0;
	s0 =	rddreg [dreg:$0x4]  }
0x75: {  	s0 =	sadd.s32 @!p0 $0x100000, s0  }
0x76: {  	[sflag:s0] =	ssyncadd.tile.s32 @!p0 $0x1;
	_ =	shalt  }
.Lfunc_end2:
_tile_overlayer_lowered:
.L_overlay_start_2:
0x77: {  	(tag) =	ssettag $0x2  }
0x78: {  	s0 =	rddreg [dreg:$0x0];
	s2 =	stileid.u32  }
0x79: {  	s1 =	rddreg [dreg:$0x1];
	p0 =	sne.s32 s2, $0x0  }
0x7a: {  	s3 =	rddreg [dreg:$0x2];
	[bflag:$0x3] =	sbarrier.arrive $0xFFFF;
	s2 =	simm.s32 @!p0 $0x1C04  }
0x7b: {  	[timem:s3], [sflag:s2] =	dma.local @!p0 [hbm:s0], s1  }
0x7c: {  	s0 =	simm.s32 @!p0 $0x4  }
0x7d: {  	_ =	swait.ge @!p0 [sflag:s0], s1  }
0x7e: {  	s1 =	ssub.s32 @!p0 $0x0, s1;
	[sflag:s0] =	ssyncset.done @!p0 $0x0  }
0x7f: {  	[sflag:s0] =	ssyncadd.s32 @!p0 s1  }
0x80: {  	[bflag:$0x3] =	sbarrier.arrive $0xFFFF  }
0x81: {  	_ =	shalt  }

</sc_bundles>
